<compile_context>
chip_gen: v7x
topology: tpu7x:2x2x1
jax: 0.10.2.dev20260603
libtpu: 0.0.44.dev20260713+nightly
codegen_flags: <defaults>
</compile_context>

<pallas_src>
import functools

import jax
import jax.numpy as jnp
from jax import lax
from jax.experimental import pallas as pl
from jax.experimental.pallas import tpu as pltpu
from jax.experimental.pallas import tpu_sc as plsc

D = 64
SCALE = 8.0
NBUF = 4
PAD = 129

_info = plsc.get_sparse_core_info()
NC, NS, L = _info.num_cores, _info.num_subcores, _info.num_lanes
NW = NC * NS


def _lookup(emb, tok4):
    sb, tbn = tok4.shape[0], tok4.shape[1]
    seq = sb * 8
    nt = seq // NBUF

    mesh = plsc.VectorSubcoreMesh(core_axis_name="c", subcore_axis_name="s")

    @functools.partial(
        pl.kernel,
        mesh=mesh,
        compiler_params=pltpu.CompilerParams(
            use_tc_tiling_on_sc=False, needs_layout_passes=False),
        out_type=jax.ShapeDtypeStruct((seq, D // 8, tbn, 8, 128), jnp.float32),
        scratch_types=(
            [pltpu.VMEM((sb, 8, 128), jnp.int32)]
            + [pltpu.VMEM((128, D), jnp.float32) for _ in range(NBUF)]
            + [pltpu.VMEM((D // 8, 8, PAD), jnp.float32) for _ in range(NBUF)]
            + [pltpu.SemaphoreType.DMA for _ in range(2 * NBUF)]
        ),
    )
    def k(emb_hbm, tok_hbm, out_hbm, idx_v, *bufs_and_sems):
        a_bufs = bufs_and_sems[:NBUF]
        b_bufs = bufs_and_sems[NBUF:2 * NBUF]
        gsems = bufs_and_sems[2 * NBUF:3 * NBUF]
        ssems = bufs_and_sems[3 * NBUF:]

        wid = lax.axis_index("s") * NC + lax.axis_index("c")
        for a in range(sb):
            pltpu.sync_copy(tok_hbm.at[a, wid], idx_v.at[a])

        iota = lax.iota(jnp.int32, 16)
        tds = [(iota + c * 16) // 8 for c in range(D // L)]
        rds = [(iota + c * 16) % 8 for c in range(D // L)]

        def fire_gather(b, s):
            pltpu.async_copy(
                emb_hbm.at[idx_v.at[s // 8, s % 8]], a_bufs[b], gsems[b])

        def wait_gather(b, s):
            pltpu.make_async_copy(
                emb_hbm.at[idx_v.at[s // 8, s % 8]], a_bufs[b],
                gsems[b]).wait()

        def fire_store(b, s):
            pltpu.async_copy(
                b_bufs[b].at[:, :, pl.ds(0, 128)],
                out_hbm.at[s, :, wid], ssems[b])

        def wait_store(b, s):
            pltpu.make_async_copy(
                b_bufs[b].at[:, :, pl.ds(0, 128)],
                out_hbm.at[s, :, wid], ssems[b]).wait()

        def transpose_scale(b):
            src, dst = a_bufs[b], b_bufs[b]

            def rows(i, _):
                for rr in range(2):
                    row = i * 2 + rr
                    rb = lax.broadcast(row, (16,))
                    for c in range(D // L):
                        v = src[row, pl.ds(c * L, L)] * SCALE
                        plsc.store_scatter(dst, [tds[c], rds[c], rb], v)
                return 0

            lax.fori_loop(0, 64, rows, 0)

        for b in range(NBUF):
            fire_gather(b, b)

        for b in range(NBUF):
            wait_gather(b, b)
            transpose_scale(b)
            fire_gather(b, NBUF + b)
            fire_store(b, b)

        def step(t, _):
            for b in range(NBUF):
                s = t * NBUF + b
                wait_gather(b, s)
                wait_store(b, s - NBUF)
                transpose_scale(b)
                fire_gather(b, s + NBUF)
                fire_store(b, s)
            return 0

        lax.fori_loop(1, nt - 1, step, 0)

        for b in range(NBUF):
            s = (nt - 1) * NBUF + b
            wait_gather(b, s)
            wait_store(b, s - NBUF)
            transpose_scale(b)
            fire_store(b, s)

        for b in range(NBUF):
            wait_store(b, (nt - 1) * NBUF + b)

    return k(emb, tok4)


def kernel(tokens, embedding):
    bsz, seq = tokens.shape
    sb, tbn = seq // 8, bsz // 128
    tok4 = (tokens.astype(jnp.int32).T
            .reshape(sb, 8, tbn, 128).transpose(0, 2, 1, 3))
    y5 = _lookup(embedding, tok4)
    return jnp.transpose(y5, (2, 4, 0, 1, 3)).reshape(bsz, seq, D)

# --- scband reference (transcript-rebuilt; emitter-appended) ---
"""Pipeline reference for scband-token-embedding-2233382994146 (READ-ONLY COPY).

The authoritative reference and input builder live on the scoring server;
editing this copy changes nothing except your own understanding.
"""

import jax, jax.numpy as jnp
import numpy as np
import math

VOCAB_SIZE = 1000000
EMB_SIZE = 64
BATCH = 4096
SEQ = 200

def setup_inputs(seed: int = 0) -> dict:
    key = jax.random.key(seed)
    k_tok, k_emb = jax.random.split(key)
    tokens = jax.random.randint(k_tok, (BATCH, SEQ), 0, VOCAB_SIZE, dtype=jnp.int64 if jax.config.jax_enable_x64 else jnp.int32)
    embedding = jax.random.normal(k_emb, (VOCAB_SIZE, EMB_SIZE), dtype=jnp.float32)
    return {"tokens": tokens, "embedding": embedding}

def reference(tokens, embedding):
    scale = math.sqrt(EMB_SIZE)
    out = jnp.take(embedding, tokens.astype(jnp.int32), axis=0) * scale
    return out

if __name__ == "__main__":
    import jax
    _d = setup_inputs()
    print(jax.jit(kernel)(*tuple(_d.values())))

</pallas_src>

<mosaic_0001>
#map = affine_map<(d0, d1) -> (0, 0)>
#map1 = affine_map<(d0, d1) -> (0, 0, 0, 0)>
#map2 = affine_map<(d0, d1) -> (0, 0, 0, 0, 0)>
module attributes {stable_mosaic.version = 14 : i64} {
  func.func @k(%arg0: i32, %arg1: i32, %arg2: memref<1000000x64xf32, #tpu.memory_space<hbm>>, %arg3: memref<25x32x8x128xi32, #tpu.memory_space<hbm>>, %arg4: memref<200x8x32x8x128xf32, #tpu.memory_space<hbm>>, %arg5: memref<25x8x128xi32, #tpu.memory_space<vmem>>, %arg6: memref<128x64xf32, #tpu.memory_space<vmem>>, %arg7: memref<128x64xf32, #tpu.memory_space<vmem>>, %arg8: memref<128x64xf32, #tpu.memory_space<vmem>>, %arg9: memref<128x64xf32, #tpu.memory_space<vmem>>, %arg10: memref<8x8x129xf32, #tpu.memory_space<vmem>>, %arg11: memref<8x8x129xf32, #tpu.memory_space<vmem>>, %arg12: memref<8x8x129xf32, #tpu.memory_space<vmem>>, %arg13: memref<8x8x129xf32, #tpu.memory_space<vmem>>, %arg14: memref<!tpu.dma_semaphore, #tpu.memory_space<semaphore_mem>>, %arg15: memref<!tpu.dma_semaphore, #tpu.memory_space<semaphore_mem>>, %arg16: memref<!tpu.dma_semaphore, #tpu.memory_space<semaphore_mem>>, %arg17: memref<!tpu.dma_semaphore, #tpu.memory_space<semaphore_mem>>, %arg18: memref<!tpu.dma_semaphore, #tpu.memory_space<semaphore_mem>>, %arg19: memref<!tpu.dma_semaphore, #tpu.memory_space<semaphore_mem>>, %arg20: memref<!tpu.dma_semaphore, #tpu.memory_space<semaphore_mem>>, %arg21: memref<!tpu.dma_semaphore, #tpu.memory_space<semaphore_mem>>) attributes {dimension_semantics = [#tpu.dimension_semantics<core_parallel>, #tpu.dimension_semantics<subcore_parallel>], iteration_bounds = array<i64: 2, 16>, scalar_prefetch = 0 : i64, scratch_operands = 17 : i64, tpu.core_type = #tpu.core_type<sc_vector_subcore>, window_params = [{transform_indices = #map}, {transform_indices = #map1}, {transform_indices = #map2}]} {
    %mul3A = arith.constant 2 : i32
    %mul3A_0 = arith.muli %arg1, %mul3A : i32
    %add3A = arith.addi %mul3A_0, %arg0 : i32
    %run_scoped3A = arith.constant 0 : i32
    %run_scoped3A_1 = arith.constant 0 : i32
    "tpu.region"() ({
      %run_scoped3A_768 = tpu.sem_alloc : memref<!tpu.dma_semaphore, #tpu.memory_space<semaphore_mem>>
      %dma_start3A_769 = arith.constant 0 : i32
      %dma_start3A_770 = arith.constant 0 : i32
      %dma_start3A_771 = tpu.memref_slice %arg5[%run_scoped3A_1, %dma_start3A_769, %dma_start3A_770] : memref<25x8x128xi32, #tpu.memory_space<vmem>> -> memref<1x8x128xi32, #tpu.memory_space<vmem>>
      %dma_start3A_772 = tpu.memref_squeeze %dma_start3A_771 : memref<1x8x128xi32, #tpu.memory_space<vmem>> -> memref<8x128xi32, #tpu.memory_space<vmem>>
      %dma_start3A_773 = arith.constant 0 : i32
      %dma_start3A_774 = arith.constant 0 : i32
      %dma_start3A_775 = tpu.memref_slice %arg3[%run_scoped3A, %add3A, %dma_start3A_773, %dma_start3A_774] : memref<25x32x8x128xi32, #tpu.memory_space<hbm>> -> memref<1x1x8x128xi32, #tpu.memory_space<hbm>>
      %dma_start3A_776 = tpu.memref_squeeze %dma_start3A_775 : memref<1x1x8x128xi32, #tpu.memory_space<hbm>> -> memref<8x128xi32, #tpu.memory_space<hbm>>
      %dma_start3A_777 = arith.constant 0 : i32
      %dma_start3A_778 = arith.constant 0 : i32
      %dma_start3A_779 = tpu.memref_slice %arg5[%run_scoped3A_1, %dma_start3A_777, %dma_start3A_778] : memref<25x8x128xi32, #tpu.memory_space<vmem>> -> memref<1x8x128xi32, #tpu.memory_space<vmem>>
      %dma_start3A_780 = tpu.memref_squeeze %dma_start3A_779 : memref<1x8x128xi32, #tpu.memory_space<vmem>> -> memref<8x128xi32, #tpu.memory_space<vmem>>
      %dma_start3A_781 = arith.constant 0 : i32
      %dma_start3A_782 = arith.constant 0 : i32
      %dma_start3A_783 = tpu.memref_slice %arg3[%run_scoped3A, %add3A, %dma_start3A_781, %dma_start3A_782] : memref<25x32x8x128xi32, #tpu.memory_space<hbm>> -> memref<1x1x8x128xi32, #tpu.memory_space<hbm>>
      %dma_start3A_784 = tpu.memref_squeeze %dma_start3A_783 : memref<1x1x8x128xi32, #tpu.memory_space<hbm>> -> memref<8x128xi32, #tpu.memory_space<hbm>>
      tpu.enqueue_dma source(%dma_start3A_784 : memref<8x128xi32, #tpu.memory_space<hbm>>) target(%dma_start3A_780 : memref<8x128xi32, #tpu.memory_space<vmem>>) target_semaphore(%run_scoped3A_768 : memref<!tpu.dma_semaphore, #tpu.memory_space<semaphore_mem>>)
      %dma_wait3A_785 = arith.constant 0 : i32
      %dma_wait3A_786 = arith.constant 0 : i32
      %dma_wait3A_787 = tpu.memref_slice %arg5[%run_scoped3A_1, %dma_wait3A_785, %dma_wait3A_786] : memref<25x8x128xi32, #tpu.memory_space<vmem>> -> memref<1x8x128xi32, #tpu.memory_space<vmem>>
      %dma_wait3A_788 = tpu.memref_squeeze %dma_wait3A_787 : memref<1x8x128xi32, #tpu.memory_space<vmem>> -> memref<8x128xi32, #tpu.memory_space<vmem>>
      %dma_wait3A_789 = arith.constant 0 : i32
      %dma_wait3A_790 = arith.constant 0 : i32
      %dma_wait3A_791 = tpu.memref_slice %arg3[%run_scoped3A, %add3A, %dma_wait3A_789, %dma_wait3A_790] : memref<25x32x8x128xi32, #tpu.memory_space<hbm>> -> memref<1x1x8x128xi32, #tpu.memory_space<hbm>>
      %dma_wait3A_792 = tpu.memref_squeeze %dma_wait3A_791 : memref<1x1x8x128xi32, #tpu.memory_space<hbm>> -> memref<8x128xi32, #tpu.memory_space<hbm>>
      %dma_wait3A_793 = arith.constant 0 : i32
      %dma_wait3A_794 = arith.constant 0 : i32
      %dma_wait3A_795 = tpu.memref_slice %arg5[%run_scoped3A_1, %dma_wait3A_793, %dma_wait3A_794] : memref<25x8x128xi32, #tpu.memory_space<vmem>> -> memref<1x8x128xi32, #tpu.memory_space<vmem>>
      %dma_wait3A_796 = tpu.memref_squeeze %dma_wait3A_795 : memref<1x8x128xi32, #tpu.memory_space<vmem>> -> memref<8x128xi32, #tpu.memory_space<vmem>>
      %dma_wait3A_797 = arith.constant 0 : i32
      %dma_wait3A_798 = arith.constant 0 : i32
      %dma_wait3A_799 = tpu.memref_slice %arg3[%run_scoped3A, %add3A, %dma_wait3A_797, %dma_wait3A_798] : memref<25x32x8x128xi32, #tpu.memory_space<hbm>> -> memref<1x1x8x128xi32, #tpu.memory_space<hbm>>
      %dma_wait3A_800 = tpu.memref_squeeze %dma_wait3A_799 : memref<1x1x8x128xi32, #tpu.memory_space<hbm>> -> memref<8x128xi32, #tpu.memory_space<hbm>>
      tpu.wait_dma2 semaphore(%run_scoped3A_768 : memref<!tpu.dma_semaphore, #tpu.memory_space<semaphore_mem>>) src(%dma_wait3A_800 : memref<8x128xi32, #tpu.memory_space<hbm>>) dst(%dma_wait3A_796 : memref<8x128xi32, #tpu.memory_space<vmem>>)
      tpu.yield
    }) : () -> ()
    %run_scoped3A_2 = arith.constant 1 : i32
    %run_scoped3A_3 = arith.constant 1 : i32
    "tpu.region"() ({
      %run_scoped3A_768 = tpu.sem_alloc : memref<!tpu.dma_semaphore, #tpu.memory_space<semaphore_mem>>
      %dma_start3A_769 = arith.constant 0 : i32
      %dma_start3A_770 = arith.constant 0 : i32
      %dma_start3A_771 = tpu.memref_slice %arg5[%run_scoped3A_3, %dma_start3A_769, %dma_start3A_770] : memref<25x8x128xi32, #tpu.memory_space<vmem>> -> memref<1x8x128xi32, #tpu.memory_space<vmem>>
      %dma_start3A_772 = tpu.memref_squeeze %dma_start3A_771 : memref<1x8x128xi32, #tpu.memory_space<vmem>> -> memref<8x128xi32, #tpu.memory_space<vmem>>
      %dma_start3A_773 = arith.constant 0 : i32
      %dma_start3A_774 = arith.constant 0 : i32
      %dma_start3A_775 = tpu.memref_slice %arg3[%run_scoped3A_2, %add3A, %dma_start3A_773, %dma_start3A_774] : memref<25x32x8x128xi32, #tpu.memory_space<hbm>> -> memref<1x1x8x128xi32, #tpu.memory_space<hbm>>
      %dma_start3A_776 = tpu.memref_squeeze %dma_start3A_775 : memref<1x1x8x128xi32, #tpu.memory_space<hbm>> -> memref<8x128xi32, #tpu.memory_space<hbm>>
      %dma_start3A_777 = arith.constant 0 : i32
      %dma_start3A_778 = arith.constant 0 : i32
      %dma_start3A_779 = tpu.memref_slice %arg5[%run_scoped3A_3, %dma_start3A_777, %dma_start3A_778] : memref<25x8x128xi32, #tpu.memory_space<vmem>> -> memref<1x8x128xi32, #tpu.memory_space<vmem>>
      %dma_start3A_780 = tpu.memref_squeeze %dma_start3A_779 : memref<1x8x128xi32, #tpu.memory_space<vmem>> -> memref<8x128xi32, #tpu.memory_space<vmem>>
      %dma_start3A_781 = arith.constant 0 : i32
      %dma_start3A_782 = arith.constant 0 : i32
      %dma_start3A_783 = tpu.memref_slice %arg3[%run_scoped3A_2, %add3A, %dma_start3A_781, %dma_start3A_782] : memref<25x32x8x128xi32, #tpu.memory_space<hbm>> -> memref<1x1x8x128xi32, #tpu.memory_space<hbm>>
      %dma_start3A_784 = tpu.memref_squeeze %dma_start3A_783 : memref<1x1x8x128xi32, #tpu.memory_space<hbm>> -> memref<8x128xi32, #tpu.memory_space<hbm>>
      tpu.enqueue_dma source(%dma_start3A_784 : memref<8x128xi32, #tpu.memory_space<hbm>>) target(%dma_start3A_780 : memref<8x128xi32, #tpu.memory_space<vmem>>) target_semaphore(%run_scoped3A_768 : memref<!tpu.dma_semaphore, #tpu.memory_space<semaphore_mem>>)
      %dma_wait3A_785 = arith.constant 0 : i32
      %dma_wait3A_786 = arith.constant 0 : i32
      %dma_wait3A_787 = tpu.memref_slice %arg5[%run_scoped3A_3, %dma_wait3A_785, %dma_wait3A_786] : memref<25x8x128xi32, #tpu.memory_space<vmem>> -> memref<1x8x128xi32, #tpu.memory_space<vmem>>
      %dma_wait3A_788 = tpu.memref_squeeze %dma_wait3A_787 : memref<1x8x128xi32, #tpu.memory_space<vmem>> -> memref<8x128xi32, #tpu.memory_space<vmem>>
      %dma_wait3A_789 = arith.constant 0 : i32
      %dma_wait3A_790 = arith.constant 0 : i32
      %dma_wait3A_791 = tpu.memref_slice %arg3[%run_scoped3A_2, %add3A, %dma_wait3A_789, %dma_wait3A_790] : memref<25x32x8x128xi32, #tpu.memory_space<hbm>> -> memref<1x1x8x128xi32, #tpu.memory_space<hbm>>
      %dma_wait3A_792 = tpu.memref_squeeze %dma_wait3A_791 : memref<1x1x8x128xi32, #tpu.memory_space<hbm>> -> memref<8x128xi32, #tpu.memory_space<hbm>>
      %dma_wait3A_793 = arith.constant 0 : i32
      %dma_wait3A_794 = arith.constant 0 : i32
      %dma_wait3A_795 = tpu.memref_slice %arg5[%run_scoped3A_3, %dma_wait3A_793, %dma_wait3A_794] : memref<25x8x128xi32, #tpu.memory_space<vmem>> -> memref<1x8x128xi32, #tpu.memory_space<vmem>>
      %dma_wait3A_796 = tpu.memref_squeeze %dma_wait3A_795 : memref<1x8x128xi32, #tpu.memory_space<vmem>> -> memref<8x128xi32, #tpu.memory_space<vmem>>
      %dma_wait3A_797 = arith.constant 0 : i32
      %dma_wait3A_798 = arith.constant 0 : i32
      %dma_wait3A_799 = tpu.memref_slice %arg3[%run_scoped3A_2, %add3A, %dma_wait3A_797, %dma_wait3A_798] : memref<25x32x8x128xi32, #tpu.memory_space<hbm>> -> memref<1x1x8x128xi32, #tpu.memory_space<hbm>>
      %dma_wait3A_800 = tpu.memref_squeeze %dma_wait3A_799 : memref<1x1x8x128xi32, #tpu.memory_space<hbm>> -> memref<8x128xi32, #tpu.memory_space<hbm>>
      tpu.wait_dma2 semaphore(%run_scoped3A_768 : memref<!tpu.dma_semaphore, #tpu.memory_space<semaphore_mem>>) src(%dma_wait3A_800 : memref<8x128xi32, #tpu.memory_space<hbm>>) dst(%dma_wait3A_796 : memref<8x128xi32, #tpu.memory_space<vmem>>)
      tpu.yield
    }) : () -> ()
    %run_scoped3A_4 = arith.constant 2 : i32
    %run_scoped3A_5 = arith.constant 2 : i32
    "tpu.region"() ({
      %run_scoped3A_768 = tpu.sem_alloc : memref<!tpu.dma_semaphore, #tpu.memory_space<semaphore_mem>>
      %dma_start3A_769 = arith.constant 0 : i32
      %dma_start3A_770 = arith.constant 0 : i32
      %dma_start3A_771 = tpu.memref_slice %arg5[%run_scoped3A_5, %dma_start3A_769, %dma_start3A_770] : memref<25x8x128xi32, #tpu.memory_space<vmem>> -> memref<1x8x128xi32, #tpu.memory_space<vmem>>
      %dma_start3A_772 = tpu.memref_squeeze %dma_start3A_771 : memref<1x8x128xi32, #tpu.memory_space<vmem>> -> memref<8x128xi32, #tpu.memory_space<vmem>>
      %dma_start3A_773 = arith.constant 0 : i32
      %dma_start3A_774 = arith.constant 0 : i32
      %dma_start3A_775 = tpu.memref_slice %arg3[%run_scoped3A_4, %add3A, %dma_start3A_773, %dma_start3A_774] : memref<25x32x8x128xi32, #tpu.memory_space<hbm>> -> memref<1x1x8x128xi32, #tpu.memory_space<hbm>>
      %dma_start3A_776 = tpu.memref_squeeze %dma_start3A_775 : memref<1x1x8x128xi32, #tpu.memory_space<hbm>> -> memref<8x128xi32, #tpu.memory_space<hbm>>
      %dma_start3A_777 = arith.constant 0 : i32
      %dma_start3A_778 = arith.constant 0 : i32
      %dma_start3A_779 = tpu.memref_slice %arg5[%run_scoped3A_5, %dma_start3A_777, %dma_start3A_778] : memref<25x8x128xi32, #tpu.memory_space<vmem>> -> memref<1x8x128xi32, #tpu.memory_space<vmem>>
      %dma_start3A_780 = tpu.memref_squeeze %dma_start3A_779 : memref<1x8x128xi32, #tpu.memory_space<vmem>> -> memref<8x128xi32, #tpu.memory_space<vmem>>
      %dma_start3A_781 = arith.constant 0 : i32
      %dma_start3A_782 = arith.constant 0 : i32
      %dma_start3A_783 = tpu.memref_slice %arg3[%run_scoped3A_4, %add3A, %dma_start3A_781, %dma_start3A_782] : memref<25x32x8x128xi32, #tpu.memory_space<hbm>> -> memref<1x1x8x128xi32, #tpu.memory_space<hbm>>
      %dma_start3A_784 = tpu.memref_squeeze %dma_start3A_783 : memref<1x1x8x128xi32, #tpu.memory_space<hbm>> -> memref<8x128xi32, #tpu.memory_space<hbm>>
      tpu.enqueue_dma source(%dma_start3A_784 : memref<8x128xi32, #tpu.memory_space<hbm>>) target(%dma_start3A_780 : memref<8x128xi32, #tpu.memory_space<vmem>>) target_semaphore(%run_scoped3A_768 : memref<!tpu.dma_semaphore, #tpu.memory_space<semaphore_mem>>)
      %dma_wait3A_785 = arith.constant 0 : i32
      %dma_wait3A_786 = arith.constant 0 : i32
      %dma_wait3A_787 = tpu.memref_slice %arg5[%run_scoped3A_5, %dma_wait3A_785, %dma_wait3A_786] : memref<25x8x128xi32, #tpu.memory_space<vmem>> -> memref<1x8x128xi32, #tpu.memory_space<vmem>>
      %dma_wait3A_788 = tpu.memref_squeeze %dma_wait3A_787 : memref<1x8x128xi32, #tpu.memory_space<vmem>> -> memref<8x128xi32, #tpu.memory_space<vmem>>
      %dma_wait3A_789 = arith.constant 0 : i32
      %dma_wait3A_790 = arith.constant 0 : i32
      %dma_wait3A_791 = tpu.memref_slice %arg3[%run_scoped3A_4, %add3A, %dma_wait3A_789, %dma_wait3A_790] : memref<25x32x8x128xi32, #tpu.memory_space<hbm>> -> memref<1x1x8x128xi32, #tpu.memory_space<hbm>>
      %dma_wait3A_792 = tpu.memref_squeeze %dma_wait3A_791 : memref<1x1x8x128xi32, #tpu.memory_space<hbm>> -> memref<8x128xi32, #tpu.memory_space<hbm>>
      %dma_wait3A_793 = arith.constant 0 : i32
      %dma_wait3A_794 = arith.constant 0 : i32
      %dma_wait3A_795 = tpu.memref_slice %arg5[%run_scoped3A_5, %dma_wait3A_793, %dma_wait3A_794] : memref<25x8x128xi32, #tpu.memory_space<vmem>> -> memref<1x8x128xi32, #tpu.memory_space<vmem>>
      %dma_wait3A_796 = tpu.memref_squeeze %dma_wait3A_795 : memref<1x8x128xi32, #tpu.memory_space<vmem>> -> memref<8x128xi32, #tpu.memory_space<vmem>>
      %dma_wait3A_797 = arith.constant 0 : i32
      %dma_wait3A_798 = arith.constant 0 : i32
      %dma_wait3A_799 = tpu.memref_slice %arg3[%run_scoped3A_4, %add3A, %dma_wait3A_797, %dma_wait3A_798] : memref<25x32x8x128xi32, #tpu.memory_space<hbm>> -> memref<1x1x8x128xi32, #tpu.memory_space<hbm>>
      %dma_wait3A_800 = tpu.memref_squeeze %dma_wait3A_799 : memref<1x1x8x128xi32, #tpu.memory_space<hbm>> -> memref<8x128xi32, #tpu.memory_space<hbm>>
      tpu.wait_dma2 semaphore(%run_scoped3A_768 : memref<!tpu.dma_semaphore, #tpu.memory_space<semaphore_mem>>) src(%dma_wait3A_800 : memref<8x128xi32, #tpu.memory_space<hbm>>) dst(%dma_wait3A_796 : memref<8x128xi32, #tpu.memory_space<vmem>>)
      tpu.yield
    }) : () -> ()
    %run_scoped3A_6 = arith.constant 3 : i32
    %run_scoped3A_7 = arith.constant 3 : i32
    "tpu.region"() ({
      %run_scoped3A_768 = tpu.sem_alloc : memref<!tpu.dma_semaphore, #tpu.memory_space<semaphore_mem>>
      %dma_start3A_769 = arith.constant 0 : i32
      %dma_start3A_770 = arith.constant 0 : i32
      %dma_start3A_771 = tpu.memref_slice %arg5[%run_scoped3A_7, %dma_start3A_769, %dma_start3A_770] : memref<25x8x128xi32, #tpu.memory_space<vmem>> -> memref<1x8x128xi32, #tpu.memory_space<vmem>>
      %dma_start3A_772 = tpu.memref_squeeze %dma_start3A_771 : memref<1x8x128xi32, #tpu.memory_space<vmem>> -> memref<8x128xi32, #tpu.memory_space<vmem>>
      %dma_start3A_773 = arith.constant 0 : i32
      %dma_start3A_774 = arith.constant 0 : i32
      %dma_start3A_775 = tpu.memref_slice %arg3[%run_scoped3A_6, %add3A, %dma_start3A_773, %dma_start3A_774] : memref<25x32x8x128xi32, #tpu.memory_space<hbm>> -> memref<1x1x8x128xi32, #tpu.memory_space<hbm>>
      %dma_start3A_776 = tpu.memref_squeeze %dma_start3A_775 : memref<1x1x8x128xi32, #tpu.memory_space<hbm>> -> memref<8x128xi32, #tpu.memory_space<hbm>>
      %dma_start3A_777 = arith.constant 0 : i32
      %dma_start3A_778 = arith.constant 0 : i32
      %dma_start3A_779 = tpu.memref_slice %arg5[%run_scoped3A_7, %dma_start3A_777, %dma_start3A_778] : memref<25x8x128xi32, #tpu.memory_space<vmem>> -> memref<1x8x128xi32, #tpu.memory_space<vmem>>
      %dma_start3A_780 = tpu.memref_squeeze %dma_start3A_779 : memref<1x8x128xi32, #tpu.memory_space<vmem>> -> memref<8x128xi32, #tpu.memory_space<vmem>>
      %dma_start3A_781 = arith.constant 0 : i32
      %dma_start3A_782 = arith.constant 0 : i32
      %dma_start3A_783 = tpu.memref_slice %arg3[%run_scoped3A_6, %add3A, %dma_start3A_781, %dma_start3A_782] : memref<25x32x8x128xi32, #tpu.memory_space<hbm>> -> memref<1x1x8x128xi32, #tpu.memory_space<hbm>>
      %dma_start3A_784 = tpu.memref_squeeze %dma_start3A_783 : memref<1x1x8x128xi32, #tpu.memory_space<hbm>> -> memref<8x128xi32, #tpu.memory_space<hbm>>
      tpu.enqueue_dma source(%dma_start3A_784 : memref<8x128xi32, #tpu.memory_space<hbm>>) target(%dma_start3A_780 : memref<8x128xi32, #tpu.memory_space<vmem>>) target_semaphore(%run_scoped3A_768 : memref<!tpu.dma_semaphore, #tpu.memory_space<semaphore_mem>>)
      %dma_wait3A_785 = arith.constant 0 : i32
      %dma_wait3A_786 = arith.constant 0 : i32
      %dma_wait3A_787 = tpu.memref_slice %arg5[%run_scoped3A_7, %dma_wait3A_785, %dma_wait3A_786] : memref<25x8x128xi32, #tpu.memory_space<vmem>> -> memref<1x8x128xi32, #tpu.memory_space<vmem>>
      %dma_wait3A_788 = tpu.memref_squeeze %dma_wait3A_787 : memref<1x8x128xi32, #tpu.memory_space<vmem>> -> memref<8x128xi32, #tpu.memory_space<vmem>>
      %dma_wait3A_789 = arith.constant 0 : i32
      %dma_wait3A_790 = arith.constant 0 : i32
      %dma_wait3A_791 = tpu.memref_slice %arg3[%run_scoped3A_6, %add3A, %dma_wait3A_789, %dma_wait3A_790] : memref<25x32x8x128xi32, #tpu.memory_space<hbm>> -> memref<1x1x8x128xi32, #tpu.memory_space<hbm>>
      %dma_wait3A_792 = tpu.memref_squeeze %dma_wait3A_791 : memref<1x1x8x128xi32, #tpu.memory_space<hbm>> -> memref<8x128xi32, #tpu.memory_space<hbm>>
      %dma_wait3A_793 = arith.constant 0 : i32
      %dma_wait3A_794 = arith.constant 0 : i32
      %dma_wait3A_795 = tpu.memref_slice %arg5[%run_scoped3A_7, %dma_wait3A_793, %dma_wait3A_794] : memref<25x8x128xi32, #tpu.memory_space<vmem>> -> memref<1x8x128xi32, #tpu.memory_space<vmem>>
      %dma_wait3A_796 = tpu.memref_squeeze %dma_wait3A_795 : memref<1x8x128xi32, #tpu.memory_space<vmem>> -> memref<8x128xi32, #tpu.memory_space<vmem>>
      %dma_wait3A_797 = arith.constant 0 : i32
      %dma_wait3A_798 = arith.constant 0 : i32
      %dma_wait3A_799 = tpu.memref_slice %arg3[%run_scoped3A_6, %add3A, %dma_wait3A_797, %dma_wait3A_798] : memref<25x32x8x128xi32, #tpu.memory_space<hbm>> -> memref<1x1x8x128xi32, #tpu.memory_space<hbm>>
      %dma_wait3A_800 = tpu.memref_squeeze %dma_wait3A_799 : memref<1x1x8x128xi32, #tpu.memory_space<hbm>> -> memref<8x128xi32, #tpu.memory_space<hbm>>
      tpu.wait_dma2 semaphore(%run_scoped3A_768 : memref<!tpu.dma_semaphore, #tpu.memory_space<semaphore_mem>>) src(%dma_wait3A_800 : memref<8x128xi32, #tpu.memory_space<hbm>>) dst(%dma_wait3A_796 : memref<8x128xi32, #tpu.memory_space<vmem>>)
      tpu.yield
    }) : () -> ()
    %run_scoped3A_8 = arith.constant 4 : i32
    %run_scoped3A_9 = arith.constant 4 : i32
    "tpu.region"() ({
      %run_scoped3A_768 = tpu.sem_alloc : memref<!tpu.dma_semaphore, #tpu.memory_space<semaphore_mem>>
      %dma_start3A_769 = arith.constant 0 : i32
      %dma_start3A_770 = arith.constant 0 : i32
      %dma_start3A_771 = tpu.memref_slice %arg5[%run_scoped3A_9, %dma_start3A_769, %dma_start3A_770] : memref<25x8x128xi32, #tpu.memory_space<vmem>> -> memref<1x8x128xi32, #tpu.memory_space<vmem>>
      %dma_start3A_772 = tpu.memref_squeeze %dma_start3A_771 : memref<1x8x128xi32, #tpu.memory_space<vmem>> -> memref<8x128xi32, #tpu.memory_space<vmem>>
      %dma_start3A_773 = arith.constant 0 : i32
      %dma_start3A_774 = arith.constant 0 : i32
      %dma_start3A_775 = tpu.memref_slice %arg3[%run_scoped3A_8, %add3A, %dma_start3A_773, %dma_start3A_774] : memref<25x32x8x128xi32, #tpu.memory_space<hbm>> -> memref<1x1x8x128xi32, #tpu.memory_space<hbm>>
      %dma_start3A_776 = tpu.memref_squeeze %dma_start3A_775 : memref<1x1x8x128xi32, #tpu.memory_space<hbm>> -> memref<8x128xi32, #tpu.memory_space<hbm>>
      %dma_start3A_777 = arith.constant 0 : i32
      %dma_start3A_778 = arith.constant 0 : i32
      %dma_start3A_779 = tpu.memref_slice %arg5[%run_scoped3A_9, %dma_start3A_777, %dma_start3A_778] : memref<25x8x128xi32, #tpu.memory_space<vmem>> -> memref<1x8x128xi32, #tpu.memory_space<vmem>>
      %dma_start3A_780 = tpu.memref_squeeze %dma_start3A_779 : memref<1x8x128xi32, #tpu.memory_space<vmem>> -> memref<8x128xi32, #tpu.memory_space<vmem>>
      %dma_start3A_781 = arith.constant 0 : i32
      %dma_start3A_782 = arith.constant 0 : i32
      %dma_start3A_783 = tpu.memref_slice %arg3[%run_scoped3A_8, %add3A, %dma_start3A_781, %dma_start3A_782] : memref<25x32x8x128xi32, #tpu.memory_space<hbm>> -> memref<1x1x8x128xi32, #tpu.memory_space<hbm>>
      %dma_start3A_784 = tpu.memref_squeeze %dma_start3A_783 : memref<1x1x8x128xi32, #tpu.memory_space<hbm>> -> memref<8x128xi32, #tpu.memory_space<hbm>>
      tpu.enqueue_dma source(%dma_start3A_784 : memref<8x128xi32, #tpu.memory_space<hbm>>) target(%dma_start3A_780 : memref<8x128xi32, #tpu.memory_space<vmem>>) target_semaphore(%run_scoped3A_768 : memref<!tpu.dma_semaphore, #tpu.memory_space<semaphore_mem>>)
      %dma_wait3A_785 = arith.constant 0 : i32
      %dma_wait3A_786 = arith.constant 0 : i32
      %dma_wait3A_787 = tpu.memref_slice %arg5[%run_scoped3A_9, %dma_wait3A_785, %dma_wait3A_786] : memref<25x8x128xi32, #tpu.memory_space<vmem>> -> memref<1x8x128xi32, #tpu.memory_space<vmem>>
      %dma_wait3A_788 = tpu.memref_squeeze %dma_wait3A_787 : memref<1x8x128xi32, #tpu.memory_space<vmem>> -> memref<8x128xi32, #tpu.memory_space<vmem>>
      %dma_wait3A_789 = arith.constant 0 : i32
      %dma_wait3A_790 = arith.constant 0 : i32
      %dma_wait3A_791 = tpu.memref_slice %arg3[%run_scoped3A_8, %add3A, %dma_wait3A_789, %dma_wait3A_790] : memref<25x32x8x128xi32, #tpu.memory_space<hbm>> -> memref<1x1x8x128xi32, #tpu.memory_space<hbm>>
      %dma_wait3A_792 = tpu.memref_squeeze %dma_wait3A_791 : memref<1x1x8x128xi32, #tpu.memory_space<hbm>> -> memref<8x128xi32, #tpu.memory_space<hbm>>
      %dma_wait3A_793 = arith.constant 0 : i32
      %dma_wait3A_794 = arith.constant 0 : i32
      %dma_wait3A_795 = tpu.memref_slice %arg5[%run_scoped3A_9, %dma_wait3A_793, %dma_wait3A_794] : memref<25x8x128xi32, #tpu.memory_space<vmem>> -> memref<1x8x128xi32, #tpu.memory_space<vmem>>
      %dma_wait3A_796 = tpu.memref_squeeze %dma_wait3A_795 : memref<1x8x128xi32, #tpu.memory_space<vmem>> -> memref<8x128xi32, #tpu.memory_space<vmem>>
      %dma_wait3A_797 = arith.constant 0 : i32
      %dma_wait3A_798 = arith.constant 0 : i32
      %dma_wait3A_799 = tpu.memref_slice %arg3[%run_scoped3A_8, %add3A, %dma_wait3A_797, %dma_wait3A_798] : memref<25x32x8x128xi32, #tpu.memory_space<hbm>> -> memref<1x1x8x128xi32, #tpu.memory_space<hbm>>
      %dma_wait3A_800 = tpu.memref_squeeze %dma_wait3A_799 : memref<1x1x8x128xi32, #tpu.memory_space<hbm>> -> memref<8x128xi32, #tpu.memory_space<hbm>>
      tpu.wait_dma2 semaphore(%run_scoped3A_768 : memref<!tpu.dma_semaphore, #tpu.memory_space<semaphore_mem>>) src(%dma_wait3A_800 : memref<8x128xi32, #tpu.memory_space<hbm>>) dst(%dma_wait3A_796 : memref<8x128xi32, #tpu.memory_space<vmem>>)
      tpu.yield
    }) : () -> ()
    %run_scoped3A_10 = arith.constant 5 : i32
    %run_scoped3A_11 = arith.constant 5 : i32
    "tpu.region"() ({
      %run_scoped3A_768 = tpu.sem_alloc : memref<!tpu.dma_semaphore, #tpu.memory_space<semaphore_mem>>
      %dma_start3A_769 = arith.constant 0 : i32
      %dma_start3A_770 = arith.constant 0 : i32
      %dma_start3A_771 = tpu.memref_slice %arg5[%run_scoped3A_11, %dma_start3A_769, %dma_start3A_770] : memref<25x8x128xi32, #tpu.memory_space<vmem>> -> memref<1x8x128xi32, #tpu.memory_space<vmem>>
      %dma_start3A_772 = tpu.memref_squeeze %dma_start3A_771 : memref<1x8x128xi32, #tpu.memory_space<vmem>> -> memref<8x128xi32, #tpu.memory_space<vmem>>
      %dma_start3A_773 = arith.constant 0 : i32
      %dma_start3A_774 = arith.constant 0 : i32
      %dma_start3A_775 = tpu.memref_slice %arg3[%run_scoped3A_10, %add3A, %dma_start3A_773, %dma_start3A_774] : memref<25x32x8x128xi32, #tpu.memory_space<hbm>> -> memref<1x1x8x128xi32, #tpu.memory_space<hbm>>
      %dma_start3A_776 = tpu.memref_squeeze %dma_start3A_775 : memref<1x1x8x128xi32, #tpu.memory_space<hbm>> -> memref<8x128xi32, #tpu.memory_space<hbm>>
      %dma_start3A_777 = arith.constant 0 : i32
      %dma_start3A_778 = arith.constant 0 : i32
      %dma_start3A_779 = tpu.memref_slice %arg5[%run_scoped3A_11, %dma_start3A_777, %dma_start3A_778] : memref<25x8x128xi32, #tpu.memory_space<vmem>> -> memref<1x8x128xi32, #tpu.memory_space<vmem>>
      %dma_start3A_780 = tpu.memref_squeeze %dma_start3A_779 : memref<1x8x128xi32, #tpu.memory_space<vmem>> -> memref<8x128xi32, #tpu.memory_space<vmem>>
      %dma_start3A_781 = arith.constant 0 : i32
      %dma_start3A_782 = arith.constant 0 : i32
      %dma_start3A_783 = tpu.memref_slice %arg3[%run_scoped3A_10, %add3A, %dma_start3A_781, %dma_start3A_782] : memref<25x32x8x128xi32, #tpu.memory_space<hbm>> -> memref<1x1x8x128xi32, #tpu.memory_space<hbm>>
      %dma_start3A_784 = tpu.memref_squeeze %dma_start3A_783 : memref<1x1x8x128xi32, #tpu.memory_space<hbm>> -> memref<8x128xi32, #tpu.memory_space<hbm>>
      tpu.enqueue_dma source(%dma_start3A_784 : memref<8x128xi32, #tpu.memory_space<hbm>>) target(%dma_start3A_780 : memref<8x128xi32, #tpu.memory_space<vmem>>) target_semaphore(%run_scoped3A_768 : memref<!tpu.dma_semaphore, #tpu.memory_space<semaphore_mem>>)
      %dma_wait3A_785 = arith.constant 0 : i32
      %dma_wait3A_786 = arith.constant 0 : i32
      %dma_wait3A_787 = tpu.memref_slice %arg5[%run_scoped3A_11, %dma_wait3A_785, %dma_wait3A_786] : memref<25x8x128xi32, #tpu.memory_space<vmem>> -> memref<1x8x128xi32, #tpu.memory_space<vmem>>
      %dma_wait3A_788 = tpu.memref_squeeze %dma_wait3A_787 : memref<1x8x128xi32, #tpu.memory_space<vmem>> -> memref<8x128xi32, #tpu.memory_space<vmem>>
      %dma_wait3A_789 = arith.constant 0 : i32
      %dma_wait3A_790 = arith.constant 0 : i32
      %dma_wait3A_791 = tpu.memref_slice %arg3[%run_scoped3A_10, %add3A, %dma_wait3A_789, %dma_wait3A_790] : memref<25x32x8x128xi32, #tpu.memory_space<hbm>> -> memref<1x1x8x128xi32, #tpu.memory_space<hbm>>
      %dma_wait3A_792 = tpu.memref_squeeze %dma_wait3A_791 : memref<1x1x8x128xi32, #tpu.memory_space<hbm>> -> memref<8x128xi32, #tpu.memory_space<hbm>>
      %dma_wait3A_793 = arith.constant 0 : i32
      %dma_wait3A_794 = arith.constant 0 : i32
      %dma_wait3A_795 = tpu.memref_slice %arg5[%run_scoped3A_11, %dma_wait3A_793, %dma_wait3A_794] : memref<25x8x128xi32, #tpu.memory_space<vmem>> -> memref<1x8x128xi32, #tpu.memory_space<vmem>>
      %dma_wait3A_796 = tpu.memref_squeeze %dma_wait3A_795 : memref<1x8x128xi32, #tpu.memory_space<vmem>> -> memref<8x128xi32, #tpu.memory_space<vmem>>
      %dma_wait3A_797 = arith.constant 0 : i32
      %dma_wait3A_798 = arith.constant 0 : i32
      %dma_wait3A_799 = tpu.memref_slice %arg3[%run_scoped3A_10, %add3A, %dma_wait3A_797, %dma_wait3A_798] : memref<25x32x8x128xi32, #tpu.memory_space<hbm>> -> memref<1x1x8x128xi32, #tpu.memory_space<hbm>>
      %dma_wait3A_800 = tpu.memref_squeeze %dma_wait3A_799 : memref<1x1x8x128xi32, #tpu.memory_space<hbm>> -> memref<8x128xi32, #tpu.memory_space<hbm>>
      tpu.wait_dma2 semaphore(%run_scoped3A_768 : memref<!tpu.dma_semaphore, #tpu.memory_space<semaphore_mem>>) src(%dma_wait3A_800 : memref<8x128xi32, #tpu.memory_space<hbm>>) dst(%dma_wait3A_796 : memref<8x128xi32, #tpu.memory_space<vmem>>)
      tpu.yield
    }) : () -> ()
    %run_scoped3A_12 = arith.constant 6 : i32
    %run_scoped3A_13 = arith.constant 6 : i32
    "tpu.region"() ({
      %run_scoped3A_768 = tpu.sem_alloc : memref<!tpu.dma_semaphore, #tpu.memory_space<semaphore_mem>>
      %dma_start3A_769 = arith.constant 0 : i32
      %dma_start3A_770 = arith.constant 0 : i32
      %dma_start3A_771 = tpu.memref_slice %arg5[%run_scoped3A_13, %dma_start3A_769, %dma_start3A_770] : memref<25x8x128xi32, #tpu.memory_space<vmem>> -> memref<1x8x128xi32, #tpu.memory_space<vmem>>
      %dma_start3A_772 = tpu.memref_squeeze %dma_start3A_771 : memref<1x8x128xi32, #tpu.memory_space<vmem>> -> memref<8x128xi32, #tpu.memory_space<vmem>>
      %dma_start3A_773 = arith.constant 0 : i32
      %dma_start3A_774 = arith.constant 0 : i32
      %dma_start3A_775 = tpu.memref_slice %arg3[%run_scoped3A_12, %add3A, %dma_start3A_773, %dma_start3A_774] : memref<25x32x8x128xi32, #tpu.memory_space<hbm>> -> memref<1x1x8x128xi32, #tpu.memory_space<hbm>>
      %dma_start3A_776 = tpu.memref_squeeze %dma_start3A_775 : memref<1x1x8x128xi32, #tpu.memory_space<hbm>> -> memref<8x128xi32, #tpu.memory_space<hbm>>
      %dma_start3A_777 = arith.constant 0 : i32
      %dma_start3A_778 = arith.constant 0 : i32
      %dma_start3A_779 = tpu.memref_slice %arg5[%run_scoped3A_13, %dma_start3A_777, %dma_start3A_778] : memref<25x8x128xi32, #tpu.memory_space<vmem>> -> memref<1x8x128xi32, #tpu.memory_space<vmem>>
      %dma_start3A_780 = tpu.memref_squeeze %dma_start3A_779 : memref<1x8x128xi32, #tpu.memory_space<vmem>> -> memref<8x128xi32, #tpu.memory_space<vmem>>
      %dma_start3A_781 = arith.constant 0 : i32
      %dma_start3A_782 = arith.constant 0 : i32
      %dma_start3A_783 = tpu.memref_slice %arg3[%run_scoped3A_12, %add3A, %dma_start3A_781, %dma_start3A_782] : memref<25x32x8x128xi32, #tpu.memory_space<hbm>> -> memref<1x1x8x128xi32, #tpu.memory_space<hbm>>
      %dma_start3A_784 = tpu.memref_squeeze %dma_start3A_783 : memref<1x1x8x128xi32, #tpu.memory_space<hbm>> -> memref<8x128xi32, #tpu.memory_space<hbm>>
      tpu.enqueue_dma source(%dma_start3A_784 : memref<8x128xi32, #tpu.memory_space<hbm>>) target(%dma_start3A_780 : memref<8x128xi32, #tpu.memory_space<vmem>>) target_semaphore(%run_scoped3A_768 : memref<!tpu.dma_semaphore, #tpu.memory_space<semaphore_mem>>)
      %dma_wait3A_785 = arith.constant 0 : i32
      %dma_wait3A_786 = arith.constant 0 : i32
      %dma_wait3A_787 = tpu.memref_slice %arg5[%run_scoped3A_13, %dma_wait3A_785, %dma_wait3A_786] : memref<25x8x128xi32, #tpu.memory_space<vmem>> -> memref<1x8x128xi32, #tpu.memory_space<vmem>>
      %dma_wait3A_788 = tpu.memref_squeeze %dma_wait3A_787 : memref<1x8x128xi32, #tpu.memory_space<vmem>> -> memref<8x128xi32, #tpu.memory_space<vmem>>
      %dma_wait3A_789 = arith.constant 0 : i32
      %dma_wait3A_790 = arith.constant 0 : i32
      %dma_wait3A_791 = tpu.memref_slice %arg3[%run_scoped3A_12, %add3A, %dma_wait3A_789, %dma_wait3A_790] : memref<25x32x8x128xi32, #tpu.memory_space<hbm>> -> memref<1x1x8x128xi32, #tpu.memory_space<hbm>>
      %dma_wait3A_792 = tpu.memref_squeeze %dma_wait3A_791 : memref<1x1x8x128xi32, #tpu.memory_space<hbm>> -> memref<8x128xi32, #tpu.memory_space<hbm>>
      %dma_wait3A_793 = arith.constant 0 : i32
      %dma_wait3A_794 = arith.constant 0 : i32
      %dma_wait3A_795 = tpu.memref_slice %arg5[%run_scoped3A_13, %dma_wait3A_793, %dma_wait3A_794] : memref<25x8x128xi32, #tpu.memory_space<vmem>> -> memref<1x8x128xi32, #tpu.memory_space<vmem>>
      %dma_wait3A_796 = tpu.memref_squeeze %dma_wait3A_795 : memref<1x8x128xi32, #tpu.memory_space<vmem>> -> memref<8x128xi32, #tpu.memory_space<vmem>>
      %dma_wait3A_797 = arith.constant 0 : i32
      %dma_wait3A_798 = arith.constant 0 : i32
      %dma_wait3A_799 = tpu.memref_slice %arg3[%run_scoped3A_12, %add3A, %dma_wait3A_797, %dma_wait3A_798] : memref<25x32x8x128xi32, #tpu.memory_space<hbm>> -> memref<1x1x8x128xi32, #tpu.memory_space<hbm>>
      %dma_wait3A_800 = tpu.memref_squeeze %dma_wait3A_799 : memref<1x1x8x128xi32, #tpu.memory_space<hbm>> -> memref<8x128xi32, #tpu.memory_space<hbm>>
      tpu.wait_dma2 semaphore(%run_scoped3A_768 : memref<!tpu.dma_semaphore, #tpu.memory_space<semaphore_mem>>) src(%dma_wait3A_800 : memref<8x128xi32, #tpu.memory_space<hbm>>) dst(%dma_wait3A_796 : memref<8x128xi32, #tpu.memory_space<vmem>>)
      tpu.yield
    }) : () -> ()
    %run_scoped3A_14 = arith.constant 7 : i32
    %run_scoped3A_15 = arith.constant 7 : i32
    "tpu.region"() ({
      %run_scoped3A_768 = tpu.sem_alloc : memref<!tpu.dma_semaphore, #tpu.memory_space<semaphore_mem>>
      %dma_start3A_769 = arith.constant 0 : i32
      %dma_start3A_770 = arith.constant 0 : i32
      %dma_start3A_771 = tpu.memref_slice %arg5[%run_scoped3A_15, %dma_start3A_769, %dma_start3A_770] : memref<25x8x128xi32, #tpu.memory_space<vmem>> -> memref<1x8x128xi32, #tpu.memory_space<vmem>>
      %dma_start3A_772 = tpu.memref_squeeze %dma_start3A_771 : memref<1x8x128xi32, #tpu.memory_space<vmem>> -> memref<8x128xi32, #tpu.memory_space<vmem>>
      %dma_start3A_773 = arith.constant 0 : i32
      %dma_start3A_774 = arith.constant 0 : i32
      %dma_start3A_775 = tpu.memref_slice %arg3[%run_scoped3A_14, %add3A, %dma_start3A_773, %dma_start3A_774] : memref<25x32x8x128xi32, #tpu.memory_space<hbm>> -> memref<1x1x8x128xi32, #tpu.memory_space<hbm>>
      %dma_start3A_776 = tpu.memref_squeeze %dma_start3A_775 : memref<1x1x8x128xi32, #tpu.memory_space<hbm>> -> memref<8x128xi32, #tpu.memory_space<hbm>>
      %dma_start3A_777 = arith.constant 0 : i32
      %dma_start3A_778 = arith.constant 0 : i32
      %dma_start3A_779 = tpu.memref_slice %arg5[%run_scoped3A_15, %dma_start3A_777, %dma_start3A_778] : memref<25x8x128xi32, #tpu.memory_space<vmem>> -> memref<1x8x128xi32, #tpu.memory_space<vmem>>
      %dma_start3A_780 = tpu.memref_squeeze %dma_start3A_779 : memref<1x8x128xi32, #tpu.memory_space<vmem>> -> memref<8x128xi32, #tpu.memory_space<vmem>>
      %dma_start3A_781 = arith.constant 0 : i32
      %dma_start3A_782 = arith.constant 0 : i32
      %dma_start3A_783 = tpu.memref_slice %arg3[%run_scoped3A_14, %add3A, %dma_start3A_781, %dma_start3A_782] : memref<25x32x8x128xi32, #tpu.memory_space<hbm>> -> memref<1x1x8x128xi32, #tpu.memory_space<hbm>>
      %dma_start3A_784 = tpu.memref_squeeze %dma_start3A_783 : memref<1x1x8x128xi32, #tpu.memory_space<hbm>> -> memref<8x128xi32, #tpu.memory_space<hbm>>
      tpu.enqueue_dma source(%dma_start3A_784 : memref<8x128xi32, #tpu.memory_space<hbm>>) target(%dma_start3A_780 : memref<8x128xi32, #tpu.memory_space<vmem>>) target_semaphore(%run_scoped3A_768 : memref<!tpu.dma_semaphore, #tpu.memory_space<semaphore_mem>>)
      %dma_wait3A_785 = arith.constant 0 : i32
      %dma_wait3A_786 = arith.constant 0 : i32
      %dma_wait3A_787 = tpu.memref_slice %arg5[%run_scoped3A_15, %dma_wait3A_785, %dma_wait3A_786] : memref<25x8x128xi32, #tpu.memory_space<vmem>> -> memref<1x8x128xi32, #tpu.memory_space<vmem>>
      %dma_wait3A_788 = tpu.memref_squeeze %dma_wait3A_787 : memref<1x8x128xi32, #tpu.memory_space<vmem>> -> memref<8x128xi32, #tpu.memory_space<vmem>>
      %dma_wait3A_789 = arith.constant 0 : i32
      %dma_wait3A_790 = arith.constant 0 : i32
      %dma_wait3A_791 = tpu.memref_slice %arg3[%run_scoped3A_14, %add3A, %dma_wait3A_789, %dma_wait3A_790] : memref<25x32x8x128xi32, #tpu.memory_space<hbm>> -> memref<1x1x8x128xi32, #tpu.memory_space<hbm>>
      %dma_wait3A_792 = tpu.memref_squeeze %dma_wait3A_791 : memref<1x1x8x128xi32, #tpu.memory_space<hbm>> -> memref<8x128xi32, #tpu.memory_space<hbm>>
      %dma_wait3A_793 = arith.constant 0 : i32
      %dma_wait3A_794 = arith.constant 0 : i32
      %dma_wait3A_795 = tpu.memref_slice %arg5[%run_scoped3A_15, %dma_wait3A_793, %dma_wait3A_794] : memref<25x8x128xi32, #tpu.memory_space<vmem>> -> memref<1x8x128xi32, #tpu.memory_space<vmem>>
      %dma_wait3A_796 = tpu.memref_squeeze %dma_wait3A_795 : memref<1x8x128xi32, #tpu.memory_space<vmem>> -> memref<8x128xi32, #tpu.memory_space<vmem>>
      %dma_wait3A_797 = arith.constant 0 : i32
      %dma_wait3A_798 = arith.constant 0 : i32
      %dma_wait3A_799 = tpu.memref_slice %arg3[%run_scoped3A_14, %add3A, %dma_wait3A_797, %dma_wait3A_798] : memref<25x32x8x128xi32, #tpu.memory_space<hbm>> -> memref<1x1x8x128xi32, #tpu.memory_space<hbm>>
      %dma_wait3A_800 = tpu.memref_squeeze %dma_wait3A_799 : memref<1x1x8x128xi32, #tpu.memory_space<hbm>> -> memref<8x128xi32, #tpu.memory_space<hbm>>
      tpu.wait_dma2 semaphore(%run_scoped3A_768 : memref<!tpu.dma_semaphore, #tpu.memory_space<semaphore_mem>>) src(%dma_wait3A_800 : memref<8x128xi32, #tpu.memory_space<hbm>>) dst(%dma_wait3A_796 : memref<8x128xi32, #tpu.memory_space<vmem>>)
      tpu.yield
    }) : () -> ()
    %run_scoped3A_16 = arith.constant 8 : i32
    %run_scoped3A_17 = arith.constant 8 : i32
    "tpu.region"() ({
      %run_scoped3A_768 = tpu.sem_alloc : memref<!tpu.dma_semaphore, #tpu.memory_space<semaphore_mem>>
      %dma_start3A_769 = arith.constant 0 : i32
      %dma_start3A_770 = arith.constant 0 : i32
      %dma_start3A_771 = tpu.memref_slice %arg5[%run_scoped3A_17, %dma_start3A_769, %dma_start3A_770] : memref<25x8x128xi32, #tpu.memory_space<vmem>> -> memref<1x8x128xi32, #tpu.memory_space<vmem>>
      %dma_start3A_772 = tpu.memref_squeeze %dma_start3A_771 : memref<1x8x128xi32, #tpu.memory_space<vmem>> -> memref<8x128xi32, #tpu.memory_space<vmem>>
      %dma_start3A_773 = arith.constant 0 : i32
      %dma_start3A_774 = arith.constant 0 : i32
      %dma_start3A_775 = tpu.memref_slice %arg3[%run_scoped3A_16, %add3A, %dma_start3A_773, %dma_start3A_774] : memref<25x32x8x128xi32, #tpu.memory_space<hbm>> -> memref<1x1x8x128xi32, #tpu.memory_space<hbm>>
      %dma_start3A_776 = tpu.memref_squeeze %dma_start3A_775 : memref<1x1x8x128xi32, #tpu.memory_space<hbm>> -> memref<8x128xi32, #tpu.memory_space<hbm>>
      %dma_start3A_777 = arith.constant 0 : i32
      %dma_start3A_778 = arith.constant 0 : i32
      %dma_start3A_779 = tpu.memref_slice %arg5[%run_scoped3A_17, %dma_start3A_777, %dma_start3A_778] : memref<25x8x128xi32, #tpu.memory_space<vmem>> -> memref<1x8x128xi32, #tpu.memory_space<vmem>>
      %dma_start3A_780 = tpu.memref_squeeze %dma_start3A_779 : memref<1x8x128xi32, #tpu.memory_space<vmem>> -> memref<8x128xi32, #tpu.memory_space<vmem>>
      %dma_start3A_781 = arith.constant 0 : i32
      %dma_start3A_782 = arith.constant 0 : i32
      %dma_start3A_783 = tpu.memref_slice %arg3[%run_scoped3A_16, %add3A, %dma_start3A_781, %dma_start3A_782] : memref<25x32x8x128xi32, #tpu.memory_space<hbm>> -> memref<1x1x8x128xi32, #tpu.memory_space<hbm>>
      %dma_start3A_784 = tpu.memref_squeeze %dma_start3A_783 : memref<1x1x8x128xi32, #tpu.memory_space<hbm>> -> memref<8x128xi32, #tpu.memory_space<hbm>>
      tpu.enqueue_dma source(%dma_start3A_784 : memref<8x128xi32, #tpu.memory_space<hbm>>) target(%dma_start3A_780 : memref<8x128xi32, #tpu.memory_space<vmem>>) target_semaphore(%run_scoped3A_768 : memref<!tpu.dma_semaphore, #tpu.memory_space<semaphore_mem>>)
      %dma_wait3A_785 = arith.constant 0 : i32
      %dma_wait3A_786 = arith.constant 0 : i32
      %dma_wait3A_787 = tpu.memref_slice %arg5[%run_scoped3A_17, %dma_wait3A_785, %dma_wait3A_786] : memref<25x8x128xi32, #tpu.memory_space<vmem>> -> memref<1x8x128xi32, #tpu.memory_space<vmem>>
      %dma_wait3A_788 = tpu.memref_squeeze %dma_wait3A_787 : memref<1x8x128xi32, #tpu.memory_space<vmem>> -> memref<8x128xi32, #tpu.memory_space<vmem>>
      %dma_wait3A_789 = arith.constant 0 : i32
      %dma_wait3A_790 = arith.constant 0 : i32
      %dma_wait3A_791 = tpu.memref_slice %arg3[%run_scoped3A_16, %add3A, %dma_wait3A_789, %dma_wait3A_790] : memref<25x32x8x128xi32, #tpu.memory_space<hbm>> -> memref<1x1x8x128xi32, #tpu.memory_space<hbm>>
      %dma_wait3A_792 = tpu.memref_squeeze %dma_wait3A_791 : memref<1x1x8x128xi32, #tpu.memory_space<hbm>> -> memref<8x128xi32, #tpu.memory_space<hbm>>
      %dma_wait3A_793 = arith.constant 0 : i32
      %dma_wait3A_794 = arith.constant 0 : i32
      %dma_wait3A_795 = tpu.memref_slice %arg5[%run_scoped3A_17, %dma_wait3A_793, %dma_wait3A_794] : memref<25x8x128xi32, #tpu.memory_space<vmem>> -> memref<1x8x128xi32, #tpu.memory_space<vmem>>
      %dma_wait3A_796 = tpu.memref_squeeze %dma_wait3A_795 : memref<1x8x128xi32, #tpu.memory_space<vmem>> -> memref<8x128xi32, #tpu.memory_space<vmem>>
      %dma_wait3A_797 = arith.constant 0 : i32
      %dma_wait3A_798 = arith.constant 0 : i32
      %dma_wait3A_799 = tpu.memref_slice %arg3[%run_scoped3A_16, %add3A, %dma_wait3A_797, %dma_wait3A_798] : memref<25x32x8x128xi32, #tpu.memory_space<hbm>> -> memref<1x1x8x128xi32, #tpu.memory_space<hbm>>
      %dma_wait3A_800 = tpu.memref_squeeze %dma_wait3A_799 : memref<1x1x8x128xi32, #tpu.memory_space<hbm>> -> memref<8x128xi32, #tpu.memory_space<hbm>>
      tpu.wait_dma2 semaphore(%run_scoped3A_768 : memref<!tpu.dma_semaphore, #tpu.memory_space<semaphore_mem>>) src(%dma_wait3A_800 : memref<8x128xi32, #tpu.memory_space<hbm>>) dst(%dma_wait3A_796 : memref<8x128xi32, #tpu.memory_space<vmem>>)
      tpu.yield
    }) : () -> ()
    %run_scoped3A_18 = arith.constant 9 : i32
    %run_scoped3A_19 = arith.constant 9 : i32
    "tpu.region"() ({
      %run_scoped3A_768 = tpu.sem_alloc : memref<!tpu.dma_semaphore, #tpu.memory_space<semaphore_mem>>
      %dma_start3A_769 = arith.constant 0 : i32
      %dma_start3A_770 = arith.constant 0 : i32
      %dma_start3A_771 = tpu.memref_slice %arg5[%run_scoped3A_19, %dma_start3A_769, %dma_start3A_770] : memref<25x8x128xi32, #tpu.memory_space<vmem>> -> memref<1x8x128xi32, #tpu.memory_space<vmem>>
      %dma_start3A_772 = tpu.memref_squeeze %dma_start3A_771 : memref<1x8x128xi32, #tpu.memory_space<vmem>> -> memref<8x128xi32, #tpu.memory_space<vmem>>
      %dma_start3A_773 = arith.constant 0 : i32
      %dma_start3A_774 = arith.constant 0 : i32
      %dma_start3A_775 = tpu.memref_slice %arg3[%run_scoped3A_18, %add3A, %dma_start3A_773, %dma_start3A_774] : memref<25x32x8x128xi32, #tpu.memory_space<hbm>> -> memref<1x1x8x128xi32, #tpu.memory_space<hbm>>
      %dma_start3A_776 = tpu.memref_squeeze %dma_start3A_775 : memref<1x1x8x128xi32, #tpu.memory_space<hbm>> -> memref<8x128xi32, #tpu.memory_space<hbm>>
      %dma_start3A_777 = arith.constant 0 : i32
      %dma_start3A_778 = arith.constant 0 : i32
      %dma_start3A_779 = tpu.memref_slice %arg5[%run_scoped3A_19, %dma_start3A_777, %dma_start3A_778] : memref<25x8x128xi32, #tpu.memory_space<vmem>> -> memref<1x8x128xi32, #tpu.memory_space<vmem>>
      %dma_start3A_780 = tpu.memref_squeeze %dma_start3A_779 : memref<1x8x128xi32, #tpu.memory_space<vmem>> -> memref<8x128xi32, #tpu.memory_space<vmem>>
      %dma_start3A_781 = arith.constant 0 : i32
      %dma_start3A_782 = arith.constant 0 : i32
      %dma_start3A_783 = tpu.memref_slice %arg3[%run_scoped3A_18, %add3A, %dma_start3A_781, %dma_start3A_782] : memref<25x32x8x128xi32, #tpu.memory_space<hbm>> -> memref<1x1x8x128xi32, #tpu.memory_space<hbm>>
      %dma_start3A_784 = tpu.memref_squeeze %dma_start3A_783 : memref<1x1x8x128xi32, #tpu.memory_space<hbm>> -> memref<8x128xi32, #tpu.memory_space<hbm>>
      tpu.enqueue_dma source(%dma_start3A_784 : memref<8x128xi32, #tpu.memory_space<hbm>>) target(%dma_start3A_780 : memref<8x128xi32, #tpu.memory_space<vmem>>) target_semaphore(%run_scoped3A_768 : memref<!tpu.dma_semaphore, #tpu.memory_space<semaphore_mem>>)
      %dma_wait3A_785 = arith.constant 0 : i32
      %dma_wait3A_786 = arith.constant 0 : i32
      %dma_wait3A_787 = tpu.memref_slice %arg5[%run_scoped3A_19, %dma_wait3A_785, %dma_wait3A_786] : memref<25x8x128xi32, #tpu.memory_space<vmem>> -> memref<1x8x128xi32, #tpu.memory_space<vmem>>
      %dma_wait3A_788 = tpu.memref_squeeze %dma_wait3A_787 : memref<1x8x128xi32, #tpu.memory_space<vmem>> -> memref<8x128xi32, #tpu.memory_space<vmem>>
      %dma_wait3A_789 = arith.constant 0 : i32
      %dma_wait3A_790 = arith.constant 0 : i32
      %dma_wait3A_791 = tpu.memref_slice %arg3[%run_scoped3A_18, %add3A, %dma_wait3A_789, %dma_wait3A_790] : memref<25x32x8x128xi32, #tpu.memory_space<hbm>> -> memref<1x1x8x128xi32, #tpu.memory_space<hbm>>
      %dma_wait3A_792 = tpu.memref_squeeze %dma_wait3A_791 : memref<1x1x8x128xi32, #tpu.memory_space<hbm>> -> memref<8x128xi32, #tpu.memory_space<hbm>>
      %dma_wait3A_793 = arith.constant 0 : i32
      %dma_wait3A_794 = arith.constant 0 : i32
      %dma_wait3A_795 = tpu.memref_slice %arg5[%run_scoped3A_19, %dma_wait3A_793, %dma_wait3A_794] : memref<25x8x128xi32, #tpu.memory_space<vmem>> -> memref<1x8x128xi32, #tpu.memory_space<vmem>>
      %dma_wait3A_796 = tpu.memref_squeeze %dma_wait3A_795 : memref<1x8x128xi32, #tpu.memory_space<vmem>> -> memref<8x128xi32, #tpu.memory_space<vmem>>
      %dma_wait3A_797 = arith.constant 0 : i32
      %dma_wait3A_798 = arith.constant 0 : i32
      %dma_wait3A_799 = tpu.memref_slice %arg3[%run_scoped3A_18, %add3A, %dma_wait3A_797, %dma_wait3A_798] : memref<25x32x8x128xi32, #tpu.memory_space<hbm>> -> memref<1x1x8x128xi32, #tpu.memory_space<hbm>>
      %dma_wait3A_800 = tpu.memref_squeeze %dma_wait3A_799 : memref<1x1x8x128xi32, #tpu.memory_space<hbm>> -> memref<8x128xi32, #tpu.memory_space<hbm>>
      tpu.wait_dma2 semaphore(%run_scoped3A_768 : memref<!tpu.dma_semaphore, #tpu.memory_space<semaphore_mem>>) src(%dma_wait3A_800 : memref<8x128xi32, #tpu.memory_space<hbm>>) dst(%dma_wait3A_796 : memref<8x128xi32, #tpu.memory_space<vmem>>)
      tpu.yield
    }) : () -> ()
    %run_scoped3A_20 = arith.constant 10 : i32
    %run_scoped3A_21 = arith.constant 10 : i32
    "tpu.region"() ({
      %run_scoped3A_768 = tpu.sem_alloc : memref<!tpu.dma_semaphore, #tpu.memory_space<semaphore_mem>>
      %dma_start3A_769 = arith.constant 0 : i32
      %dma_start3A_770 = arith.constant 0 : i32
      %dma_start3A_771 = tpu.memref_slice %arg5[%run_scoped3A_21, %dma_start3A_769, %dma_start3A_770] : memref<25x8x128xi32, #tpu.memory_space<vmem>> -> memref<1x8x128xi32, #tpu.memory_space<vmem>>
      %dma_start3A_772 = tpu.memref_squeeze %dma_start3A_771 : memref<1x8x128xi32, #tpu.memory_space<vmem>> -> memref<8x128xi32, #tpu.memory_space<vmem>>
      %dma_start3A_773 = arith.constant 0 : i32
      %dma_start3A_774 = arith.constant 0 : i32
      %dma_start3A_775 = tpu.memref_slice %arg3[%run_scoped3A_20, %add3A, %dma_start3A_773, %dma_start3A_774] : memref<25x32x8x128xi32, #tpu.memory_space<hbm>> -> memref<1x1x8x128xi32, #tpu.memory_space<hbm>>
      %dma_start3A_776 = tpu.memref_squeeze %dma_start3A_775 : memref<1x1x8x128xi32, #tpu.memory_space<hbm>> -> memref<8x128xi32, #tpu.memory_space<hbm>>
      %dma_start3A_777 = arith.constant 0 : i32
      %dma_start3A_778 = arith.constant 0 : i32
      %dma_start3A_779 = tpu.memref_slice %arg5[%run_scoped3A_21, %dma_start3A_777, %dma_start3A_778] : memref<25x8x128xi32, #tpu.memory_space<vmem>> -> memref<1x8x128xi32, #tpu.memory_space<vmem>>
      %dma_start3A_780 = tpu.memref_squeeze %dma_start3A_779 : memref<1x8x128xi32, #tpu.memory_space<vmem>> -> memref<8x128xi32, #tpu.memory_space<vmem>>
      %dma_start3A_781 = arith.constant 0 : i32
      %dma_start3A_782 = arith.constant 0 : i32
      %dma_start3A_783 = tpu.memref_slice %arg3[%run_scoped3A_20, %add3A, %dma_start3A_781, %dma_start3A_782] : memref<25x32x8x128xi32, #tpu.memory_space<hbm>> -> memref<1x1x8x128xi32, #tpu.memory_space<hbm>>
      %dma_start3A_784 = tpu.memref_squeeze %dma_start3A_783 : memref<1x1x8x128xi32, #tpu.memory_space<hbm>> -> memref<8x128xi32, #tpu.memory_space<hbm>>
      tpu.enqueue_dma source(%dma_start3A_784 : memref<8x128xi32, #tpu.memory_space<hbm>>) target(%dma_start3A_780 : memref<8x128xi32, #tpu.memory_space<vmem>>) target_semaphore(%run_scoped3A_768 : memref<!tpu.dma_semaphore, #tpu.memory_space<semaphore_mem>>)
      %dma_wait3A_785 = arith.constant 0 : i32
      %dma_wait3A_786 = arith.constant 0 : i32
      %dma_wait3A_787 = tpu.memref_slice %arg5[%run_scoped3A_21, %dma_wait3A_785, %dma_wait3A_786] : memref<25x8x128xi32, #tpu.memory_space<vmem>> -> memref<1x8x128xi32, #tpu.memory_space<vmem>>
      %dma_wait3A_788 = tpu.memref_squeeze %dma_wait3A_787 : memref<1x8x128xi32, #tpu.memory_space<vmem>> -> memref<8x128xi32, #tpu.memory_space<vmem>>
      %dma_wait3A_789 = arith.constant 0 : i32
      %dma_wait3A_790 = arith.constant 0 : i32
      %dma_wait3A_791 = tpu.memref_slice %arg3[%run_scoped3A_20, %add3A, %dma_wait3A_789, %dma_wait3A_790] : memref<25x32x8x128xi32, #tpu.memory_space<hbm>> -> memref<1x1x8x128xi32, #tpu.memory_space<hbm>>
      %dma_wait3A_792 = tpu.memref_squeeze %dma_wait3A_791 : memref<1x1x8x128xi32, #tpu.memory_space<hbm>> -> memref<8x128xi32, #tpu.memory_space<hbm>>
      %dma_wait3A_793 = arith.constant 0 : i32
      %dma_wait3A_794 = arith.constant 0 : i32
      %dma_wait3A_795 = tpu.memref_slice %arg5[%run_scoped3A_21, %dma_wait3A_793, %dma_wait3A_794] : memref<25x8x128xi32, #tpu.memory_space<vmem>> -> memref<1x8x128xi32, #tpu.memory_space<vmem>>
      %dma_wait3A_796 = tpu.memref_squeeze %dma_wait3A_795 : memref<1x8x128xi32, #tpu.memory_space<vmem>> -> memref<8x128xi32, #tpu.memory_space<vmem>>
      %dma_wait3A_797 = arith.constant 0 : i32
      %dma_wait3A_798 = arith.constant 0 : i32
      %dma_wait3A_799 = tpu.memref_slice %arg3[%run_scoped3A_20, %add3A, %dma_wait3A_797, %dma_wait3A_798] : memref<25x32x8x128xi32, #tpu.memory_space<hbm>> -> memref<1x1x8x128xi32, #tpu.memory_space<hbm>>
      %dma_wait3A_800 = tpu.memref_squeeze %dma_wait3A_799 : memref<1x1x8x128xi32, #tpu.memory_space<hbm>> -> memref<8x128xi32, #tpu.memory_space<hbm>>
      tpu.wait_dma2 semaphore(%run_scoped3A_768 : memref<!tpu.dma_semaphore, #tpu.memory_space<semaphore_mem>>) src(%dma_wait3A_800 : memref<8x128xi32, #tpu.memory_space<hbm>>) dst(%dma_wait3A_796 : memref<8x128xi32, #tpu.memory_space<vmem>>)
      tpu.yield
    }) : () -> ()
    %run_scoped3A_22 = arith.constant 11 : i32
    %run_scoped3A_23 = arith.constant 11 : i32
    "tpu.region"() ({
      %run_scoped3A_768 = tpu.sem_alloc : memref<!tpu.dma_semaphore, #tpu.memory_space<semaphore_mem>>
      %dma_start3A_769 = arith.constant 0 : i32
      %dma_start3A_770 = arith.constant 0 : i32
      %dma_start3A_771 = tpu.memref_slice %arg5[%run_scoped3A_23, %dma_start3A_769, %dma_start3A_770] : memref<25x8x128xi32, #tpu.memory_space<vmem>> -> memref<1x8x128xi32, #tpu.memory_space<vmem>>
      %dma_start3A_772 = tpu.memref_squeeze %dma_start3A_771 : memref<1x8x128xi32, #tpu.memory_space<vmem>> -> memref<8x128xi32, #tpu.memory_space<vmem>>
      %dma_start3A_773 = arith.constant 0 : i32
      %dma_start3A_774 = arith.constant 0 : i32
      %dma_start3A_775 = tpu.memref_slice %arg3[%run_scoped3A_22, %add3A, %dma_start3A_773, %dma_start3A_774] : memref<25x32x8x128xi32, #tpu.memory_space<hbm>> -> memref<1x1x8x128xi32, #tpu.memory_space<hbm>>
      %dma_start3A_776 = tpu.memref_squeeze %dma_start3A_775 : memref<1x1x8x128xi32, #tpu.memory_space<hbm>> -> memref<8x128xi32, #tpu.memory_space<hbm>>
      %dma_start3A_777 = arith.constant 0 : i32
      %dma_start3A_778 = arith.constant 0 : i32
      %dma_start3A_779 = tpu.memref_slice %arg5[%run_scoped3A_23, %dma_start3A_777, %dma_start3A_778] : memref<25x8x128xi32, #tpu.memory_space<vmem>> -> memref<1x8x128xi32, #tpu.memory_space<vmem>>
      %dma_start3A_780 = tpu.memref_squeeze %dma_start3A_779 : memref<1x8x128xi32, #tpu.memory_space<vmem>> -> memref<8x128xi32, #tpu.memory_space<vmem>>
      %dma_start3A_781 = arith.constant 0 : i32
      %dma_start3A_782 = arith.constant 0 : i32
      %dma_start3A_783 = tpu.memref_slice %arg3[%run_scoped3A_22, %add3A, %dma_start3A_781, %dma_start3A_782] : memref<25x32x8x128xi32, #tpu.memory_space<hbm>> -> memref<1x1x8x128xi32, #tpu.memory_space<hbm>>
      %dma_start3A_784 = tpu.memref_squeeze %dma_start3A_783 : memref<1x1x8x128xi32, #tpu.memory_space<hbm>> -> memref<8x128xi32, #tpu.memory_space<hbm>>
      tpu.enqueue_dma source(%dma_start3A_784 : memref<8x128xi32, #tpu.memory_space<hbm>>) target(%dma_start3A_780 : memref<8x128xi32, #tpu.memory_space<vmem>>) target_semaphore(%run_scoped3A_768 : memref<!tpu.dma_semaphore, #tpu.memory_space<semaphore_mem>>)
      %dma_wait3A_785 = arith.constant 0 : i32
      %dma_wait3A_786 = arith.constant 0 : i32
      %dma_wait3A_787 = tpu.memref_slice %arg5[%run_scoped3A_23, %dma_wait3A_785, %dma_wait3A_786] : memref<25x8x128xi32, #tpu.memory_space<vmem>> -> memref<1x8x128xi32, #tpu.memory_space<vmem>>
      %dma_wait3A_788 = tpu.memref_squeeze %dma_wait3A_787 : memref<1x8x128xi32, #tpu.memory_space<vmem>> -> memref<8x128xi32, #tpu.memory_space<vmem>>
      %dma_wait3A_789 = arith.constant 0 : i32
      %dma_wait3A_790 = arith.constant 0 : i32
      %dma_wait3A_791 = tpu.memref_slice %arg3[%run_scoped3A_22, %add3A, %dma_wait3A_789, %dma_wait3A_790] : memref<25x32x8x128xi32, #tpu.memory_space<hbm>> -> memref<1x1x8x128xi32, #tpu.memory_space<hbm>>
      %dma_wait3A_792 = tpu.memref_squeeze %dma_wait3A_791 : memref<1x1x8x128xi32, #tpu.memory_space<hbm>> -> memref<8x128xi32, #tpu.memory_space<hbm>>
      %dma_wait3A_793 = arith.constant 0 : i32
      %dma_wait3A_794 = arith.constant 0 : i32
      %dma_wait3A_795 = tpu.memref_slice %arg5[%run_scoped3A_23, %dma_wait3A_793, %dma_wait3A_794] : memref<25x8x128xi32, #tpu.memory_space<vmem>> -> memref<1x8x128xi32, #tpu.memory_space<vmem>>
      %dma_wait3A_796 = tpu.memref_squeeze %dma_wait3A_795 : memref<1x8x128xi32, #tpu.memory_space<vmem>> -> memref<8x128xi32, #tpu.memory_space<vmem>>
      %dma_wait3A_797 = arith.constant 0 : i32
      %dma_wait3A_798 = arith.constant 0 : i32
      %dma_wait3A_799 = tpu.memref_slice %arg3[%run_scoped3A_22, %add3A, %dma_wait3A_797, %dma_wait3A_798] : memref<25x32x8x128xi32, #tpu.memory_space<hbm>> -> memref<1x1x8x128xi32, #tpu.memory_space<hbm>>
      %dma_wait3A_800 = tpu.memref_squeeze %dma_wait3A_799 : memref<1x1x8x128xi32, #tpu.memory_space<hbm>> -> memref<8x128xi32, #tpu.memory_space<hbm>>
      tpu.wait_dma2 semaphore(%run_scoped3A_768 : memref<!tpu.dma_semaphore, #tpu.memory_space<semaphore_mem>>) src(%dma_wait3A_800 : memref<8x128xi32, #tpu.memory_space<hbm>>) dst(%dma_wait3A_796 : memref<8x128xi32, #tpu.memory_space<vmem>>)
      tpu.yield
    }) : () -> ()
    %run_scoped3A_24 = arith.constant 12 : i32
    %run_scoped3A_25 = arith.constant 12 : i32
    "tpu.region"() ({
      %run_scoped3A_768 = tpu.sem_alloc : memref<!tpu.dma_semaphore, #tpu.memory_space<semaphore_mem>>
      %dma_start3A_769 = arith.constant 0 : i32
      %dma_start3A_770 = arith.constant 0 : i32
      %dma_start3A_771 = tpu.memref_slice %arg5[%run_scoped3A_25, %dma_start3A_769, %dma_start3A_770] : memref<25x8x128xi32, #tpu.memory_space<vmem>> -> memref<1x8x128xi32, #tpu.memory_space<vmem>>
      %dma_start3A_772 = tpu.memref_squeeze %dma_start3A_771 : memref<1x8x128xi32, #tpu.memory_space<vmem>> -> memref<8x128xi32, #tpu.memory_space<vmem>>
      %dma_start3A_773 = arith.constant 0 : i32
      %dma_start3A_774 = arith.constant 0 : i32
      %dma_start3A_775 = tpu.memref_slice %arg3[%run_scoped3A_24, %add3A, %dma_start3A_773, %dma_start3A_774] : memref<25x32x8x128xi32, #tpu.memory_space<hbm>> -> memref<1x1x8x128xi32, #tpu.memory_space<hbm>>
      %dma_start3A_776 = tpu.memref_squeeze %dma_start3A_775 : memref<1x1x8x128xi32, #tpu.memory_space<hbm>> -> memref<8x128xi32, #tpu.memory_space<hbm>>
      %dma_start3A_777 = arith.constant 0 : i32
      %dma_start3A_778 = arith.constant 0 : i32
      %dma_start3A_779 = tpu.memref_slice %arg5[%run_scoped3A_25, %dma_start3A_777, %dma_start3A_778] : memref<25x8x128xi32, #tpu.memory_space<vmem>> -> memref<1x8x128xi32, #tpu.memory_space<vmem>>
      %dma_start3A_780 = tpu.memref_squeeze %dma_start3A_779 : memref<1x8x128xi32, #tpu.memory_space<vmem>> -> memref<8x128xi32, #tpu.memory_space<vmem>>
      %dma_start3A_781 = arith.constant 0 : i32
      %dma_start3A_782 = arith.constant 0 : i32
      %dma_start3A_783 = tpu.memref_slice %arg3[%run_scoped3A_24, %add3A, %dma_start3A_781, %dma_start3A_782] : memref<25x32x8x128xi32, #tpu.memory_space<hbm>> -> memref<1x1x8x128xi32, #tpu.memory_space<hbm>>
      %dma_start3A_784 = tpu.memref_squeeze %dma_start3A_783 : memref<1x1x8x128xi32, #tpu.memory_space<hbm>> -> memref<8x128xi32, #tpu.memory_space<hbm>>
      tpu.enqueue_dma source(%dma_start3A_784 : memref<8x128xi32, #tpu.memory_space<hbm>>) target(%dma_start3A_780 : memref<8x128xi32, #tpu.memory_space<vmem>>) target_semaphore(%run_scoped3A_768 : memref<!tpu.dma_semaphore, #tpu.memory_space<semaphore_mem>>)
      %dma_wait3A_785 = arith.constant 0 : i32
      %dma_wait3A_786 = arith.constant 0 : i32
      %dma_wait3A_787 = tpu.memref_slice %arg5[%run_scoped3A_25, %dma_wait3A_785, %dma_wait3A_786] : memref<25x8x128xi32, #tpu.memory_space<vmem>> -> memref<1x8x128xi32, #tpu.memory_space<vmem>>
      %dma_wait3A_788 = tpu.memref_squeeze %dma_wait3A_787 : memref<1x8x128xi32, #tpu.memory_space<vmem>> -> memref<8x128xi32, #tpu.memory_space<vmem>>
      %dma_wait3A_789 = arith.constant 0 : i32
      %dma_wait3A_790 = arith.constant 0 : i32
      %dma_wait3A_791 = tpu.memref_slice %arg3[%run_scoped3A_24, %add3A, %dma_wait3A_789, %dma_wait3A_790] : memref<25x32x8x128xi32, #tpu.memory_space<hbm>> -> memref<1x1x8x128xi32, #tpu.memory_space<hbm>>
      %dma_wait3A_792 = tpu.memref_squeeze %dma_wait3A_791 : memref<1x1x8x128xi32, #tpu.memory_space<hbm>> -> memref<8x128xi32, #tpu.memory_space<hbm>>
      %dma_wait3A_793 = arith.constant 0 : i32
      %dma_wait3A_794 = arith.constant 0 : i32
      %dma_wait3A_795 = tpu.memref_slice %arg5[%run_scoped3A_25, %dma_wait3A_793, %dma_wait3A_794] : memref<25x8x128xi32, #tpu.memory_space<vmem>> -> memref<1x8x128xi32, #tpu.memory_space<vmem>>
      %dma_wait3A_796 = tpu.memref_squeeze %dma_wait3A_795 : memref<1x8x128xi32, #tpu.memory_space<vmem>> -> memref<8x128xi32, #tpu.memory_space<vmem>>
      %dma_wait3A_797 = arith.constant 0 : i32
      %dma_wait3A_798 = arith.constant 0 : i32
      %dma_wait3A_799 = tpu.memref_slice %arg3[%run_scoped3A_24, %add3A, %dma_wait3A_797, %dma_wait3A_798] : memref<25x32x8x128xi32, #tpu.memory_space<hbm>> -> memref<1x1x8x128xi32, #tpu.memory_space<hbm>>
      %dma_wait3A_800 = tpu.memref_squeeze %dma_wait3A_799 : memref<1x1x8x128xi32, #tpu.memory_space<hbm>> -> memref<8x128xi32, #tpu.memory_space<hbm>>
      tpu.wait_dma2 semaphore(%run_scoped3A_768 : memref<!tpu.dma_semaphore, #tpu.memory_space<semaphore_mem>>) src(%dma_wait3A_800 : memref<8x128xi32, #tpu.memory_space<hbm>>) dst(%dma_wait3A_796 : memref<8x128xi32, #tpu.memory_space<vmem>>)
      tpu.yield
    }) : () -> ()
    %run_scoped3A_26 = arith.constant 13 : i32
    %run_scoped3A_27 = arith.constant 13 : i32
    "tpu.region"() ({
      %run_scoped3A_768 = tpu.sem_alloc : memref<!tpu.dma_semaphore, #tpu.memory_space<semaphore_mem>>
      %dma_start3A_769 = arith.constant 0 : i32
      %dma_start3A_770 = arith.constant 0 : i32
      %dma_start3A_771 = tpu.memref_slice %arg5[%run_scoped3A_27, %dma_start3A_769, %dma_start3A_770] : memref<25x8x128xi32, #tpu.memory_space<vmem>> -> memref<1x8x128xi32, #tpu.memory_space<vmem>>
      %dma_start3A_772 = tpu.memref_squeeze %dma_start3A_771 : memref<1x8x128xi32, #tpu.memory_space<vmem>> -> memref<8x128xi32, #tpu.memory_space<vmem>>
      %dma_start3A_773 = arith.constant 0 : i32
      %dma_start3A_774 = arith.constant 0 : i32
      %dma_start3A_775 = tpu.memref_slice %arg3[%run_scoped3A_26, %add3A, %dma_start3A_773, %dma_start3A_774] : memref<25x32x8x128xi32, #tpu.memory_space<hbm>> -> memref<1x1x8x128xi32, #tpu.memory_space<hbm>>
      %dma_start3A_776 = tpu.memref_squeeze %dma_start3A_775 : memref<1x1x8x128xi32, #tpu.memory_space<hbm>> -> memref<8x128xi32, #tpu.memory_space<hbm>>
      %dma_start3A_777 = arith.constant 0 : i32
      %dma_start3A_778 = arith.constant 0 : i32
      %dma_start3A_779 = tpu.memref_slice %arg5[%run_scoped3A_27, %dma_start3A_777, %dma_start3A_778] : memref<25x8x128xi32, #tpu.memory_space<vmem>> -> memref<1x8x128xi32, #tpu.memory_space<vmem>>
      %dma_start3A_780 = tpu.memref_squeeze %dma_start3A_779 : memref<1x8x128xi32, #tpu.memory_space<vmem>> -> memref<8x128xi32, #tpu.memory_space<vmem>>
      %dma_start3A_781 = arith.constant 0 : i32
      %dma_start3A_782 = arith.constant 0 : i32
      %dma_start3A_783 = tpu.memref_slice %arg3[%run_scoped3A_26, %add3A, %dma_start3A_781, %dma_start3A_782] : memref<25x32x8x128xi32, #tpu.memory_space<hbm>> -> memref<1x1x8x128xi32, #tpu.memory_space<hbm>>
      %dma_start3A_784 = tpu.memref_squeeze %dma_start3A_783 : memref<1x1x8x128xi32, #tpu.memory_space<hbm>> -> memref<8x128xi32, #tpu.memory_space<hbm>>
      tpu.enqueue_dma source(%dma_start3A_784 : memref<8x128xi32, #tpu.memory_space<hbm>>) target(%dma_start3A_780 : memref<8x128xi32, #tpu.memory_space<vmem>>) target_semaphore(%run_scoped3A_768 : memref<!tpu.dma_semaphore, #tpu.memory_space<semaphore_mem>>)
      %dma_wait3A_785 = arith.constant 0 : i32
      %dma_wait3A_786 = arith.constant 0 : i32
      %dma_wait3A_787 = tpu.memref_slice %arg5[%run_scoped3A_27, %dma_wait3A_785, %dma_wait3A_786] : memref<25x8x128xi32, #tpu.memory_space<vmem>> -> memref<1x8x128xi32, #tpu.memory_space<vmem>>
      %dma_wait3A_788 = tpu.memref_squeeze %dma_wait3A_787 : memref<1x8x128xi32, #tpu.memory_space<vmem>> -> memref<8x128xi32, #tpu.memory_space<vmem>>
      %dma_wait3A_789 = arith.constant 0 : i32
      %dma_wait3A_790 = arith.constant 0 : i32
      %dma_wait3A_791 = tpu.memref_slice %arg3[%run_scoped3A_26, %add3A, %dma_wait3A_789, %dma_wait3A_790] : memref<25x32x8x128xi32, #tpu.memory_space<hbm>> -> memref<1x1x8x128xi32, #tpu.memory_space<hbm>>
      %dma_wait3A_792 = tpu.memref_squeeze %dma_wait3A_791 : memref<1x1x8x128xi32, #tpu.memory_space<hbm>> -> memref<8x128xi32, #tpu.memory_space<hbm>>
      %dma_wait3A_793 = arith.constant 0 : i32
      %dma_wait3A_794 = arith.constant 0 : i32
      %dma_wait3A_795 = tpu.memref_slice %arg5[%run_scoped3A_27, %dma_wait3A_793, %dma_wait3A_794] : memref<25x8x128xi32, #tpu.memory_space<vmem>> -> memref<1x8x128xi32, #tpu.memory_space<vmem>>
      %dma_wait3A_796 = tpu.memref_squeeze %dma_wait3A_795 : memref<1x8x128xi32, #tpu.memory_space<vmem>> -> memref<8x128xi32, #tpu.memory_space<vmem>>
      %dma_wait3A_797 = arith.constant 0 : i32
      %dma_wait3A_798 = arith.constant 0 : i32
      %dma_wait3A_799 = tpu.memref_slice %arg3[%run_scoped3A_26, %add3A, %dma_wait3A_797, %dma_wait3A_798] : memref<25x32x8x128xi32, #tpu.memory_space<hbm>> -> memref<1x1x8x128xi32, #tpu.memory_space<hbm>>
      %dma_wait3A_800 = tpu.memref_squeeze %dma_wait3A_799 : memref<1x1x8x128xi32, #tpu.memory_space<hbm>> -> memref<8x128xi32, #tpu.memory_space<hbm>>
      tpu.wait_dma2 semaphore(%run_scoped3A_768 : memref<!tpu.dma_semaphore, #tpu.memory_space<semaphore_mem>>) src(%dma_wait3A_800 : memref<8x128xi32, #tpu.memory_space<hbm>>) dst(%dma_wait3A_796 : memref<8x128xi32, #tpu.memory_space<vmem>>)
      tpu.yield
    }) : () -> ()
    %run_scoped3A_28 = arith.constant 14 : i32
    %run_scoped3A_29 = arith.constant 14 : i32
    "tpu.region"() ({
      %run_scoped3A_768 = tpu.sem_alloc : memref<!tpu.dma_semaphore, #tpu.memory_space<semaphore_mem>>
      %dma_start3A_769 = arith.constant 0 : i32
      %dma_start3A_770 = arith.constant 0 : i32
      %dma_start3A_771 = tpu.memref_slice %arg5[%run_scoped3A_29, %dma_start3A_769, %dma_start3A_770] : memref<25x8x128xi32, #tpu.memory_space<vmem>> -> memref<1x8x128xi32, #tpu.memory_space<vmem>>
      %dma_start3A_772 = tpu.memref_squeeze %dma_start3A_771 : memref<1x8x128xi32, #tpu.memory_space<vmem>> -> memref<8x128xi32, #tpu.memory_space<vmem>>
      %dma_start3A_773 = arith.constant 0 : i32
      %dma_start3A_774 = arith.constant 0 : i32
      %dma_start3A_775 = tpu.memref_slice %arg3[%run_scoped3A_28, %add3A, %dma_start3A_773, %dma_start3A_774] : memref<25x32x8x128xi32, #tpu.memory_space<hbm>> -> memref<1x1x8x128xi32, #tpu.memory_space<hbm>>
      %dma_start3A_776 = tpu.memref_squeeze %dma_start3A_775 : memref<1x1x8x128xi32, #tpu.memory_space<hbm>> -> memref<8x128xi32, #tpu.memory_space<hbm>>
      %dma_start3A_777 = arith.constant 0 : i32
      %dma_start3A_778 = arith.constant 0 : i32
      %dma_start3A_779 = tpu.memref_slice %arg5[%run_scoped3A_29, %dma_start3A_777, %dma_start3A_778] : memref<25x8x128xi32, #tpu.memory_space<vmem>> -> memref<1x8x128xi32, #tpu.memory_space<vmem>>
      %dma_start3A_780 = tpu.memref_squeeze %dma_start3A_779 : memref<1x8x128xi32, #tpu.memory_space<vmem>> -> memref<8x128xi32, #tpu.memory_space<vmem>>
      %dma_start3A_781 = arith.constant 0 : i32
      %dma_start3A_782 = arith.constant 0 : i32
      %dma_start3A_783 = tpu.memref_slice %arg3[%run_scoped3A_28, %add3A, %dma_start3A_781, %dma_start3A_782] : memref<25x32x8x128xi32, #tpu.memory_space<hbm>> -> memref<1x1x8x128xi32, #tpu.memory_space<hbm>>
      %dma_start3A_784 = tpu.memref_squeeze %dma_start3A_783 : memref<1x1x8x128xi32, #tpu.memory_space<hbm>> -> memref<8x128xi32, #tpu.memory_space<hbm>>
      tpu.enqueue_dma source(%dma_start3A_784 : memref<8x128xi32, #tpu.memory_space<hbm>>) target(%dma_start3A_780 : memref<8x128xi32, #tpu.memory_space<vmem>>) target_semaphore(%run_scoped3A_768 : memref<!tpu.dma_semaphore, #tpu.memory_space<semaphore_mem>>)
      %dma_wait3A_785 = arith.constant 0 : i32
      %dma_wait3A_786 = arith.constant 0 : i32
      %dma_wait3A_787 = tpu.memref_slice %arg5[%run_scoped3A_29, %dma_wait3A_785, %dma_wait3A_786] : memref<25x8x128xi32, #tpu.memory_space<vmem>> -> memref<1x8x128xi32, #tpu.memory_space<vmem>>
      %dma_wait3A_788 = tpu.memref_squeeze %dma_wait3A_787 : memref<1x8x128xi32, #tpu.memory_space<vmem>> -> memref<8x128xi32, #tpu.memory_space<vmem>>
      %dma_wait3A_789 = arith.constant 0 : i32
      %dma_wait3A_790 = arith.constant 0 : i32
      %dma_wait3A_791 = tpu.memref_slice %arg3[%run_scoped3A_28, %add3A, %dma_wait3A_789, %dma_wait3A_790] : memref<25x32x8x128xi32, #tpu.memory_space<hbm>> -> memref<1x1x8x128xi32, #tpu.memory_space<hbm>>
      %dma_wait3A_792 = tpu.memref_squeeze %dma_wait3A_791 : memref<1x1x8x128xi32, #tpu.memory_space<hbm>> -> memref<8x128xi32, #tpu.memory_space<hbm>>
      %dma_wait3A_793 = arith.constant 0 : i32
      %dma_wait3A_794 = arith.constant 0 : i32
      %dma_wait3A_795 = tpu.memref_slice %arg5[%run_scoped3A_29, %dma_wait3A_793, %dma_wait3A_794] : memref<25x8x128xi32, #tpu.memory_space<vmem>> -> memref<1x8x128xi32, #tpu.memory_space<vmem>>
      %dma_wait3A_796 = tpu.memref_squeeze %dma_wait3A_795 : memref<1x8x128xi32, #tpu.memory_space<vmem>> -> memref<8x128xi32, #tpu.memory_space<vmem>>
      %dma_wait3A_797 = arith.constant 0 : i32
      %dma_wait3A_798 = arith.constant 0 : i32
      %dma_wait3A_799 = tpu.memref_slice %arg3[%run_scoped3A_28, %add3A, %dma_wait3A_797, %dma_wait3A_798] : memref<25x32x8x128xi32, #tpu.memory_space<hbm>> -> memref<1x1x8x128xi32, #tpu.memory_space<hbm>>
      %dma_wait3A_800 = tpu.memref_squeeze %dma_wait3A_799 : memref<1x1x8x128xi32, #tpu.memory_space<hbm>> -> memref<8x128xi32, #tpu.memory_space<hbm>>
      tpu.wait_dma2 semaphore(%run_scoped3A_768 : memref<!tpu.dma_semaphore, #tpu.memory_space<semaphore_mem>>) src(%dma_wait3A_800 : memref<8x128xi32, #tpu.memory_space<hbm>>) dst(%dma_wait3A_796 : memref<8x128xi32, #tpu.memory_space<vmem>>)
      tpu.yield
    }) : () -> ()
    %run_scoped3A_30 = arith.constant 15 : i32
    %run_scoped3A_31 = arith.constant 15 : i32
    "tpu.region"() ({
      %run_scoped3A_768 = tpu.sem_alloc : memref<!tpu.dma_semaphore, #tpu.memory_space<semaphore_mem>>
      %dma_start3A_769 = arith.constant 0 : i32
      %dma_start3A_770 = arith.constant 0 : i32
      %dma_start3A_771 = tpu.memref_slice %arg5[%run_scoped3A_31, %dma_start3A_769, %dma_start3A_770] : memref<25x8x128xi32, #tpu.memory_space<vmem>> -> memref<1x8x128xi32, #tpu.memory_space<vmem>>
      %dma_start3A_772 = tpu.memref_squeeze %dma_start3A_771 : memref<1x8x128xi32, #tpu.memory_space<vmem>> -> memref<8x128xi32, #tpu.memory_space<vmem>>
      %dma_start3A_773 = arith.constant 0 : i32
      %dma_start3A_774 = arith.constant 0 : i32
      %dma_start3A_775 = tpu.memref_slice %arg3[%run_scoped3A_30, %add3A, %dma_start3A_773, %dma_start3A_774] : memref<25x32x8x128xi32, #tpu.memory_space<hbm>> -> memref<1x1x8x128xi32, #tpu.memory_space<hbm>>
      %dma_start3A_776 = tpu.memref_squeeze %dma_start3A_775 : memref<1x1x8x128xi32, #tpu.memory_space<hbm>> -> memref<8x128xi32, #tpu.memory_space<hbm>>
      %dma_start3A_777 = arith.constant 0 : i32
      %dma_start3A_778 = arith.constant 0 : i32
      %dma_start3A_779 = tpu.memref_slice %arg5[%run_scoped3A_31, %dma_start3A_777, %dma_start3A_778] : memref<25x8x128xi32, #tpu.memory_space<vmem>> -> memref<1x8x128xi32, #tpu.memory_space<vmem>>
      %dma_start3A_780 = tpu.memref_squeeze %dma_start3A_779 : memref<1x8x128xi32, #tpu.memory_space<vmem>> -> memref<8x128xi32, #tpu.memory_space<vmem>>
      %dma_start3A_781 = arith.constant 0 : i32
      %dma_start3A_782 = arith.constant 0 : i32
      %dma_start3A_783 = tpu.memref_slice %arg3[%run_scoped3A_30, %add3A, %dma_start3A_781, %dma_start3A_782] : memref<25x32x8x128xi32, #tpu.memory_space<hbm>> -> memref<1x1x8x128xi32, #tpu.memory_space<hbm>>
      %dma_start3A_784 = tpu.memref_squeeze %dma_start3A_783 : memref<1x1x8x128xi32, #tpu.memory_space<hbm>> -> memref<8x128xi32, #tpu.memory_space<hbm>>
      tpu.enqueue_dma source(%dma_start3A_784 : memref<8x128xi32, #tpu.memory_space<hbm>>) target(%dma_start3A_780 : memref<8x128xi32, #tpu.memory_space<vmem>>) target_semaphore(%run_scoped3A_768 : memref<!tpu.dma_semaphore, #tpu.memory_space<semaphore_mem>>)
      %dma_wait3A_785 = arith.constant 0 : i32
      %dma_wait3A_786 = arith.constant 0 : i32
      %dma_wait3A_787 = tpu.memref_slice %arg5[%run_scoped3A_31, %dma_wait3A_785, %dma_wait3A_786] : memref<25x8x128xi32, #tpu.memory_space<vmem>> -> memref<1x8x128xi32, #tpu.memory_space<vmem>>
      %dma_wait3A_788 = tpu.memref_squeeze %dma_wait3A_787 : memref<1x8x128xi32, #tpu.memory_space<vmem>> -> memref<8x128xi32, #tpu.memory_space<vmem>>
      %dma_wait3A_789 = arith.constant 0 : i32
      %dma_wait3A_790 = arith.constant 0 : i32
      %dma_wait3A_791 = tpu.memref_slice %arg3[%run_scoped3A_30, %add3A, %dma_wait3A_789, %dma_wait3A_790] : memref<25x32x8x128xi32, #tpu.memory_space<hbm>> -> memref<1x1x8x128xi32, #tpu.memory_space<hbm>>
      %dma_wait3A_792 = tpu.memref_squeeze %dma_wait3A_791 : memref<1x1x8x128xi32, #tpu.memory_space<hbm>> -> memref<8x128xi32, #tpu.memory_space<hbm>>
      %dma_wait3A_793 = arith.constant 0 : i32
      %dma_wait3A_794 = arith.constant 0 : i32
      %dma_wait3A_795 = tpu.memref_slice %arg5[%run_scoped3A_31, %dma_wait3A_793, %dma_wait3A_794] : memref<25x8x128xi32, #tpu.memory_space<vmem>> -> memref<1x8x128xi32, #tpu.memory_space<vmem>>
      %dma_wait3A_796 = tpu.memref_squeeze %dma_wait3A_795 : memref<1x8x128xi32, #tpu.memory_space<vmem>> -> memref<8x128xi32, #tpu.memory_space<vmem>>
      %dma_wait3A_797 = arith.constant 0 : i32
      %dma_wait3A_798 = arith.constant 0 : i32
      %dma_wait3A_799 = tpu.memref_slice %arg3[%run_scoped3A_30, %add3A, %dma_wait3A_797, %dma_wait3A_798] : memref<25x32x8x128xi32, #tpu.memory_space<hbm>> -> memref<1x1x8x128xi32, #tpu.memory_space<hbm>>
      %dma_wait3A_800 = tpu.memref_squeeze %dma_wait3A_799 : memref<1x1x8x128xi32, #tpu.memory_space<hbm>> -> memref<8x128xi32, #tpu.memory_space<hbm>>
      tpu.wait_dma2 semaphore(%run_scoped3A_768 : memref<!tpu.dma_semaphore, #tpu.memory_space<semaphore_mem>>) src(%dma_wait3A_800 : memref<8x128xi32, #tpu.memory_space<hbm>>) dst(%dma_wait3A_796 : memref<8x128xi32, #tpu.memory_space<vmem>>)
      tpu.yield
    }) : () -> ()
    %run_scoped3A_32 = arith.constant 16 : i32
    %run_scoped3A_33 = arith.constant 16 : i32
    "tpu.region"() ({
      %run_scoped3A_768 = tpu.sem_alloc : memref<!tpu.dma_semaphore, #tpu.memory_space<semaphore_mem>>
      %dma_start3A_769 = arith.constant 0 : i32
      %dma_start3A_770 = arith.constant 0 : i32
      %dma_start3A_771 = tpu.memref_slice %arg5[%run_scoped3A_33, %dma_start3A_769, %dma_start3A_770] : memref<25x8x128xi32, #tpu.memory_space<vmem>> -> memref<1x8x128xi32, #tpu.memory_space<vmem>>
      %dma_start3A_772 = tpu.memref_squeeze %dma_start3A_771 : memref<1x8x128xi32, #tpu.memory_space<vmem>> -> memref<8x128xi32, #tpu.memory_space<vmem>>
      %dma_start3A_773 = arith.constant 0 : i32
      %dma_start3A_774 = arith.constant 0 : i32
      %dma_start3A_775 = tpu.memref_slice %arg3[%run_scoped3A_32, %add3A, %dma_start3A_773, %dma_start3A_774] : memref<25x32x8x128xi32, #tpu.memory_space<hbm>> -> memref<1x1x8x128xi32, #tpu.memory_space<hbm>>
      %dma_start3A_776 = tpu.memref_squeeze %dma_start3A_775 : memref<1x1x8x128xi32, #tpu.memory_space<hbm>> -> memref<8x128xi32, #tpu.memory_space<hbm>>
      %dma_start3A_777 = arith.constant 0 : i32
      %dma_start3A_778 = arith.constant 0 : i32
      %dma_start3A_779 = tpu.memref_slice %arg5[%run_scoped3A_33, %dma_start3A_777, %dma_start3A_778] : memref<25x8x128xi32, #tpu.memory_space<vmem>> -> memref<1x8x128xi32, #tpu.memory_space<vmem>>
      %dma_start3A_780 = tpu.memref_squeeze %dma_start3A_779 : memref<1x8x128xi32, #tpu.memory_space<vmem>> -> memref<8x128xi32, #tpu.memory_space<vmem>>
      %dma_start3A_781 = arith.constant 0 : i32
      %dma_start3A_782 = arith.constant 0 : i32
      %dma_start3A_783 = tpu.memref_slice %arg3[%run_scoped3A_32, %add3A, %dma_start3A_781, %dma_start3A_782] : memref<25x32x8x128xi32, #tpu.memory_space<hbm>> -> memref<1x1x8x128xi32, #tpu.memory_space<hbm>>
      %dma_start3A_784 = tpu.memref_squeeze %dma_start3A_783 : memref<1x1x8x128xi32, #tpu.memory_space<hbm>> -> memref<8x128xi32, #tpu.memory_space<hbm>>
      tpu.enqueue_dma source(%dma_start3A_784 : memref<8x128xi32, #tpu.memory_space<hbm>>) target(%dma_start3A_780 : memref<8x128xi32, #tpu.memory_space<vmem>>) target_semaphore(%run_scoped3A_768 : memref<!tpu.dma_semaphore, #tpu.memory_space<semaphore_mem>>)
      %dma_wait3A_785 = arith.constant 0 : i32
      %dma_wait3A_786 = arith.constant 0 : i32
      %dma_wait3A_787 = tpu.memref_slice %arg5[%run_scoped3A_33, %dma_wait3A_785, %dma_wait3A_786] : memref<25x8x128xi32, #tpu.memory_space<vmem>> -> memref<1x8x128xi32, #tpu.memory_space<vmem>>
      %dma_wait3A_788 = tpu.memref_squeeze %dma_wait3A_787 : memref<1x8x128xi32, #tpu.memory_space<vmem>> -> memref<8x128xi32, #tpu.memory_space<vmem>>
      %dma_wait3A_789 = arith.constant 0 : i32
      %dma_wait3A_790 = arith.constant 0 : i32
      %dma_wait3A_791 = tpu.memref_slice %arg3[%run_scoped3A_32, %add3A, %dma_wait3A_789, %dma_wait3A_790] : memref<25x32x8x128xi32, #tpu.memory_space<hbm>> -> memref<1x1x8x128xi32, #tpu.memory_space<hbm>>
      %dma_wait3A_792 = tpu.memref_squeeze %dma_wait3A_791 : memref<1x1x8x128xi32, #tpu.memory_space<hbm>> -> memref<8x128xi32, #tpu.memory_space<hbm>>
      %dma_wait3A_793 = arith.constant 0 : i32
      %dma_wait3A_794 = arith.constant 0 : i32
      %dma_wait3A_795 = tpu.memref_slice %arg5[%run_scoped3A_33, %dma_wait3A_793, %dma_wait3A_794] : memref<25x8x128xi32, #tpu.memory_space<vmem>> -> memref<1x8x128xi32, #tpu.memory_space<vmem>>
      %dma_wait3A_796 = tpu.memref_squeeze %dma_wait3A_795 : memref<1x8x128xi32, #tpu.memory_space<vmem>> -> memref<8x128xi32, #tpu.memory_space<vmem>>
      %dma_wait3A_797 = arith.constant 0 : i32
      %dma_wait3A_798 = arith.constant 0 : i32
      %dma_wait3A_799 = tpu.memref_slice %arg3[%run_scoped3A_32, %add3A, %dma_wait3A_797, %dma_wait3A_798] : memref<25x32x8x128xi32, #tpu.memory_space<hbm>> -> memref<1x1x8x128xi32, #tpu.memory_space<hbm>>
      %dma_wait3A_800 = tpu.memref_squeeze %dma_wait3A_799 : memref<1x1x8x128xi32, #tpu.memory_space<hbm>> -> memref<8x128xi32, #tpu.memory_space<hbm>>
      tpu.wait_dma2 semaphore(%run_scoped3A_768 : memref<!tpu.dma_semaphore, #tpu.memory_space<semaphore_mem>>) src(%dma_wait3A_800 : memref<8x128xi32, #tpu.memory_space<hbm>>) dst(%dma_wait3A_796 : memref<8x128xi32, #tpu.memory_space<vmem>>)
      tpu.yield
    }) : () -> ()
    %run_scoped3A_34 = arith.constant 17 : i32
    %run_scoped3A_35 = arith.constant 17 : i32
    "tpu.region"() ({
      %run_scoped3A_768 = tpu.sem_alloc : memref<!tpu.dma_semaphore, #tpu.memory_space<semaphore_mem>>
      %dma_start3A_769 = arith.constant 0 : i32
      %dma_start3A_770 = arith.constant 0 : i32
      %dma_start3A_771 = tpu.memref_slice %arg5[%run_scoped3A_35, %dma_start3A_769, %dma_start3A_770] : memref<25x8x128xi32, #tpu.memory_space<vmem>> -> memref<1x8x128xi32, #tpu.memory_space<vmem>>
      %dma_start3A_772 = tpu.memref_squeeze %dma_start3A_771 : memref<1x8x128xi32, #tpu.memory_space<vmem>> -> memref<8x128xi32, #tpu.memory_space<vmem>>
      %dma_start3A_773 = arith.constant 0 : i32
      %dma_start3A_774 = arith.constant 0 : i32
      %dma_start3A_775 = tpu.memref_slice %arg3[%run_scoped3A_34, %add3A, %dma_start3A_773, %dma_start3A_774] : memref<25x32x8x128xi32, #tpu.memory_space<hbm>> -> memref<1x1x8x128xi32, #tpu.memory_space<hbm>>
      %dma_start3A_776 = tpu.memref_squeeze %dma_start3A_775 : memref<1x1x8x128xi32, #tpu.memory_space<hbm>> -> memref<8x128xi32, #tpu.memory_space<hbm>>
      %dma_start3A_777 = arith.constant 0 : i32
      %dma_start3A_778 = arith.constant 0 : i32
      %dma_start3A_779 = tpu.memref_slice %arg5[%run_scoped3A_35, %dma_start3A_777, %dma_start3A_778] : memref<25x8x128xi32, #tpu.memory_space<vmem>> -> memref<1x8x128xi32, #tpu.memory_space<vmem>>
      %dma_start3A_780 = tpu.memref_squeeze %dma_start3A_779 : memref<1x8x128xi32, #tpu.memory_space<vmem>> -> memref<8x128xi32, #tpu.memory_space<vmem>>
      %dma_start3A_781 = arith.constant 0 : i32
      %dma_start3A_782 = arith.constant 0 : i32
      %dma_start3A_783 = tpu.memref_slice %arg3[%run_scoped3A_34, %add3A, %dma_start3A_781, %dma_start3A_782] : memref<25x32x8x128xi32, #tpu.memory_space<hbm>> -> memref<1x1x8x128xi32, #tpu.memory_space<hbm>>
      %dma_start3A_784 = tpu.memref_squeeze %dma_start3A_783 : memref<1x1x8x128xi32, #tpu.memory_space<hbm>> -> memref<8x128xi32, #tpu.memory_space<hbm>>
      tpu.enqueue_dma source(%dma_start3A_784 : memref<8x128xi32, #tpu.memory_space<hbm>>) target(%dma_start3A_780 : memref<8x128xi32, #tpu.memory_space<vmem>>) target_semaphore(%run_scoped3A_768 : memref<!tpu.dma_semaphore, #tpu.memory_space<semaphore_mem>>)
      %dma_wait3A_785 = arith.constant 0 : i32
      %dma_wait3A_786 = arith.constant 0 : i32
      %dma_wait3A_787 = tpu.memref_slice %arg5[%run_scoped3A_35, %dma_wait3A_785, %dma_wait3A_786] : memref<25x8x128xi32, #tpu.memory_space<vmem>> -> memref<1x8x128xi32, #tpu.memory_space<vmem>>
      %dma_wait3A_788 = tpu.memref_squeeze %dma_wait3A_787 : memref<1x8x128xi32, #tpu.memory_space<vmem>> -> memref<8x128xi32, #tpu.memory_space<vmem>>
      %dma_wait3A_789 = arith.constant 0 : i32
      %dma_wait3A_790 = arith.constant 0 : i32
      %dma_wait3A_791 = tpu.memref_slice %arg3[%run_scoped3A_34, %add3A, %dma_wait3A_789, %dma_wait3A_790] : memref<25x32x8x128xi32, #tpu.memory_space<hbm>> -> memref<1x1x8x128xi32, #tpu.memory_space<hbm>>
      %dma_wait3A_792 = tpu.memref_squeeze %dma_wait3A_791 : memref<1x1x8x128xi32, #tpu.memory_space<hbm>> -> memref<8x128xi32, #tpu.memory_space<hbm>>
      %dma_wait3A_793 = arith.constant 0 : i32
      %dma_wait3A_794 = arith.constant 0 : i32
      %dma_wait3A_795 = tpu.memref_slice %arg5[%run_scoped3A_35, %dma_wait3A_793, %dma_wait3A_794] : memref<25x8x128xi32, #tpu.memory_space<vmem>> -> memref<1x8x128xi32, #tpu.memory_space<vmem>>
      %dma_wait3A_796 = tpu.memref_squeeze %dma_wait3A_795 : memref<1x8x128xi32, #tpu.memory_space<vmem>> -> memref<8x128xi32, #tpu.memory_space<vmem>>
      %dma_wait3A_797 = arith.constant 0 : i32
      %dma_wait3A_798 = arith.constant 0 : i32
      %dma_wait3A_799 = tpu.memref_slice %arg3[%run_scoped3A_34, %add3A, %dma_wait3A_797, %dma_wait3A_798] : memref<25x32x8x128xi32, #tpu.memory_space<hbm>> -> memref<1x1x8x128xi32, #tpu.memory_space<hbm>>
      %dma_wait3A_800 = tpu.memref_squeeze %dma_wait3A_799 : memref<1x1x8x128xi32, #tpu.memory_space<hbm>> -> memref<8x128xi32, #tpu.memory_space<hbm>>
      tpu.wait_dma2 semaphore(%run_scoped3A_768 : memref<!tpu.dma_semaphore, #tpu.memory_space<semaphore_mem>>) src(%dma_wait3A_800 : memref<8x128xi32, #tpu.memory_space<hbm>>) dst(%dma_wait3A_796 : memref<8x128xi32, #tpu.memory_space<vmem>>)
      tpu.yield
    }) : () -> ()
    %run_scoped3A_36 = arith.constant 18 : i32
    %run_scoped3A_37 = arith.constant 18 : i32
    "tpu.region"() ({
      %run_scoped3A_768 = tpu.sem_alloc : memref<!tpu.dma_semaphore, #tpu.memory_space<semaphore_mem>>
      %dma_start3A_769 = arith.constant 0 : i32
      %dma_start3A_770 = arith.constant 0 : i32
      %dma_start3A_771 = tpu.memref_slice %arg5[%run_scoped3A_37, %dma_start3A_769, %dma_start3A_770] : memref<25x8x128xi32, #tpu.memory_space<vmem>> -> memref<1x8x128xi32, #tpu.memory_space<vmem>>
      %dma_start3A_772 = tpu.memref_squeeze %dma_start3A_771 : memref<1x8x128xi32, #tpu.memory_space<vmem>> -> memref<8x128xi32, #tpu.memory_space<vmem>>
      %dma_start3A_773 = arith.constant 0 : i32
      %dma_start3A_774 = arith.constant 0 : i32
      %dma_start3A_775 = tpu.memref_slice %arg3[%run_scoped3A_36, %add3A, %dma_start3A_773, %dma_start3A_774] : memref<25x32x8x128xi32, #tpu.memory_space<hbm>> -> memref<1x1x8x128xi32, #tpu.memory_space<hbm>>
      %dma_start3A_776 = tpu.memref_squeeze %dma_start3A_775 : memref<1x1x8x128xi32, #tpu.memory_space<hbm>> -> memref<8x128xi32, #tpu.memory_space<hbm>>
      %dma_start3A_777 = arith.constant 0 : i32
      %dma_start3A_778 = arith.constant 0 : i32
      %dma_start3A_779 = tpu.memref_slice %arg5[%run_scoped3A_37, %dma_start3A_777, %dma_start3A_778] : memref<25x8x128xi32, #tpu.memory_space<vmem>> -> memref<1x8x128xi32, #tpu.memory_space<vmem>>
      %dma_start3A_780 = tpu.memref_squeeze %dma_start3A_779 : memref<1x8x128xi32, #tpu.memory_space<vmem>> -> memref<8x128xi32, #tpu.memory_space<vmem>>
      %dma_start3A_781 = arith.constant 0 : i32
      %dma_start3A_782 = arith.constant 0 : i32
      %dma_start3A_783 = tpu.memref_slice %arg3[%run_scoped3A_36, %add3A, %dma_start3A_781, %dma_start3A_782] : memref<25x32x8x128xi32, #tpu.memory_space<hbm>> -> memref<1x1x8x128xi32, #tpu.memory_space<hbm>>
      %dma_start3A_784 = tpu.memref_squeeze %dma_start3A_783 : memref<1x1x8x128xi32, #tpu.memory_space<hbm>> -> memref<8x128xi32, #tpu.memory_space<hbm>>
      tpu.enqueue_dma source(%dma_start3A_784 : memref<8x128xi32, #tpu.memory_space<hbm>>) target(%dma_start3A_780 : memref<8x128xi32, #tpu.memory_space<vmem>>) target_semaphore(%run_scoped3A_768 : memref<!tpu.dma_semaphore, #tpu.memory_space<semaphore_mem>>)
      %dma_wait3A_785 = arith.constant 0 : i32
      %dma_wait3A_786 = arith.constant 0 : i32
      %dma_wait3A_787 = tpu.memref_slice %arg5[%run_scoped3A_37, %dma_wait3A_785, %dma_wait3A_786] : memref<25x8x128xi32, #tpu.memory_space<vmem>> -> memref<1x8x128xi32, #tpu.memory_space<vmem>>
      %dma_wait3A_788 = tpu.memref_squeeze %dma_wait3A_787 : memref<1x8x128xi32, #tpu.memory_space<vmem>> -> memref<8x128xi32, #tpu.memory_space<vmem>>
      %dma_wait3A_789 = arith.constant 0 : i32
      %dma_wait3A_790 = arith.constant 0 : i32
      %dma_wait3A_791 = tpu.memref_slice %arg3[%run_scoped3A_36, %add3A, %dma_wait3A_789, %dma_wait3A_790] : memref<25x32x8x128xi32, #tpu.memory_space<hbm>> -> memref<1x1x8x128xi32, #tpu.memory_space<hbm>>
      %dma_wait3A_792 = tpu.memref_squeeze %dma_wait3A_791 : memref<1x1x8x128xi32, #tpu.memory_space<hbm>> -> memref<8x128xi32, #tpu.memory_space<hbm>>
      %dma_wait3A_793 = arith.constant 0 : i32
      %dma_wait3A_794 = arith.constant 0 : i32
      %dma_wait3A_795 = tpu.memref_slice %arg5[%run_scoped3A_37, %dma_wait3A_793, %dma_wait3A_794] : memref<25x8x128xi32, #tpu.memory_space<vmem>> -> memref<1x8x128xi32, #tpu.memory_space<vmem>>
      %dma_wait3A_796 = tpu.memref_squeeze %dma_wait3A_795 : memref<1x8x128xi32, #tpu.memory_space<vmem>> -> memref<8x128xi32, #tpu.memory_space<vmem>>
      %dma_wait3A_797 = arith.constant 0 : i32
      %dma_wait3A_798 = arith.constant 0 : i32
      %dma_wait3A_799 = tpu.memref_slice %arg3[%run_scoped3A_36, %add3A, %dma_wait3A_797, %dma_wait3A_798] : memref<25x32x8x128xi32, #tpu.memory_space<hbm>> -> memref<1x1x8x128xi32, #tpu.memory_space<hbm>>
      %dma_wait3A_800 = tpu.memref_squeeze %dma_wait3A_799 : memref<1x1x8x128xi32, #tpu.memory_space<hbm>> -> memref<8x128xi32, #tpu.memory_space<hbm>>
      tpu.wait_dma2 semaphore(%run_scoped3A_768 : memref<!tpu.dma_semaphore, #tpu.memory_space<semaphore_mem>>) src(%dma_wait3A_800 : memref<8x128xi32, #tpu.memory_space<hbm>>) dst(%dma_wait3A_796 : memref<8x128xi32, #tpu.memory_space<vmem>>)
      tpu.yield
    }) : () -> ()
    %run_scoped3A_38 = arith.constant 19 : i32
    %run_scoped3A_39 = arith.constant 19 : i32
    "tpu.region"() ({
      %run_scoped3A_768 = tpu.sem_alloc : memref<!tpu.dma_semaphore, #tpu.memory_space<semaphore_mem>>
      %dma_start3A_769 = arith.constant 0 : i32
      %dma_start3A_770 = arith.constant 0 : i32
      %dma_start3A_771 = tpu.memref_slice %arg5[%run_scoped3A_39, %dma_start3A_769, %dma_start3A_770] : memref<25x8x128xi32, #tpu.memory_space<vmem>> -> memref<1x8x128xi32, #tpu.memory_space<vmem>>
      %dma_start3A_772 = tpu.memref_squeeze %dma_start3A_771 : memref<1x8x128xi32, #tpu.memory_space<vmem>> -> memref<8x128xi32, #tpu.memory_space<vmem>>
      %dma_start3A_773 = arith.constant 0 : i32
      %dma_start3A_774 = arith.constant 0 : i32
      %dma_start3A_775 = tpu.memref_slice %arg3[%run_scoped3A_38, %add3A, %dma_start3A_773, %dma_start3A_774] : memref<25x32x8x128xi32, #tpu.memory_space<hbm>> -> memref<1x1x8x128xi32, #tpu.memory_space<hbm>>
      %dma_start3A_776 = tpu.memref_squeeze %dma_start3A_775 : memref<1x1x8x128xi32, #tpu.memory_space<hbm>> -> memref<8x128xi32, #tpu.memory_space<hbm>>
      %dma_start3A_777 = arith.constant 0 : i32
      %dma_start3A_778 = arith.constant 0 : i32
      %dma_start3A_779 = tpu.memref_slice %arg5[%run_scoped3A_39, %dma_start3A_777, %dma_start3A_778] : memref<25x8x128xi32, #tpu.memory_space<vmem>> -> memref<1x8x128xi32, #tpu.memory_space<vmem>>
      %dma_start3A_780 = tpu.memref_squeeze %dma_start3A_779 : memref<1x8x128xi32, #tpu.memory_space<vmem>> -> memref<8x128xi32, #tpu.memory_space<vmem>>
      %dma_start3A_781 = arith.constant 0 : i32
      %dma_start3A_782 = arith.constant 0 : i32
      %dma_start3A_783 = tpu.memref_slice %arg3[%run_scoped3A_38, %add3A, %dma_start3A_781, %dma_start3A_782] : memref<25x32x8x128xi32, #tpu.memory_space<hbm>> -> memref<1x1x8x128xi32, #tpu.memory_space<hbm>>
      %dma_start3A_784 = tpu.memref_squeeze %dma_start3A_783 : memref<1x1x8x128xi32, #tpu.memory_space<hbm>> -> memref<8x128xi32, #tpu.memory_space<hbm>>
      tpu.enqueue_dma source(%dma_start3A_784 : memref<8x128xi32, #tpu.memory_space<hbm>>) target(%dma_start3A_780 : memref<8x128xi32, #tpu.memory_space<vmem>>) target_semaphore(%run_scoped3A_768 : memref<!tpu.dma_semaphore, #tpu.memory_space<semaphore_mem>>)
      %dma_wait3A_785 = arith.constant 0 : i32
      %dma_wait3A_786 = arith.constant 0 : i32
      %dma_wait3A_787 = tpu.memref_slice %arg5[%run_scoped3A_39, %dma_wait3A_785, %dma_wait3A_786] : memref<25x8x128xi32, #tpu.memory_space<vmem>> -> memref<1x8x128xi32, #tpu.memory_space<vmem>>
      %dma_wait3A_788 = tpu.memref_squeeze %dma_wait3A_787 : memref<1x8x128xi32, #tpu.memory_space<vmem>> -> memref<8x128xi32, #tpu.memory_space<vmem>>
      %dma_wait3A_789 = arith.constant 0 : i32
      %dma_wait3A_790 = arith.constant 0 : i32
      %dma_wait3A_791 = tpu.memref_slice %arg3[%run_scoped3A_38, %add3A, %dma_wait3A_789, %dma_wait3A_790] : memref<25x32x8x128xi32, #tpu.memory_space<hbm>> -> memref<1x1x8x128xi32, #tpu.memory_space<hbm>>
      %dma_wait3A_792 = tpu.memref_squeeze %dma_wait3A_791 : memref<1x1x8x128xi32, #tpu.memory_space<hbm>> -> memref<8x128xi32, #tpu.memory_space<hbm>>
      %dma_wait3A_793 = arith.constant 0 : i32
      %dma_wait3A_794 = arith.constant 0 : i32
      %dma_wait3A_795 = tpu.memref_slice %arg5[%run_scoped3A_39, %dma_wait3A_793, %dma_wait3A_794] : memref<25x8x128xi32, #tpu.memory_space<vmem>> -> memref<1x8x128xi32, #tpu.memory_space<vmem>>
      %dma_wait3A_796 = tpu.memref_squeeze %dma_wait3A_795 : memref<1x8x128xi32, #tpu.memory_space<vmem>> -> memref<8x128xi32, #tpu.memory_space<vmem>>
      %dma_wait3A_797 = arith.constant 0 : i32
      %dma_wait3A_798 = arith.constant 0 : i32
      %dma_wait3A_799 = tpu.memref_slice %arg3[%run_scoped3A_38, %add3A, %dma_wait3A_797, %dma_wait3A_798] : memref<25x32x8x128xi32, #tpu.memory_space<hbm>> -> memref<1x1x8x128xi32, #tpu.memory_space<hbm>>
      %dma_wait3A_800 = tpu.memref_squeeze %dma_wait3A_799 : memref<1x1x8x128xi32, #tpu.memory_space<hbm>> -> memref<8x128xi32, #tpu.memory_space<hbm>>
      tpu.wait_dma2 semaphore(%run_scoped3A_768 : memref<!tpu.dma_semaphore, #tpu.memory_space<semaphore_mem>>) src(%dma_wait3A_800 : memref<8x128xi32, #tpu.memory_space<hbm>>) dst(%dma_wait3A_796 : memref<8x128xi32, #tpu.memory_space<vmem>>)
      tpu.yield
    }) : () -> ()
    %run_scoped3A_40 = arith.constant 20 : i32
    %run_scoped3A_41 = arith.constant 20 : i32
    "tpu.region"() ({
      %run_scoped3A_768 = tpu.sem_alloc : memref<!tpu.dma_semaphore, #tpu.memory_space<semaphore_mem>>
      %dma_start3A_769 = arith.constant 0 : i32
      %dma_start3A_770 = arith.constant 0 : i32
      %dma_start3A_771 = tpu.memref_slice %arg5[%run_scoped3A_41, %dma_start3A_769, %dma_start3A_770] : memref<25x8x128xi32, #tpu.memory_space<vmem>> -> memref<1x8x128xi32, #tpu.memory_space<vmem>>
      %dma_start3A_772 = tpu.memref_squeeze %dma_start3A_771 : memref<1x8x128xi32, #tpu.memory_space<vmem>> -> memref<8x128xi32, #tpu.memory_space<vmem>>
      %dma_start3A_773 = arith.constant 0 : i32
      %dma_start3A_774 = arith.constant 0 : i32
      %dma_start3A_775 = tpu.memref_slice %arg3[%run_scoped3A_40, %add3A, %dma_start3A_773, %dma_start3A_774] : memref<25x32x8x128xi32, #tpu.memory_space<hbm>> -> memref<1x1x8x128xi32, #tpu.memory_space<hbm>>
      %dma_start3A_776 = tpu.memref_squeeze %dma_start3A_775 : memref<1x1x8x128xi32, #tpu.memory_space<hbm>> -> memref<8x128xi32, #tpu.memory_space<hbm>>
      %dma_start3A_777 = arith.constant 0 : i32
      %dma_start3A_778 = arith.constant 0 : i32
      %dma_start3A_779 = tpu.memref_slice %arg5[%run_scoped3A_41, %dma_start3A_777, %dma_start3A_778] : memref<25x8x128xi32, #tpu.memory_space<vmem>> -> memref<1x8x128xi32, #tpu.memory_space<vmem>>
      %dma_start3A_780 = tpu.memref_squeeze %dma_start3A_779 : memref<1x8x128xi32, #tpu.memory_space<vmem>> -> memref<8x128xi32, #tpu.memory_space<vmem>>
      %dma_start3A_781 = arith.constant 0 : i32
      %dma_start3A_782 = arith.constant 0 : i32
      %dma_start3A_783 = tpu.memref_slice %arg3[%run_scoped3A_40, %add3A, %dma_start3A_781, %dma_start3A_782] : memref<25x32x8x128xi32, #tpu.memory_space<hbm>> -> memref<1x1x8x128xi32, #tpu.memory_space<hbm>>
      %dma_start3A_784 = tpu.memref_squeeze %dma_start3A_783 : memref<1x1x8x128xi32, #tpu.memory_space<hbm>> -> memref<8x128xi32, #tpu.memory_space<hbm>>
      tpu.enqueue_dma source(%dma_start3A_784 : memref<8x128xi32, #tpu.memory_space<hbm>>) target(%dma_start3A_780 : memref<8x128xi32, #tpu.memory_space<vmem>>) target_semaphore(%run_scoped3A_768 : memref<!tpu.dma_semaphore, #tpu.memory_space<semaphore_mem>>)
      %dma_wait3A_785 = arith.constant 0 : i32
      %dma_wait3A_786 = arith.constant 0 : i32
      %dma_wait3A_787 = tpu.memref_slice %arg5[%run_scoped3A_41, %dma_wait3A_785, %dma_wait3A_786] : memref<25x8x128xi32, #tpu.memory_space<vmem>> -> memref<1x8x128xi32, #tpu.memory_space<vmem>>
      %dma_wait3A_788 = tpu.memref_squeeze %dma_wait3A_787 : memref<1x8x128xi32, #tpu.memory_space<vmem>> -> memref<8x128xi32, #tpu.memory_space<vmem>>
      %dma_wait3A_789 = arith.constant 0 : i32
      %dma_wait3A_790 = arith.constant 0 : i32
      %dma_wait3A_791 = tpu.memref_slice %arg3[%run_scoped3A_40, %add3A, %dma_wait3A_789, %dma_wait3A_790] : memref<25x32x8x128xi32, #tpu.memory_space<hbm>> -> memref<1x1x8x128xi32, #tpu.memory_space<hbm>>
      %dma_wait3A_792 = tpu.memref_squeeze %dma_wait3A_791 : memref<1x1x8x128xi32, #tpu.memory_space<hbm>> -> memref<8x128xi32, #tpu.memory_space<hbm>>
      %dma_wait3A_793 = arith.constant 0 : i32
      %dma_wait3A_794 = arith.constant 0 : i32
      %dma_wait3A_795 = tpu.memref_slice %arg5[%run_scoped3A_41, %dma_wait3A_793, %dma_wait3A_794] : memref<25x8x128xi32, #tpu.memory_space<vmem>> -> memref<1x8x128xi32, #tpu.memory_space<vmem>>
      %dma_wait3A_796 = tpu.memref_squeeze %dma_wait3A_795 : memref<1x8x128xi32, #tpu.memory_space<vmem>> -> memref<8x128xi32, #tpu.memory_space<vmem>>
      %dma_wait3A_797 = arith.constant 0 : i32
      %dma_wait3A_798 = arith.constant 0 : i32
      %dma_wait3A_799 = tpu.memref_slice %arg3[%run_scoped3A_40, %add3A, %dma_wait3A_797, %dma_wait3A_798] : memref<25x32x8x128xi32, #tpu.memory_space<hbm>> -> memref<1x1x8x128xi32, #tpu.memory_space<hbm>>
      %dma_wait3A_800 = tpu.memref_squeeze %dma_wait3A_799 : memref<1x1x8x128xi32, #tpu.memory_space<hbm>> -> memref<8x128xi32, #tpu.memory_space<hbm>>
      tpu.wait_dma2 semaphore(%run_scoped3A_768 : memref<!tpu.dma_semaphore, #tpu.memory_space<semaphore_mem>>) src(%dma_wait3A_800 : memref<8x128xi32, #tpu.memory_space<hbm>>) dst(%dma_wait3A_796 : memref<8x128xi32, #tpu.memory_space<vmem>>)
      tpu.yield
    }) : () -> ()
    %run_scoped3A_42 = arith.constant 21 : i32
    %run_scoped3A_43 = arith.constant 21 : i32
    "tpu.region"() ({
      %run_scoped3A_768 = tpu.sem_alloc : memref<!tpu.dma_semaphore, #tpu.memory_space<semaphore_mem>>
      %dma_start3A_769 = arith.constant 0 : i32
      %dma_start3A_770 = arith.constant 0 : i32
      %dma_start3A_771 = tpu.memref_slice %arg5[%run_scoped3A_43, %dma_start3A_769, %dma_start3A_770] : memref<25x8x128xi32, #tpu.memory_space<vmem>> -> memref<1x8x128xi32, #tpu.memory_space<vmem>>
      %dma_start3A_772 = tpu.memref_squeeze %dma_start3A_771 : memref<1x8x128xi32, #tpu.memory_space<vmem>> -> memref<8x128xi32, #tpu.memory_space<vmem>>
      %dma_start3A_773 = arith.constant 0 : i32
      %dma_start3A_774 = arith.constant 0 : i32
      %dma_start3A_775 = tpu.memref_slice %arg3[%run_scoped3A_42, %add3A, %dma_start3A_773, %dma_start3A_774] : memref<25x32x8x128xi32, #tpu.memory_space<hbm>> -> memref<1x1x8x128xi32, #tpu.memory_space<hbm>>
      %dma_start3A_776 = tpu.memref_squeeze %dma_start3A_775 : memref<1x1x8x128xi32, #tpu.memory_space<hbm>> -> memref<8x128xi32, #tpu.memory_space<hbm>>
      %dma_start3A_777 = arith.constant 0 : i32
      %dma_start3A_778 = arith.constant 0 : i32
      %dma_start3A_779 = tpu.memref_slice %arg5[%run_scoped3A_43, %dma_start3A_777, %dma_start3A_778] : memref<25x8x128xi32, #tpu.memory_space<vmem>> -> memref<1x8x128xi32, #tpu.memory_space<vmem>>
      %dma_start3A_780 = tpu.memref_squeeze %dma_start3A_779 : memref<1x8x128xi32, #tpu.memory_space<vmem>> -> memref<8x128xi32, #tpu.memory_space<vmem>>
      %dma_start3A_781 = arith.constant 0 : i32
      %dma_start3A_782 = arith.constant 0 : i32
      %dma_start3A_783 = tpu.memref_slice %arg3[%run_scoped3A_42, %add3A, %dma_start3A_781, %dma_start3A_782] : memref<25x32x8x128xi32, #tpu.memory_space<hbm>> -> memref<1x1x8x128xi32, #tpu.memory_space<hbm>>
      %dma_start3A_784 = tpu.memref_squeeze %dma_start3A_783 : memref<1x1x8x128xi32, #tpu.memory_space<hbm>> -> memref<8x128xi32, #tpu.memory_space<hbm>>
      tpu.enqueue_dma source(%dma_start3A_784 : memref<8x128xi32, #tpu.memory_space<hbm>>) target(%dma_start3A_780 : memref<8x128xi32, #tpu.memory_space<vmem>>) target_semaphore(%run_scoped3A_768 : memref<!tpu.dma_semaphore, #tpu.memory_space<semaphore_mem>>)
      %dma_wait3A_785 = arith.constant 0 : i32
      %dma_wait3A_786 = arith.constant 0 : i32
      %dma_wait3A_787 = tpu.memref_slice %arg5[%run_scoped3A_43, %dma_wait3A_785, %dma_wait3A_786] : memref<25x8x128xi32, #tpu.memory_space<vmem>> -> memref<1x8x128xi32, #tpu.memory_space<vmem>>
      %dma_wait3A_788 = tpu.memref_squeeze %dma_wait3A_787 : memref<1x8x128xi32, #tpu.memory_space<vmem>> -> memref<8x128xi32, #tpu.memory_space<vmem>>
      %dma_wait3A_789 = arith.constant 0 : i32
      %dma_wait3A_790 = arith.constant 0 : i32
      %dma_wait3A_791 = tpu.memref_slice %arg3[%run_scoped3A_42, %add3A, %dma_wait3A_789, %dma_wait3A_790] : memref<25x32x8x128xi32, #tpu.memory_space<hbm>> -> memref<1x1x8x128xi32, #tpu.memory_space<hbm>>
      %dma_wait3A_792 = tpu.memref_squeeze %dma_wait3A_791 : memref<1x1x8x128xi32, #tpu.memory_space<hbm>> -> memref<8x128xi32, #tpu.memory_space<hbm>>
      %dma_wait3A_793 = arith.constant 0 : i32
      %dma_wait3A_794 = arith.constant 0 : i32
      %dma_wait3A_795 = tpu.memref_slice %arg5[%run_scoped3A_43, %dma_wait3A_793, %dma_wait3A_794] : memref<25x8x128xi32, #tpu.memory_space<vmem>> -> memref<1x8x128xi32, #tpu.memory_space<vmem>>
      %dma_wait3A_796 = tpu.memref_squeeze %dma_wait3A_795 : memref<1x8x128xi32, #tpu.memory_space<vmem>> -> memref<8x128xi32, #tpu.memory_space<vmem>>
      %dma_wait3A_797 = arith.constant 0 : i32
      %dma_wait3A_798 = arith.constant 0 : i32
      %dma_wait3A_799 = tpu.memref_slice %arg3[%run_scoped3A_42, %add3A, %dma_wait3A_797, %dma_wait3A_798] : memref<25x32x8x128xi32, #tpu.memory_space<hbm>> -> memref<1x1x8x128xi32, #tpu.memory_space<hbm>>
      %dma_wait3A_800 = tpu.memref_squeeze %dma_wait3A_799 : memref<1x1x8x128xi32, #tpu.memory_space<hbm>> -> memref<8x128xi32, #tpu.memory_space<hbm>>
      tpu.wait_dma2 semaphore(%run_scoped3A_768 : memref<!tpu.dma_semaphore, #tpu.memory_space<semaphore_mem>>) src(%dma_wait3A_800 : memref<8x128xi32, #tpu.memory_space<hbm>>) dst(%dma_wait3A_796 : memref<8x128xi32, #tpu.memory_space<vmem>>)
      tpu.yield
    }) : () -> ()
    %run_scoped3A_44 = arith.constant 22 : i32
    %run_scoped3A_45 = arith.constant 22 : i32
    "tpu.region"() ({
      %run_scoped3A_768 = tpu.sem_alloc : memref<!tpu.dma_semaphore, #tpu.memory_space<semaphore_mem>>
      %dma_start3A_769 = arith.constant 0 : i32
      %dma_start3A_770 = arith.constant 0 : i32
      %dma_start3A_771 = tpu.memref_slice %arg5[%run_scoped3A_45, %dma_start3A_769, %dma_start3A_770] : memref<25x8x128xi32, #tpu.memory_space<vmem>> -> memref<1x8x128xi32, #tpu.memory_space<vmem>>
      %dma_start3A_772 = tpu.memref_squeeze %dma_start3A_771 : memref<1x8x128xi32, #tpu.memory_space<vmem>> -> memref<8x128xi32, #tpu.memory_space<vmem>>
      %dma_start3A_773 = arith.constant 0 : i32
      %dma_start3A_774 = arith.constant 0 : i32
      %dma_start3A_775 = tpu.memref_slice %arg3[%run_scoped3A_44, %add3A, %dma_start3A_773, %dma_start3A_774] : memref<25x32x8x128xi32, #tpu.memory_space<hbm>> -> memref<1x1x8x128xi32, #tpu.memory_space<hbm>>
      %dma_start3A_776 = tpu.memref_squeeze %dma_start3A_775 : memref<1x1x8x128xi32, #tpu.memory_space<hbm>> -> memref<8x128xi32, #tpu.memory_space<hbm>>
      %dma_start3A_777 = arith.constant 0 : i32
      %dma_start3A_778 = arith.constant 0 : i32
      %dma_start3A_779 = tpu.memref_slice %arg5[%run_scoped3A_45, %dma_start3A_777, %dma_start3A_778] : memref<25x8x128xi32, #tpu.memory_space<vmem>> -> memref<1x8x128xi32, #tpu.memory_space<vmem>>
      %dma_start3A_780 = tpu.memref_squeeze %dma_start3A_779 : memref<1x8x128xi32, #tpu.memory_space<vmem>> -> memref<8x128xi32, #tpu.memory_space<vmem>>
      %dma_start3A_781 = arith.constant 0 : i32
      %dma_start3A_782 = arith.constant 0 : i32
      %dma_start3A_783 = tpu.memref_slice %arg3[%run_scoped3A_44, %add3A, %dma_start3A_781, %dma_start3A_782] : memref<25x32x8x128xi32, #tpu.memory_space<hbm>> -> memref<1x1x8x128xi32, #tpu.memory_space<hbm>>
      %dma_start3A_784 = tpu.memref_squeeze %dma_start3A_783 : memref<1x1x8x128xi32, #tpu.memory_space<hbm>> -> memref<8x128xi32, #tpu.memory_space<hbm>>
      tpu.enqueue_dma source(%dma_start3A_784 : memref<8x128xi32, #tpu.memory_space<hbm>>) target(%dma_start3A_780 : memref<8x128xi32, #tpu.memory_space<vmem>>) target_semaphore(%run_scoped3A_768 : memref<!tpu.dma_semaphore, #tpu.memory_space<semaphore_mem>>)
      %dma_wait3A_785 = arith.constant 0 : i32
      %dma_wait3A_786 = arith.constant 0 : i32
      %dma_wait3A_787 = tpu.memref_slice %arg5[%run_scoped3A_45, %dma_wait3A_785, %dma_wait3A_786] : memref<25x8x128xi32, #tpu.memory_space<vmem>> -> memref<1x8x128xi32, #tpu.memory_space<vmem>>
      %dma_wait3A_788 = tpu.memref_squeeze %dma_wait3A_787 : memref<1x8x128xi32, #tpu.memory_space<vmem>> -> memref<8x128xi32, #tpu.memory_space<vmem>>
      %dma_wait3A_789 = arith.constant 0 : i32
      %dma_wait3A_790 = arith.constant 0 : i32
      %dma_wait3A_791 = tpu.memref_slice %arg3[%run_scoped3A_44, %add3A, %dma_wait3A_789, %dma_wait3A_790] : memref<25x32x8x128xi32, #tpu.memory_space<hbm>> -> memref<1x1x8x128xi32, #tpu.memory_space<hbm>>
      %dma_wait3A_792 = tpu.memref_squeeze %dma_wait3A_791 : memref<1x1x8x128xi32, #tpu.memory_space<hbm>> -> memref<8x128xi32, #tpu.memory_space<hbm>>
      %dma_wait3A_793 = arith.constant 0 : i32
      %dma_wait3A_794 = arith.constant 0 : i32
      %dma_wait3A_795 = tpu.memref_slice %arg5[%run_scoped3A_45, %dma_wait3A_793, %dma_wait3A_794] : memref<25x8x128xi32, #tpu.memory_space<vmem>> -> memref<1x8x128xi32, #tpu.memory_space<vmem>>
      %dma_wait3A_796 = tpu.memref_squeeze %dma_wait3A_795 : memref<1x8x128xi32, #tpu.memory_space<vmem>> -> memref<8x128xi32, #tpu.memory_space<vmem>>
      %dma_wait3A_797 = arith.constant 0 : i32
      %dma_wait3A_798 = arith.constant 0 : i32
      %dma_wait3A_799 = tpu.memref_slice %arg3[%run_scoped3A_44, %add3A, %dma_wait3A_797, %dma_wait3A_798] : memref<25x32x8x128xi32, #tpu.memory_space<hbm>> -> memref<1x1x8x128xi32, #tpu.memory_space<hbm>>
      %dma_wait3A_800 = tpu.memref_squeeze %dma_wait3A_799 : memref<1x1x8x128xi32, #tpu.memory_space<hbm>> -> memref<8x128xi32, #tpu.memory_space<hbm>>
      tpu.wait_dma2 semaphore(%run_scoped3A_768 : memref<!tpu.dma_semaphore, #tpu.memory_space<semaphore_mem>>) src(%dma_wait3A_800 : memref<8x128xi32, #tpu.memory_space<hbm>>) dst(%dma_wait3A_796 : memref<8x128xi32, #tpu.memory_space<vmem>>)
      tpu.yield
    }) : () -> ()
    %run_scoped3A_46 = arith.constant 23 : i32
    %run_scoped3A_47 = arith.constant 23 : i32
    "tpu.region"() ({
      %run_scoped3A_768 = tpu.sem_alloc : memref<!tpu.dma_semaphore, #tpu.memory_space<semaphore_mem>>
      %dma_start3A_769 = arith.constant 0 : i32
      %dma_start3A_770 = arith.constant 0 : i32
      %dma_start3A_771 = tpu.memref_slice %arg5[%run_scoped3A_47, %dma_start3A_769, %dma_start3A_770] : memref<25x8x128xi32, #tpu.memory_space<vmem>> -> memref<1x8x128xi32, #tpu.memory_space<vmem>>
      %dma_start3A_772 = tpu.memref_squeeze %dma_start3A_771 : memref<1x8x128xi32, #tpu.memory_space<vmem>> -> memref<8x128xi32, #tpu.memory_space<vmem>>
      %dma_start3A_773 = arith.constant 0 : i32
      %dma_start3A_774 = arith.constant 0 : i32
      %dma_start3A_775 = tpu.memref_slice %arg3[%run_scoped3A_46, %add3A, %dma_start3A_773, %dma_start3A_774] : memref<25x32x8x128xi32, #tpu.memory_space<hbm>> -> memref<1x1x8x128xi32, #tpu.memory_space<hbm>>
      %dma_start3A_776 = tpu.memref_squeeze %dma_start3A_775 : memref<1x1x8x128xi32, #tpu.memory_space<hbm>> -> memref<8x128xi32, #tpu.memory_space<hbm>>
      %dma_start3A_777 = arith.constant 0 : i32
      %dma_start3A_778 = arith.constant 0 : i32
      %dma_start3A_779 = tpu.memref_slice %arg5[%run_scoped3A_47, %dma_start3A_777, %dma_start3A_778] : memref<25x8x128xi32, #tpu.memory_space<vmem>> -> memref<1x8x128xi32, #tpu.memory_space<vmem>>
      %dma_start3A_780 = tpu.memref_squeeze %dma_start3A_779 : memref<1x8x128xi32, #tpu.memory_space<vmem>> -> memref<8x128xi32, #tpu.memory_space<vmem>>
      %dma_start3A_781 = arith.constant 0 : i32
      %dma_start3A_782 = arith.constant 0 : i32
      %dma_start3A_783 = tpu.memref_slice %arg3[%run_scoped3A_46, %add3A, %dma_start3A_781, %dma_start3A_782] : memref<25x32x8x128xi32, #tpu.memory_space<hbm>> -> memref<1x1x8x128xi32, #tpu.memory_space<hbm>>
      %dma_start3A_784 = tpu.memref_squeeze %dma_start3A_783 : memref<1x1x8x128xi32, #tpu.memory_space<hbm>> -> memref<8x128xi32, #tpu.memory_space<hbm>>
      tpu.enqueue_dma source(%dma_start3A_784 : memref<8x128xi32, #tpu.memory_space<hbm>>) target(%dma_start3A_780 : memref<8x128xi32, #tpu.memory_space<vmem>>) target_semaphore(%run_scoped3A_768 : memref<!tpu.dma_semaphore, #tpu.memory_space<semaphore_mem>>)
      %dma_wait3A_785 = arith.constant 0 : i32
      %dma_wait3A_786 = arith.constant 0 : i32
      %dma_wait3A_787 = tpu.memref_slice %arg5[%run_scoped3A_47, %dma_wait3A_785, %dma_wait3A_786] : memref<25x8x128xi32, #tpu.memory_space<vmem>> -> memref<1x8x128xi32, #tpu.memory_space<vmem>>
      %dma_wait3A_788 = tpu.memref_squeeze %dma_wait3A_787 : memref<1x8x128xi32, #tpu.memory_space<vmem>> -> memref<8x128xi32, #tpu.memory_space<vmem>>
      %dma_wait3A_789 = arith.constant 0 : i32
      %dma_wait3A_790 = arith.constant 0 : i32
      %dma_wait3A_791 = tpu.memref_slice %arg3[%run_scoped3A_46, %add3A, %dma_wait3A_789, %dma_wait3A_790] : memref<25x32x8x128xi32, #tpu.memory_space<hbm>> -> memref<1x1x8x128xi32, #tpu.memory_space<hbm>>
      %dma_wait3A_792 = tpu.memref_squeeze %dma_wait3A_791 : memref<1x1x8x128xi32, #tpu.memory_space<hbm>> -> memref<8x128xi32, #tpu.memory_space<hbm>>
      %dma_wait3A_793 = arith.constant 0 : i32
      %dma_wait3A_794 = arith.constant 0 : i32
      %dma_wait3A_795 = tpu.memref_slice %arg5[%run_scoped3A_47, %dma_wait3A_793, %dma_wait3A_794] : memref<25x8x128xi32, #tpu.memory_space<vmem>> -> memref<1x8x128xi32, #tpu.memory_space<vmem>>
      %dma_wait3A_796 = tpu.memref_squeeze %dma_wait3A_795 : memref<1x8x128xi32, #tpu.memory_space<vmem>> -> memref<8x128xi32, #tpu.memory_space<vmem>>
      %dma_wait3A_797 = arith.constant 0 : i32
      %dma_wait3A_798 = arith.constant 0 : i32
      %dma_wait3A_799 = tpu.memref_slice %arg3[%run_scoped3A_46, %add3A, %dma_wait3A_797, %dma_wait3A_798] : memref<25x32x8x128xi32, #tpu.memory_space<hbm>> -> memref<1x1x8x128xi32, #tpu.memory_space<hbm>>
      %dma_wait3A_800 = tpu.memref_squeeze %dma_wait3A_799 : memref<1x1x8x128xi32, #tpu.memory_space<hbm>> -> memref<8x128xi32, #tpu.memory_space<hbm>>
      tpu.wait_dma2 semaphore(%run_scoped3A_768 : memref<!tpu.dma_semaphore, #tpu.memory_space<semaphore_mem>>) src(%dma_wait3A_800 : memref<8x128xi32, #tpu.memory_space<hbm>>) dst(%dma_wait3A_796 : memref<8x128xi32, #tpu.memory_space<vmem>>)
      tpu.yield
    }) : () -> ()
    %run_scoped3A_48 = arith.constant 24 : i32
    %run_scoped3A_49 = arith.constant 24 : i32
    "tpu.region"() ({
      %run_scoped3A_768 = tpu.sem_alloc : memref<!tpu.dma_semaphore, #tpu.memory_space<semaphore_mem>>
      %dma_start3A_769 = arith.constant 0 : i32
      %dma_start3A_770 = arith.constant 0 : i32
      %dma_start3A_771 = tpu.memref_slice %arg5[%run_scoped3A_49, %dma_start3A_769, %dma_start3A_770] : memref<25x8x128xi32, #tpu.memory_space<vmem>> -> memref<1x8x128xi32, #tpu.memory_space<vmem>>
      %dma_start3A_772 = tpu.memref_squeeze %dma_start3A_771 : memref<1x8x128xi32, #tpu.memory_space<vmem>> -> memref<8x128xi32, #tpu.memory_space<vmem>>
      %dma_start3A_773 = arith.constant 0 : i32
      %dma_start3A_774 = arith.constant 0 : i32
      %dma_start3A_775 = tpu.memref_slice %arg3[%run_scoped3A_48, %add3A, %dma_start3A_773, %dma_start3A_774] : memref<25x32x8x128xi32, #tpu.memory_space<hbm>> -> memref<1x1x8x128xi32, #tpu.memory_space<hbm>>
      %dma_start3A_776 = tpu.memref_squeeze %dma_start3A_775 : memref<1x1x8x128xi32, #tpu.memory_space<hbm>> -> memref<8x128xi32, #tpu.memory_space<hbm>>
      %dma_start3A_777 = arith.constant 0 : i32
      %dma_start3A_778 = arith.constant 0 : i32
      %dma_start3A_779 = tpu.memref_slice %arg5[%run_scoped3A_49, %dma_start3A_777, %dma_start3A_778] : memref<25x8x128xi32, #tpu.memory_space<vmem>> -> memref<1x8x128xi32, #tpu.memory_space<vmem>>
      %dma_start3A_780 = tpu.memref_squeeze %dma_start3A_779 : memref<1x8x128xi32, #tpu.memory_space<vmem>> -> memref<8x128xi32, #tpu.memory_space<vmem>>
      %dma_start3A_781 = arith.constant 0 : i32
      %dma_start3A_782 = arith.constant 0 : i32
      %dma_start3A_783 = tpu.memref_slice %arg3[%run_scoped3A_48, %add3A, %dma_start3A_781, %dma_start3A_782] : memref<25x32x8x128xi32, #tpu.memory_space<hbm>> -> memref<1x1x8x128xi32, #tpu.memory_space<hbm>>
      %dma_start3A_784 = tpu.memref_squeeze %dma_start3A_783 : memref<1x1x8x128xi32, #tpu.memory_space<hbm>> -> memref<8x128xi32, #tpu.memory_space<hbm>>
      tpu.enqueue_dma source(%dma_start3A_784 : memref<8x128xi32, #tpu.memory_space<hbm>>) target(%dma_start3A_780 : memref<8x128xi32, #tpu.memory_space<vmem>>) target_semaphore(%run_scoped3A_768 : memref<!tpu.dma_semaphore, #tpu.memory_space<semaphore_mem>>)
      %dma_wait3A_785 = arith.constant 0 : i32
      %dma_wait3A_786 = arith.constant 0 : i32
      %dma_wait3A_787 = tpu.memref_slice %arg5[%run_scoped3A_49, %dma_wait3A_785, %dma_wait3A_786] : memref<25x8x128xi32, #tpu.memory_space<vmem>> -> memref<1x8x128xi32, #tpu.memory_space<vmem>>
      %dma_wait3A_788 = tpu.memref_squeeze %dma_wait3A_787 : memref<1x8x128xi32, #tpu.memory_space<vmem>> -> memref<8x128xi32, #tpu.memory_space<vmem>>
      %dma_wait3A_789 = arith.constant 0 : i32
      %dma_wait3A_790 = arith.constant 0 : i32
      %dma_wait3A_791 = tpu.memref_slice %arg3[%run_scoped3A_48, %add3A, %dma_wait3A_789, %dma_wait3A_790] : memref<25x32x8x128xi32, #tpu.memory_space<hbm>> -> memref<1x1x8x128xi32, #tpu.memory_space<hbm>>
      %dma_wait3A_792 = tpu.memref_squeeze %dma_wait3A_791 : memref<1x1x8x128xi32, #tpu.memory_space<hbm>> -> memref<8x128xi32, #tpu.memory_space<hbm>>
      %dma_wait3A_793 = arith.constant 0 : i32
      %dma_wait3A_794 = arith.constant 0 : i32
      %dma_wait3A_795 = tpu.memref_slice %arg5[%run_scoped3A_49, %dma_wait3A_793, %dma_wait3A_794] : memref<25x8x128xi32, #tpu.memory_space<vmem>> -> memref<1x8x128xi32, #tpu.memory_space<vmem>>
      %dma_wait3A_796 = tpu.memref_squeeze %dma_wait3A_795 : memref<1x8x128xi32, #tpu.memory_space<vmem>> -> memref<8x128xi32, #tpu.memory_space<vmem>>
      %dma_wait3A_797 = arith.constant 0 : i32
      %dma_wait3A_798 = arith.constant 0 : i32
      %dma_wait3A_799 = tpu.memref_slice %arg3[%run_scoped3A_48, %add3A, %dma_wait3A_797, %dma_wait3A_798] : memref<25x32x8x128xi32, #tpu.memory_space<hbm>> -> memref<1x1x8x128xi32, #tpu.memory_space<hbm>>
      %dma_wait3A_800 = tpu.memref_squeeze %dma_wait3A_799 : memref<1x1x8x128xi32, #tpu.memory_space<hbm>> -> memref<8x128xi32, #tpu.memory_space<hbm>>
      tpu.wait_dma2 semaphore(%run_scoped3A_768 : memref<!tpu.dma_semaphore, #tpu.memory_space<semaphore_mem>>) src(%dma_wait3A_800 : memref<8x128xi32, #tpu.memory_space<hbm>>) dst(%dma_wait3A_796 : memref<8x128xi32, #tpu.memory_space<vmem>>)
      tpu.yield
    }) : () -> ()
    %iota3A = tpu.iota {dimensions = array<i32: 0>} : vector<16xi32>
    %add3A_50 = arith.constant 0 : i32
    %add3A_51 = vector.broadcast %add3A_50 : i32 to vector<16xi32>
    %add3A_52 = arith.addi %iota3A, %add3A_51 : vector<16xi32>
    %jit3A = arith.constant 8 : i32
    %div3A = vector.broadcast %jit3A : i32 to vector<16xi32>
    %div3A_53 = arith.divsi %add3A_52, %div3A : vector<16xi32>
    %sign3A = arith.constant 0 : i32
    %sign3A_54 = vector.broadcast %sign3A : i32 to vector<16xi32>
    %sign3A_55 = arith.cmpi sgt, %add3A_52, %sign3A_54 : vector<16xi32>
    %sign3A_56 = arith.extui %sign3A_55 : vector<16xi1> to vector<16xi32>
    %sign3A_57 = arith.constant 0 : i32
    %sign3A_58 = vector.broadcast %sign3A_57 : i32 to vector<16xi32>
    %sign3A_59 = arith.cmpi slt, %add3A_52, %sign3A_58 : vector<16xi32>
    %sign3A_60 = arith.extui %sign3A_59 : vector<16xi1> to vector<16xi32>
    %sign3A_61 = arith.subi %sign3A_56, %sign3A_60 : vector<16xi32>
    %sign3A_62 = arith.constant 0 : i32
    %sign3A_63 = arith.cmpi sgt, %jit3A, %sign3A_62 : i32
    %sign3A_64 = arith.extui %sign3A_63 : i1 to i32
    %sign3A_65 = arith.constant 0 : i32
    %sign3A_66 = arith.cmpi slt, %jit3A, %sign3A_65 : i32
    %sign3A_67 = arith.extui %sign3A_66 : i1 to i32
    %sign3A_68 = arith.subi %sign3A_64, %sign3A_67 : i32
    %ne3A = vector.broadcast %sign3A_68 : i32 to vector<16xi32>
    %ne3A_69 = arith.cmpi ne, %sign3A_61, %ne3A : vector<16xi32>
    %rem3A = vector.broadcast %jit3A : i32 to vector<16xi32>
    %rem3A_70 = arith.remsi %add3A_52, %rem3A : vector<16xi32>
    %ne3A_71 = arith.constant 0 : i32
    %ne3A_72 = vector.broadcast %ne3A_71 : i32 to vector<16xi32>
    %ne3A_73 = arith.cmpi ne, %rem3A_70, %ne3A_72 : vector<16xi32>
    %and3A = arith.andi %ne3A_69, %ne3A_73 : vector<16xi1>
    %sub3A = arith.constant 1 : i32
    %sub3A_74 = vector.broadcast %sub3A : i32 to vector<16xi32>
    %sub3A_75 = arith.subi %div3A_53, %sub3A_74 : vector<16xi32>
    %select_n3A = arith.select %and3A, %sub3A_75, %div3A_53 : vector<16xi1>, vector<16xi32>
    %add3A_76 = arith.constant 16 : i32
    %add3A_77 = vector.broadcast %add3A_76 : i32 to vector<16xi32>
    %add3A_78 = arith.addi %iota3A, %add3A_77 : vector<16xi32>
    %jit3A_79 = arith.constant 8 : i32
    %div3A_80 = vector.broadcast %jit3A_79 : i32 to vector<16xi32>
    %div3A_81 = arith.divsi %add3A_78, %div3A_80 : vector<16xi32>
    %sign3A_82 = arith.constant 0 : i32
    %sign3A_83 = vector.broadcast %sign3A_82 : i32 to vector<16xi32>
    %sign3A_84 = arith.cmpi sgt, %add3A_78, %sign3A_83 : vector<16xi32>
    %sign3A_85 = arith.extui %sign3A_84 : vector<16xi1> to vector<16xi32>
    %sign3A_86 = arith.constant 0 : i32
    %sign3A_87 = vector.broadcast %sign3A_86 : i32 to vector<16xi32>
    %sign3A_88 = arith.cmpi slt, %add3A_78, %sign3A_87 : vector<16xi32>
    %sign3A_89 = arith.extui %sign3A_88 : vector<16xi1> to vector<16xi32>
    %sign3A_90 = arith.subi %sign3A_85, %sign3A_89 : vector<16xi32>
    %sign3A_91 = arith.constant 0 : i32
    %sign3A_92 = arith.cmpi sgt, %jit3A_79, %sign3A_91 : i32
    %sign3A_93 = arith.extui %sign3A_92 : i1 to i32
    %sign3A_94 = arith.constant 0 : i32
    %sign3A_95 = arith.cmpi slt, %jit3A_79, %sign3A_94 : i32
    %sign3A_96 = arith.extui %sign3A_95 : i1 to i32
    %sign3A_97 = arith.subi %sign3A_93, %sign3A_96 : i32
    %ne3A_98 = vector.broadcast %sign3A_97 : i32 to vector<16xi32>
    %ne3A_99 = arith.cmpi ne, %sign3A_90, %ne3A_98 : vector<16xi32>
    %rem3A_100 = vector.broadcast %jit3A_79 : i32 to vector<16xi32>
    %rem3A_101 = arith.remsi %add3A_78, %rem3A_100 : vector<16xi32>
    %ne3A_102 = arith.constant 0 : i32
    %ne3A_103 = vector.broadcast %ne3A_102 : i32 to vector<16xi32>
    %ne3A_104 = arith.cmpi ne, %rem3A_101, %ne3A_103 : vector<16xi32>
    %and3A_105 = arith.andi %ne3A_99, %ne3A_104 : vector<16xi1>
    %sub3A_106 = arith.constant 1 : i32
    %sub3A_107 = vector.broadcast %sub3A_106 : i32 to vector<16xi32>
    %sub3A_108 = arith.subi %div3A_81, %sub3A_107 : vector<16xi32>
    %select_n3A_109 = arith.select %and3A_105, %sub3A_108, %div3A_81 : vector<16xi1>, vector<16xi32>
    %add3A_110 = arith.constant 32 : i32
    %add3A_111 = vector.broadcast %add3A_110 : i32 to vector<16xi32>
    %add3A_112 = arith.addi %iota3A, %add3A_111 : vector<16xi32>
    %jit3A_113 = arith.constant 8 : i32
    %div3A_114 = vector.broadcast %jit3A_113 : i32 to vector<16xi32>
    %div3A_115 = arith.divsi %add3A_112, %div3A_114 : vector<16xi32>
    %sign3A_116 = arith.constant 0 : i32
    %sign3A_117 = vector.broadcast %sign3A_116 : i32 to vector<16xi32>
    %sign3A_118 = arith.cmpi sgt, %add3A_112, %sign3A_117 : vector<16xi32>
    %sign3A_119 = arith.extui %sign3A_118 : vector<16xi1> to vector<16xi32>
    %sign3A_120 = arith.constant 0 : i32
    %sign3A_121 = vector.broadcast %sign3A_120 : i32 to vector<16xi32>
    %sign3A_122 = arith.cmpi slt, %add3A_112, %sign3A_121 : vector<16xi32>
    %sign3A_123 = arith.extui %sign3A_122 : vector<16xi1> to vector<16xi32>
    %sign3A_124 = arith.subi %sign3A_119, %sign3A_123 : vector<16xi32>
    %sign3A_125 = arith.constant 0 : i32
    %sign3A_126 = arith.cmpi sgt, %jit3A_113, %sign3A_125 : i32
    %sign3A_127 = arith.extui %sign3A_126 : i1 to i32
    %sign3A_128 = arith.constant 0 : i32
    %sign3A_129 = arith.cmpi slt, %jit3A_113, %sign3A_128 : i32
    %sign3A_130 = arith.extui %sign3A_129 : i1 to i32
    %sign3A_131 = arith.subi %sign3A_127, %sign3A_130 : i32
    %ne3A_132 = vector.broadcast %sign3A_131 : i32 to vector<16xi32>
    %ne3A_133 = arith.cmpi ne, %sign3A_124, %ne3A_132 : vector<16xi32>
    %rem3A_134 = vector.broadcast %jit3A_113 : i32 to vector<16xi32>
    %rem3A_135 = arith.remsi %add3A_112, %rem3A_134 : vector<16xi32>
    %ne3A_136 = arith.constant 0 : i32
    %ne3A_137 = vector.broadcast %ne3A_136 : i32 to vector<16xi32>
    %ne3A_138 = arith.cmpi ne, %rem3A_135, %ne3A_137 : vector<16xi32>
    %and3A_139 = arith.andi %ne3A_133, %ne3A_138 : vector<16xi1>
    %sub3A_140 = arith.constant 1 : i32
    %sub3A_141 = vector.broadcast %sub3A_140 : i32 to vector<16xi32>
    %sub3A_142 = arith.subi %div3A_115, %sub3A_141 : vector<16xi32>
    %select_n3A_143 = arith.select %and3A_139, %sub3A_142, %div3A_115 : vector<16xi1>, vector<16xi32>
    %add3A_144 = arith.constant 48 : i32
    %add3A_145 = vector.broadcast %add3A_144 : i32 to vector<16xi32>
    %add3A_146 = arith.addi %iota3A, %add3A_145 : vector<16xi32>
    %jit3A_147 = arith.constant 8 : i32
    %div3A_148 = vector.broadcast %jit3A_147 : i32 to vector<16xi32>
    %div3A_149 = arith.divsi %add3A_146, %div3A_148 : vector<16xi32>
    %sign3A_150 = arith.constant 0 : i32
    %sign3A_151 = vector.broadcast %sign3A_150 : i32 to vector<16xi32>
    %sign3A_152 = arith.cmpi sgt, %add3A_146, %sign3A_151 : vector<16xi32>
    %sign3A_153 = arith.extui %sign3A_152 : vector<16xi1> to vector<16xi32>
    %sign3A_154 = arith.constant 0 : i32
    %sign3A_155 = vector.broadcast %sign3A_154 : i32 to vector<16xi32>
    %sign3A_156 = arith.cmpi slt, %add3A_146, %sign3A_155 : vector<16xi32>
    %sign3A_157 = arith.extui %sign3A_156 : vector<16xi1> to vector<16xi32>
    %sign3A_158 = arith.subi %sign3A_153, %sign3A_157 : vector<16xi32>
    %sign3A_159 = arith.constant 0 : i32
    %sign3A_160 = arith.cmpi sgt, %jit3A_147, %sign3A_159 : i32
    %sign3A_161 = arith.extui %sign3A_160 : i1 to i32
    %sign3A_162 = arith.constant 0 : i32
    %sign3A_163 = arith.cmpi slt, %jit3A_147, %sign3A_162 : i32
    %sign3A_164 = arith.extui %sign3A_163 : i1 to i32
    %sign3A_165 = arith.subi %sign3A_161, %sign3A_164 : i32
    %ne3A_166 = vector.broadcast %sign3A_165 : i32 to vector<16xi32>
    %ne3A_167 = arith.cmpi ne, %sign3A_158, %ne3A_166 : vector<16xi32>
    %rem3A_168 = vector.broadcast %jit3A_147 : i32 to vector<16xi32>
    %rem3A_169 = arith.remsi %add3A_146, %rem3A_168 : vector<16xi32>
    %ne3A_170 = arith.constant 0 : i32
    %ne3A_171 = vector.broadcast %ne3A_170 : i32 to vector<16xi32>
    %ne3A_172 = arith.cmpi ne, %rem3A_169, %ne3A_171 : vector<16xi32>
    %and3A_173 = arith.andi %ne3A_167, %ne3A_172 : vector<16xi1>
    %sub3A_174 = arith.constant 1 : i32
    %sub3A_175 = vector.broadcast %sub3A_174 : i32 to vector<16xi32>
    %sub3A_176 = arith.subi %div3A_149, %sub3A_175 : vector<16xi32>
    %select_n3A_177 = arith.select %and3A_173, %sub3A_176, %div3A_149 : vector<16xi1>, vector<16xi32>
    %add3A_178 = arith.constant 0 : i32
    %add3A_179 = vector.broadcast %add3A_178 : i32 to vector<16xi32>
    %add3A_180 = arith.addi %iota3A, %add3A_179 : vector<16xi32>
    %jit3A_181 = arith.constant 8 : i32
    %eq3A = arith.constant 0 : i32
    %eq3A_182 = arith.cmpi eq, %jit3A_181, %eq3A : i32
    %jit3A_183 = arith.constant 1 : i32
    %select_n3A_184 = arith.select %eq3A_182, %jit3A_183, %jit3A_181 : i32
    %rem3A_185 = vector.broadcast %select_n3A_184 : i32 to vector<16xi32>
    %rem3A_186 = arith.remsi %add3A_180, %rem3A_185 : vector<16xi32>
    %ne3A_187 = arith.constant 0 : i32
    %ne3A_188 = vector.broadcast %ne3A_187 : i32 to vector<16xi32>
    %ne3A_189 = arith.cmpi ne, %rem3A_186, %ne3A_188 : vector<16xi32>
    %lt3A = arith.constant 0 : i32
    %lt3A_190 = vector.broadcast %lt3A : i32 to vector<16xi32>
    %lt3A_191 = arith.cmpi slt, %rem3A_186, %lt3A_190 : vector<16xi32>
    %lt3A_192 = arith.constant 0 : i32
    %lt3A_193 = arith.cmpi slt, %select_n3A_184, %lt3A_192 : i32
    %ne3A_194 = vector.broadcast %lt3A_193 : i1 to vector<16xi1>
    %ne3A_195 = vector.broadcast %ne3A_194 : vector<16xi1> to vector<16xi1>
    %ne3A_196 = arith.xori %lt3A_191, %ne3A_195 : vector<16xi1>
    %and3A_197 = arith.andi %ne3A_196, %ne3A_189 : vector<16xi1>
    %add3A_198 = vector.broadcast %select_n3A_184 : i32 to vector<16xi32>
    %add3A_199 = arith.addi %rem3A_186, %add3A_198 : vector<16xi32>
    %select_n3A_200 = arith.select %and3A_197, %add3A_199, %rem3A_186 : vector<16xi1>, vector<16xi32>
    %add3A_201 = arith.constant 16 : i32
    %add3A_202 = vector.broadcast %add3A_201 : i32 to vector<16xi32>
    %add3A_203 = arith.addi %iota3A, %add3A_202 : vector<16xi32>
    %jit3A_204 = arith.constant 8 : i32
    %eq3A_205 = arith.constant 0 : i32
    %eq3A_206 = arith.cmpi eq, %jit3A_204, %eq3A_205 : i32
    %jit3A_207 = arith.constant 1 : i32
    %select_n3A_208 = arith.select %eq3A_206, %jit3A_207, %jit3A_204 : i32
    %rem3A_209 = vector.broadcast %select_n3A_208 : i32 to vector<16xi32>
    %rem3A_210 = arith.remsi %add3A_203, %rem3A_209 : vector<16xi32>
    %ne3A_211 = arith.constant 0 : i32
    %ne3A_212 = vector.broadcast %ne3A_211 : i32 to vector<16xi32>
    %ne3A_213 = arith.cmpi ne, %rem3A_210, %ne3A_212 : vector<16xi32>
    %lt3A_214 = arith.constant 0 : i32
    %lt3A_215 = vector.broadcast %lt3A_214 : i32 to vector<16xi32>
    %lt3A_216 = arith.cmpi slt, %rem3A_210, %lt3A_215 : vector<16xi32>
    %lt3A_217 = arith.constant 0 : i32
    %lt3A_218 = arith.cmpi slt, %select_n3A_208, %lt3A_217 : i32
    %ne3A_219 = vector.broadcast %lt3A_218 : i1 to vector<16xi1>
    %ne3A_220 = vector.broadcast %ne3A_219 : vector<16xi1> to vector<16xi1>
    %ne3A_221 = arith.xori %lt3A_216, %ne3A_220 : vector<16xi1>
    %and3A_222 = arith.andi %ne3A_221, %ne3A_213 : vector<16xi1>
    %add3A_223 = vector.broadcast %select_n3A_208 : i32 to vector<16xi32>
    %add3A_224 = arith.addi %rem3A_210, %add3A_223 : vector<16xi32>
    %select_n3A_225 = arith.select %and3A_222, %add3A_224, %rem3A_210 : vector<16xi1>, vector<16xi32>
    %add3A_226 = arith.constant 32 : i32
    %add3A_227 = vector.broadcast %add3A_226 : i32 to vector<16xi32>
    %add3A_228 = arith.addi %iota3A, %add3A_227 : vector<16xi32>
    %jit3A_229 = arith.constant 8 : i32
    %eq3A_230 = arith.constant 0 : i32
    %eq3A_231 = arith.cmpi eq, %jit3A_229, %eq3A_230 : i32
    %jit3A_232 = arith.constant 1 : i32
    %select_n3A_233 = arith.select %eq3A_231, %jit3A_232, %jit3A_229 : i32
    %rem3A_234 = vector.broadcast %select_n3A_233 : i32 to vector<16xi32>
    %rem3A_235 = arith.remsi %add3A_228, %rem3A_234 : vector<16xi32>
    %ne3A_236 = arith.constant 0 : i32
    %ne3A_237 = vector.broadcast %ne3A_236 : i32 to vector<16xi32>
    %ne3A_238 = arith.cmpi ne, %rem3A_235, %ne3A_237 : vector<16xi32>
    %lt3A_239 = arith.constant 0 : i32
    %lt3A_240 = vector.broadcast %lt3A_239 : i32 to vector<16xi32>
    %lt3A_241 = arith.cmpi slt, %rem3A_235, %lt3A_240 : vector<16xi32>
    %lt3A_242 = arith.constant 0 : i32
    %lt3A_243 = arith.cmpi slt, %select_n3A_233, %lt3A_242 : i32
    %ne3A_244 = vector.broadcast %lt3A_243 : i1 to vector<16xi1>
    %ne3A_245 = vector.broadcast %ne3A_244 : vector<16xi1> to vector<16xi1>
    %ne3A_246 = arith.xori %lt3A_241, %ne3A_245 : vector<16xi1>
    %and3A_247 = arith.andi %ne3A_246, %ne3A_238 : vector<16xi1>
    %add3A_248 = vector.broadcast %select_n3A_233 : i32 to vector<16xi32>
    %add3A_249 = arith.addi %rem3A_235, %add3A_248 : vector<16xi32>
    %select_n3A_250 = arith.select %and3A_247, %add3A_249, %rem3A_235 : vector<16xi1>, vector<16xi32>
    %add3A_251 = arith.constant 48 : i32
    %add3A_252 = vector.broadcast %add3A_251 : i32 to vector<16xi32>
    %add3A_253 = arith.addi %iota3A, %add3A_252 : vector<16xi32>
    %jit3A_254 = arith.constant 8 : i32
    %eq3A_255 = arith.constant 0 : i32
    %eq3A_256 = arith.cmpi eq, %jit3A_254, %eq3A_255 : i32
    %jit3A_257 = arith.constant 1 : i32
    %select_n3A_258 = arith.select %eq3A_256, %jit3A_257, %jit3A_254 : i32
    %rem3A_259 = vector.broadcast %select_n3A_258 : i32 to vector<16xi32>
    %rem3A_260 = arith.remsi %add3A_253, %rem3A_259 : vector<16xi32>
    %ne3A_261 = arith.constant 0 : i32
    %ne3A_262 = vector.broadcast %ne3A_261 : i32 to vector<16xi32>
    %ne3A_263 = arith.cmpi ne, %rem3A_260, %ne3A_262 : vector<16xi32>
    %lt3A_264 = arith.constant 0 : i32
    %lt3A_265 = vector.broadcast %lt3A_264 : i32 to vector<16xi32>
    %lt3A_266 = arith.cmpi slt, %rem3A_260, %lt3A_265 : vector<16xi32>
    %lt3A_267 = arith.constant 0 : i32
    %lt3A_268 = arith.cmpi slt, %select_n3A_258, %lt3A_267 : i32
    %ne3A_269 = vector.broadcast %lt3A_268 : i1 to vector<16xi1>
    %ne3A_270 = vector.broadcast %ne3A_269 : vector<16xi1> to vector<16xi1>
    %ne3A_271 = arith.xori %lt3A_266, %ne3A_270 : vector<16xi1>
    %and3A_272 = arith.andi %ne3A_271, %ne3A_263 : vector<16xi1>
    %add3A_273 = vector.broadcast %select_n3A_258 : i32 to vector<16xi32>
    %add3A_274 = arith.addi %rem3A_260, %add3A_273 : vector<16xi32>
    %select_n3A_275 = arith.select %and3A_272, %add3A_274, %rem3A_260 : vector<16xi1>, vector<16xi32>
    %dma_start3A = arith.constant 0 : i32
    %dma_start3A_276 = arith.constant 0 : i32
    %dma_start3A_277 = arith.constant 0 : i32
    %dma_start3A_278 = tpu.memref_slice %arg5[%dma_start3A, %dma_start3A_276, %dma_start3A_277] : memref<25x8x128xi32, #tpu.memory_space<vmem>> -> memref<1x1x128xi32, #tpu.memory_space<vmem>>
    %dma_start3A_279 = tpu.memref_squeeze %dma_start3A_278 : memref<1x1x128xi32, #tpu.memory_space<vmem>> -> memref<128xi32, #tpu.memory_space<vmem>>
    %dma_start3A_280 = arith.constant 0 : i32
    %dma_start3A_281 = arith.constant 0 : i32
    %dma_start3A_282 = tpu.memref_slice %arg2[%dma_start3A_280, %dma_start3A_281] : memref<1000000x64xf32, #tpu.memory_space<hbm>> -> memref<1000000x64xf32, #tpu.memory_space<hbm>>
    tpu.enqueue_indirect_dma source(%dma_start3A_282 : memref<1000000x64xf32, #tpu.memory_space<hbm>>) target(%arg6 : memref<128x64xf32, #tpu.memory_space<vmem>>) offsets(%dma_start3A_279 : memref<128xi32, #tpu.memory_space<vmem>>) semaphore(%arg14 : memref<!tpu.dma_semaphore, #tpu.memory_space<semaphore_mem>>)
    %dma_start3A_283 = arith.constant 0 : i32
    %dma_start3A_284 = arith.constant 1 : i32
    %dma_start3A_285 = arith.constant 0 : i32
    %dma_start3A_286 = tpu.memref_slice %arg5[%dma_start3A_283, %dma_start3A_284, %dma_start3A_285] : memref<25x8x128xi32, #tpu.memory_space<vmem>> -> memref<1x1x128xi32, #tpu.memory_space<vmem>>
    %dma_start3A_287 = tpu.memref_squeeze %dma_start3A_286 : memref<1x1x128xi32, #tpu.memory_space<vmem>> -> memref<128xi32, #tpu.memory_space<vmem>>
    %dma_start3A_288 = arith.constant 0 : i32
    %dma_start3A_289 = arith.constant 0 : i32
    %dma_start3A_290 = tpu.memref_slice %arg2[%dma_start3A_288, %dma_start3A_289] : memref<1000000x64xf32, #tpu.memory_space<hbm>> -> memref<1000000x64xf32, #tpu.memory_space<hbm>>
    tpu.enqueue_indirect_dma source(%dma_start3A_290 : memref<1000000x64xf32, #tpu.memory_space<hbm>>) target(%arg7 : memref<128x64xf32, #tpu.memory_space<vmem>>) offsets(%dma_start3A_287 : memref<128xi32, #tpu.memory_space<vmem>>) semaphore(%arg15 : memref<!tpu.dma_semaphore, #tpu.memory_space<semaphore_mem>>)
    %dma_start3A_291 = arith.constant 0 : i32
    %dma_start3A_292 = arith.constant 2 : i32
    %dma_start3A_293 = arith.constant 0 : i32
    %dma_start3A_294 = tpu.memref_slice %arg5[%dma_start3A_291, %dma_start3A_292, %dma_start3A_293] : memref<25x8x128xi32, #tpu.memory_space<vmem>> -> memref<1x1x128xi32, #tpu.memory_space<vmem>>
    %dma_start3A_295 = tpu.memref_squeeze %dma_start3A_294 : memref<1x1x128xi32, #tpu.memory_space<vmem>> -> memref<128xi32, #tpu.memory_space<vmem>>
    %dma_start3A_296 = arith.constant 0 : i32
    %dma_start3A_297 = arith.constant 0 : i32
    %dma_start3A_298 = tpu.memref_slice %arg2[%dma_start3A_296, %dma_start3A_297] : memref<1000000x64xf32, #tpu.memory_space<hbm>> -> memref<1000000x64xf32, #tpu.memory_space<hbm>>
    tpu.enqueue_indirect_dma source(%dma_start3A_298 : memref<1000000x64xf32, #tpu.memory_space<hbm>>) target(%arg8 : memref<128x64xf32, #tpu.memory_space<vmem>>) offsets(%dma_start3A_295 : memref<128xi32, #tpu.memory_space<vmem>>) semaphore(%arg16 : memref<!tpu.dma_semaphore, #tpu.memory_space<semaphore_mem>>)
    %dma_start3A_299 = arith.constant 0 : i32
    %dma_start3A_300 = arith.constant 3 : i32
    %dma_start3A_301 = arith.constant 0 : i32
    %dma_start3A_302 = tpu.memref_slice %arg5[%dma_start3A_299, %dma_start3A_300, %dma_start3A_301] : memref<25x8x128xi32, #tpu.memory_space<vmem>> -> memref<1x1x128xi32, #tpu.memory_space<vmem>>
    %dma_start3A_303 = tpu.memref_squeeze %dma_start3A_302 : memref<1x1x128xi32, #tpu.memory_space<vmem>> -> memref<128xi32, #tpu.memory_space<vmem>>
    %dma_start3A_304 = arith.constant 0 : i32
    %dma_start3A_305 = arith.constant 0 : i32
    %dma_start3A_306 = tpu.memref_slice %arg2[%dma_start3A_304, %dma_start3A_305] : memref<1000000x64xf32, #tpu.memory_space<hbm>> -> memref<1000000x64xf32, #tpu.memory_space<hbm>>
    tpu.enqueue_indirect_dma source(%dma_start3A_306 : memref<1000000x64xf32, #tpu.memory_space<hbm>>) target(%arg9 : memref<128x64xf32, #tpu.memory_space<vmem>>) offsets(%dma_start3A_303 : memref<128xi32, #tpu.memory_space<vmem>>) semaphore(%arg17 : memref<!tpu.dma_semaphore, #tpu.memory_space<semaphore_mem>>)
    %dma_wait3A = arith.constant 0 : i32
    %dma_wait3A_307 = arith.constant 0 : i32
    %dma_wait3A_308 = arith.constant 0 : i32
    %dma_wait3A_309 = tpu.memref_slice %arg5[%dma_wait3A, %dma_wait3A_307, %dma_wait3A_308] : memref<25x8x128xi32, #tpu.memory_space<vmem>> -> memref<1x1x128xi32, #tpu.memory_space<vmem>>
    %dma_wait3A_310 = tpu.memref_squeeze %dma_wait3A_309 : memref<1x1x128xi32, #tpu.memory_space<vmem>> -> memref<128xi32, #tpu.memory_space<vmem>>
    %dma_wait3A_311 = arith.constant 0 : i32
    %dma_wait3A_312 = arith.constant 0 : i32
    %dma_wait3A_313 = tpu.memref_slice %arg2[%dma_wait3A_311, %dma_wait3A_312] : memref<1000000x64xf32, #tpu.memory_space<hbm>> -> memref<1000000x64xf32, #tpu.memory_space<hbm>>
    tpu.wait_indirect_dma semaphore(%arg14 : memref<!tpu.dma_semaphore, #tpu.memory_space<semaphore_mem>>) src(%dma_wait3A_313 : memref<1000000x64xf32, #tpu.memory_space<hbm>>) dst(%arg6 : memref<128x64xf32, #tpu.memory_space<vmem>>)
    %scan3A = arith.constant 0 : i32
    %scan3A_314 = arith.constant 0 : i32
    %scan3A_315 = arith.constant 64 : i32
    %scan3A_316 = arith.addi %scan3A_314, %scan3A_315 : i32
    %scan3A_317 = arith.constant 1 : i32
    %scan3A_318 = scf.for %scan3A_768 = %scan3A_314 to %scan3A_316 step %scan3A_317 iter_args(%scan3A_769 = %scan3A) -> (i32)  : i32 {
      %mul3A_770 = arith.constant 2 : i32
      %mul3A_771 = arith.muli %scan3A_768, %mul3A_770 : i32
      %add3A_772 = arith.constant 0 : i32
      %add3A_773 = arith.addi %mul3A_771, %add3A_772 : i32
      %broadcast_in_dim3A = vector.broadcast %add3A_773 : i32 to vector<16xi32>
      %get3A = arith.index_cast %add3A_773 : i32 to index
      %get3A_774 = arith.constant 0 : index
      %get3A_775 = tpu.vector_load %arg6[%get3A, %get3A_774] {strides = array<i32>} : memref<128x64xf32, #tpu.memory_space<vmem>>, vector<16xf32>,
      %mul3A_776 = arith.constant 8.000000e+00 : f32
      %mul3A_777 = vector.broadcast %mul3A_776 : f32 to vector<16xf32>
      %mul3A_778 = arith.mulf %get3A_775, %mul3A_777 : vector<16xf32>
      tpu.vector_store_idx %arg10[%select_n3A, %select_n3A_200, %broadcast_in_dim3A], %mul3A_778 : memref<8x8x129xf32, #tpu.memory_space<vmem>>[vector<16xi32>, vector<16xi32>, vector<16xi32>], vector<16xf32>,
      %get3A_779 = arith.index_cast %add3A_773 : i32 to index
      %get3A_780 = arith.constant 16 : index
      %get3A_781 = tpu.vector_load %arg6[%get3A_779, %get3A_780] {strides = array<i32>} : memref<128x64xf32, #tpu.memory_space<vmem>>, vector<16xf32>,
      %mul3A_782 = arith.constant 8.000000e+00 : f32
      %mul3A_783 = vector.broadcast %mul3A_782 : f32 to vector<16xf32>
      %mul3A_784 = arith.mulf %get3A_781, %mul3A_783 : vector<16xf32>
      tpu.vector_store_idx %arg10[%select_n3A_109, %select_n3A_225, %broadcast_in_dim3A], %mul3A_784 : memref<8x8x129xf32, #tpu.memory_space<vmem>>[vector<16xi32>, vector<16xi32>, vector<16xi32>], vector<16xf32>,
      %get3A_785 = arith.index_cast %add3A_773 : i32 to index
      %get3A_786 = arith.constant 32 : index
      %get3A_787 = tpu.vector_load %arg6[%get3A_785, %get3A_786] {strides = array<i32>} : memref<128x64xf32, #tpu.memory_space<vmem>>, vector<16xf32>,
      %mul3A_788 = arith.constant 8.000000e+00 : f32
      %mul3A_789 = vector.broadcast %mul3A_788 : f32 to vector<16xf32>
      %mul3A_790 = arith.mulf %get3A_787, %mul3A_789 : vector<16xf32>
      tpu.vector_store_idx %arg10[%select_n3A_143, %select_n3A_250, %broadcast_in_dim3A], %mul3A_790 : memref<8x8x129xf32, #tpu.memory_space<vmem>>[vector<16xi32>, vector<16xi32>, vector<16xi32>], vector<16xf32>,
      %get3A_791 = arith.index_cast %add3A_773 : i32 to index
      %get3A_792 = arith.constant 48 : index
      %get3A_793 = tpu.vector_load %arg6[%get3A_791, %get3A_792] {strides = array<i32>} : memref<128x64xf32, #tpu.memory_space<vmem>>, vector<16xf32>,
      %mul3A_794 = arith.constant 8.000000e+00 : f32
      %mul3A_795 = vector.broadcast %mul3A_794 : f32 to vector<16xf32>
      %mul3A_796 = arith.mulf %get3A_793, %mul3A_795 : vector<16xf32>
      tpu.vector_store_idx %arg10[%select_n3A_177, %select_n3A_275, %broadcast_in_dim3A], %mul3A_796 : memref<8x8x129xf32, #tpu.memory_space<vmem>>[vector<16xi32>, vector<16xi32>, vector<16xi32>], vector<16xf32>,
      %mul3A_797 = arith.constant 2 : i32
      %mul3A_798 = arith.muli %scan3A_768, %mul3A_797 : i32
      %add3A_799 = arith.constant 1 : i32
      %add3A_800 = arith.addi %mul3A_798, %add3A_799 : i32
      %broadcast_in_dim3A_801 = vector.broadcast %add3A_800 : i32 to vector<16xi32>
      %get3A_802 = arith.index_cast %add3A_800 : i32 to index
      %get3A_803 = arith.constant 0 : index
      %get3A_804 = tpu.vector_load %arg6[%get3A_802, %get3A_803] {strides = array<i32>} : memref<128x64xf32, #tpu.memory_space<vmem>>, vector<16xf32>,
      %mul3A_805 = arith.constant 8.000000e+00 : f32
      %mul3A_806 = vector.broadcast %mul3A_805 : f32 to vector<16xf32>
      %mul3A_807 = arith.mulf %get3A_804, %mul3A_806 : vector<16xf32>
      tpu.vector_store_idx %arg10[%select_n3A, %select_n3A_200, %broadcast_in_dim3A_801], %mul3A_807 : memref<8x8x129xf32, #tpu.memory_space<vmem>>[vector<16xi32>, vector<16xi32>, vector<16xi32>], vector<16xf32>,
      %get3A_808 = arith.index_cast %add3A_800 : i32 to index
      %get3A_809 = arith.constant 16 : index
      %get3A_810 = tpu.vector_load %arg6[%get3A_808, %get3A_809] {strides = array<i32>} : memref<128x64xf32, #tpu.memory_space<vmem>>, vector<16xf32>,
      %mul3A_811 = arith.constant 8.000000e+00 : f32
      %mul3A_812 = vector.broadcast %mul3A_811 : f32 to vector<16xf32>
      %mul3A_813 = arith.mulf %get3A_810, %mul3A_812 : vector<16xf32>
      tpu.vector_store_idx %arg10[%select_n3A_109, %select_n3A_225, %broadcast_in_dim3A_801], %mul3A_813 : memref<8x8x129xf32, #tpu.memory_space<vmem>>[vector<16xi32>, vector<16xi32>, vector<16xi32>], vector<16xf32>,
      %get3A_814 = arith.index_cast %add3A_800 : i32 to index
      %get3A_815 = arith.constant 32 : index
      %get3A_816 = tpu.vector_load %arg6[%get3A_814, %get3A_815] {strides = array<i32>} : memref<128x64xf32, #tpu.memory_space<vmem>>, vector<16xf32>,
      %mul3A_817 = arith.constant 8.000000e+00 : f32
      %mul3A_818 = vector.broadcast %mul3A_817 : f32 to vector<16xf32>
      %mul3A_819 = arith.mulf %get3A_816, %mul3A_818 : vector<16xf32>
      tpu.vector_store_idx %arg10[%select_n3A_143, %select_n3A_250, %broadcast_in_dim3A_801], %mul3A_819 : memref<8x8x129xf32, #tpu.memory_space<vmem>>[vector<16xi32>, vector<16xi32>, vector<16xi32>], vector<16xf32>,
      %get3A_820 = arith.index_cast %add3A_800 : i32 to index
      %get3A_821 = arith.constant 48 : index
      %get3A_822 = tpu.vector_load %arg6[%get3A_820, %get3A_821] {strides = array<i32>} : memref<128x64xf32, #tpu.memory_space<vmem>>, vector<16xf32>,
      %mul3A_823 = arith.constant 8.000000e+00 : f32
      %mul3A_824 = vector.broadcast %mul3A_823 : f32 to vector<16xf32>
      %mul3A_825 = arith.mulf %get3A_822, %mul3A_824 : vector<16xf32>
      tpu.vector_store_idx %arg10[%select_n3A_177, %select_n3A_275, %broadcast_in_dim3A_801], %mul3A_825 : memref<8x8x129xf32, #tpu.memory_space<vmem>>[vector<16xi32>, vector<16xi32>, vector<16xi32>], vector<16xf32>,
      %scan3A_826 = arith.constant 0 : i32
      scf.yield %scan3A_826 : i32
    }
    %scan3A_319 = arith.constant 64 : i32
    %dma_start3A_320 = arith.constant 0 : i32
    %dma_start3A_321 = arith.constant 4 : i32
    %dma_start3A_322 = arith.constant 0 : i32
    %dma_start3A_323 = tpu.memref_slice %arg5[%dma_start3A_320, %dma_start3A_321, %dma_start3A_322] : memref<25x8x128xi32, #tpu.memory_space<vmem>> -> memref<1x1x128xi32, #tpu.memory_space<vmem>>
    %dma_start3A_324 = tpu.memref_squeeze %dma_start3A_323 : memref<1x1x128xi32, #tpu.memory_space<vmem>> -> memref<128xi32, #tpu.memory_space<vmem>>
    %dma_start3A_325 = arith.constant 0 : i32
    %dma_start3A_326 = arith.constant 0 : i32
    %dma_start3A_327 = tpu.memref_slice %arg2[%dma_start3A_325, %dma_start3A_326] : memref<1000000x64xf32, #tpu.memory_space<hbm>> -> memref<1000000x64xf32, #tpu.memory_space<hbm>>
    tpu.enqueue_indirect_dma source(%dma_start3A_327 : memref<1000000x64xf32, #tpu.memory_space<hbm>>) target(%arg6 : memref<128x64xf32, #tpu.memory_space<vmem>>) offsets(%dma_start3A_324 : memref<128xi32, #tpu.memory_space<vmem>>) semaphore(%arg14 : memref<!tpu.dma_semaphore, #tpu.memory_space<semaphore_mem>>)
    %dma_start3A_328 = arith.constant 0 : i32
    %dma_start3A_329 = arith.constant 0 : i32
    %dma_start3A_330 = arith.constant 0 : i32
    %dma_start3A_331 = arith.constant 0 : i32
    %dma_start3A_332 = tpu.memref_slice %arg10[%dma_start3A_329, %dma_start3A_330, %dma_start3A_331] : memref<8x8x129xf32, #tpu.memory_space<vmem>> -> memref<8x8x128xf32, #tpu.memory_space<vmem>>
    %dma_start3A_333 = arith.constant 0 : i32
    %dma_start3A_334 = arith.constant 0 : i32
    %dma_start3A_335 = arith.constant 0 : i32
    %dma_start3A_336 = tpu.memref_slice %arg4[%dma_start3A_328, %dma_start3A_333, %add3A, %dma_start3A_334, %dma_start3A_335] : memref<200x8x32x8x128xf32, #tpu.memory_space<hbm>> -> memref<1x8x1x8x128xf32, #tpu.memory_space<hbm>>
    %dma_start3A_337 = tpu.memref_squeeze %dma_start3A_336 : memref<1x8x1x8x128xf32, #tpu.memory_space<hbm>> -> memref<8x8x128xf32, #tpu.memory_space<hbm>>
    %dma_start3A_338 = arith.constant 0 : i32
    %dma_start3A_339 = arith.constant 0 : i32
    %dma_start3A_340 = arith.constant 0 : i32
    %dma_start3A_341 = tpu.memref_slice %arg4[%dma_start3A_328, %dma_start3A_338, %add3A, %dma_start3A_339, %dma_start3A_340] : memref<200x8x32x8x128xf32, #tpu.memory_space<hbm>> -> memref<1x8x1x8x128xf32, #tpu.memory_space<hbm>>
    %dma_start3A_342 = tpu.memref_squeeze %dma_start3A_341 : memref<1x8x1x8x128xf32, #tpu.memory_space<hbm>> -> memref<8x8x128xf32, #tpu.memory_space<hbm>>
    %dma_start3A_343 = arith.constant 0 : i32
    %dma_start3A_344 = arith.constant 0 : i32
    %dma_start3A_345 = arith.constant 0 : i32
    %dma_start3A_346 = tpu.memref_slice %arg10[%dma_start3A_343, %dma_start3A_344, %dma_start3A_345] : memref<8x8x129xf32, #tpu.memory_space<vmem>> -> memref<8x8x128xf32, #tpu.memory_space<vmem>>
    tpu.enqueue_dma source(%dma_start3A_346 : memref<8x8x128xf32, #tpu.memory_space<vmem>>) target(%dma_start3A_342 : memref<8x8x128xf32, #tpu.memory_space<hbm>>) target_semaphore(%arg18 : memref<!tpu.dma_semaphore, #tpu.memory_space<semaphore_mem>>)
    %dma_wait3A_347 = arith.constant 0 : i32
    %dma_wait3A_348 = arith.constant 1 : i32
    %dma_wait3A_349 = arith.constant 0 : i32
    %dma_wait3A_350 = tpu.memref_slice %arg5[%dma_wait3A_347, %dma_wait3A_348, %dma_wait3A_349] : memref<25x8x128xi32, #tpu.memory_space<vmem>> -> memref<1x1x128xi32, #tpu.memory_space<vmem>>
    %dma_wait3A_351 = tpu.memref_squeeze %dma_wait3A_350 : memref<1x1x128xi32, #tpu.memory_space<vmem>> -> memref<128xi32, #tpu.memory_space<vmem>>
    %dma_wait3A_352 = arith.constant 0 : i32
    %dma_wait3A_353 = arith.constant 0 : i32
    %dma_wait3A_354 = tpu.memref_slice %arg2[%dma_wait3A_352, %dma_wait3A_353] : memref<1000000x64xf32, #tpu.memory_space<hbm>> -> memref<1000000x64xf32, #tpu.memory_space<hbm>>
    tpu.wait_indirect_dma semaphore(%arg15 : memref<!tpu.dma_semaphore, #tpu.memory_space<semaphore_mem>>) src(%dma_wait3A_354 : memref<1000000x64xf32, #tpu.memory_space<hbm>>) dst(%arg7 : memref<128x64xf32, #tpu.memory_space<vmem>>)
    %scan3A_355 = arith.constant 0 : i32
    %scan3A_356 = arith.constant 0 : i32
    %scan3A_357 = arith.constant 64 : i32
    %scan3A_358 = arith.addi %scan3A_356, %scan3A_357 : i32
    %scan3A_359 = arith.constant 1 : i32
    %scan3A_360 = scf.for %scan3A_768 = %scan3A_356 to %scan3A_358 step %scan3A_359 iter_args(%scan3A_769 = %scan3A_355) -> (i32)  : i32 {
      %mul3A_770 = arith.constant 2 : i32
      %mul3A_771 = arith.muli %scan3A_768, %mul3A_770 : i32
      %add3A_772 = arith.constant 0 : i32
      %add3A_773 = arith.addi %mul3A_771, %add3A_772 : i32
      %broadcast_in_dim3A = vector.broadcast %add3A_773 : i32 to vector<16xi32>
      %get3A = arith.index_cast %add3A_773 : i32 to index
      %get3A_774 = arith.constant 0 : index
      %get3A_775 = tpu.vector_load %arg7[%get3A, %get3A_774] {strides = array<i32>} : memref<128x64xf32, #tpu.memory_space<vmem>>, vector<16xf32>,
      %mul3A_776 = arith.constant 8.000000e+00 : f32
      %mul3A_777 = vector.broadcast %mul3A_776 : f32 to vector<16xf32>
      %mul3A_778 = arith.mulf %get3A_775, %mul3A_777 : vector<16xf32>
      tpu.vector_store_idx %arg11[%select_n3A, %select_n3A_200, %broadcast_in_dim3A], %mul3A_778 : memref<8x8x129xf32, #tpu.memory_space<vmem>>[vector<16xi32>, vector<16xi32>, vector<16xi32>], vector<16xf32>,
      %get3A_779 = arith.index_cast %add3A_773 : i32 to index
      %get3A_780 = arith.constant 16 : index
      %get3A_781 = tpu.vector_load %arg7[%get3A_779, %get3A_780] {strides = array<i32>} : memref<128x64xf32, #tpu.memory_space<vmem>>, vector<16xf32>,
      %mul3A_782 = arith.constant 8.000000e+00 : f32
      %mul3A_783 = vector.broadcast %mul3A_782 : f32 to vector<16xf32>
      %mul3A_784 = arith.mulf %get3A_781, %mul3A_783 : vector<16xf32>
      tpu.vector_store_idx %arg11[%select_n3A_109, %select_n3A_225, %broadcast_in_dim3A], %mul3A_784 : memref<8x8x129xf32, #tpu.memory_space<vmem>>[vector<16xi32>, vector<16xi32>, vector<16xi32>], vector<16xf32>,
      %get3A_785 = arith.index_cast %add3A_773 : i32 to index
      %get3A_786 = arith.constant 32 : index
      %get3A_787 = tpu.vector_load %arg7[%get3A_785, %get3A_786] {strides = array<i32>} : memref<128x64xf32, #tpu.memory_space<vmem>>, vector<16xf32>,
      %mul3A_788 = arith.constant 8.000000e+00 : f32
      %mul3A_789 = vector.broadcast %mul3A_788 : f32 to vector<16xf32>
      %mul3A_790 = arith.mulf %get3A_787, %mul3A_789 : vector<16xf32>
      tpu.vector_store_idx %arg11[%select_n3A_143, %select_n3A_250, %broadcast_in_dim3A], %mul3A_790 : memref<8x8x129xf32, #tpu.memory_space<vmem>>[vector<16xi32>, vector<16xi32>, vector<16xi32>], vector<16xf32>,
      %get3A_791 = arith.index_cast %add3A_773 : i32 to index
      %get3A_792 = arith.constant 48 : index
      %get3A_793 = tpu.vector_load %arg7[%get3A_791, %get3A_792] {strides = array<i32>} : memref<128x64xf32, #tpu.memory_space<vmem>>, vector<16xf32>,
      %mul3A_794 = arith.constant 8.000000e+00 : f32
      %mul3A_795 = vector.broadcast %mul3A_794 : f32 to vector<16xf32>
      %mul3A_796 = arith.mulf %get3A_793, %mul3A_795 : vector<16xf32>
      tpu.vector_store_idx %arg11[%select_n3A_177, %select_n3A_275, %broadcast_in_dim3A], %mul3A_796 : memref<8x8x129xf32, #tpu.memory_space<vmem>>[vector<16xi32>, vector<16xi32>, vector<16xi32>], vector<16xf32>,
      %mul3A_797 = arith.constant 2 : i32
      %mul3A_798 = arith.muli %scan3A_768, %mul3A_797 : i32
      %add3A_799 = arith.constant 1 : i32
      %add3A_800 = arith.addi %mul3A_798, %add3A_799 : i32
      %broadcast_in_dim3A_801 = vector.broadcast %add3A_800 : i32 to vector<16xi32>
      %get3A_802 = arith.index_cast %add3A_800 : i32 to index
      %get3A_803 = arith.constant 0 : index
      %get3A_804 = tpu.vector_load %arg7[%get3A_802, %get3A_803] {strides = array<i32>} : memref<128x64xf32, #tpu.memory_space<vmem>>, vector<16xf32>,
      %mul3A_805 = arith.constant 8.000000e+00 : f32
      %mul3A_806 = vector.broadcast %mul3A_805 : f32 to vector<16xf32>
      %mul3A_807 = arith.mulf %get3A_804, %mul3A_806 : vector<16xf32>
      tpu.vector_store_idx %arg11[%select_n3A, %select_n3A_200, %broadcast_in_dim3A_801], %mul3A_807 : memref<8x8x129xf32, #tpu.memory_space<vmem>>[vector<16xi32>, vector<16xi32>, vector<16xi32>], vector<16xf32>,
      %get3A_808 = arith.index_cast %add3A_800 : i32 to index
      %get3A_809 = arith.constant 16 : index
      %get3A_810 = tpu.vector_load %arg7[%get3A_808, %get3A_809] {strides = array<i32>} : memref<128x64xf32, #tpu.memory_space<vmem>>, vector<16xf32>,
      %mul3A_811 = arith.constant 8.000000e+00 : f32
      %mul3A_812 = vector.broadcast %mul3A_811 : f32 to vector<16xf32>
      %mul3A_813 = arith.mulf %get3A_810, %mul3A_812 : vector<16xf32>
      tpu.vector_store_idx %arg11[%select_n3A_109, %select_n3A_225, %broadcast_in_dim3A_801], %mul3A_813 : memref<8x8x129xf32, #tpu.memory_space<vmem>>[vector<16xi32>, vector<16xi32>, vector<16xi32>], vector<16xf32>,
      %get3A_814 = arith.index_cast %add3A_800 : i32 to index
      %get3A_815 = arith.constant 32 : index
      %get3A_816 = tpu.vector_load %arg7[%get3A_814, %get3A_815] {strides = array<i32>} : memref<128x64xf32, #tpu.memory_space<vmem>>, vector<16xf32>,
      %mul3A_817 = arith.constant 8.000000e+00 : f32
      %mul3A_818 = vector.broadcast %mul3A_817 : f32 to vector<16xf32>
      %mul3A_819 = arith.mulf %get3A_816, %mul3A_818 : vector<16xf32>
      tpu.vector_store_idx %arg11[%select_n3A_143, %select_n3A_250, %broadcast_in_dim3A_801], %mul3A_819 : memref<8x8x129xf32, #tpu.memory_space<vmem>>[vector<16xi32>, vector<16xi32>, vector<16xi32>], vector<16xf32>,
      %get3A_820 = arith.index_cast %add3A_800 : i32 to index
      %get3A_821 = arith.constant 48 : index
      %get3A_822 = tpu.vector_load %arg7[%get3A_820, %get3A_821] {strides = array<i32>} : memref<128x64xf32, #tpu.memory_space<vmem>>, vector<16xf32>,
      %mul3A_823 = arith.constant 8.000000e+00 : f32
      %mul3A_824 = vector.broadcast %mul3A_823 : f32 to vector<16xf32>
      %mul3A_825 = arith.mulf %get3A_822, %mul3A_824 : vector<16xf32>
      tpu.vector_store_idx %arg11[%select_n3A_177, %select_n3A_275, %broadcast_in_dim3A_801], %mul3A_825 : memref<8x8x129xf32, #tpu.memory_space<vmem>>[vector<16xi32>, vector<16xi32>, vector<16xi32>], vector<16xf32>,
      %scan3A_826 = arith.constant 0 : i32
      scf.yield %scan3A_826 : i32
    }
    %scan3A_361 = arith.constant 64 : i32
    %dma_start3A_362 = arith.constant 0 : i32
    %dma_start3A_363 = arith.constant 5 : i32
    %dma_start3A_364 = arith.constant 0 : i32
    %dma_start3A_365 = tpu.memref_slice %arg5[%dma_start3A_362, %dma_start3A_363, %dma_start3A_364] : memref<25x8x128xi32, #tpu.memory_space<vmem>> -> memref<1x1x128xi32, #tpu.memory_space<vmem>>
    %dma_start3A_366 = tpu.memref_squeeze %dma_start3A_365 : memref<1x1x128xi32, #tpu.memory_space<vmem>> -> memref<128xi32, #tpu.memory_space<vmem>>
    %dma_start3A_367 = arith.constant 0 : i32
    %dma_start3A_368 = arith.constant 0 : i32
    %dma_start3A_369 = tpu.memref_slice %arg2[%dma_start3A_367, %dma_start3A_368] : memref<1000000x64xf32, #tpu.memory_space<hbm>> -> memref<1000000x64xf32, #tpu.memory_space<hbm>>
    tpu.enqueue_indirect_dma source(%dma_start3A_369 : memref<1000000x64xf32, #tpu.memory_space<hbm>>) target(%arg7 : memref<128x64xf32, #tpu.memory_space<vmem>>) offsets(%dma_start3A_366 : memref<128xi32, #tpu.memory_space<vmem>>) semaphore(%arg15 : memref<!tpu.dma_semaphore, #tpu.memory_space<semaphore_mem>>)
    %dma_start3A_370 = arith.constant 1 : i32
    %dma_start3A_371 = arith.constant 0 : i32
    %dma_start3A_372 = arith.constant 0 : i32
    %dma_start3A_373 = arith.constant 0 : i32
    %dma_start3A_374 = tpu.memref_slice %arg11[%dma_start3A_371, %dma_start3A_372, %dma_start3A_373] : memref<8x8x129xf32, #tpu.memory_space<vmem>> -> memref<8x8x128xf32, #tpu.memory_space<vmem>>
    %dma_start3A_375 = arith.constant 0 : i32
    %dma_start3A_376 = arith.constant 0 : i32
    %dma_start3A_377 = arith.constant 0 : i32
    %dma_start3A_378 = tpu.memref_slice %arg4[%dma_start3A_370, %dma_start3A_375, %add3A, %dma_start3A_376, %dma_start3A_377] : memref<200x8x32x8x128xf32, #tpu.memory_space<hbm>> -> memref<1x8x1x8x128xf32, #tpu.memory_space<hbm>>
    %dma_start3A_379 = tpu.memref_squeeze %dma_start3A_378 : memref<1x8x1x8x128xf32, #tpu.memory_space<hbm>> -> memref<8x8x128xf32, #tpu.memory_space<hbm>>
    %dma_start3A_380 = arith.constant 0 : i32
    %dma_start3A_381 = arith.constant 0 : i32
    %dma_start3A_382 = arith.constant 0 : i32
    %dma_start3A_383 = tpu.memref_slice %arg4[%dma_start3A_370, %dma_start3A_380, %add3A, %dma_start3A_381, %dma_start3A_382] : memref<200x8x32x8x128xf32, #tpu.memory_space<hbm>> -> memref<1x8x1x8x128xf32, #tpu.memory_space<hbm>>
    %dma_start3A_384 = tpu.memref_squeeze %dma_start3A_383 : memref<1x8x1x8x128xf32, #tpu.memory_space<hbm>> -> memref<8x8x128xf32, #tpu.memory_space<hbm>>
    %dma_start3A_385 = arith.constant 0 : i32
    %dma_start3A_386 = arith.constant 0 : i32
    %dma_start3A_387 = arith.constant 0 : i32
    %dma_start3A_388 = tpu.memref_slice %arg11[%dma_start3A_385, %dma_start3A_386, %dma_start3A_387] : memref<8x8x129xf32, #tpu.memory_space<vmem>> -> memref<8x8x128xf32, #tpu.memory_space<vmem>>
    tpu.enqueue_dma source(%dma_start3A_388 : memref<8x8x128xf32, #tpu.memory_space<vmem>>) target(%dma_start3A_384 : memref<8x8x128xf32, #tpu.memory_space<hbm>>) target_semaphore(%arg19 : memref<!tpu.dma_semaphore, #tpu.memory_space<semaphore_mem>>)
    %dma_wait3A_389 = arith.constant 0 : i32
    %dma_wait3A_390 = arith.constant 2 : i32
    %dma_wait3A_391 = arith.constant 0 : i32
    %dma_wait3A_392 = tpu.memref_slice %arg5[%dma_wait3A_389, %dma_wait3A_390, %dma_wait3A_391] : memref<25x8x128xi32, #tpu.memory_space<vmem>> -> memref<1x1x128xi32, #tpu.memory_space<vmem>>
    %dma_wait3A_393 = tpu.memref_squeeze %dma_wait3A_392 : memref<1x1x128xi32, #tpu.memory_space<vmem>> -> memref<128xi32, #tpu.memory_space<vmem>>
    %dma_wait3A_394 = arith.constant 0 : i32
    %dma_wait3A_395 = arith.constant 0 : i32
    %dma_wait3A_396 = tpu.memref_slice %arg2[%dma_wait3A_394, %dma_wait3A_395] : memref<1000000x64xf32, #tpu.memory_space<hbm>> -> memref<1000000x64xf32, #tpu.memory_space<hbm>>
    tpu.wait_indirect_dma semaphore(%arg16 : memref<!tpu.dma_semaphore, #tpu.memory_space<semaphore_mem>>) src(%dma_wait3A_396 : memref<1000000x64xf32, #tpu.memory_space<hbm>>) dst(%arg8 : memref<128x64xf32, #tpu.memory_space<vmem>>)
    %scan3A_397 = arith.constant 0 : i32
    %scan3A_398 = arith.constant 0 : i32
    %scan3A_399 = arith.constant 64 : i32
    %scan3A_400 = arith.addi %scan3A_398, %scan3A_399 : i32
    %scan3A_401 = arith.constant 1 : i32
    %scan3A_402 = scf.for %scan3A_768 = %scan3A_398 to %scan3A_400 step %scan3A_401 iter_args(%scan3A_769 = %scan3A_397) -> (i32)  : i32 {
      %mul3A_770 = arith.constant 2 : i32
      %mul3A_771 = arith.muli %scan3A_768, %mul3A_770 : i32
      %add3A_772 = arith.constant 0 : i32
      %add3A_773 = arith.addi %mul3A_771, %add3A_772 : i32
      %broadcast_in_dim3A = vector.broadcast %add3A_773 : i32 to vector<16xi32>
      %get3A = arith.index_cast %add3A_773 : i32 to index
      %get3A_774 = arith.constant 0 : index
      %get3A_775 = tpu.vector_load %arg8[%get3A, %get3A_774] {strides = array<i32>} : memref<128x64xf32, #tpu.memory_space<vmem>>, vector<16xf32>,
      %mul3A_776 = arith.constant 8.000000e+00 : f32
      %mul3A_777 = vector.broadcast %mul3A_776 : f32 to vector<16xf32>
      %mul3A_778 = arith.mulf %get3A_775, %mul3A_777 : vector<16xf32>
      tpu.vector_store_idx %arg12[%select_n3A, %select_n3A_200, %broadcast_in_dim3A], %mul3A_778 : memref<8x8x129xf32, #tpu.memory_space<vmem>>[vector<16xi32>, vector<16xi32>, vector<16xi32>], vector<16xf32>,
      %get3A_779 = arith.index_cast %add3A_773 : i32 to index
      %get3A_780 = arith.constant 16 : index
      %get3A_781 = tpu.vector_load %arg8[%get3A_779, %get3A_780] {strides = array<i32>} : memref<128x64xf32, #tpu.memory_space<vmem>>, vector<16xf32>,
      %mul3A_782 = arith.constant 8.000000e+00 : f32
      %mul3A_783 = vector.broadcast %mul3A_782 : f32 to vector<16xf32>
      %mul3A_784 = arith.mulf %get3A_781, %mul3A_783 : vector<16xf32>
      tpu.vector_store_idx %arg12[%select_n3A_109, %select_n3A_225, %broadcast_in_dim3A], %mul3A_784 : memref<8x8x129xf32, #tpu.memory_space<vmem>>[vector<16xi32>, vector<16xi32>, vector<16xi32>], vector<16xf32>,
      %get3A_785 = arith.index_cast %add3A_773 : i32 to index
      %get3A_786 = arith.constant 32 : index
      %get3A_787 = tpu.vector_load %arg8[%get3A_785, %get3A_786] {strides = array<i32>} : memref<128x64xf32, #tpu.memory_space<vmem>>, vector<16xf32>,
      %mul3A_788 = arith.constant 8.000000e+00 : f32
      %mul3A_789 = vector.broadcast %mul3A_788 : f32 to vector<16xf32>
      %mul3A_790 = arith.mulf %get3A_787, %mul3A_789 : vector<16xf32>
      tpu.vector_store_idx %arg12[%select_n3A_143, %select_n3A_250, %broadcast_in_dim3A], %mul3A_790 : memref<8x8x129xf32, #tpu.memory_space<vmem>>[vector<16xi32>, vector<16xi32>, vector<16xi32>], vector<16xf32>,
      %get3A_791 = arith.index_cast %add3A_773 : i32 to index
      %get3A_792 = arith.constant 48 : index
      %get3A_793 = tpu.vector_load %arg8[%get3A_791, %get3A_792] {strides = array<i32>} : memref<128x64xf32, #tpu.memory_space<vmem>>, vector<16xf32>,
      %mul3A_794 = arith.constant 8.000000e+00 : f32
      %mul3A_795 = vector.broadcast %mul3A_794 : f32 to vector<16xf32>
      %mul3A_796 = arith.mulf %get3A_793, %mul3A_795 : vector<16xf32>
      tpu.vector_store_idx %arg12[%select_n3A_177, %select_n3A_275, %broadcast_in_dim3A], %mul3A_796 : memref<8x8x129xf32, #tpu.memory_space<vmem>>[vector<16xi32>, vector<16xi32>, vector<16xi32>], vector<16xf32>,
      %mul3A_797 = arith.constant 2 : i32
      %mul3A_798 = arith.muli %scan3A_768, %mul3A_797 : i32
      %add3A_799 = arith.constant 1 : i32
      %add3A_800 = arith.addi %mul3A_798, %add3A_799 : i32
      %broadcast_in_dim3A_801 = vector.broadcast %add3A_800 : i32 to vector<16xi32>
      %get3A_802 = arith.index_cast %add3A_800 : i32 to index
      %get3A_803 = arith.constant 0 : index
      %get3A_804 = tpu.vector_load %arg8[%get3A_802, %get3A_803] {strides = array<i32>} : memref<128x64xf32, #tpu.memory_space<vmem>>, vector<16xf32>,
      %mul3A_805 = arith.constant 8.000000e+00 : f32
      %mul3A_806 = vector.broadcast %mul3A_805 : f32 to vector<16xf32>
      %mul3A_807 = arith.mulf %get3A_804, %mul3A_806 : vector<16xf32>
      tpu.vector_store_idx %arg12[%select_n3A, %select_n3A_200, %broadcast_in_dim3A_801], %mul3A_807 : memref<8x8x129xf32, #tpu.memory_space<vmem>>[vector<16xi32>, vector<16xi32>, vector<16xi32>], vector<16xf32>,
      %get3A_808 = arith.index_cast %add3A_800 : i32 to index
      %get3A_809 = arith.constant 16 : index
      %get3A_810 = tpu.vector_load %arg8[%get3A_808, %get3A_809] {strides = array<i32>} : memref<128x64xf32, #tpu.memory_space<vmem>>, vector<16xf32>,
      %mul3A_811 = arith.constant 8.000000e+00 : f32
      %mul3A_812 = vector.broadcast %mul3A_811 : f32 to vector<16xf32>
      %mul3A_813 = arith.mulf %get3A_810, %mul3A_812 : vector<16xf32>
      tpu.vector_store_idx %arg12[%select_n3A_109, %select_n3A_225, %broadcast_in_dim3A_801], %mul3A_813 : memref<8x8x129xf32, #tpu.memory_space<vmem>>[vector<16xi32>, vector<16xi32>, vector<16xi32>], vector<16xf32>,
      %get3A_814 = arith.index_cast %add3A_800 : i32 to index
      %get3A_815 = arith.constant 32 : index
      %get3A_816 = tpu.vector_load %arg8[%get3A_814, %get3A_815] {strides = array<i32>} : memref<128x64xf32, #tpu.memory_space<vmem>>, vector<16xf32>,
      %mul3A_817 = arith.constant 8.000000e+00 : f32
      %mul3A_818 = vector.broadcast %mul3A_817 : f32 to vector<16xf32>
      %mul3A_819 = arith.mulf %get3A_816, %mul3A_818 : vector<16xf32>
      tpu.vector_store_idx %arg12[%select_n3A_143, %select_n3A_250, %broadcast_in_dim3A_801], %mul3A_819 : memref<8x8x129xf32, #tpu.memory_space<vmem>>[vector<16xi32>, vector<16xi32>, vector<16xi32>], vector<16xf32>,
      %get3A_820 = arith.index_cast %add3A_800 : i32 to index
      %get3A_821 = arith.constant 48 : index
      %get3A_822 = tpu.vector_load %arg8[%get3A_820, %get3A_821] {strides = array<i32>} : memref<128x64xf32, #tpu.memory_space<vmem>>, vector<16xf32>,
      %mul3A_823 = arith.constant 8.000000e+00 : f32
      %mul3A_824 = vector.broadcast %mul3A_823 : f32 to vector<16xf32>
      %mul3A_825 = arith.mulf %get3A_822, %mul3A_824 : vector<16xf32>
      tpu.vector_store_idx %arg12[%select_n3A_177, %select_n3A_275, %broadcast_in_dim3A_801], %mul3A_825 : memref<8x8x129xf32, #tpu.memory_space<vmem>>[vector<16xi32>, vector<16xi32>, vector<16xi32>], vector<16xf32>,
      %scan3A_826 = arith.constant 0 : i32
      scf.yield %scan3A_826 : i32
    }
    %scan3A_403 = arith.constant 64 : i32
    %dma_start3A_404 = arith.constant 0 : i32
    %dma_start3A_405 = arith.constant 6 : i32
    %dma_start3A_406 = arith.constant 0 : i32
    %dma_start3A_407 = tpu.memref_slice %arg5[%dma_start3A_404, %dma_start3A_405, %dma_start3A_406] : memref<25x8x128xi32, #tpu.memory_space<vmem>> -> memref<1x1x128xi32, #tpu.memory_space<vmem>>
    %dma_start3A_408 = tpu.memref_squeeze %dma_start3A_407 : memref<1x1x128xi32, #tpu.memory_space<vmem>> -> memref<128xi32, #tpu.memory_space<vmem>>
    %dma_start3A_409 = arith.constant 0 : i32
    %dma_start3A_410 = arith.constant 0 : i32
    %dma_start3A_411 = tpu.memref_slice %arg2[%dma_start3A_409, %dma_start3A_410] : memref<1000000x64xf32, #tpu.memory_space<hbm>> -> memref<1000000x64xf32, #tpu.memory_space<hbm>>
    tpu.enqueue_indirect_dma source(%dma_start3A_411 : memref<1000000x64xf32, #tpu.memory_space<hbm>>) target(%arg8 : memref<128x64xf32, #tpu.memory_space<vmem>>) offsets(%dma_start3A_408 : memref<128xi32, #tpu.memory_space<vmem>>) semaphore(%arg16 : memref<!tpu.dma_semaphore, #tpu.memory_space<semaphore_mem>>)
    %dma_start3A_412 = arith.constant 2 : i32
    %dma_start3A_413 = arith.constant 0 : i32
    %dma_start3A_414 = arith.constant 0 : i32
    %dma_start3A_415 = arith.constant 0 : i32
    %dma_start3A_416 = tpu.memref_slice %arg12[%dma_start3A_413, %dma_start3A_414, %dma_start3A_415] : memref<8x8x129xf32, #tpu.memory_space<vmem>> -> memref<8x8x128xf32, #tpu.memory_space<vmem>>
    %dma_start3A_417 = arith.constant 0 : i32
    %dma_start3A_418 = arith.constant 0 : i32
    %dma_start3A_419 = arith.constant 0 : i32
    %dma_start3A_420 = tpu.memref_slice %arg4[%dma_start3A_412, %dma_start3A_417, %add3A, %dma_start3A_418, %dma_start3A_419] : memref<200x8x32x8x128xf32, #tpu.memory_space<hbm>> -> memref<1x8x1x8x128xf32, #tpu.memory_space<hbm>>
    %dma_start3A_421 = tpu.memref_squeeze %dma_start3A_420 : memref<1x8x1x8x128xf32, #tpu.memory_space<hbm>> -> memref<8x8x128xf32, #tpu.memory_space<hbm>>
    %dma_start3A_422 = arith.constant 0 : i32
    %dma_start3A_423 = arith.constant 0 : i32
    %dma_start3A_424 = arith.constant 0 : i32
    %dma_start3A_425 = tpu.memref_slice %arg4[%dma_start3A_412, %dma_start3A_422, %add3A, %dma_start3A_423, %dma_start3A_424] : memref<200x8x32x8x128xf32, #tpu.memory_space<hbm>> -> memref<1x8x1x8x128xf32, #tpu.memory_space<hbm>>
    %dma_start3A_426 = tpu.memref_squeeze %dma_start3A_425 : memref<1x8x1x8x128xf32, #tpu.memory_space<hbm>> -> memref<8x8x128xf32, #tpu.memory_space<hbm>>
    %dma_start3A_427 = arith.constant 0 : i32
    %dma_start3A_428 = arith.constant 0 : i32
    %dma_start3A_429 = arith.constant 0 : i32
    %dma_start3A_430 = tpu.memref_slice %arg12[%dma_start3A_427, %dma_start3A_428, %dma_start3A_429] : memref<8x8x129xf32, #tpu.memory_space<vmem>> -> memref<8x8x128xf32, #tpu.memory_space<vmem>>
    tpu.enqueue_dma source(%dma_start3A_430 : memref<8x8x128xf32, #tpu.memory_space<vmem>>) target(%dma_start3A_426 : memref<8x8x128xf32, #tpu.memory_space<hbm>>) target_semaphore(%arg20 : memref<!tpu.dma_semaphore, #tpu.memory_space<semaphore_mem>>)
    %dma_wait3A_431 = arith.constant 0 : i32
    %dma_wait3A_432 = arith.constant 3 : i32
    %dma_wait3A_433 = arith.constant 0 : i32
    %dma_wait3A_434 = tpu.memref_slice %arg5[%dma_wait3A_431, %dma_wait3A_432, %dma_wait3A_433] : memref<25x8x128xi32, #tpu.memory_space<vmem>> -> memref<1x1x128xi32, #tpu.memory_space<vmem>>
    %dma_wait3A_435 = tpu.memref_squeeze %dma_wait3A_434 : memref<1x1x128xi32, #tpu.memory_space<vmem>> -> memref<128xi32, #tpu.memory_space<vmem>>
    %dma_wait3A_436 = arith.constant 0 : i32
    %dma_wait3A_437 = arith.constant 0 : i32
    %dma_wait3A_438 = tpu.memref_slice %arg2[%dma_wait3A_436, %dma_wait3A_437] : memref<1000000x64xf32, #tpu.memory_space<hbm>> -> memref<1000000x64xf32, #tpu.memory_space<hbm>>
    tpu.wait_indirect_dma semaphore(%arg17 : memref<!tpu.dma_semaphore, #tpu.memory_space<semaphore_mem>>) src(%dma_wait3A_438 : memref<1000000x64xf32, #tpu.memory_space<hbm>>) dst(%arg9 : memref<128x64xf32, #tpu.memory_space<vmem>>)
    %scan3A_439 = arith.constant 0 : i32
    %scan3A_440 = arith.constant 0 : i32
    %scan3A_441 = arith.constant 64 : i32
    %scan3A_442 = arith.addi %scan3A_440, %scan3A_441 : i32
    %scan3A_443 = arith.constant 1 : i32
    %scan3A_444 = scf.for %scan3A_768 = %scan3A_440 to %scan3A_442 step %scan3A_443 iter_args(%scan3A_769 = %scan3A_439) -> (i32)  : i32 {
      %mul3A_770 = arith.constant 2 : i32
      %mul3A_771 = arith.muli %scan3A_768, %mul3A_770 : i32
      %add3A_772 = arith.constant 0 : i32
      %add3A_773 = arith.addi %mul3A_771, %add3A_772 : i32
      %broadcast_in_dim3A = vector.broadcast %add3A_773 : i32 to vector<16xi32>
      %get3A = arith.index_cast %add3A_773 : i32 to index
      %get3A_774 = arith.constant 0 : index
      %get3A_775 = tpu.vector_load %arg9[%get3A, %get3A_774] {strides = array<i32>} : memref<128x64xf32, #tpu.memory_space<vmem>>, vector<16xf32>,
      %mul3A_776 = arith.constant 8.000000e+00 : f32
      %mul3A_777 = vector.broadcast %mul3A_776 : f32 to vector<16xf32>
      %mul3A_778 = arith.mulf %get3A_775, %mul3A_777 : vector<16xf32>
      tpu.vector_store_idx %arg13[%select_n3A, %select_n3A_200, %broadcast_in_dim3A], %mul3A_778 : memref<8x8x129xf32, #tpu.memory_space<vmem>>[vector<16xi32>, vector<16xi32>, vector<16xi32>], vector<16xf32>,
      %get3A_779 = arith.index_cast %add3A_773 : i32 to index
      %get3A_780 = arith.constant 16 : index
      %get3A_781 = tpu.vector_load %arg9[%get3A_779, %get3A_780] {strides = array<i32>} : memref<128x64xf32, #tpu.memory_space<vmem>>, vector<16xf32>,
      %mul3A_782 = arith.constant 8.000000e+00 : f32
      %mul3A_783 = vector.broadcast %mul3A_782 : f32 to vector<16xf32>
      %mul3A_784 = arith.mulf %get3A_781, %mul3A_783 : vector<16xf32>
      tpu.vector_store_idx %arg13[%select_n3A_109, %select_n3A_225, %broadcast_in_dim3A], %mul3A_784 : memref<8x8x129xf32, #tpu.memory_space<vmem>>[vector<16xi32>, vector<16xi32>, vector<16xi32>], vector<16xf32>,
      %get3A_785 = arith.index_cast %add3A_773 : i32 to index
      %get3A_786 = arith.constant 32 : index
      %get3A_787 = tpu.vector_load %arg9[%get3A_785, %get3A_786] {strides = array<i32>} : memref<128x64xf32, #tpu.memory_space<vmem>>, vector<16xf32>,
      %mul3A_788 = arith.constant 8.000000e+00 : f32
      %mul3A_789 = vector.broadcast %mul3A_788 : f32 to vector<16xf32>
      %mul3A_790 = arith.mulf %get3A_787, %mul3A_789 : vector<16xf32>
      tpu.vector_store_idx %arg13[%select_n3A_143, %select_n3A_250, %broadcast_in_dim3A], %mul3A_790 : memref<8x8x129xf32, #tpu.memory_space<vmem>>[vector<16xi32>, vector<16xi32>, vector<16xi32>], vector<16xf32>,
      %get3A_791 = arith.index_cast %add3A_773 : i32 to index
      %get3A_792 = arith.constant 48 : index
      %get3A_793 = tpu.vector_load %arg9[%get3A_791, %get3A_792] {strides = array<i32>} : memref<128x64xf32, #tpu.memory_space<vmem>>, vector<16xf32>,
      %mul3A_794 = arith.constant 8.000000e+00 : f32
      %mul3A_795 = vector.broadcast %mul3A_794 : f32 to vector<16xf32>
      %mul3A_796 = arith.mulf %get3A_793, %mul3A_795 : vector<16xf32>
      tpu.vector_store_idx %arg13[%select_n3A_177, %select_n3A_275, %broadcast_in_dim3A], %mul3A_796 : memref<8x8x129xf32, #tpu.memory_space<vmem>>[vector<16xi32>, vector<16xi32>, vector<16xi32>], vector<16xf32>,
      %mul3A_797 = arith.constant 2 : i32
      %mul3A_798 = arith.muli %scan3A_768, %mul3A_797 : i32
      %add3A_799 = arith.constant 1 : i32
      %add3A_800 = arith.addi %mul3A_798, %add3A_799 : i32
      %broadcast_in_dim3A_801 = vector.broadcast %add3A_800 : i32 to vector<16xi32>
      %get3A_802 = arith.index_cast %add3A_800 : i32 to index
      %get3A_803 = arith.constant 0 : index
      %get3A_804 = tpu.vector_load %arg9[%get3A_802, %get3A_803] {strides = array<i32>} : memref<128x64xf32, #tpu.memory_space<vmem>>, vector<16xf32>,
      %mul3A_805 = arith.constant 8.000000e+00 : f32
      %mul3A_806 = vector.broadcast %mul3A_805 : f32 to vector<16xf32>
      %mul3A_807 = arith.mulf %get3A_804, %mul3A_806 : vector<16xf32>
      tpu.vector_store_idx %arg13[%select_n3A, %select_n3A_200, %broadcast_in_dim3A_801], %mul3A_807 : memref<8x8x129xf32, #tpu.memory_space<vmem>>[vector<16xi32>, vector<16xi32>, vector<16xi32>], vector<16xf32>,
      %get3A_808 = arith.index_cast %add3A_800 : i32 to index
      %get3A_809 = arith.constant 16 : index
      %get3A_810 = tpu.vector_load %arg9[%get3A_808, %get3A_809] {strides = array<i32>} : memref<128x64xf32, #tpu.memory_space<vmem>>, vector<16xf32>,
      %mul3A_811 = arith.constant 8.000000e+00 : f32
      %mul3A_812 = vector.broadcast %mul3A_811 : f32 to vector<16xf32>
      %mul3A_813 = arith.mulf %get3A_810, %mul3A_812 : vector<16xf32>
      tpu.vector_store_idx %arg13[%select_n3A_109, %select_n3A_225, %broadcast_in_dim3A_801], %mul3A_813 : memref<8x8x129xf32, #tpu.memory_space<vmem>>[vector<16xi32>, vector<16xi32>, vector<16xi32>], vector<16xf32>,
      %get3A_814 = arith.index_cast %add3A_800 : i32 to index
      %get3A_815 = arith.constant 32 : index
      %get3A_816 = tpu.vector_load %arg9[%get3A_814, %get3A_815] {strides = array<i32>} : memref<128x64xf32, #tpu.memory_space<vmem>>, vector<16xf32>,
      %mul3A_817 = arith.constant 8.000000e+00 : f32
      %mul3A_818 = vector.broadcast %mul3A_817 : f32 to vector<16xf32>
      %mul3A_819 = arith.mulf %get3A_816, %mul3A_818 : vector<16xf32>
      tpu.vector_store_idx %arg13[%select_n3A_143, %select_n3A_250, %broadcast_in_dim3A_801], %mul3A_819 : memref<8x8x129xf32, #tpu.memory_space<vmem>>[vector<16xi32>, vector<16xi32>, vector<16xi32>], vector<16xf32>,
      %get3A_820 = arith.index_cast %add3A_800 : i32 to index
      %get3A_821 = arith.constant 48 : index
      %get3A_822 = tpu.vector_load %arg9[%get3A_820, %get3A_821] {strides = array<i32>} : memref<128x64xf32, #tpu.memory_space<vmem>>, vector<16xf32>,
      %mul3A_823 = arith.constant 8.000000e+00 : f32
      %mul3A_824 = vector.broadcast %mul3A_823 : f32 to vector<16xf32>
      %mul3A_825 = arith.mulf %get3A_822, %mul3A_824 : vector<16xf32>
      tpu.vector_store_idx %arg13[%select_n3A_177, %select_n3A_275, %broadcast_in_dim3A_801], %mul3A_825 : memref<8x8x129xf32, #tpu.memory_space<vmem>>[vector<16xi32>, vector<16xi32>, vector<16xi32>], vector<16xf32>,
      %scan3A_826 = arith.constant 0 : i32
      scf.yield %scan3A_826 : i32
    }
    %scan3A_445 = arith.constant 64 : i32
    %dma_start3A_446 = arith.constant 0 : i32
    %dma_start3A_447 = arith.constant 7 : i32
    %dma_start3A_448 = arith.constant 0 : i32
    %dma_start3A_449 = tpu.memref_slice %arg5[%dma_start3A_446, %dma_start3A_447, %dma_start3A_448] : memref<25x8x128xi32, #tpu.memory_space<vmem>> -> memref<1x1x128xi32, #tpu.memory_space<vmem>>
    %dma_start3A_450 = tpu.memref_squeeze %dma_start3A_449 : memref<1x1x128xi32, #tpu.memory_space<vmem>> -> memref<128xi32, #tpu.memory_space<vmem>>
    %dma_start3A_451 = arith.constant 0 : i32
    %dma_start3A_452 = arith.constant 0 : i32
    %dma_start3A_453 = tpu.memref_slice %arg2[%dma_start3A_451, %dma_start3A_452] : memref<1000000x64xf32, #tpu.memory_space<hbm>> -> memref<1000000x64xf32, #tpu.memory_space<hbm>>
    tpu.enqueue_indirect_dma source(%dma_start3A_453 : memref<1000000x64xf32, #tpu.memory_space<hbm>>) target(%arg9 : memref<128x64xf32, #tpu.memory_space<vmem>>) offsets(%dma_start3A_450 : memref<128xi32, #tpu.memory_space<vmem>>) semaphore(%arg17 : memref<!tpu.dma_semaphore, #tpu.memory_space<semaphore_mem>>)
    %dma_start3A_454 = arith.constant 3 : i32
    %dma_start3A_455 = arith.constant 0 : i32
    %dma_start3A_456 = arith.constant 0 : i32
    %dma_start3A_457 = arith.constant 0 : i32
    %dma_start3A_458 = tpu.memref_slice %arg13[%dma_start3A_455, %dma_start3A_456, %dma_start3A_457] : memref<8x8x129xf32, #tpu.memory_space<vmem>> -> memref<8x8x128xf32, #tpu.memory_space<vmem>>
    %dma_start3A_459 = arith.constant 0 : i32
    %dma_start3A_460 = arith.constant 0 : i32
    %dma_start3A_461 = arith.constant 0 : i32
    %dma_start3A_462 = tpu.memref_slice %arg4[%dma_start3A_454, %dma_start3A_459, %add3A, %dma_start3A_460, %dma_start3A_461] : memref<200x8x32x8x128xf32, #tpu.memory_space<hbm>> -> memref<1x8x1x8x128xf32, #tpu.memory_space<hbm>>
    %dma_start3A_463 = tpu.memref_squeeze %dma_start3A_462 : memref<1x8x1x8x128xf32, #tpu.memory_space<hbm>> -> memref<8x8x128xf32, #tpu.memory_space<hbm>>
    %dma_start3A_464 = arith.constant 0 : i32
    %dma_start3A_465 = arith.constant 0 : i32
    %dma_start3A_466 = arith.constant 0 : i32
    %dma_start3A_467 = tpu.memref_slice %arg4[%dma_start3A_454, %dma_start3A_464, %add3A, %dma_start3A_465, %dma_start3A_466] : memref<200x8x32x8x128xf32, #tpu.memory_space<hbm>> -> memref<1x8x1x8x128xf32, #tpu.memory_space<hbm>>
    %dma_start3A_468 = tpu.memref_squeeze %dma_start3A_467 : memref<1x8x1x8x128xf32, #tpu.memory_space<hbm>> -> memref<8x8x128xf32, #tpu.memory_space<hbm>>
    %dma_start3A_469 = arith.constant 0 : i32
    %dma_start3A_470 = arith.constant 0 : i32
    %dma_start3A_471 = arith.constant 0 : i32
    %dma_start3A_472 = tpu.memref_slice %arg13[%dma_start3A_469, %dma_start3A_470, %dma_start3A_471] : memref<8x8x129xf32, #tpu.memory_space<vmem>> -> memref<8x8x128xf32, #tpu.memory_space<vmem>>
    tpu.enqueue_dma source(%dma_start3A_472 : memref<8x8x128xf32, #tpu.memory_space<vmem>>) target(%dma_start3A_468 : memref<8x8x128xf32, #tpu.memory_space<hbm>>) target_semaphore(%arg21 : memref<!tpu.dma_semaphore, #tpu.memory_space<semaphore_mem>>)
    %scan3A_473 = arith.constant 0 : i32
    %scan3A_474 = arith.constant 1 : i32
    %scan3A_475 = arith.constant 48 : i32
    %scan3A_476 = arith.addi %scan3A_474, %scan3A_475 : i32
    %scan3A_477 = arith.constant 1 : i32
    %scan3A_478 = scf.for %scan3A_768 = %scan3A_474 to %scan3A_476 step %scan3A_477 iter_args(%scan3A_769 = %scan3A_473) -> (i32)  : i32 {
      %mul3A_770 = arith.constant 4 : i32
      %mul3A_771 = arith.muli %scan3A_768, %mul3A_770 : i32
      %add3A_772 = arith.constant 0 : i32
      %add3A_773 = arith.addi %mul3A_771, %add3A_772 : i32
      %jit3A_774 = arith.constant 8 : i32
      %div3A_775 = arith.divsi %add3A_773, %jit3A_774 : i32
      %sign3A_776 = arith.constant 0 : i32
      %sign3A_777 = arith.cmpi sgt, %add3A_773, %sign3A_776 : i32
      %sign3A_778 = arith.extui %sign3A_777 : i1 to i32
      %sign3A_779 = arith.constant 0 : i32
      %sign3A_780 = arith.cmpi slt, %add3A_773, %sign3A_779 : i32
      %sign3A_781 = arith.extui %sign3A_780 : i1 to i32
      %sign3A_782 = arith.subi %sign3A_778, %sign3A_781 : i32
      %sign3A_783 = arith.constant 0 : i32
      %sign3A_784 = arith.cmpi sgt, %jit3A_774, %sign3A_783 : i32
      %sign3A_785 = arith.extui %sign3A_784 : i1 to i32
      %sign3A_786 = arith.constant 0 : i32
      %sign3A_787 = arith.cmpi slt, %jit3A_774, %sign3A_786 : i32
      %sign3A_788 = arith.extui %sign3A_787 : i1 to i32
      %sign3A_789 = arith.subi %sign3A_785, %sign3A_788 : i32
      %ne3A_790 = arith.cmpi ne, %sign3A_782, %sign3A_789 : i32
      %rem3A_791 = arith.remsi %add3A_773, %jit3A_774 : i32
      %ne3A_792 = arith.constant 0 : i32
      %ne3A_793 = arith.cmpi ne, %rem3A_791, %ne3A_792 : i32
      %and3A_794 = arith.andi %ne3A_790, %ne3A_793 : i1
      %sub3A_795 = arith.constant 1 : i32
      %sub3A_796 = arith.subi %div3A_775, %sub3A_795 : i32
      %select_n3A_797 = arith.select %and3A_794, %sub3A_796, %div3A_775 : i32
      %jit3A_798 = arith.constant 8 : i32
      %eq3A_799 = arith.constant 0 : i32
      %eq3A_800 = arith.cmpi eq, %jit3A_798, %eq3A_799 : i32
      %jit3A_801 = arith.constant 1 : i32
      %select_n3A_802 = arith.select %eq3A_800, %jit3A_801, %jit3A_798 : i32
      %rem3A_803 = arith.remsi %add3A_773, %select_n3A_802 : i32
      %ne3A_804 = arith.constant 0 : i32
      %ne3A_805 = arith.cmpi ne, %rem3A_803, %ne3A_804 : i32
      %lt3A_806 = arith.constant 0 : i32
      %lt3A_807 = arith.cmpi slt, %rem3A_803, %lt3A_806 : i32
      %lt3A_808 = arith.constant 0 : i32
      %lt3A_809 = arith.cmpi slt, %select_n3A_802, %lt3A_808 : i32
      %ne3A_810 = arith.xori %lt3A_807, %lt3A_809 : i1
      %and3A_811 = arith.andi %ne3A_810, %ne3A_805 : i1
      %add3A_812 = arith.addi %rem3A_803, %select_n3A_802 : i32
      %select_n3A_813 = arith.select %and3A_811, %add3A_812, %rem3A_803 : i32
      %dma_wait3A_814 = arith.constant 0 : i32
      %dma_wait3A_815 = tpu.memref_slice %arg5[%select_n3A_797, %select_n3A_813, %dma_wait3A_814] : memref<25x8x128xi32, #tpu.memory_space<vmem>> -> memref<1x1x128xi32, #tpu.memory_space<vmem>>
      %dma_wait3A_816 = tpu.memref_squeeze %dma_wait3A_815 : memref<1x1x128xi32, #tpu.memory_space<vmem>> -> memref<128xi32, #tpu.memory_space<vmem>>
      %dma_wait3A_817 = arith.constant 0 : i32
      %dma_wait3A_818 = arith.constant 0 : i32
      %dma_wait3A_819 = tpu.memref_slice %arg2[%dma_wait3A_817, %dma_wait3A_818] : memref<1000000x64xf32, #tpu.memory_space<hbm>> -> memref<1000000x64xf32, #tpu.memory_space<hbm>>
      tpu.wait_indirect_dma semaphore(%arg14 : memref<!tpu.dma_semaphore, #tpu.memory_space<semaphore_mem>>) src(%dma_wait3A_819 : memref<1000000x64xf32, #tpu.memory_space<hbm>>) dst(%arg6 : memref<128x64xf32, #tpu.memory_space<vmem>>)
      %sub3A_820 = arith.constant 4 : i32
      %sub3A_821 = arith.subi %add3A_773, %sub3A_820 : i32
      %dma_wait3A_822 = arith.constant 0 : i32
      %dma_wait3A_823 = arith.constant 0 : i32
      %dma_wait3A_824 = arith.constant 0 : i32
      %dma_wait3A_825 = tpu.memref_slice %arg10[%dma_wait3A_822, %dma_wait3A_823, %dma_wait3A_824] : memref<8x8x129xf32, #tpu.memory_space<vmem>> -> memref<8x8x128xf32, #tpu.memory_space<vmem>>
      %dma_wait3A_826 = arith.constant 0 : i32
      %dma_wait3A_827 = arith.constant 0 : i32
      %dma_wait3A_828 = arith.constant 0 : i32
      %dma_wait3A_829 = tpu.memref_slice %arg4[%sub3A_821, %dma_wait3A_826, %add3A, %dma_wait3A_827, %dma_wait3A_828] : memref<200x8x32x8x128xf32, #tpu.memory_space<hbm>> -> memref<1x8x1x8x128xf32, #tpu.memory_space<hbm>>
      %dma_wait3A_830 = tpu.memref_squeeze %dma_wait3A_829 : memref<1x8x1x8x128xf32, #tpu.memory_space<hbm>> -> memref<8x8x128xf32, #tpu.memory_space<hbm>>
      %dma_wait3A_831 = arith.constant 0 : i32
      %dma_wait3A_832 = arith.constant 0 : i32
      %dma_wait3A_833 = arith.constant 0 : i32
      %dma_wait3A_834 = tpu.memref_slice %arg4[%sub3A_821, %dma_wait3A_831, %add3A, %dma_wait3A_832, %dma_wait3A_833] : memref<200x8x32x8x128xf32, #tpu.memory_space<hbm>> -> memref<1x8x1x8x128xf32, #tpu.memory_space<hbm>>
      %dma_wait3A_835 = tpu.memref_squeeze %dma_wait3A_834 : memref<1x8x1x8x128xf32, #tpu.memory_space<hbm>> -> memref<8x8x128xf32, #tpu.memory_space<hbm>>
      %dma_wait3A_836 = arith.constant 0 : i32
      %dma_wait3A_837 = arith.constant 0 : i32
      %dma_wait3A_838 = arith.constant 0 : i32
      %dma_wait3A_839 = tpu.memref_slice %arg10[%dma_wait3A_836, %dma_wait3A_837, %dma_wait3A_838] : memref<8x8x129xf32, #tpu.memory_space<vmem>> -> memref<8x8x128xf32, #tpu.memory_space<vmem>>
      tpu.wait_dma2 semaphore(%arg18 : memref<!tpu.dma_semaphore, #tpu.memory_space<semaphore_mem>>) src(%dma_wait3A_839 : memref<8x8x128xf32, #tpu.memory_space<vmem>>) dst(%dma_wait3A_835 : memref<8x8x128xf32, #tpu.memory_space<hbm>>)
      %scan3A_840 = arith.constant 0 : i32
      %scan3A_841 = arith.constant 0 : i32
      %scan3A_842 = arith.constant 64 : i32
      %scan3A_843 = arith.addi %scan3A_841, %scan3A_842 : i32
      %scan3A_844 = arith.constant 1 : i32
      %scan3A_845 = scf.for %scan3A_1343 = %scan3A_841 to %scan3A_843 step %scan3A_844 iter_args(%scan3A_1344 = %scan3A_840) -> (i32)  : i32 {
        %mul3A_1345 = arith.constant 2 : i32
        %mul3A_1346 = arith.muli %scan3A_1343, %mul3A_1345 : i32
        %add3A_1347 = arith.constant 0 : i32
        %add3A_1348 = arith.addi %mul3A_1346, %add3A_1347 : i32
        %broadcast_in_dim3A = vector.broadcast %add3A_1348 : i32 to vector<16xi32>
        %get3A = arith.index_cast %add3A_1348 : i32 to index
        %get3A_1349 = arith.constant 0 : index
        %get3A_1350 = tpu.vector_load %arg6[%get3A, %get3A_1349] {strides = array<i32>} : memref<128x64xf32, #tpu.memory_space<vmem>>, vector<16xf32>,
        %mul3A_1351 = arith.constant 8.000000e+00 : f32
        %mul3A_1352 = vector.broadcast %mul3A_1351 : f32 to vector<16xf32>
        %mul3A_1353 = arith.mulf %get3A_1350, %mul3A_1352 : vector<16xf32>
        tpu.vector_store_idx %arg10[%select_n3A, %select_n3A_200, %broadcast_in_dim3A], %mul3A_1353 : memref<8x8x129xf32, #tpu.memory_space<vmem>>[vector<16xi32>, vector<16xi32>, vector<16xi32>], vector<16xf32>,
        %get3A_1354 = arith.index_cast %add3A_1348 : i32 to index
        %get3A_1355 = arith.constant 16 : index
        %get3A_1356 = tpu.vector_load %arg6[%get3A_1354, %get3A_1355] {strides = array<i32>} : memref<128x64xf32, #tpu.memory_space<vmem>>, vector<16xf32>,
        %mul3A_1357 = arith.constant 8.000000e+00 : f32
        %mul3A_1358 = vector.broadcast %mul3A_1357 : f32 to vector<16xf32>
        %mul3A_1359 = arith.mulf %get3A_1356, %mul3A_1358 : vector<16xf32>
        tpu.vector_store_idx %arg10[%select_n3A_109, %select_n3A_225, %broadcast_in_dim3A], %mul3A_1359 : memref<8x8x129xf32, #tpu.memory_space<vmem>>[vector<16xi32>, vector<16xi32>, vector<16xi32>], vector<16xf32>,
        %get3A_1360 = arith.index_cast %add3A_1348 : i32 to index
        %get3A_1361 = arith.constant 32 : index
        %get3A_1362 = tpu.vector_load %arg6[%get3A_1360, %get3A_1361] {strides = array<i32>} : memref<128x64xf32, #tpu.memory_space<vmem>>, vector<16xf32>,
        %mul3A_1363 = arith.constant 8.000000e+00 : f32
        %mul3A_1364 = vector.broadcast %mul3A_1363 : f32 to vector<16xf32>
        %mul3A_1365 = arith.mulf %get3A_1362, %mul3A_1364 : vector<16xf32>
        tpu.vector_store_idx %arg10[%select_n3A_143, %select_n3A_250, %broadcast_in_dim3A], %mul3A_1365 : memref<8x8x129xf32, #tpu.memory_space<vmem>>[vector<16xi32>, vector<16xi32>, vector<16xi32>], vector<16xf32>,
        %get3A_1366 = arith.index_cast %add3A_1348 : i32 to index
        %get3A_1367 = arith.constant 48 : index
        %get3A_1368 = tpu.vector_load %arg6[%get3A_1366, %get3A_1367] {strides = array<i32>} : memref<128x64xf32, #tpu.memory_space<vmem>>, vector<16xf32>,
        %mul3A_1369 = arith.constant 8.000000e+00 : f32
        %mul3A_1370 = vector.broadcast %mul3A_1369 : f32 to vector<16xf32>
        %mul3A_1371 = arith.mulf %get3A_1368, %mul3A_1370 : vector<16xf32>
        tpu.vector_store_idx %arg10[%select_n3A_177, %select_n3A_275, %broadcast_in_dim3A], %mul3A_1371 : memref<8x8x129xf32, #tpu.memory_space<vmem>>[vector<16xi32>, vector<16xi32>, vector<16xi32>], vector<16xf32>,
        %mul3A_1372 = arith.constant 2 : i32
        %mul3A_1373 = arith.muli %scan3A_1343, %mul3A_1372 : i32
        %add3A_1374 = arith.constant 1 : i32
        %add3A_1375 = arith.addi %mul3A_1373, %add3A_1374 : i32
        %broadcast_in_dim3A_1376 = vector.broadcast %add3A_1375 : i32 to vector<16xi32>
        %get3A_1377 = arith.index_cast %add3A_1375 : i32 to index
        %get3A_1378 = arith.constant 0 : index
        %get3A_1379 = tpu.vector_load %arg6[%get3A_1377, %get3A_1378] {strides = array<i32>} : memref<128x64xf32, #tpu.memory_space<vmem>>, vector<16xf32>,
        %mul3A_1380 = arith.constant 8.000000e+00 : f32
        %mul3A_1381 = vector.broadcast %mul3A_1380 : f32 to vector<16xf32>
        %mul3A_1382 = arith.mulf %get3A_1379, %mul3A_1381 : vector<16xf32>
        tpu.vector_store_idx %arg10[%select_n3A, %select_n3A_200, %broadcast_in_dim3A_1376], %mul3A_1382 : memref<8x8x129xf32, #tpu.memory_space<vmem>>[vector<16xi32>, vector<16xi32>, vector<16xi32>], vector<16xf32>,
        %get3A_1383 = arith.index_cast %add3A_1375 : i32 to index
        %get3A_1384 = arith.constant 16 : index
        %get3A_1385 = tpu.vector_load %arg6[%get3A_1383, %get3A_1384] {strides = array<i32>} : memref<128x64xf32, #tpu.memory_space<vmem>>, vector<16xf32>,
        %mul3A_1386 = arith.constant 8.000000e+00 : f32
        %mul3A_1387 = vector.broadcast %mul3A_1386 : f32 to vector<16xf32>
        %mul3A_1388 = arith.mulf %get3A_1385, %mul3A_1387 : vector<16xf32>
        tpu.vector_store_idx %arg10[%select_n3A_109, %select_n3A_225, %broadcast_in_dim3A_1376], %mul3A_1388 : memref<8x8x129xf32, #tpu.memory_space<vmem>>[vector<16xi32>, vector<16xi32>, vector<16xi32>], vector<16xf32>,
        %get3A_1389 = arith.index_cast %add3A_1375 : i32 to index
        %get3A_1390 = arith.constant 32 : index
        %get3A_1391 = tpu.vector_load %arg6[%get3A_1389, %get3A_1390] {strides = array<i32>} : memref<128x64xf32, #tpu.memory_space<vmem>>, vector<16xf32>,
        %mul3A_1392 = arith.constant 8.000000e+00 : f32
        %mul3A_1393 = vector.broadcast %mul3A_1392 : f32 to vector<16xf32>
        %mul3A_1394 = arith.mulf %get3A_1391, %mul3A_1393 : vector<16xf32>
        tpu.vector_store_idx %arg10[%select_n3A_143, %select_n3A_250, %broadcast_in_dim3A_1376], %mul3A_1394 : memref<8x8x129xf32, #tpu.memory_space<vmem>>[vector<16xi32>, vector<16xi32>, vector<16xi32>], vector<16xf32>,
        %get3A_1395 = arith.index_cast %add3A_1375 : i32 to index
        %get3A_1396 = arith.constant 48 : index
        %get3A_1397 = tpu.vector_load %arg6[%get3A_1395, %get3A_1396] {strides = array<i32>} : memref<128x64xf32, #tpu.memory_space<vmem>>, vector<16xf32>,
        %mul3A_1398 = arith.constant 8.000000e+00 : f32
        %mul3A_1399 = vector.broadcast %mul3A_1398 : f32 to vector<16xf32>
        %mul3A_1400 = arith.mulf %get3A_1397, %mul3A_1399 : vector<16xf32>
        tpu.vector_store_idx %arg10[%select_n3A_177, %select_n3A_275, %broadcast_in_dim3A_1376], %mul3A_1400 : memref<8x8x129xf32, #tpu.memory_space<vmem>>[vector<16xi32>, vector<16xi32>, vector<16xi32>], vector<16xf32>,
        %scan3A_1401 = arith.constant 0 : i32
        scf.yield %scan3A_1401 : i32
      }
      %scan3A_846 = arith.constant 64 : i32
      %add3A_847 = arith.constant 4 : i32
      %add3A_848 = arith.addi %add3A_773, %add3A_847 : i32
      %jit3A_849 = arith.constant 8 : i32
      %div3A_850 = arith.divsi %add3A_848, %jit3A_849 : i32
      %sign3A_851 = arith.constant 0 : i32
      %sign3A_852 = arith.cmpi sgt, %add3A_848, %sign3A_851 : i32
      %sign3A_853 = arith.extui %sign3A_852 : i1 to i32
      %sign3A_854 = arith.constant 0 : i32
      %sign3A_855 = arith.cmpi slt, %add3A_848, %sign3A_854 : i32
      %sign3A_856 = arith.extui %sign3A_855 : i1 to i32
      %sign3A_857 = arith.subi %sign3A_853, %sign3A_856 : i32
      %sign3A_858 = arith.constant 0 : i32
      %sign3A_859 = arith.cmpi sgt, %jit3A_849, %sign3A_858 : i32
      %sign3A_860 = arith.extui %sign3A_859 : i1 to i32
      %sign3A_861 = arith.constant 0 : i32
      %sign3A_862 = arith.cmpi slt, %jit3A_849, %sign3A_861 : i32
      %sign3A_863 = arith.extui %sign3A_862 : i1 to i32
      %sign3A_864 = arith.subi %sign3A_860, %sign3A_863 : i32
      %ne3A_865 = arith.cmpi ne, %sign3A_857, %sign3A_864 : i32
      %rem3A_866 = arith.remsi %add3A_848, %jit3A_849 : i32
      %ne3A_867 = arith.constant 0 : i32
      %ne3A_868 = arith.cmpi ne, %rem3A_866, %ne3A_867 : i32
      %and3A_869 = arith.andi %ne3A_865, %ne3A_868 : i1
      %sub3A_870 = arith.constant 1 : i32
      %sub3A_871 = arith.subi %div3A_850, %sub3A_870 : i32
      %select_n3A_872 = arith.select %and3A_869, %sub3A_871, %div3A_850 : i32
      %jit3A_873 = arith.constant 8 : i32
      %eq3A_874 = arith.constant 0 : i32
      %eq3A_875 = arith.cmpi eq, %jit3A_873, %eq3A_874 : i32
      %jit3A_876 = arith.constant 1 : i32
      %select_n3A_877 = arith.select %eq3A_875, %jit3A_876, %jit3A_873 : i32
      %rem3A_878 = arith.remsi %add3A_848, %select_n3A_877 : i32
      %ne3A_879 = arith.constant 0 : i32
      %ne3A_880 = arith.cmpi ne, %rem3A_878, %ne3A_879 : i32
      %lt3A_881 = arith.constant 0 : i32
      %lt3A_882 = arith.cmpi slt, %rem3A_878, %lt3A_881 : i32
      %lt3A_883 = arith.constant 0 : i32
      %lt3A_884 = arith.cmpi slt, %select_n3A_877, %lt3A_883 : i32
      %ne3A_885 = arith.xori %lt3A_882, %lt3A_884 : i1
      %and3A_886 = arith.andi %ne3A_885, %ne3A_880 : i1
      %add3A_887 = arith.addi %rem3A_878, %select_n3A_877 : i32
      %select_n3A_888 = arith.select %and3A_886, %add3A_887, %rem3A_878 : i32
      %dma_start3A_889 = arith.constant 0 : i32
      %dma_start3A_890 = tpu.memref_slice %arg5[%select_n3A_872, %select_n3A_888, %dma_start3A_889] : memref<25x8x128xi32, #tpu.memory_space<vmem>> -> memref<1x1x128xi32, #tpu.memory_space<vmem>>
      %dma_start3A_891 = tpu.memref_squeeze %dma_start3A_890 : memref<1x1x128xi32, #tpu.memory_space<vmem>> -> memref<128xi32, #tpu.memory_space<vmem>>
      %dma_start3A_892 = arith.constant 0 : i32
      %dma_start3A_893 = arith.constant 0 : i32
      %dma_start3A_894 = tpu.memref_slice %arg2[%dma_start3A_892, %dma_start3A_893] : memref<1000000x64xf32, #tpu.memory_space<hbm>> -> memref<1000000x64xf32, #tpu.memory_space<hbm>>
      tpu.enqueue_indirect_dma source(%dma_start3A_894 : memref<1000000x64xf32, #tpu.memory_space<hbm>>) target(%arg6 : memref<128x64xf32, #tpu.memory_space<vmem>>) offsets(%dma_start3A_891 : memref<128xi32, #tpu.memory_space<vmem>>) semaphore(%arg14 : memref<!tpu.dma_semaphore, #tpu.memory_space<semaphore_mem>>)
      %dma_start3A_895 = arith.constant 0 : i32
      %dma_start3A_896 = arith.constant 0 : i32
      %dma_start3A_897 = arith.constant 0 : i32
      %dma_start3A_898 = tpu.memref_slice %arg10[%dma_start3A_895, %dma_start3A_896, %dma_start3A_897] : memref<8x8x129xf32, #tpu.memory_space<vmem>> -> memref<8x8x128xf32, #tpu.memory_space<vmem>>
      %dma_start3A_899 = arith.constant 0 : i32
      %dma_start3A_900 = arith.constant 0 : i32
      %dma_start3A_901 = arith.constant 0 : i32
      %dma_start3A_902 = tpu.memref_slice %arg4[%add3A_773, %dma_start3A_899, %add3A, %dma_start3A_900, %dma_start3A_901] : memref<200x8x32x8x128xf32, #tpu.memory_space<hbm>> -> memref<1x8x1x8x128xf32, #tpu.memory_space<hbm>>
      %dma_start3A_903 = tpu.memref_squeeze %dma_start3A_902 : memref<1x8x1x8x128xf32, #tpu.memory_space<hbm>> -> memref<8x8x128xf32, #tpu.memory_space<hbm>>
      %dma_start3A_904 = arith.constant 0 : i32
      %dma_start3A_905 = arith.constant 0 : i32
      %dma_start3A_906 = arith.constant 0 : i32
      %dma_start3A_907 = tpu.memref_slice %arg4[%add3A_773, %dma_start3A_904, %add3A, %dma_start3A_905, %dma_start3A_906] : memref<200x8x32x8x128xf32, #tpu.memory_space<hbm>> -> memref<1x8x1x8x128xf32, #tpu.memory_space<hbm>>
      %dma_start3A_908 = tpu.memref_squeeze %dma_start3A_907 : memref<1x8x1x8x128xf32, #tpu.memory_space<hbm>> -> memref<8x8x128xf32, #tpu.memory_space<hbm>>
      %dma_start3A_909 = arith.constant 0 : i32
      %dma_start3A_910 = arith.constant 0 : i32
      %dma_start3A_911 = arith.constant 0 : i32
      %dma_start3A_912 = tpu.memref_slice %arg10[%dma_start3A_909, %dma_start3A_910, %dma_start3A_911] : memref<8x8x129xf32, #tpu.memory_space<vmem>> -> memref<8x8x128xf32, #tpu.memory_space<vmem>>
      tpu.enqueue_dma source(%dma_start3A_912 : memref<8x8x128xf32, #tpu.memory_space<vmem>>) target(%dma_start3A_908 : memref<8x8x128xf32, #tpu.memory_space<hbm>>) target_semaphore(%arg18 : memref<!tpu.dma_semaphore, #tpu.memory_space<semaphore_mem>>)
      %mul3A_913 = arith.constant 4 : i32
      %mul3A_914 = arith.muli %scan3A_768, %mul3A_913 : i32
      %add3A_915 = arith.constant 1 : i32
      %add3A_916 = arith.addi %mul3A_914, %add3A_915 : i32
      %jit3A_917 = arith.constant 8 : i32
      %div3A_918 = arith.divsi %add3A_916, %jit3A_917 : i32
      %sign3A_919 = arith.constant 0 : i32
      %sign3A_920 = arith.cmpi sgt, %add3A_916, %sign3A_919 : i32
      %sign3A_921 = arith.extui %sign3A_920 : i1 to i32
      %sign3A_922 = arith.constant 0 : i32
      %sign3A_923 = arith.cmpi slt, %add3A_916, %sign3A_922 : i32
      %sign3A_924 = arith.extui %sign3A_923 : i1 to i32
      %sign3A_925 = arith.subi %sign3A_921, %sign3A_924 : i32
      %sign3A_926 = arith.constant 0 : i32
      %sign3A_927 = arith.cmpi sgt, %jit3A_917, %sign3A_926 : i32
      %sign3A_928 = arith.extui %sign3A_927 : i1 to i32
      %sign3A_929 = arith.constant 0 : i32
      %sign3A_930 = arith.cmpi slt, %jit3A_917, %sign3A_929 : i32
      %sign3A_931 = arith.extui %sign3A_930 : i1 to i32
      %sign3A_932 = arith.subi %sign3A_928, %sign3A_931 : i32
      %ne3A_933 = arith.cmpi ne, %sign3A_925, %sign3A_932 : i32
      %rem3A_934 = arith.remsi %add3A_916, %jit3A_917 : i32
      %ne3A_935 = arith.constant 0 : i32
      %ne3A_936 = arith.cmpi ne, %rem3A_934, %ne3A_935 : i32
      %and3A_937 = arith.andi %ne3A_933, %ne3A_936 : i1
      %sub3A_938 = arith.constant 1 : i32
      %sub3A_939 = arith.subi %div3A_918, %sub3A_938 : i32
      %select_n3A_940 = arith.select %and3A_937, %sub3A_939, %div3A_918 : i32
      %jit3A_941 = arith.constant 8 : i32
      %eq3A_942 = arith.constant 0 : i32
      %eq3A_943 = arith.cmpi eq, %jit3A_941, %eq3A_942 : i32
      %jit3A_944 = arith.constant 1 : i32
      %select_n3A_945 = arith.select %eq3A_943, %jit3A_944, %jit3A_941 : i32
      %rem3A_946 = arith.remsi %add3A_916, %select_n3A_945 : i32
      %ne3A_947 = arith.constant 0 : i32
      %ne3A_948 = arith.cmpi ne, %rem3A_946, %ne3A_947 : i32
      %lt3A_949 = arith.constant 0 : i32
      %lt3A_950 = arith.cmpi slt, %rem3A_946, %lt3A_949 : i32
      %lt3A_951 = arith.constant 0 : i32
      %lt3A_952 = arith.cmpi slt, %select_n3A_945, %lt3A_951 : i32
      %ne3A_953 = arith.xori %lt3A_950, %lt3A_952 : i1
      %and3A_954 = arith.andi %ne3A_953, %ne3A_948 : i1
      %add3A_955 = arith.addi %rem3A_946, %select_n3A_945 : i32
      %select_n3A_956 = arith.select %and3A_954, %add3A_955, %rem3A_946 : i32
      %dma_wait3A_957 = arith.constant 0 : i32
      %dma_wait3A_958 = tpu.memref_slice %arg5[%select_n3A_940, %select_n3A_956, %dma_wait3A_957] : memref<25x8x128xi32, #tpu.memory_space<vmem>> -> memref<1x1x128xi32, #tpu.memory_space<vmem>>
      %dma_wait3A_959 = tpu.memref_squeeze %dma_wait3A_958 : memref<1x1x128xi32, #tpu.memory_space<vmem>> -> memref<128xi32, #tpu.memory_space<vmem>>
      %dma_wait3A_960 = arith.constant 0 : i32
      %dma_wait3A_961 = arith.constant 0 : i32
      %dma_wait3A_962 = tpu.memref_slice %arg2[%dma_wait3A_960, %dma_wait3A_961] : memref<1000000x64xf32, #tpu.memory_space<hbm>> -> memref<1000000x64xf32, #tpu.memory_space<hbm>>
      tpu.wait_indirect_dma semaphore(%arg15 : memref<!tpu.dma_semaphore, #tpu.memory_space<semaphore_mem>>) src(%dma_wait3A_962 : memref<1000000x64xf32, #tpu.memory_space<hbm>>) dst(%arg7 : memref<128x64xf32, #tpu.memory_space<vmem>>)
      %sub3A_963 = arith.constant 4 : i32
      %sub3A_964 = arith.subi %add3A_916, %sub3A_963 : i32
      %dma_wait3A_965 = arith.constant 0 : i32
      %dma_wait3A_966 = arith.constant 0 : i32
      %dma_wait3A_967 = arith.constant 0 : i32
      %dma_wait3A_968 = tpu.memref_slice %arg11[%dma_wait3A_965, %dma_wait3A_966, %dma_wait3A_967] : memref<8x8x129xf32, #tpu.memory_space<vmem>> -> memref<8x8x128xf32, #tpu.memory_space<vmem>>
      %dma_wait3A_969 = arith.constant 0 : i32
      %dma_wait3A_970 = arith.constant 0 : i32
      %dma_wait3A_971 = arith.constant 0 : i32
      %dma_wait3A_972 = tpu.memref_slice %arg4[%sub3A_964, %dma_wait3A_969, %add3A, %dma_wait3A_970, %dma_wait3A_971] : memref<200x8x32x8x128xf32, #tpu.memory_space<hbm>> -> memref<1x8x1x8x128xf32, #tpu.memory_space<hbm>>
      %dma_wait3A_973 = tpu.memref_squeeze %dma_wait3A_972 : memref<1x8x1x8x128xf32, #tpu.memory_space<hbm>> -> memref<8x8x128xf32, #tpu.memory_space<hbm>>
      %dma_wait3A_974 = arith.constant 0 : i32
      %dma_wait3A_975 = arith.constant 0 : i32
      %dma_wait3A_976 = arith.constant 0 : i32
      %dma_wait3A_977 = tpu.memref_slice %arg4[%sub3A_964, %dma_wait3A_974, %add3A, %dma_wait3A_975, %dma_wait3A_976] : memref<200x8x32x8x128xf32, #tpu.memory_space<hbm>> -> memref<1x8x1x8x128xf32, #tpu.memory_space<hbm>>
      %dma_wait3A_978 = tpu.memref_squeeze %dma_wait3A_977 : memref<1x8x1x8x128xf32, #tpu.memory_space<hbm>> -> memref<8x8x128xf32, #tpu.memory_space<hbm>>
      %dma_wait3A_979 = arith.constant 0 : i32
      %dma_wait3A_980 = arith.constant 0 : i32
      %dma_wait3A_981 = arith.constant 0 : i32
      %dma_wait3A_982 = tpu.memref_slice %arg11[%dma_wait3A_979, %dma_wait3A_980, %dma_wait3A_981] : memref<8x8x129xf32, #tpu.memory_space<vmem>> -> memref<8x8x128xf32, #tpu.memory_space<vmem>>
      tpu.wait_dma2 semaphore(%arg19 : memref<!tpu.dma_semaphore, #tpu.memory_space<semaphore_mem>>) src(%dma_wait3A_982 : memref<8x8x128xf32, #tpu.memory_space<vmem>>) dst(%dma_wait3A_978 : memref<8x8x128xf32, #tpu.memory_space<hbm>>)
      %scan3A_983 = arith.constant 0 : i32
      %scan3A_984 = arith.constant 0 : i32
      %scan3A_985 = arith.constant 64 : i32
      %scan3A_986 = arith.addi %scan3A_984, %scan3A_985 : i32
      %scan3A_987 = arith.constant 1 : i32
      %scan3A_988 = scf.for %scan3A_1343 = %scan3A_984 to %scan3A_986 step %scan3A_987 iter_args(%scan3A_1344 = %scan3A_983) -> (i32)  : i32 {
        %mul3A_1345 = arith.constant 2 : i32
        %mul3A_1346 = arith.muli %scan3A_1343, %mul3A_1345 : i32
        %add3A_1347 = arith.constant 0 : i32
        %add3A_1348 = arith.addi %mul3A_1346, %add3A_1347 : i32
        %broadcast_in_dim3A = vector.broadcast %add3A_1348 : i32 to vector<16xi32>
        %get3A = arith.index_cast %add3A_1348 : i32 to index
        %get3A_1349 = arith.constant 0 : index
        %get3A_1350 = tpu.vector_load %arg7[%get3A, %get3A_1349] {strides = array<i32>} : memref<128x64xf32, #tpu.memory_space<vmem>>, vector<16xf32>,
        %mul3A_1351 = arith.constant 8.000000e+00 : f32
        %mul3A_1352 = vector.broadcast %mul3A_1351 : f32 to vector<16xf32>
        %mul3A_1353 = arith.mulf %get3A_1350, %mul3A_1352 : vector<16xf32>
        tpu.vector_store_idx %arg11[%select_n3A, %select_n3A_200, %broadcast_in_dim3A], %mul3A_1353 : memref<8x8x129xf32, #tpu.memory_space<vmem>>[vector<16xi32>, vector<16xi32>, vector<16xi32>], vector<16xf32>,
        %get3A_1354 = arith.index_cast %add3A_1348 : i32 to index
        %get3A_1355 = arith.constant 16 : index
        %get3A_1356 = tpu.vector_load %arg7[%get3A_1354, %get3A_1355] {strides = array<i32>} : memref<128x64xf32, #tpu.memory_space<vmem>>, vector<16xf32>,
        %mul3A_1357 = arith.constant 8.000000e+00 : f32
        %mul3A_1358 = vector.broadcast %mul3A_1357 : f32 to vector<16xf32>
        %mul3A_1359 = arith.mulf %get3A_1356, %mul3A_1358 : vector<16xf32>
        tpu.vector_store_idx %arg11[%select_n3A_109, %select_n3A_225, %broadcast_in_dim3A], %mul3A_1359 : memref<8x8x129xf32, #tpu.memory_space<vmem>>[vector<16xi32>, vector<16xi32>, vector<16xi32>], vector<16xf32>,
        %get3A_1360 = arith.index_cast %add3A_1348 : i32 to index
        %get3A_1361 = arith.constant 32 : index
        %get3A_1362 = tpu.vector_load %arg7[%get3A_1360, %get3A_1361] {strides = array<i32>} : memref<128x64xf32, #tpu.memory_space<vmem>>, vector<16xf32>,
        %mul3A_1363 = arith.constant 8.000000e+00 : f32
        %mul3A_1364 = vector.broadcast %mul3A_1363 : f32 to vector<16xf32>
        %mul3A_1365 = arith.mulf %get3A_1362, %mul3A_1364 : vector<16xf32>
        tpu.vector_store_idx %arg11[%select_n3A_143, %select_n3A_250, %broadcast_in_dim3A], %mul3A_1365 : memref<8x8x129xf32, #tpu.memory_space<vmem>>[vector<16xi32>, vector<16xi32>, vector<16xi32>], vector<16xf32>,
        %get3A_1366 = arith.index_cast %add3A_1348 : i32 to index
        %get3A_1367 = arith.constant 48 : index
        %get3A_1368 = tpu.vector_load %arg7[%get3A_1366, %get3A_1367] {strides = array<i32>} : memref<128x64xf32, #tpu.memory_space<vmem>>, vector<16xf32>,
        %mul3A_1369 = arith.constant 8.000000e+00 : f32
        %mul3A_1370 = vector.broadcast %mul3A_1369 : f32 to vector<16xf32>
        %mul3A_1371 = arith.mulf %get3A_1368, %mul3A_1370 : vector<16xf32>
        tpu.vector_store_idx %arg11[%select_n3A_177, %select_n3A_275, %broadcast_in_dim3A], %mul3A_1371 : memref<8x8x129xf32, #tpu.memory_space<vmem>>[vector<16xi32>, vector<16xi32>, vector<16xi32>], vector<16xf32>,
        %mul3A_1372 = arith.constant 2 : i32
        %mul3A_1373 = arith.muli %scan3A_1343, %mul3A_1372 : i32
        %add3A_1374 = arith.constant 1 : i32
        %add3A_1375 = arith.addi %mul3A_1373, %add3A_1374 : i32
        %broadcast_in_dim3A_1376 = vector.broadcast %add3A_1375 : i32 to vector<16xi32>
        %get3A_1377 = arith.index_cast %add3A_1375 : i32 to index
        %get3A_1378 = arith.constant 0 : index
        %get3A_1379 = tpu.vector_load %arg7[%get3A_1377, %get3A_1378] {strides = array<i32>} : memref<128x64xf32, #tpu.memory_space<vmem>>, vector<16xf32>,
        %mul3A_1380 = arith.constant 8.000000e+00 : f32
        %mul3A_1381 = vector.broadcast %mul3A_1380 : f32 to vector<16xf32>
        %mul3A_1382 = arith.mulf %get3A_1379, %mul3A_1381 : vector<16xf32>
        tpu.vector_store_idx %arg11[%select_n3A, %select_n3A_200, %broadcast_in_dim3A_1376], %mul3A_1382 : memref<8x8x129xf32, #tpu.memory_space<vmem>>[vector<16xi32>, vector<16xi32>, vector<16xi32>], vector<16xf32>,
        %get3A_1383 = arith.index_cast %add3A_1375 : i32 to index
        %get3A_1384 = arith.constant 16 : index
        %get3A_1385 = tpu.vector_load %arg7[%get3A_1383, %get3A_1384] {strides = array<i32>} : memref<128x64xf32, #tpu.memory_space<vmem>>, vector<16xf32>,
        %mul3A_1386 = arith.constant 8.000000e+00 : f32
        %mul3A_1387 = vector.broadcast %mul3A_1386 : f32 to vector<16xf32>
        %mul3A_1388 = arith.mulf %get3A_1385, %mul3A_1387 : vector<16xf32>
        tpu.vector_store_idx %arg11[%select_n3A_109, %select_n3A_225, %broadcast_in_dim3A_1376], %mul3A_1388 : memref<8x8x129xf32, #tpu.memory_space<vmem>>[vector<16xi32>, vector<16xi32>, vector<16xi32>], vector<16xf32>,
        %get3A_1389 = arith.index_cast %add3A_1375 : i32 to index
        %get3A_1390 = arith.constant 32 : index
        %get3A_1391 = tpu.vector_load %arg7[%get3A_1389, %get3A_1390] {strides = array<i32>} : memref<128x64xf32, #tpu.memory_space<vmem>>, vector<16xf32>,
        %mul3A_1392 = arith.constant 8.000000e+00 : f32
        %mul3A_1393 = vector.broadcast %mul3A_1392 : f32 to vector<16xf32>
        %mul3A_1394 = arith.mulf %get3A_1391, %mul3A_1393 : vector<16xf32>
        tpu.vector_store_idx %arg11[%select_n3A_143, %select_n3A_250, %broadcast_in_dim3A_1376], %mul3A_1394 : memref<8x8x129xf32, #tpu.memory_space<vmem>>[vector<16xi32>, vector<16xi32>, vector<16xi32>], vector<16xf32>,
        %get3A_1395 = arith.index_cast %add3A_1375 : i32 to index
        %get3A_1396 = arith.constant 48 : index
        %get3A_1397 = tpu.vector_load %arg7[%get3A_1395, %get3A_1396] {strides = array<i32>} : memref<128x64xf32, #tpu.memory_space<vmem>>, vector<16xf32>,
        %mul3A_1398 = arith.constant 8.000000e+00 : f32
        %mul3A_1399 = vector.broadcast %mul3A_1398 : f32 to vector<16xf32>
        %mul3A_1400 = arith.mulf %get3A_1397, %mul3A_1399 : vector<16xf32>
        tpu.vector_store_idx %arg11[%select_n3A_177, %select_n3A_275, %broadcast_in_dim3A_1376], %mul3A_1400 : memref<8x8x129xf32, #tpu.memory_space<vmem>>[vector<16xi32>, vector<16xi32>, vector<16xi32>], vector<16xf32>,
        %scan3A_1401 = arith.constant 0 : i32
        scf.yield %scan3A_1401 : i32
      }
      %scan3A_989 = arith.constant 64 : i32
      %add3A_990 = arith.constant 4 : i32
      %add3A_991 = arith.addi %add3A_916, %add3A_990 : i32
      %jit3A_992 = arith.constant 8 : i32
      %div3A_993 = arith.divsi %add3A_991, %jit3A_992 : i32
      %sign3A_994 = arith.constant 0 : i32
      %sign3A_995 = arith.cmpi sgt, %add3A_991, %sign3A_994 : i32
      %sign3A_996 = arith.extui %sign3A_995 : i1 to i32
      %sign3A_997 = arith.constant 0 : i32
      %sign3A_998 = arith.cmpi slt, %add3A_991, %sign3A_997 : i32
      %sign3A_999 = arith.extui %sign3A_998 : i1 to i32
      %sign3A_1000 = arith.subi %sign3A_996, %sign3A_999 : i32
      %sign3A_1001 = arith.constant 0 : i32
      %sign3A_1002 = arith.cmpi sgt, %jit3A_992, %sign3A_1001 : i32
      %sign3A_1003 = arith.extui %sign3A_1002 : i1 to i32
      %sign3A_1004 = arith.constant 0 : i32
      %sign3A_1005 = arith.cmpi slt, %jit3A_992, %sign3A_1004 : i32
      %sign3A_1006 = arith.extui %sign3A_1005 : i1 to i32
      %sign3A_1007 = arith.subi %sign3A_1003, %sign3A_1006 : i32
      %ne3A_1008 = arith.cmpi ne, %sign3A_1000, %sign3A_1007 : i32
      %rem3A_1009 = arith.remsi %add3A_991, %jit3A_992 : i32
      %ne3A_1010 = arith.constant 0 : i32
      %ne3A_1011 = arith.cmpi ne, %rem3A_1009, %ne3A_1010 : i32
      %and3A_1012 = arith.andi %ne3A_1008, %ne3A_1011 : i1
      %sub3A_1013 = arith.constant 1 : i32
      %sub3A_1014 = arith.subi %div3A_993, %sub3A_1013 : i32
      %select_n3A_1015 = arith.select %and3A_1012, %sub3A_1014, %div3A_993 : i32
      %jit3A_1016 = arith.constant 8 : i32
      %eq3A_1017 = arith.constant 0 : i32
      %eq3A_1018 = arith.cmpi eq, %jit3A_1016, %eq3A_1017 : i32
      %jit3A_1019 = arith.constant 1 : i32
      %select_n3A_1020 = arith.select %eq3A_1018, %jit3A_1019, %jit3A_1016 : i32
      %rem3A_1021 = arith.remsi %add3A_991, %select_n3A_1020 : i32
      %ne3A_1022 = arith.constant 0 : i32
      %ne3A_1023 = arith.cmpi ne, %rem3A_1021, %ne3A_1022 : i32
      %lt3A_1024 = arith.constant 0 : i32
      %lt3A_1025 = arith.cmpi slt, %rem3A_1021, %lt3A_1024 : i32
      %lt3A_1026 = arith.constant 0 : i32
      %lt3A_1027 = arith.cmpi slt, %select_n3A_1020, %lt3A_1026 : i32
      %ne3A_1028 = arith.xori %lt3A_1025, %lt3A_1027 : i1
      %and3A_1029 = arith.andi %ne3A_1028, %ne3A_1023 : i1
      %add3A_1030 = arith.addi %rem3A_1021, %select_n3A_1020 : i32
      %select_n3A_1031 = arith.select %and3A_1029, %add3A_1030, %rem3A_1021 : i32
      %dma_start3A_1032 = arith.constant 0 : i32
      %dma_start3A_1033 = tpu.memref_slice %arg5[%select_n3A_1015, %select_n3A_1031, %dma_start3A_1032] : memref<25x8x128xi32, #tpu.memory_space<vmem>> -> memref<1x1x128xi32, #tpu.memory_space<vmem>>
      %dma_start3A_1034 = tpu.memref_squeeze %dma_start3A_1033 : memref<1x1x128xi32, #tpu.memory_space<vmem>> -> memref<128xi32, #tpu.memory_space<vmem>>
      %dma_start3A_1035 = arith.constant 0 : i32
      %dma_start3A_1036 = arith.constant 0 : i32
      %dma_start3A_1037 = tpu.memref_slice %arg2[%dma_start3A_1035, %dma_start3A_1036] : memref<1000000x64xf32, #tpu.memory_space<hbm>> -> memref<1000000x64xf32, #tpu.memory_space<hbm>>
      tpu.enqueue_indirect_dma source(%dma_start3A_1037 : memref<1000000x64xf32, #tpu.memory_space<hbm>>) target(%arg7 : memref<128x64xf32, #tpu.memory_space<vmem>>) offsets(%dma_start3A_1034 : memref<128xi32, #tpu.memory_space<vmem>>) semaphore(%arg15 : memref<!tpu.dma_semaphore, #tpu.memory_space<semaphore_mem>>)
      %dma_start3A_1038 = arith.constant 0 : i32
      %dma_start3A_1039 = arith.constant 0 : i32
      %dma_start3A_1040 = arith.constant 0 : i32
      %dma_start3A_1041 = tpu.memref_slice %arg11[%dma_start3A_1038, %dma_start3A_1039, %dma_start3A_1040] : memref<8x8x129xf32, #tpu.memory_space<vmem>> -> memref<8x8x128xf32, #tpu.memory_space<vmem>>
      %dma_start3A_1042 = arith.constant 0 : i32
      %dma_start3A_1043 = arith.constant 0 : i32
      %dma_start3A_1044 = arith.constant 0 : i32
      %dma_start3A_1045 = tpu.memref_slice %arg4[%add3A_916, %dma_start3A_1042, %add3A, %dma_start3A_1043, %dma_start3A_1044] : memref<200x8x32x8x128xf32, #tpu.memory_space<hbm>> -> memref<1x8x1x8x128xf32, #tpu.memory_space<hbm>>
      %dma_start3A_1046 = tpu.memref_squeeze %dma_start3A_1045 : memref<1x8x1x8x128xf32, #tpu.memory_space<hbm>> -> memref<8x8x128xf32, #tpu.memory_space<hbm>>
      %dma_start3A_1047 = arith.constant 0 : i32
      %dma_start3A_1048 = arith.constant 0 : i32
      %dma_start3A_1049 = arith.constant 0 : i32
      %dma_start3A_1050 = tpu.memref_slice %arg4[%add3A_916, %dma_start3A_1047, %add3A, %dma_start3A_1048, %dma_start3A_1049] : memref<200x8x32x8x128xf32, #tpu.memory_space<hbm>> -> memref<1x8x1x8x128xf32, #tpu.memory_space<hbm>>
      %dma_start3A_1051 = tpu.memref_squeeze %dma_start3A_1050 : memref<1x8x1x8x128xf32, #tpu.memory_space<hbm>> -> memref<8x8x128xf32, #tpu.memory_space<hbm>>
      %dma_start3A_1052 = arith.constant 0 : i32
      %dma_start3A_1053 = arith.constant 0 : i32
      %dma_start3A_1054 = arith.constant 0 : i32
      %dma_start3A_1055 = tpu.memref_slice %arg11[%dma_start3A_1052, %dma_start3A_1053, %dma_start3A_1054] : memref<8x8x129xf32, #tpu.memory_space<vmem>> -> memref<8x8x128xf32, #tpu.memory_space<vmem>>
      tpu.enqueue_dma source(%dma_start3A_1055 : memref<8x8x128xf32, #tpu.memory_space<vmem>>) target(%dma_start3A_1051 : memref<8x8x128xf32, #tpu.memory_space<hbm>>) target_semaphore(%arg19 : memref<!tpu.dma_semaphore, #tpu.memory_space<semaphore_mem>>)
      %mul3A_1056 = arith.constant 4 : i32
      %mul3A_1057 = arith.muli %scan3A_768, %mul3A_1056 : i32
      %add3A_1058 = arith.constant 2 : i32
      %add3A_1059 = arith.addi %mul3A_1057, %add3A_1058 : i32
      %jit3A_1060 = arith.constant 8 : i32
      %div3A_1061 = arith.divsi %add3A_1059, %jit3A_1060 : i32
      %sign3A_1062 = arith.constant 0 : i32
      %sign3A_1063 = arith.cmpi sgt, %add3A_1059, %sign3A_1062 : i32
      %sign3A_1064 = arith.extui %sign3A_1063 : i1 to i32
      %sign3A_1065 = arith.constant 0 : i32
      %sign3A_1066 = arith.cmpi slt, %add3A_1059, %sign3A_1065 : i32
      %sign3A_1067 = arith.extui %sign3A_1066 : i1 to i32
      %sign3A_1068 = arith.subi %sign3A_1064, %sign3A_1067 : i32
      %sign3A_1069 = arith.constant 0 : i32
      %sign3A_1070 = arith.cmpi sgt, %jit3A_1060, %sign3A_1069 : i32
      %sign3A_1071 = arith.extui %sign3A_1070 : i1 to i32
      %sign3A_1072 = arith.constant 0 : i32
      %sign3A_1073 = arith.cmpi slt, %jit3A_1060, %sign3A_1072 : i32
      %sign3A_1074 = arith.extui %sign3A_1073 : i1 to i32
      %sign3A_1075 = arith.subi %sign3A_1071, %sign3A_1074 : i32
      %ne3A_1076 = arith.cmpi ne, %sign3A_1068, %sign3A_1075 : i32
      %rem3A_1077 = arith.remsi %add3A_1059, %jit3A_1060 : i32
      %ne3A_1078 = arith.constant 0 : i32
      %ne3A_1079 = arith.cmpi ne, %rem3A_1077, %ne3A_1078 : i32
      %and3A_1080 = arith.andi %ne3A_1076, %ne3A_1079 : i1
      %sub3A_1081 = arith.constant 1 : i32
      %sub3A_1082 = arith.subi %div3A_1061, %sub3A_1081 : i32
      %select_n3A_1083 = arith.select %and3A_1080, %sub3A_1082, %div3A_1061 : i32
      %jit3A_1084 = arith.constant 8 : i32
      %eq3A_1085 = arith.constant 0 : i32
      %eq3A_1086 = arith.cmpi eq, %jit3A_1084, %eq3A_1085 : i32
      %jit3A_1087 = arith.constant 1 : i32
      %select_n3A_1088 = arith.select %eq3A_1086, %jit3A_1087, %jit3A_1084 : i32
      %rem3A_1089 = arith.remsi %add3A_1059, %select_n3A_1088 : i32
      %ne3A_1090 = arith.constant 0 : i32
      %ne3A_1091 = arith.cmpi ne, %rem3A_1089, %ne3A_1090 : i32
      %lt3A_1092 = arith.constant 0 : i32
      %lt3A_1093 = arith.cmpi slt, %rem3A_1089, %lt3A_1092 : i32
      %lt3A_1094 = arith.constant 0 : i32
      %lt3A_1095 = arith.cmpi slt, %select_n3A_1088, %lt3A_1094 : i32
      %ne3A_1096 = arith.xori %lt3A_1093, %lt3A_1095 : i1
      %and3A_1097 = arith.andi %ne3A_1096, %ne3A_1091 : i1
      %add3A_1098 = arith.addi %rem3A_1089, %select_n3A_1088 : i32
      %select_n3A_1099 = arith.select %and3A_1097, %add3A_1098, %rem3A_1089 : i32
      %dma_wait3A_1100 = arith.constant 0 : i32
      %dma_wait3A_1101 = tpu.memref_slice %arg5[%select_n3A_1083, %select_n3A_1099, %dma_wait3A_1100] : memref<25x8x128xi32, #tpu.memory_space<vmem>> -> memref<1x1x128xi32, #tpu.memory_space<vmem>>
      %dma_wait3A_1102 = tpu.memref_squeeze %dma_wait3A_1101 : memref<1x1x128xi32, #tpu.memory_space<vmem>> -> memref<128xi32, #tpu.memory_space<vmem>>
      %dma_wait3A_1103 = arith.constant 0 : i32
      %dma_wait3A_1104 = arith.constant 0 : i32
      %dma_wait3A_1105 = tpu.memref_slice %arg2[%dma_wait3A_1103, %dma_wait3A_1104] : memref<1000000x64xf32, #tpu.memory_space<hbm>> -> memref<1000000x64xf32, #tpu.memory_space<hbm>>
      tpu.wait_indirect_dma semaphore(%arg16 : memref<!tpu.dma_semaphore, #tpu.memory_space<semaphore_mem>>) src(%dma_wait3A_1105 : memref<1000000x64xf32, #tpu.memory_space<hbm>>) dst(%arg8 : memref<128x64xf32, #tpu.memory_space<vmem>>)
      %sub3A_1106 = arith.constant 4 : i32
      %sub3A_1107 = arith.subi %add3A_1059, %sub3A_1106 : i32
      %dma_wait3A_1108 = arith.constant 0 : i32
      %dma_wait3A_1109 = arith.constant 0 : i32
      %dma_wait3A_1110 = arith.constant 0 : i32
      %dma_wait3A_1111 = tpu.memref_slice %arg12[%dma_wait3A_1108, %dma_wait3A_1109, %dma_wait3A_1110] : memref<8x8x129xf32, #tpu.memory_space<vmem>> -> memref<8x8x128xf32, #tpu.memory_space<vmem>>
      %dma_wait3A_1112 = arith.constant 0 : i32
      %dma_wait3A_1113 = arith.constant 0 : i32
      %dma_wait3A_1114 = arith.constant 0 : i32
      %dma_wait3A_1115 = tpu.memref_slice %arg4[%sub3A_1107, %dma_wait3A_1112, %add3A, %dma_wait3A_1113, %dma_wait3A_1114] : memref<200x8x32x8x128xf32, #tpu.memory_space<hbm>> -> memref<1x8x1x8x128xf32, #tpu.memory_space<hbm>>
      %dma_wait3A_1116 = tpu.memref_squeeze %dma_wait3A_1115 : memref<1x8x1x8x128xf32, #tpu.memory_space<hbm>> -> memref<8x8x128xf32, #tpu.memory_space<hbm>>
      %dma_wait3A_1117 = arith.constant 0 : i32
      %dma_wait3A_1118 = arith.constant 0 : i32
      %dma_wait3A_1119 = arith.constant 0 : i32
      %dma_wait3A_1120 = tpu.memref_slice %arg4[%sub3A_1107, %dma_wait3A_1117, %add3A, %dma_wait3A_1118, %dma_wait3A_1119] : memref<200x8x32x8x128xf32, #tpu.memory_space<hbm>> -> memref<1x8x1x8x128xf32, #tpu.memory_space<hbm>>
      %dma_wait3A_1121 = tpu.memref_squeeze %dma_wait3A_1120 : memref<1x8x1x8x128xf32, #tpu.memory_space<hbm>> -> memref<8x8x128xf32, #tpu.memory_space<hbm>>
      %dma_wait3A_1122 = arith.constant 0 : i32
      %dma_wait3A_1123 = arith.constant 0 : i32
      %dma_wait3A_1124 = arith.constant 0 : i32
      %dma_wait3A_1125 = tpu.memref_slice %arg12[%dma_wait3A_1122, %dma_wait3A_1123, %dma_wait3A_1124] : memref<8x8x129xf32, #tpu.memory_space<vmem>> -> memref<8x8x128xf32, #tpu.memory_space<vmem>>
      tpu.wait_dma2 semaphore(%arg20 : memref<!tpu.dma_semaphore, #tpu.memory_space<semaphore_mem>>) src(%dma_wait3A_1125 : memref<8x8x128xf32, #tpu.memory_space<vmem>>) dst(%dma_wait3A_1121 : memref<8x8x128xf32, #tpu.memory_space<hbm>>)
      %scan3A_1126 = arith.constant 0 : i32
      %scan3A_1127 = arith.constant 0 : i32
      %scan3A_1128 = arith.constant 64 : i32
      %scan3A_1129 = arith.addi %scan3A_1127, %scan3A_1128 : i32
      %scan3A_1130 = arith.constant 1 : i32
      %scan3A_1131 = scf.for %scan3A_1343 = %scan3A_1127 to %scan3A_1129 step %scan3A_1130 iter_args(%scan3A_1344 = %scan3A_1126) -> (i32)  : i32 {
        %mul3A_1345 = arith.constant 2 : i32
        %mul3A_1346 = arith.muli %scan3A_1343, %mul3A_1345 : i32
        %add3A_1347 = arith.constant 0 : i32
        %add3A_1348 = arith.addi %mul3A_1346, %add3A_1347 : i32
        %broadcast_in_dim3A = vector.broadcast %add3A_1348 : i32 to vector<16xi32>
        %get3A = arith.index_cast %add3A_1348 : i32 to index
        %get3A_1349 = arith.constant 0 : index
        %get3A_1350 = tpu.vector_load %arg8[%get3A, %get3A_1349] {strides = array<i32>} : memref<128x64xf32, #tpu.memory_space<vmem>>, vector<16xf32>,
        %mul3A_1351 = arith.constant 8.000000e+00 : f32
        %mul3A_1352 = vector.broadcast %mul3A_1351 : f32 to vector<16xf32>
        %mul3A_1353 = arith.mulf %get3A_1350, %mul3A_1352 : vector<16xf32>
        tpu.vector_store_idx %arg12[%select_n3A, %select_n3A_200, %broadcast_in_dim3A], %mul3A_1353 : memref<8x8x129xf32, #tpu.memory_space<vmem>>[vector<16xi32>, vector<16xi32>, vector<16xi32>], vector<16xf32>,
        %get3A_1354 = arith.index_cast %add3A_1348 : i32 to index
        %get3A_1355 = arith.constant 16 : index
        %get3A_1356 = tpu.vector_load %arg8[%get3A_1354, %get3A_1355] {strides = array<i32>} : memref<128x64xf32, #tpu.memory_space<vmem>>, vector<16xf32>,
        %mul3A_1357 = arith.constant 8.000000e+00 : f32
        %mul3A_1358 = vector.broadcast %mul3A_1357 : f32 to vector<16xf32>
        %mul3A_1359 = arith.mulf %get3A_1356, %mul3A_1358 : vector<16xf32>
        tpu.vector_store_idx %arg12[%select_n3A_109, %select_n3A_225, %broadcast_in_dim3A], %mul3A_1359 : memref<8x8x129xf32, #tpu.memory_space<vmem>>[vector<16xi32>, vector<16xi32>, vector<16xi32>], vector<16xf32>,
        %get3A_1360 = arith.index_cast %add3A_1348 : i32 to index
        %get3A_1361 = arith.constant 32 : index
        %get3A_1362 = tpu.vector_load %arg8[%get3A_1360, %get3A_1361] {strides = array<i32>} : memref<128x64xf32, #tpu.memory_space<vmem>>, vector<16xf32>,
        %mul3A_1363 = arith.constant 8.000000e+00 : f32
        %mul3A_1364 = vector.broadcast %mul3A_1363 : f32 to vector<16xf32>
        %mul3A_1365 = arith.mulf %get3A_1362, %mul3A_1364 : vector<16xf32>
        tpu.vector_store_idx %arg12[%select_n3A_143, %select_n3A_250, %broadcast_in_dim3A], %mul3A_1365 : memref<8x8x129xf32, #tpu.memory_space<vmem>>[vector<16xi32>, vector<16xi32>, vector<16xi32>], vector<16xf32>,
        %get3A_1366 = arith.index_cast %add3A_1348 : i32 to index
        %get3A_1367 = arith.constant 48 : index
        %get3A_1368 = tpu.vector_load %arg8[%get3A_1366, %get3A_1367] {strides = array<i32>} : memref<128x64xf32, #tpu.memory_space<vmem>>, vector<16xf32>,
        %mul3A_1369 = arith.constant 8.000000e+00 : f32
        %mul3A_1370 = vector.broadcast %mul3A_1369 : f32 to vector<16xf32>
        %mul3A_1371 = arith.mulf %get3A_1368, %mul3A_1370 : vector<16xf32>
        tpu.vector_store_idx %arg12[%select_n3A_177, %select_n3A_275, %broadcast_in_dim3A], %mul3A_1371 : memref<8x8x129xf32, #tpu.memory_space<vmem>>[vector<16xi32>, vector<16xi32>, vector<16xi32>], vector<16xf32>,
        %mul3A_1372 = arith.constant 2 : i32
        %mul3A_1373 = arith.muli %scan3A_1343, %mul3A_1372 : i32
        %add3A_1374 = arith.constant 1 : i32
        %add3A_1375 = arith.addi %mul3A_1373, %add3A_1374 : i32
        %broadcast_in_dim3A_1376 = vector.broadcast %add3A_1375 : i32 to vector<16xi32>
        %get3A_1377 = arith.index_cast %add3A_1375 : i32 to index
        %get3A_1378 = arith.constant 0 : index
        %get3A_1379 = tpu.vector_load %arg8[%get3A_1377, %get3A_1378] {strides = array<i32>} : memref<128x64xf32, #tpu.memory_space<vmem>>, vector<16xf32>,
        %mul3A_1380 = arith.constant 8.000000e+00 : f32
        %mul3A_1381 = vector.broadcast %mul3A_1380 : f32 to vector<16xf32>
        %mul3A_1382 = arith.mulf %get3A_1379, %mul3A_1381 : vector<16xf32>
        tpu.vector_store_idx %arg12[%select_n3A, %select_n3A_200, %broadcast_in_dim3A_1376], %mul3A_1382 : memref<8x8x129xf32, #tpu.memory_space<vmem>>[vector<16xi32>, vector<16xi32>, vector<16xi32>], vector<16xf32>,
        %get3A_1383 = arith.index_cast %add3A_1375 : i32 to index
        %get3A_1384 = arith.constant 16 : index
        %get3A_1385 = tpu.vector_load %arg8[%get3A_1383, %get3A_1384] {strides = array<i32>} : memref<128x64xf32, #tpu.memory_space<vmem>>, vector<16xf32>,
        %mul3A_1386 = arith.constant 8.000000e+00 : f32
        %mul3A_1387 = vector.broadcast %mul3A_1386 : f32 to vector<16xf32>
        %mul3A_1388 = arith.mulf %get3A_1385, %mul3A_1387 : vector<16xf32>
        tpu.vector_store_idx %arg12[%select_n3A_109, %select_n3A_225, %broadcast_in_dim3A_1376], %mul3A_1388 : memref<8x8x129xf32, #tpu.memory_space<vmem>>[vector<16xi32>, vector<16xi32>, vector<16xi32>], vector<16xf32>,
        %get3A_1389 = arith.index_cast %add3A_1375 : i32 to index
        %get3A_1390 = arith.constant 32 : index
        %get3A_1391 = tpu.vector_load %arg8[%get3A_1389, %get3A_1390] {strides = array<i32>} : memref<128x64xf32, #tpu.memory_space<vmem>>, vector<16xf32>,
        %mul3A_1392 = arith.constant 8.000000e+00 : f32
        %mul3A_1393 = vector.broadcast %mul3A_1392 : f32 to vector<16xf32>
        %mul3A_1394 = arith.mulf %get3A_1391, %mul3A_1393 : vector<16xf32>
        tpu.vector_store_idx %arg12[%select_n3A_143, %select_n3A_250, %broadcast_in_dim3A_1376], %mul3A_1394 : memref<8x8x129xf32, #tpu.memory_space<vmem>>[vector<16xi32>, vector<16xi32>, vector<16xi32>], vector<16xf32>,
        %get3A_1395 = arith.index_cast %add3A_1375 : i32 to index
        %get3A_1396 = arith.constant 48 : index
        %get3A_1397 = tpu.vector_load %arg8[%get3A_1395, %get3A_1396] {strides = array<i32>} : memref<128x64xf32, #tpu.memory_space<vmem>>, vector<16xf32>,
        %mul3A_1398 = arith.constant 8.000000e+00 : f32
        %mul3A_1399 = vector.broadcast %mul3A_1398 : f32 to vector<16xf32>
        %mul3A_1400 = arith.mulf %get3A_1397, %mul3A_1399 : vector<16xf32>
        tpu.vector_store_idx %arg12[%select_n3A_177, %select_n3A_275, %broadcast_in_dim3A_1376], %mul3A_1400 : memref<8x8x129xf32, #tpu.memory_space<vmem>>[vector<16xi32>, vector<16xi32>, vector<16xi32>], vector<16xf32>,
        %scan3A_1401 = arith.constant 0 : i32
        scf.yield %scan3A_1401 : i32
      }
      %scan3A_1132 = arith.constant 64 : i32
      %add3A_1133 = arith.constant 4 : i32
      %add3A_1134 = arith.addi %add3A_1059, %add3A_1133 : i32
      %jit3A_1135 = arith.constant 8 : i32
      %div3A_1136 = arith.divsi %add3A_1134, %jit3A_1135 : i32
      %sign3A_1137 = arith.constant 0 : i32
      %sign3A_1138 = arith.cmpi sgt, %add3A_1134, %sign3A_1137 : i32
      %sign3A_1139 = arith.extui %sign3A_1138 : i1 to i32
      %sign3A_1140 = arith.constant 0 : i32
      %sign3A_1141 = arith.cmpi slt, %add3A_1134, %sign3A_1140 : i32
      %sign3A_1142 = arith.extui %sign3A_1141 : i1 to i32
      %sign3A_1143 = arith.subi %sign3A_1139, %sign3A_1142 : i32
      %sign3A_1144 = arith.constant 0 : i32
      %sign3A_1145 = arith.cmpi sgt, %jit3A_1135, %sign3A_1144 : i32
      %sign3A_1146 = arith.extui %sign3A_1145 : i1 to i32
      %sign3A_1147 = arith.constant 0 : i32
      %sign3A_1148 = arith.cmpi slt, %jit3A_1135, %sign3A_1147 : i32
      %sign3A_1149 = arith.extui %sign3A_1148 : i1 to i32
      %sign3A_1150 = arith.subi %sign3A_1146, %sign3A_1149 : i32
      %ne3A_1151 = arith.cmpi ne, %sign3A_1143, %sign3A_1150 : i32
      %rem3A_1152 = arith.remsi %add3A_1134, %jit3A_1135 : i32
      %ne3A_1153 = arith.constant 0 : i32
      %ne3A_1154 = arith.cmpi ne, %rem3A_1152, %ne3A_1153 : i32
      %and3A_1155 = arith.andi %ne3A_1151, %ne3A_1154 : i1
      %sub3A_1156 = arith.constant 1 : i32
      %sub3A_1157 = arith.subi %div3A_1136, %sub3A_1156 : i32
      %select_n3A_1158 = arith.select %and3A_1155, %sub3A_1157, %div3A_1136 : i32
      %jit3A_1159 = arith.constant 8 : i32
      %eq3A_1160 = arith.constant 0 : i32
      %eq3A_1161 = arith.cmpi eq, %jit3A_1159, %eq3A_1160 : i32
      %jit3A_1162 = arith.constant 1 : i32
      %select_n3A_1163 = arith.select %eq3A_1161, %jit3A_1162, %jit3A_1159 : i32
      %rem3A_1164 = arith.remsi %add3A_1134, %select_n3A_1163 : i32
      %ne3A_1165 = arith.constant 0 : i32
      %ne3A_1166 = arith.cmpi ne, %rem3A_1164, %ne3A_1165 : i32
      %lt3A_1167 = arith.constant 0 : i32
      %lt3A_1168 = arith.cmpi slt, %rem3A_1164, %lt3A_1167 : i32
      %lt3A_1169 = arith.constant 0 : i32
      %lt3A_1170 = arith.cmpi slt, %select_n3A_1163, %lt3A_1169 : i32
      %ne3A_1171 = arith.xori %lt3A_1168, %lt3A_1170 : i1
      %and3A_1172 = arith.andi %ne3A_1171, %ne3A_1166 : i1
      %add3A_1173 = arith.addi %rem3A_1164, %select_n3A_1163 : i32
      %select_n3A_1174 = arith.select %and3A_1172, %add3A_1173, %rem3A_1164 : i32
      %dma_start3A_1175 = arith.constant 0 : i32
      %dma_start3A_1176 = tpu.memref_slice %arg5[%select_n3A_1158, %select_n3A_1174, %dma_start3A_1175] : memref<25x8x128xi32, #tpu.memory_space<vmem>> -> memref<1x1x128xi32, #tpu.memory_space<vmem>>
      %dma_start3A_1177 = tpu.memref_squeeze %dma_start3A_1176 : memref<1x1x128xi32, #tpu.memory_space<vmem>> -> memref<128xi32, #tpu.memory_space<vmem>>
      %dma_start3A_1178 = arith.constant 0 : i32
      %dma_start3A_1179 = arith.constant 0 : i32
      %dma_start3A_1180 = tpu.memref_slice %arg2[%dma_start3A_1178, %dma_start3A_1179] : memref<1000000x64xf32, #tpu.memory_space<hbm>> -> memref<1000000x64xf32, #tpu.memory_space<hbm>>
      tpu.enqueue_indirect_dma source(%dma_start3A_1180 : memref<1000000x64xf32, #tpu.memory_space<hbm>>) target(%arg8 : memref<128x64xf32, #tpu.memory_space<vmem>>) offsets(%dma_start3A_1177 : memref<128xi32, #tpu.memory_space<vmem>>) semaphore(%arg16 : memref<!tpu.dma_semaphore, #tpu.memory_space<semaphore_mem>>)
      %dma_start3A_1181 = arith.constant 0 : i32
      %dma_start3A_1182 = arith.constant 0 : i32
      %dma_start3A_1183 = arith.constant 0 : i32
      %dma_start3A_1184 = tpu.memref_slice %arg12[%dma_start3A_1181, %dma_start3A_1182, %dma_start3A_1183] : memref<8x8x129xf32, #tpu.memory_space<vmem>> -> memref<8x8x128xf32, #tpu.memory_space<vmem>>
      %dma_start3A_1185 = arith.constant 0 : i32
      %dma_start3A_1186 = arith.constant 0 : i32
      %dma_start3A_1187 = arith.constant 0 : i32
      %dma_start3A_1188 = tpu.memref_slice %arg4[%add3A_1059, %dma_start3A_1185, %add3A, %dma_start3A_1186, %dma_start3A_1187] : memref<200x8x32x8x128xf32, #tpu.memory_space<hbm>> -> memref<1x8x1x8x128xf32, #tpu.memory_space<hbm>>
      %dma_start3A_1189 = tpu.memref_squeeze %dma_start3A_1188 : memref<1x8x1x8x128xf32, #tpu.memory_space<hbm>> -> memref<8x8x128xf32, #tpu.memory_space<hbm>>
      %dma_start3A_1190 = arith.constant 0 : i32
      %dma_start3A_1191 = arith.constant 0 : i32
      %dma_start3A_1192 = arith.constant 0 : i32
      %dma_start3A_1193 = tpu.memref_slice %arg4[%add3A_1059, %dma_start3A_1190, %add3A, %dma_start3A_1191, %dma_start3A_1192] : memref<200x8x32x8x128xf32, #tpu.memory_space<hbm>> -> memref<1x8x1x8x128xf32, #tpu.memory_space<hbm>>
      %dma_start3A_1194 = tpu.memref_squeeze %dma_start3A_1193 : memref<1x8x1x8x128xf32, #tpu.memory_space<hbm>> -> memref<8x8x128xf32, #tpu.memory_space<hbm>>
      %dma_start3A_1195 = arith.constant 0 : i32
      %dma_start3A_1196 = arith.constant 0 : i32
      %dma_start3A_1197 = arith.constant 0 : i32
      %dma_start3A_1198 = tpu.memref_slice %arg12[%dma_start3A_1195, %dma_start3A_1196, %dma_start3A_1197] : memref<8x8x129xf32, #tpu.memory_space<vmem>> -> memref<8x8x128xf32, #tpu.memory_space<vmem>>
      tpu.enqueue_dma source(%dma_start3A_1198 : memref<8x8x128xf32, #tpu.memory_space<vmem>>) target(%dma_start3A_1194 : memref<8x8x128xf32, #tpu.memory_space<hbm>>) target_semaphore(%arg20 : memref<!tpu.dma_semaphore, #tpu.memory_space<semaphore_mem>>)
      %mul3A_1199 = arith.constant 4 : i32
      %mul3A_1200 = arith.muli %scan3A_768, %mul3A_1199 : i32
      %add3A_1201 = arith.constant 3 : i32
      %add3A_1202 = arith.addi %mul3A_1200, %add3A_1201 : i32
      %jit3A_1203 = arith.constant 8 : i32
      %div3A_1204 = arith.divsi %add3A_1202, %jit3A_1203 : i32
      %sign3A_1205 = arith.constant 0 : i32
      %sign3A_1206 = arith.cmpi sgt, %add3A_1202, %sign3A_1205 : i32
      %sign3A_1207 = arith.extui %sign3A_1206 : i1 to i32
      %sign3A_1208 = arith.constant 0 : i32
      %sign3A_1209 = arith.cmpi slt, %add3A_1202, %sign3A_1208 : i32
      %sign3A_1210 = arith.extui %sign3A_1209 : i1 to i32
      %sign3A_1211 = arith.subi %sign3A_1207, %sign3A_1210 : i32
      %sign3A_1212 = arith.constant 0 : i32
      %sign3A_1213 = arith.cmpi sgt, %jit3A_1203, %sign3A_1212 : i32
      %sign3A_1214 = arith.extui %sign3A_1213 : i1 to i32
      %sign3A_1215 = arith.constant 0 : i32
      %sign3A_1216 = arith.cmpi slt, %jit3A_1203, %sign3A_1215 : i32
      %sign3A_1217 = arith.extui %sign3A_1216 : i1 to i32
      %sign3A_1218 = arith.subi %sign3A_1214, %sign3A_1217 : i32
      %ne3A_1219 = arith.cmpi ne, %sign3A_1211, %sign3A_1218 : i32
      %rem3A_1220 = arith.remsi %add3A_1202, %jit3A_1203 : i32
      %ne3A_1221 = arith.constant 0 : i32
      %ne3A_1222 = arith.cmpi ne, %rem3A_1220, %ne3A_1221 : i32
      %and3A_1223 = arith.andi %ne3A_1219, %ne3A_1222 : i1
      %sub3A_1224 = arith.constant 1 : i32
      %sub3A_1225 = arith.subi %div3A_1204, %sub3A_1224 : i32
      %select_n3A_1226 = arith.select %and3A_1223, %sub3A_1225, %div3A_1204 : i32
      %jit3A_1227 = arith.constant 8 : i32
      %eq3A_1228 = arith.constant 0 : i32
      %eq3A_1229 = arith.cmpi eq, %jit3A_1227, %eq3A_1228 : i32
      %jit3A_1230 = arith.constant 1 : i32
      %select_n3A_1231 = arith.select %eq3A_1229, %jit3A_1230, %jit3A_1227 : i32
      %rem3A_1232 = arith.remsi %add3A_1202, %select_n3A_1231 : i32
      %ne3A_1233 = arith.constant 0 : i32
      %ne3A_1234 = arith.cmpi ne, %rem3A_1232, %ne3A_1233 : i32
      %lt3A_1235 = arith.constant 0 : i32
      %lt3A_1236 = arith.cmpi slt, %rem3A_1232, %lt3A_1235 : i32
      %lt3A_1237 = arith.constant 0 : i32
      %lt3A_1238 = arith.cmpi slt, %select_n3A_1231, %lt3A_1237 : i32
      %ne3A_1239 = arith.xori %lt3A_1236, %lt3A_1238 : i1
      %and3A_1240 = arith.andi %ne3A_1239, %ne3A_1234 : i1
      %add3A_1241 = arith.addi %rem3A_1232, %select_n3A_1231 : i32
      %select_n3A_1242 = arith.select %and3A_1240, %add3A_1241, %rem3A_1232 : i32
      %dma_wait3A_1243 = arith.constant 0 : i32
      %dma_wait3A_1244 = tpu.memref_slice %arg5[%select_n3A_1226, %select_n3A_1242, %dma_wait3A_1243] : memref<25x8x128xi32, #tpu.memory_space<vmem>> -> memref<1x1x128xi32, #tpu.memory_space<vmem>>
      %dma_wait3A_1245 = tpu.memref_squeeze %dma_wait3A_1244 : memref<1x1x128xi32, #tpu.memory_space<vmem>> -> memref<128xi32, #tpu.memory_space<vmem>>
      %dma_wait3A_1246 = arith.constant 0 : i32
      %dma_wait3A_1247 = arith.constant 0 : i32
      %dma_wait3A_1248 = tpu.memref_slice %arg2[%dma_wait3A_1246, %dma_wait3A_1247] : memref<1000000x64xf32, #tpu.memory_space<hbm>> -> memref<1000000x64xf32, #tpu.memory_space<hbm>>
      tpu.wait_indirect_dma semaphore(%arg17 : memref<!tpu.dma_semaphore, #tpu.memory_space<semaphore_mem>>) src(%dma_wait3A_1248 : memref<1000000x64xf32, #tpu.memory_space<hbm>>) dst(%arg9 : memref<128x64xf32, #tpu.memory_space<vmem>>)
      %sub3A_1249 = arith.constant 4 : i32
      %sub3A_1250 = arith.subi %add3A_1202, %sub3A_1249 : i32
      %dma_wait3A_1251 = arith.constant 0 : i32
      %dma_wait3A_1252 = arith.constant 0 : i32
      %dma_wait3A_1253 = arith.constant 0 : i32
      %dma_wait3A_1254 = tpu.memref_slice %arg13[%dma_wait3A_1251, %dma_wait3A_1252, %dma_wait3A_1253] : memref<8x8x129xf32, #tpu.memory_space<vmem>> -> memref<8x8x128xf32, #tpu.memory_space<vmem>>
      %dma_wait3A_1255 = arith.constant 0 : i32
      %dma_wait3A_1256 = arith.constant 0 : i32
      %dma_wait3A_1257 = arith.constant 0 : i32
      %dma_wait3A_1258 = tpu.memref_slice %arg4[%sub3A_1250, %dma_wait3A_1255, %add3A, %dma_wait3A_1256, %dma_wait3A_1257] : memref<200x8x32x8x128xf32, #tpu.memory_space<hbm>> -> memref<1x8x1x8x128xf32, #tpu.memory_space<hbm>>
      %dma_wait3A_1259 = tpu.memref_squeeze %dma_wait3A_1258 : memref<1x8x1x8x128xf32, #tpu.memory_space<hbm>> -> memref<8x8x128xf32, #tpu.memory_space<hbm>>
      %dma_wait3A_1260 = arith.constant 0 : i32
      %dma_wait3A_1261 = arith.constant 0 : i32
      %dma_wait3A_1262 = arith.constant 0 : i32
      %dma_wait3A_1263 = tpu.memref_slice %arg4[%sub3A_1250, %dma_wait3A_1260, %add3A, %dma_wait3A_1261, %dma_wait3A_1262] : memref<200x8x32x8x128xf32, #tpu.memory_space<hbm>> -> memref<1x8x1x8x128xf32, #tpu.memory_space<hbm>>
      %dma_wait3A_1264 = tpu.memref_squeeze %dma_wait3A_1263 : memref<1x8x1x8x128xf32, #tpu.memory_space<hbm>> -> memref<8x8x128xf32, #tpu.memory_space<hbm>>
      %dma_wait3A_1265 = arith.constant 0 : i32
      %dma_wait3A_1266 = arith.constant 0 : i32
      %dma_wait3A_1267 = arith.constant 0 : i32
      %dma_wait3A_1268 = tpu.memref_slice %arg13[%dma_wait3A_1265, %dma_wait3A_1266, %dma_wait3A_1267] : memref<8x8x129xf32, #tpu.memory_space<vmem>> -> memref<8x8x128xf32, #tpu.memory_space<vmem>>
      tpu.wait_dma2 semaphore(%arg21 : memref<!tpu.dma_semaphore, #tpu.memory_space<semaphore_mem>>) src(%dma_wait3A_1268 : memref<8x8x128xf32, #tpu.memory_space<vmem>>) dst(%dma_wait3A_1264 : memref<8x8x128xf32, #tpu.memory_space<hbm>>)
      %scan3A_1269 = arith.constant 0 : i32
      %scan3A_1270 = arith.constant 0 : i32
      %scan3A_1271 = arith.constant 64 : i32
      %scan3A_1272 = arith.addi %scan3A_1270, %scan3A_1271 : i32
      %scan3A_1273 = arith.constant 1 : i32
      %scan3A_1274 = scf.for %scan3A_1343 = %scan3A_1270 to %scan3A_1272 step %scan3A_1273 iter_args(%scan3A_1344 = %scan3A_1269) -> (i32)  : i32 {
        %mul3A_1345 = arith.constant 2 : i32
        %mul3A_1346 = arith.muli %scan3A_1343, %mul3A_1345 : i32
        %add3A_1347 = arith.constant 0 : i32
        %add3A_1348 = arith.addi %mul3A_1346, %add3A_1347 : i32
        %broadcast_in_dim3A = vector.broadcast %add3A_1348 : i32 to vector<16xi32>
        %get3A = arith.index_cast %add3A_1348 : i32 to index
        %get3A_1349 = arith.constant 0 : index
        %get3A_1350 = tpu.vector_load %arg9[%get3A, %get3A_1349] {strides = array<i32>} : memref<128x64xf32, #tpu.memory_space<vmem>>, vector<16xf32>,
        %mul3A_1351 = arith.constant 8.000000e+00 : f32
        %mul3A_1352 = vector.broadcast %mul3A_1351 : f32 to vector<16xf32>
        %mul3A_1353 = arith.mulf %get3A_1350, %mul3A_1352 : vector<16xf32>
        tpu.vector_store_idx %arg13[%select_n3A, %select_n3A_200, %broadcast_in_dim3A], %mul3A_1353 : memref<8x8x129xf32, #tpu.memory_space<vmem>>[vector<16xi32>, vector<16xi32>, vector<16xi32>], vector<16xf32>,
        %get3A_1354 = arith.index_cast %add3A_1348 : i32 to index
        %get3A_1355 = arith.constant 16 : index
        %get3A_1356 = tpu.vector_load %arg9[%get3A_1354, %get3A_1355] {strides = array<i32>} : memref<128x64xf32, #tpu.memory_space<vmem>>, vector<16xf32>,
        %mul3A_1357 = arith.constant 8.000000e+00 : f32
        %mul3A_1358 = vector.broadcast %mul3A_1357 : f32 to vector<16xf32>
        %mul3A_1359 = arith.mulf %get3A_1356, %mul3A_1358 : vector<16xf32>
        tpu.vector_store_idx %arg13[%select_n3A_109, %select_n3A_225, %broadcast_in_dim3A], %mul3A_1359 : memref<8x8x129xf32, #tpu.memory_space<vmem>>[vector<16xi32>, vector<16xi32>, vector<16xi32>], vector<16xf32>,
        %get3A_1360 = arith.index_cast %add3A_1348 : i32 to index
        %get3A_1361 = arith.constant 32 : index
        %get3A_1362 = tpu.vector_load %arg9[%get3A_1360, %get3A_1361] {strides = array<i32>} : memref<128x64xf32, #tpu.memory_space<vmem>>, vector<16xf32>,
        %mul3A_1363 = arith.constant 8.000000e+00 : f32
        %mul3A_1364 = vector.broadcast %mul3A_1363 : f32 to vector<16xf32>
        %mul3A_1365 = arith.mulf %get3A_1362, %mul3A_1364 : vector<16xf32>
        tpu.vector_store_idx %arg13[%select_n3A_143, %select_n3A_250, %broadcast_in_dim3A], %mul3A_1365 : memref<8x8x129xf32, #tpu.memory_space<vmem>>[vector<16xi32>, vector<16xi32>, vector<16xi32>], vector<16xf32>,
        %get3A_1366 = arith.index_cast %add3A_1348 : i32 to index
        %get3A_1367 = arith.constant 48 : index
        %get3A_1368 = tpu.vector_load %arg9[%get3A_1366, %get3A_1367] {strides = array<i32>} : memref<128x64xf32, #tpu.memory_space<vmem>>, vector<16xf32>,
        %mul3A_1369 = arith.constant 8.000000e+00 : f32
        %mul3A_1370 = vector.broadcast %mul3A_1369 : f32 to vector<16xf32>
        %mul3A_1371 = arith.mulf %get3A_1368, %mul3A_1370 : vector<16xf32>
        tpu.vector_store_idx %arg13[%select_n3A_177, %select_n3A_275, %broadcast_in_dim3A], %mul3A_1371 : memref<8x8x129xf32, #tpu.memory_space<vmem>>[vector<16xi32>, vector<16xi32>, vector<16xi32>], vector<16xf32>,
        %mul3A_1372 = arith.constant 2 : i32
        %mul3A_1373 = arith.muli %scan3A_1343, %mul3A_1372 : i32
        %add3A_1374 = arith.constant 1 : i32
        %add3A_1375 = arith.addi %mul3A_1373, %add3A_1374 : i32
        %broadcast_in_dim3A_1376 = vector.broadcast %add3A_1375 : i32 to vector<16xi32>
        %get3A_1377 = arith.index_cast %add3A_1375 : i32 to index
        %get3A_1378 = arith.constant 0 : index
        %get3A_1379 = tpu.vector_load %arg9[%get3A_1377, %get3A_1378] {strides = array<i32>} : memref<128x64xf32, #tpu.memory_space<vmem>>, vector<16xf32>,
        %mul3A_1380 = arith.constant 8.000000e+00 : f32
        %mul3A_1381 = vector.broadcast %mul3A_1380 : f32 to vector<16xf32>
        %mul3A_1382 = arith.mulf %get3A_1379, %mul3A_1381 : vector<16xf32>
        tpu.vector_store_idx %arg13[%select_n3A, %select_n3A_200, %broadcast_in_dim3A_1376], %mul3A_1382 : memref<8x8x129xf32, #tpu.memory_space<vmem>>[vector<16xi32>, vector<16xi32>, vector<16xi32>], vector<16xf32>,
        %get3A_1383 = arith.index_cast %add3A_1375 : i32 to index
        %get3A_1384 = arith.constant 16 : index
        %get3A_1385 = tpu.vector_load %arg9[%get3A_1383, %get3A_1384] {strides = array<i32>} : memref<128x64xf32, #tpu.memory_space<vmem>>, vector<16xf32>,
        %mul3A_1386 = arith.constant 8.000000e+00 : f32
        %mul3A_1387 = vector.broadcast %mul3A_1386 : f32 to vector<16xf32>
        %mul3A_1388 = arith.mulf %get3A_1385, %mul3A_1387 : vector<16xf32>
        tpu.vector_store_idx %arg13[%select_n3A_109, %select_n3A_225, %broadcast_in_dim3A_1376], %mul3A_1388 : memref<8x8x129xf32, #tpu.memory_space<vmem>>[vector<16xi32>, vector<16xi32>, vector<16xi32>], vector<16xf32>,
        %get3A_1389 = arith.index_cast %add3A_1375 : i32 to index
        %get3A_1390 = arith.constant 32 : index
        %get3A_1391 = tpu.vector_load %arg9[%get3A_1389, %get3A_1390] {strides = array<i32>} : memref<128x64xf32, #tpu.memory_space<vmem>>, vector<16xf32>,
        %mul3A_1392 = arith.constant 8.000000e+00 : f32
        %mul3A_1393 = vector.broadcast %mul3A_1392 : f32 to vector<16xf32>
        %mul3A_1394 = arith.mulf %get3A_1391, %mul3A_1393 : vector<16xf32>
        tpu.vector_store_idx %arg13[%select_n3A_143, %select_n3A_250, %broadcast_in_dim3A_1376], %mul3A_1394 : memref<8x8x129xf32, #tpu.memory_space<vmem>>[vector<16xi32>, vector<16xi32>, vector<16xi32>], vector<16xf32>,
        %get3A_1395 = arith.index_cast %add3A_1375 : i32 to index
        %get3A_1396 = arith.constant 48 : index
        %get3A_1397 = tpu.vector_load %arg9[%get3A_1395, %get3A_1396] {strides = array<i32>} : memref<128x64xf32, #tpu.memory_space<vmem>>, vector<16xf32>,
        %mul3A_1398 = arith.constant 8.000000e+00 : f32
        %mul3A_1399 = vector.broadcast %mul3A_1398 : f32 to vector<16xf32>
        %mul3A_1400 = arith.mulf %get3A_1397, %mul3A_1399 : vector<16xf32>
        tpu.vector_store_idx %arg13[%select_n3A_177, %select_n3A_275, %broadcast_in_dim3A_1376], %mul3A_1400 : memref<8x8x129xf32, #tpu.memory_space<vmem>>[vector<16xi32>, vector<16xi32>, vector<16xi32>], vector<16xf32>,
        %scan3A_1401 = arith.constant 0 : i32
        scf.yield %scan3A_1401 : i32
      }
      %scan3A_1275 = arith.constant 64 : i32
      %add3A_1276 = arith.constant 4 : i32
      %add3A_1277 = arith.addi %add3A_1202, %add3A_1276 : i32
      %jit3A_1278 = arith.constant 8 : i32
      %div3A_1279 = arith.divsi %add3A_1277, %jit3A_1278 : i32
      %sign3A_1280 = arith.constant 0 : i32
      %sign3A_1281 = arith.cmpi sgt, %add3A_1277, %sign3A_1280 : i32
      %sign3A_1282 = arith.extui %sign3A_1281 : i1 to i32
      %sign3A_1283 = arith.constant 0 : i32
      %sign3A_1284 = arith.cmpi slt, %add3A_1277, %sign3A_1283 : i32
      %sign3A_1285 = arith.extui %sign3A_1284 : i1 to i32
      %sign3A_1286 = arith.subi %sign3A_1282, %sign3A_1285 : i32
      %sign3A_1287 = arith.constant 0 : i32
      %sign3A_1288 = arith.cmpi sgt, %jit3A_1278, %sign3A_1287 : i32
      %sign3A_1289 = arith.extui %sign3A_1288 : i1 to i32
      %sign3A_1290 = arith.constant 0 : i32
      %sign3A_1291 = arith.cmpi slt, %jit3A_1278, %sign3A_1290 : i32
      %sign3A_1292 = arith.extui %sign3A_1291 : i1 to i32
      %sign3A_1293 = arith.subi %sign3A_1289, %sign3A_1292 : i32
      %ne3A_1294 = arith.cmpi ne, %sign3A_1286, %sign3A_1293 : i32
      %rem3A_1295 = arith.remsi %add3A_1277, %jit3A_1278 : i32
      %ne3A_1296 = arith.constant 0 : i32
      %ne3A_1297 = arith.cmpi ne, %rem3A_1295, %ne3A_1296 : i32
      %and3A_1298 = arith.andi %ne3A_1294, %ne3A_1297 : i1
      %sub3A_1299 = arith.constant 1 : i32
      %sub3A_1300 = arith.subi %div3A_1279, %sub3A_1299 : i32
      %select_n3A_1301 = arith.select %and3A_1298, %sub3A_1300, %div3A_1279 : i32
      %jit3A_1302 = arith.constant 8 : i32
      %eq3A_1303 = arith.constant 0 : i32
      %eq3A_1304 = arith.cmpi eq, %jit3A_1302, %eq3A_1303 : i32
      %jit3A_1305 = arith.constant 1 : i32
      %select_n3A_1306 = arith.select %eq3A_1304, %jit3A_1305, %jit3A_1302 : i32
      %rem3A_1307 = arith.remsi %add3A_1277, %select_n3A_1306 : i32
      %ne3A_1308 = arith.constant 0 : i32
      %ne3A_1309 = arith.cmpi ne, %rem3A_1307, %ne3A_1308 : i32
      %lt3A_1310 = arith.constant 0 : i32
      %lt3A_1311 = arith.cmpi slt, %rem3A_1307, %lt3A_1310 : i32
      %lt3A_1312 = arith.constant 0 : i32
      %lt3A_1313 = arith.cmpi slt, %select_n3A_1306, %lt3A_1312 : i32
      %ne3A_1314 = arith.xori %lt3A_1311, %lt3A_1313 : i1
      %and3A_1315 = arith.andi %ne3A_1314, %ne3A_1309 : i1
      %add3A_1316 = arith.addi %rem3A_1307, %select_n3A_1306 : i32
      %select_n3A_1317 = arith.select %and3A_1315, %add3A_1316, %rem3A_1307 : i32
      %dma_start3A_1318 = arith.constant 0 : i32
      %dma_start3A_1319 = tpu.memref_slice %arg5[%select_n3A_1301, %select_n3A_1317, %dma_start3A_1318] : memref<25x8x128xi32, #tpu.memory_space<vmem>> -> memref<1x1x128xi32, #tpu.memory_space<vmem>>
      %dma_start3A_1320 = tpu.memref_squeeze %dma_start3A_1319 : memref<1x1x128xi32, #tpu.memory_space<vmem>> -> memref<128xi32, #tpu.memory_space<vmem>>
      %dma_start3A_1321 = arith.constant 0 : i32
      %dma_start3A_1322 = arith.constant 0 : i32
      %dma_start3A_1323 = tpu.memref_slice %arg2[%dma_start3A_1321, %dma_start3A_1322] : memref<1000000x64xf32, #tpu.memory_space<hbm>> -> memref<1000000x64xf32, #tpu.memory_space<hbm>>
      tpu.enqueue_indirect_dma source(%dma_start3A_1323 : memref<1000000x64xf32, #tpu.memory_space<hbm>>) target(%arg9 : memref<128x64xf32, #tpu.memory_space<vmem>>) offsets(%dma_start3A_1320 : memref<128xi32, #tpu.memory_space<vmem>>) semaphore(%arg17 : memref<!tpu.dma_semaphore, #tpu.memory_space<semaphore_mem>>)
      %dma_start3A_1324 = arith.constant 0 : i32
      %dma_start3A_1325 = arith.constant 0 : i32
      %dma_start3A_1326 = arith.constant 0 : i32
      %dma_start3A_1327 = tpu.memref_slice %arg13[%dma_start3A_1324, %dma_start3A_1325, %dma_start3A_1326] : memref<8x8x129xf32, #tpu.memory_space<vmem>> -> memref<8x8x128xf32, #tpu.memory_space<vmem>>
      %dma_start3A_1328 = arith.constant 0 : i32
      %dma_start3A_1329 = arith.constant 0 : i32
      %dma_start3A_1330 = arith.constant 0 : i32
      %dma_start3A_1331 = tpu.memref_slice %arg4[%add3A_1202, %dma_start3A_1328, %add3A, %dma_start3A_1329, %dma_start3A_1330] : memref<200x8x32x8x128xf32, #tpu.memory_space<hbm>> -> memref<1x8x1x8x128xf32, #tpu.memory_space<hbm>>
      %dma_start3A_1332 = tpu.memref_squeeze %dma_start3A_1331 : memref<1x8x1x8x128xf32, #tpu.memory_space<hbm>> -> memref<8x8x128xf32, #tpu.memory_space<hbm>>
      %dma_start3A_1333 = arith.constant 0 : i32
      %dma_start3A_1334 = arith.constant 0 : i32
      %dma_start3A_1335 = arith.constant 0 : i32
      %dma_start3A_1336 = tpu.memref_slice %arg4[%add3A_1202, %dma_start3A_1333, %add3A, %dma_start3A_1334, %dma_start3A_1335] : memref<200x8x32x8x128xf32, #tpu.memory_space<hbm>> -> memref<1x8x1x8x128xf32, #tpu.memory_space<hbm>>
      %dma_start3A_1337 = tpu.memref_squeeze %dma_start3A_1336 : memref<1x8x1x8x128xf32, #tpu.memory_space<hbm>> -> memref<8x8x128xf32, #tpu.memory_space<hbm>>
      %dma_start3A_1338 = arith.constant 0 : i32
      %dma_start3A_1339 = arith.constant 0 : i32
      %dma_start3A_1340 = arith.constant 0 : i32
      %dma_start3A_1341 = tpu.memref_slice %arg13[%dma_start3A_1338, %dma_start3A_1339, %dma_start3A_1340] : memref<8x8x129xf32, #tpu.memory_space<vmem>> -> memref<8x8x128xf32, #tpu.memory_space<vmem>>
      tpu.enqueue_dma source(%dma_start3A_1341 : memref<8x8x128xf32, #tpu.memory_space<vmem>>) target(%dma_start3A_1337 : memref<8x8x128xf32, #tpu.memory_space<hbm>>) target_semaphore(%arg21 : memref<!tpu.dma_semaphore, #tpu.memory_space<semaphore_mem>>)
      %scan3A_1342 = arith.constant 0 : i32
      scf.yield %scan3A_1342 : i32
    }
    %scan3A_479 = arith.constant 48 : i32
    %dma_wait3A_480 = arith.constant 24 : i32
    %dma_wait3A_481 = arith.constant 4 : i32
    %dma_wait3A_482 = arith.constant 0 : i32
    %dma_wait3A_483 = tpu.memref_slice %arg5[%dma_wait3A_480, %dma_wait3A_481, %dma_wait3A_482] : memref<25x8x128xi32, #tpu.memory_space<vmem>> -> memref<1x1x128xi32, #tpu.memory_space<vmem>>
    %dma_wait3A_484 = tpu.memref_squeeze %dma_wait3A_483 : memref<1x1x128xi32, #tpu.memory_space<vmem>> -> memref<128xi32, #tpu.memory_space<vmem>>
    %dma_wait3A_485 = arith.constant 0 : i32
    %dma_wait3A_486 = arith.constant 0 : i32
    %dma_wait3A_487 = tpu.memref_slice %arg2[%dma_wait3A_485, %dma_wait3A_486] : memref<1000000x64xf32, #tpu.memory_space<hbm>> -> memref<1000000x64xf32, #tpu.memory_space<hbm>>
    tpu.wait_indirect_dma semaphore(%arg14 : memref<!tpu.dma_semaphore, #tpu.memory_space<semaphore_mem>>) src(%dma_wait3A_487 : memref<1000000x64xf32, #tpu.memory_space<hbm>>) dst(%arg6 : memref<128x64xf32, #tpu.memory_space<vmem>>)
    %dma_wait3A_488 = arith.constant 192 : i32
    %dma_wait3A_489 = arith.constant 0 : i32
    %dma_wait3A_490 = arith.constant 0 : i32
    %dma_wait3A_491 = arith.constant 0 : i32
    %dma_wait3A_492 = tpu.memref_slice %arg10[%dma_wait3A_489, %dma_wait3A_490, %dma_wait3A_491] : memref<8x8x129xf32, #tpu.memory_space<vmem>> -> memref<8x8x128xf32, #tpu.memory_space<vmem>>
    %dma_wait3A_493 = arith.constant 0 : i32
    %dma_wait3A_494 = arith.constant 0 : i32
    %dma_wait3A_495 = arith.constant 0 : i32
    %dma_wait3A_496 = tpu.memref_slice %arg4[%dma_wait3A_488, %dma_wait3A_493, %add3A, %dma_wait3A_494, %dma_wait3A_495] : memref<200x8x32x8x128xf32, #tpu.memory_space<hbm>> -> memref<1x8x1x8x128xf32, #tpu.memory_space<hbm>>
    %dma_wait3A_497 = tpu.memref_squeeze %dma_wait3A_496 : memref<1x8x1x8x128xf32, #tpu.memory_space<hbm>> -> memref<8x8x128xf32, #tpu.memory_space<hbm>>
    %dma_wait3A_498 = arith.constant 0 : i32
    %dma_wait3A_499 = arith.constant 0 : i32
    %dma_wait3A_500 = arith.constant 0 : i32
    %dma_wait3A_501 = tpu.memref_slice %arg4[%dma_wait3A_488, %dma_wait3A_498, %add3A, %dma_wait3A_499, %dma_wait3A_500] : memref<200x8x32x8x128xf32, #tpu.memory_space<hbm>> -> memref<1x8x1x8x128xf32, #tpu.memory_space<hbm>>
    %dma_wait3A_502 = tpu.memref_squeeze %dma_wait3A_501 : memref<1x8x1x8x128xf32, #tpu.memory_space<hbm>> -> memref<8x8x128xf32, #tpu.memory_space<hbm>>
    %dma_wait3A_503 = arith.constant 0 : i32
    %dma_wait3A_504 = arith.constant 0 : i32
    %dma_wait3A_505 = arith.constant 0 : i32
    %dma_wait3A_506 = tpu.memref_slice %arg10[%dma_wait3A_503, %dma_wait3A_504, %dma_wait3A_505] : memref<8x8x129xf32, #tpu.memory_space<vmem>> -> memref<8x8x128xf32, #tpu.memory_space<vmem>>
    tpu.wait_dma2 semaphore(%arg18 : memref<!tpu.dma_semaphore, #tpu.memory_space<semaphore_mem>>) src(%dma_wait3A_506 : memref<8x8x128xf32, #tpu.memory_space<vmem>>) dst(%dma_wait3A_502 : memref<8x8x128xf32, #tpu.memory_space<hbm>>)
    %scan3A_507 = arith.constant 0 : i32
    %scan3A_508 = arith.constant 0 : i32
    %scan3A_509 = arith.constant 64 : i32
    %scan3A_510 = arith.addi %scan3A_508, %scan3A_509 : i32
    %scan3A_511 = arith.constant 1 : i32
    %scan3A_512 = scf.for %scan3A_768 = %scan3A_508 to %scan3A_510 step %scan3A_511 iter_args(%scan3A_769 = %scan3A_507) -> (i32)  : i32 {
      %mul3A_770 = arith.constant 2 : i32
      %mul3A_771 = arith.muli %scan3A_768, %mul3A_770 : i32
      %add3A_772 = arith.constant 0 : i32
      %add3A_773 = arith.addi %mul3A_771, %add3A_772 : i32
      %broadcast_in_dim3A = vector.broadcast %add3A_773 : i32 to vector<16xi32>
      %get3A = arith.index_cast %add3A_773 : i32 to index
      %get3A_774 = arith.constant 0 : index
      %get3A_775 = tpu.vector_load %arg6[%get3A, %get3A_774] {strides = array<i32>} : memref<128x64xf32, #tpu.memory_space<vmem>>, vector<16xf32>,
      %mul3A_776 = arith.constant 8.000000e+00 : f32
      %mul3A_777 = vector.broadcast %mul3A_776 : f32 to vector<16xf32>
      %mul3A_778 = arith.mulf %get3A_775, %mul3A_777 : vector<16xf32>
      tpu.vector_store_idx %arg10[%select_n3A, %select_n3A_200, %broadcast_in_dim3A], %mul3A_778 : memref<8x8x129xf32, #tpu.memory_space<vmem>>[vector<16xi32>, vector<16xi32>, vector<16xi32>], vector<16xf32>,
      %get3A_779 = arith.index_cast %add3A_773 : i32 to index
      %get3A_780 = arith.constant 16 : index
      %get3A_781 = tpu.vector_load %arg6[%get3A_779, %get3A_780] {strides = array<i32>} : memref<128x64xf32, #tpu.memory_space<vmem>>, vector<16xf32>,
      %mul3A_782 = arith.constant 8.000000e+00 : f32
      %mul3A_783 = vector.broadcast %mul3A_782 : f32 to vector<16xf32>
      %mul3A_784 = arith.mulf %get3A_781, %mul3A_783 : vector<16xf32>
      tpu.vector_store_idx %arg10[%select_n3A_109, %select_n3A_225, %broadcast_in_dim3A], %mul3A_784 : memref<8x8x129xf32, #tpu.memory_space<vmem>>[vector<16xi32>, vector<16xi32>, vector<16xi32>], vector<16xf32>,
      %get3A_785 = arith.index_cast %add3A_773 : i32 to index
      %get3A_786 = arith.constant 32 : index
      %get3A_787 = tpu.vector_load %arg6[%get3A_785, %get3A_786] {strides = array<i32>} : memref<128x64xf32, #tpu.memory_space<vmem>>, vector<16xf32>,
      %mul3A_788 = arith.constant 8.000000e+00 : f32
      %mul3A_789 = vector.broadcast %mul3A_788 : f32 to vector<16xf32>
      %mul3A_790 = arith.mulf %get3A_787, %mul3A_789 : vector<16xf32>
      tpu.vector_store_idx %arg10[%select_n3A_143, %select_n3A_250, %broadcast_in_dim3A], %mul3A_790 : memref<8x8x129xf32, #tpu.memory_space<vmem>>[vector<16xi32>, vector<16xi32>, vector<16xi32>], vector<16xf32>,
      %get3A_791 = arith.index_cast %add3A_773 : i32 to index
      %get3A_792 = arith.constant 48 : index
      %get3A_793 = tpu.vector_load %arg6[%get3A_791, %get3A_792] {strides = array<i32>} : memref<128x64xf32, #tpu.memory_space<vmem>>, vector<16xf32>,
      %mul3A_794 = arith.constant 8.000000e+00 : f32
      %mul3A_795 = vector.broadcast %mul3A_794 : f32 to vector<16xf32>
      %mul3A_796 = arith.mulf %get3A_793, %mul3A_795 : vector<16xf32>
      tpu.vector_store_idx %arg10[%select_n3A_177, %select_n3A_275, %broadcast_in_dim3A], %mul3A_796 : memref<8x8x129xf32, #tpu.memory_space<vmem>>[vector<16xi32>, vector<16xi32>, vector<16xi32>], vector<16xf32>,
      %mul3A_797 = arith.constant 2 : i32
      %mul3A_798 = arith.muli %scan3A_768, %mul3A_797 : i32
      %add3A_799 = arith.constant 1 : i32
      %add3A_800 = arith.addi %mul3A_798, %add3A_799 : i32
      %broadcast_in_dim3A_801 = vector.broadcast %add3A_800 : i32 to vector<16xi32>
      %get3A_802 = arith.index_cast %add3A_800 : i32 to index
      %get3A_803 = arith.constant 0 : index
      %get3A_804 = tpu.vector_load %arg6[%get3A_802, %get3A_803] {strides = array<i32>} : memref<128x64xf32, #tpu.memory_space<vmem>>, vector<16xf32>,
      %mul3A_805 = arith.constant 8.000000e+00 : f32
      %mul3A_806 = vector.broadcast %mul3A_805 : f32 to vector<16xf32>
      %mul3A_807 = arith.mulf %get3A_804, %mul3A_806 : vector<16xf32>
      tpu.vector_store_idx %arg10[%select_n3A, %select_n3A_200, %broadcast_in_dim3A_801], %mul3A_807 : memref<8x8x129xf32, #tpu.memory_space<vmem>>[vector<16xi32>, vector<16xi32>, vector<16xi32>], vector<16xf32>,
      %get3A_808 = arith.index_cast %add3A_800 : i32 to index
      %get3A_809 = arith.constant 16 : index
      %get3A_810 = tpu.vector_load %arg6[%get3A_808, %get3A_809] {strides = array<i32>} : memref<128x64xf32, #tpu.memory_space<vmem>>, vector<16xf32>,
      %mul3A_811 = arith.constant 8.000000e+00 : f32
      %mul3A_812 = vector.broadcast %mul3A_811 : f32 to vector<16xf32>
      %mul3A_813 = arith.mulf %get3A_810, %mul3A_812 : vector<16xf32>
      tpu.vector_store_idx %arg10[%select_n3A_109, %select_n3A_225, %broadcast_in_dim3A_801], %mul3A_813 : memref<8x8x129xf32, #tpu.memory_space<vmem>>[vector<16xi32>, vector<16xi32>, vector<16xi32>], vector<16xf32>,
      %get3A_814 = arith.index_cast %add3A_800 : i32 to index
      %get3A_815 = arith.constant 32 : index
      %get3A_816 = tpu.vector_load %arg6[%get3A_814, %get3A_815] {strides = array<i32>} : memref<128x64xf32, #tpu.memory_space<vmem>>, vector<16xf32>,
      %mul3A_817 = arith.constant 8.000000e+00 : f32
      %mul3A_818 = vector.broadcast %mul3A_817 : f32 to vector<16xf32>
      %mul3A_819 = arith.mulf %get3A_816, %mul3A_818 : vector<16xf32>
      tpu.vector_store_idx %arg10[%select_n3A_143, %select_n3A_250, %broadcast_in_dim3A_801], %mul3A_819 : memref<8x8x129xf32, #tpu.memory_space<vmem>>[vector<16xi32>, vector<16xi32>, vector<16xi32>], vector<16xf32>,
      %get3A_820 = arith.index_cast %add3A_800 : i32 to index
      %get3A_821 = arith.constant 48 : index
      %get3A_822 = tpu.vector_load %arg6[%get3A_820, %get3A_821] {strides = array<i32>} : memref<128x64xf32, #tpu.memory_space<vmem>>, vector<16xf32>,
      %mul3A_823 = arith.constant 8.000000e+00 : f32
      %mul3A_824 = vector.broadcast %mul3A_823 : f32 to vector<16xf32>
      %mul3A_825 = arith.mulf %get3A_822, %mul3A_824 : vector<16xf32>
      tpu.vector_store_idx %arg10[%select_n3A_177, %select_n3A_275, %broadcast_in_dim3A_801], %mul3A_825 : memref<8x8x129xf32, #tpu.memory_space<vmem>>[vector<16xi32>, vector<16xi32>, vector<16xi32>], vector<16xf32>,
      %scan3A_826 = arith.constant 0 : i32
      scf.yield %scan3A_826 : i32
    }
    %scan3A_513 = arith.constant 64 : i32
    %dma_start3A_514 = arith.constant 196 : i32
    %dma_start3A_515 = arith.constant 0 : i32
    %dma_start3A_516 = arith.constant 0 : i32
    %dma_start3A_517 = arith.constant 0 : i32
    %dma_start3A_518 = tpu.memref_slice %arg10[%dma_start3A_515, %dma_start3A_516, %dma_start3A_517] : memref<8x8x129xf32, #tpu.memory_space<vmem>> -> memref<8x8x128xf32, #tpu.memory_space<vmem>>
    %dma_start3A_519 = arith.constant 0 : i32
    %dma_start3A_520 = arith.constant 0 : i32
    %dma_start3A_521 = arith.constant 0 : i32
    %dma_start3A_522 = tpu.memref_slice %arg4[%dma_start3A_514, %dma_start3A_519, %add3A, %dma_start3A_520, %dma_start3A_521] : memref<200x8x32x8x128xf32, #tpu.memory_space<hbm>> -> memref<1x8x1x8x128xf32, #tpu.memory_space<hbm>>
    %dma_start3A_523 = tpu.memref_squeeze %dma_start3A_522 : memref<1x8x1x8x128xf32, #tpu.memory_space<hbm>> -> memref<8x8x128xf32, #tpu.memory_space<hbm>>
    %dma_start3A_524 = arith.constant 0 : i32
    %dma_start3A_525 = arith.constant 0 : i32
    %dma_start3A_526 = arith.constant 0 : i32
    %dma_start3A_527 = tpu.memref_slice %arg4[%dma_start3A_514, %dma_start3A_524, %add3A, %dma_start3A_525, %dma_start3A_526] : memref<200x8x32x8x128xf32, #tpu.memory_space<hbm>> -> memref<1x8x1x8x128xf32, #tpu.memory_space<hbm>>
    %dma_start3A_528 = tpu.memref_squeeze %dma_start3A_527 : memref<1x8x1x8x128xf32, #tpu.memory_space<hbm>> -> memref<8x8x128xf32, #tpu.memory_space<hbm>>
    %dma_start3A_529 = arith.constant 0 : i32
    %dma_start3A_530 = arith.constant 0 : i32
    %dma_start3A_531 = arith.constant 0 : i32
    %dma_start3A_532 = tpu.memref_slice %arg10[%dma_start3A_529, %dma_start3A_530, %dma_start3A_531] : memref<8x8x129xf32, #tpu.memory_space<vmem>> -> memref<8x8x128xf32, #tpu.memory_space<vmem>>
    tpu.enqueue_dma source(%dma_start3A_532 : memref<8x8x128xf32, #tpu.memory_space<vmem>>) target(%dma_start3A_528 : memref<8x8x128xf32, #tpu.memory_space<hbm>>) target_semaphore(%arg18 : memref<!tpu.dma_semaphore, #tpu.memory_space<semaphore_mem>>)
    %dma_wait3A_533 = arith.constant 24 : i32
    %dma_wait3A_534 = arith.constant 5 : i32
    %dma_wait3A_535 = arith.constant 0 : i32
    %dma_wait3A_536 = tpu.memref_slice %arg5[%dma_wait3A_533, %dma_wait3A_534, %dma_wait3A_535] : memref<25x8x128xi32, #tpu.memory_space<vmem>> -> memref<1x1x128xi32, #tpu.memory_space<vmem>>
    %dma_wait3A_537 = tpu.memref_squeeze %dma_wait3A_536 : memref<1x1x128xi32, #tpu.memory_space<vmem>> -> memref<128xi32, #tpu.memory_space<vmem>>
    %dma_wait3A_538 = arith.constant 0 : i32
    %dma_wait3A_539 = arith.constant 0 : i32
    %dma_wait3A_540 = tpu.memref_slice %arg2[%dma_wait3A_538, %dma_wait3A_539] : memref<1000000x64xf32, #tpu.memory_space<hbm>> -> memref<1000000x64xf32, #tpu.memory_space<hbm>>
    tpu.wait_indirect_dma semaphore(%arg15 : memref<!tpu.dma_semaphore, #tpu.memory_space<semaphore_mem>>) src(%dma_wait3A_540 : memref<1000000x64xf32, #tpu.memory_space<hbm>>) dst(%arg7 : memref<128x64xf32, #tpu.memory_space<vmem>>)
    %dma_wait3A_541 = arith.constant 193 : i32
    %dma_wait3A_542 = arith.constant 0 : i32
    %dma_wait3A_543 = arith.constant 0 : i32
    %dma_wait3A_544 = arith.constant 0 : i32
    %dma_wait3A_545 = tpu.memref_slice %arg11[%dma_wait3A_542, %dma_wait3A_543, %dma_wait3A_544] : memref<8x8x129xf32, #tpu.memory_space<vmem>> -> memref<8x8x128xf32, #tpu.memory_space<vmem>>
    %dma_wait3A_546 = arith.constant 0 : i32
    %dma_wait3A_547 = arith.constant 0 : i32
    %dma_wait3A_548 = arith.constant 0 : i32
    %dma_wait3A_549 = tpu.memref_slice %arg4[%dma_wait3A_541, %dma_wait3A_546, %add3A, %dma_wait3A_547, %dma_wait3A_548] : memref<200x8x32x8x128xf32, #tpu.memory_space<hbm>> -> memref<1x8x1x8x128xf32, #tpu.memory_space<hbm>>
    %dma_wait3A_550 = tpu.memref_squeeze %dma_wait3A_549 : memref<1x8x1x8x128xf32, #tpu.memory_space<hbm>> -> memref<8x8x128xf32, #tpu.memory_space<hbm>>
    %dma_wait3A_551 = arith.constant 0 : i32
    %dma_wait3A_552 = arith.constant 0 : i32
    %dma_wait3A_553 = arith.constant 0 : i32
    %dma_wait3A_554 = tpu.memref_slice %arg4[%dma_wait3A_541, %dma_wait3A_551, %add3A, %dma_wait3A_552, %dma_wait3A_553] : memref<200x8x32x8x128xf32, #tpu.memory_space<hbm>> -> memref<1x8x1x8x128xf32, #tpu.memory_space<hbm>>
    %dma_wait3A_555 = tpu.memref_squeeze %dma_wait3A_554 : memref<1x8x1x8x128xf32, #tpu.memory_space<hbm>> -> memref<8x8x128xf32, #tpu.memory_space<hbm>>
    %dma_wait3A_556 = arith.constant 0 : i32
    %dma_wait3A_557 = arith.constant 0 : i32
    %dma_wait3A_558 = arith.constant 0 : i32
    %dma_wait3A_559 = tpu.memref_slice %arg11[%dma_wait3A_556, %dma_wait3A_557, %dma_wait3A_558] : memref<8x8x129xf32, #tpu.memory_space<vmem>> -> memref<8x8x128xf32, #tpu.memory_space<vmem>>
    tpu.wait_dma2 semaphore(%arg19 : memref<!tpu.dma_semaphore, #tpu.memory_space<semaphore_mem>>) src(%dma_wait3A_559 : memref<8x8x128xf32, #tpu.memory_space<vmem>>) dst(%dma_wait3A_555 : memref<8x8x128xf32, #tpu.memory_space<hbm>>)
    %scan3A_560 = arith.constant 0 : i32
    %scan3A_561 = arith.constant 0 : i32
    %scan3A_562 = arith.constant 64 : i32
    %scan3A_563 = arith.addi %scan3A_561, %scan3A_562 : i32
    %scan3A_564 = arith.constant 1 : i32
    %scan3A_565 = scf.for %scan3A_768 = %scan3A_561 to %scan3A_563 step %scan3A_564 iter_args(%scan3A_769 = %scan3A_560) -> (i32)  : i32 {
      %mul3A_770 = arith.constant 2 : i32
      %mul3A_771 = arith.muli %scan3A_768, %mul3A_770 : i32
      %add3A_772 = arith.constant 0 : i32
      %add3A_773 = arith.addi %mul3A_771, %add3A_772 : i32
      %broadcast_in_dim3A = vector.broadcast %add3A_773 : i32 to vector<16xi32>
      %get3A = arith.index_cast %add3A_773 : i32 to index
      %get3A_774 = arith.constant 0 : index
      %get3A_775 = tpu.vector_load %arg7[%get3A, %get3A_774] {strides = array<i32>} : memref<128x64xf32, #tpu.memory_space<vmem>>, vector<16xf32>,
      %mul3A_776 = arith.constant 8.000000e+00 : f32
      %mul3A_777 = vector.broadcast %mul3A_776 : f32 to vector<16xf32>
      %mul3A_778 = arith.mulf %get3A_775, %mul3A_777 : vector<16xf32>
      tpu.vector_store_idx %arg11[%select_n3A, %select_n3A_200, %broadcast_in_dim3A], %mul3A_778 : memref<8x8x129xf32, #tpu.memory_space<vmem>>[vector<16xi32>, vector<16xi32>, vector<16xi32>], vector<16xf32>,
      %get3A_779 = arith.index_cast %add3A_773 : i32 to index
      %get3A_780 = arith.constant 16 : index
      %get3A_781 = tpu.vector_load %arg7[%get3A_779, %get3A_780] {strides = array<i32>} : memref<128x64xf32, #tpu.memory_space<vmem>>, vector<16xf32>,
      %mul3A_782 = arith.constant 8.000000e+00 : f32
      %mul3A_783 = vector.broadcast %mul3A_782 : f32 to vector<16xf32>
      %mul3A_784 = arith.mulf %get3A_781, %mul3A_783 : vector<16xf32>
      tpu.vector_store_idx %arg11[%select_n3A_109, %select_n3A_225, %broadcast_in_dim3A], %mul3A_784 : memref<8x8x129xf32, #tpu.memory_space<vmem>>[vector<16xi32>, vector<16xi32>, vector<16xi32>], vector<16xf32>,
      %get3A_785 = arith.index_cast %add3A_773 : i32 to index
      %get3A_786 = arith.constant 32 : index
      %get3A_787 = tpu.vector_load %arg7[%get3A_785, %get3A_786] {strides = array<i32>} : memref<128x64xf32, #tpu.memory_space<vmem>>, vector<16xf32>,
      %mul3A_788 = arith.constant 8.000000e+00 : f32
      %mul3A_789 = vector.broadcast %mul3A_788 : f32 to vector<16xf32>
      %mul3A_790 = arith.mulf %get3A_787, %mul3A_789 : vector<16xf32>
      tpu.vector_store_idx %arg11[%select_n3A_143, %select_n3A_250, %broadcast_in_dim3A], %mul3A_790 : memref<8x8x129xf32, #tpu.memory_space<vmem>>[vector<16xi32>, vector<16xi32>, vector<16xi32>], vector<16xf32>,
      %get3A_791 = arith.index_cast %add3A_773 : i32 to index
      %get3A_792 = arith.constant 48 : index
      %get3A_793 = tpu.vector_load %arg7[%get3A_791, %get3A_792] {strides = array<i32>} : memref<128x64xf32, #tpu.memory_space<vmem>>, vector<16xf32>,
      %mul3A_794 = arith.constant 8.000000e+00 : f32
      %mul3A_795 = vector.broadcast %mul3A_794 : f32 to vector<16xf32>
      %mul3A_796 = arith.mulf %get3A_793, %mul3A_795 : vector<16xf32>
      tpu.vector_store_idx %arg11[%select_n3A_177, %select_n3A_275, %broadcast_in_dim3A], %mul3A_796 : memref<8x8x129xf32, #tpu.memory_space<vmem>>[vector<16xi32>, vector<16xi32>, vector<16xi32>], vector<16xf32>,
      %mul3A_797 = arith.constant 2 : i32
      %mul3A_798 = arith.muli %scan3A_768, %mul3A_797 : i32
      %add3A_799 = arith.constant 1 : i32
      %add3A_800 = arith.addi %mul3A_798, %add3A_799 : i32
      %broadcast_in_dim3A_801 = vector.broadcast %add3A_800 : i32 to vector<16xi32>
      %get3A_802 = arith.index_cast %add3A_800 : i32 to index
      %get3A_803 = arith.constant 0 : index
      %get3A_804 = tpu.vector_load %arg7[%get3A_802, %get3A_803] {strides = array<i32>} : memref<128x64xf32, #tpu.memory_space<vmem>>, vector<16xf32>,
      %mul3A_805 = arith.constant 8.000000e+00 : f32
      %mul3A_806 = vector.broadcast %mul3A_805 : f32 to vector<16xf32>
      %mul3A_807 = arith.mulf %get3A_804, %mul3A_806 : vector<16xf32>
      tpu.vector_store_idx %arg11[%select_n3A, %select_n3A_200, %broadcast_in_dim3A_801], %mul3A_807 : memref<8x8x129xf32, #tpu.memory_space<vmem>>[vector<16xi32>, vector<16xi32>, vector<16xi32>], vector<16xf32>,
      %get3A_808 = arith.index_cast %add3A_800 : i32 to index
      %get3A_809 = arith.constant 16 : index
      %get3A_810 = tpu.vector_load %arg7[%get3A_808, %get3A_809] {strides = array<i32>} : memref<128x64xf32, #tpu.memory_space<vmem>>, vector<16xf32>,
      %mul3A_811 = arith.constant 8.000000e+00 : f32
      %mul3A_812 = vector.broadcast %mul3A_811 : f32 to vector<16xf32>
      %mul3A_813 = arith.mulf %get3A_810, %mul3A_812 : vector<16xf32>
      tpu.vector_store_idx %arg11[%select_n3A_109, %select_n3A_225, %broadcast_in_dim3A_801], %mul3A_813 : memref<8x8x129xf32, #tpu.memory_space<vmem>>[vector<16xi32>, vector<16xi32>, vector<16xi32>], vector<16xf32>,
      %get3A_814 = arith.index_cast %add3A_800 : i32 to index
      %get3A_815 = arith.constant 32 : index
      %get3A_816 = tpu.vector_load %arg7[%get3A_814, %get3A_815] {strides = array<i32>} : memref<128x64xf32, #tpu.memory_space<vmem>>, vector<16xf32>,
      %mul3A_817 = arith.constant 8.000000e+00 : f32
      %mul3A_818 = vector.broadcast %mul3A_817 : f32 to vector<16xf32>
      %mul3A_819 = arith.mulf %get3A_816, %mul3A_818 : vector<16xf32>
      tpu.vector_store_idx %arg11[%select_n3A_143, %select_n3A_250, %broadcast_in_dim3A_801], %mul3A_819 : memref<8x8x129xf32, #tpu.memory_space<vmem>>[vector<16xi32>, vector<16xi32>, vector<16xi32>], vector<16xf32>,
      %get3A_820 = arith.index_cast %add3A_800 : i32 to index
      %get3A_821 = arith.constant 48 : index
      %get3A_822 = tpu.vector_load %arg7[%get3A_820, %get3A_821] {strides = array<i32>} : memref<128x64xf32, #tpu.memory_space<vmem>>, vector<16xf32>,
      %mul3A_823 = arith.constant 8.000000e+00 : f32
      %mul3A_824 = vector.broadcast %mul3A_823 : f32 to vector<16xf32>
      %mul3A_825 = arith.mulf %get3A_822, %mul3A_824 : vector<16xf32>
      tpu.vector_store_idx %arg11[%select_n3A_177, %select_n3A_275, %broadcast_in_dim3A_801], %mul3A_825 : memref<8x8x129xf32, #tpu.memory_space<vmem>>[vector<16xi32>, vector<16xi32>, vector<16xi32>], vector<16xf32>,
      %scan3A_826 = arith.constant 0 : i32
      scf.yield %scan3A_826 : i32
    }
    %scan3A_566 = arith.constant 64 : i32
    %dma_start3A_567 = arith.constant 197 : i32
    %dma_start3A_568 = arith.constant 0 : i32
    %dma_start3A_569 = arith.constant 0 : i32
    %dma_start3A_570 = arith.constant 0 : i32
    %dma_start3A_571 = tpu.memref_slice %arg11[%dma_start3A_568, %dma_start3A_569, %dma_start3A_570] : memref<8x8x129xf32, #tpu.memory_space<vmem>> -> memref<8x8x128xf32, #tpu.memory_space<vmem>>
    %dma_start3A_572 = arith.constant 0 : i32
    %dma_start3A_573 = arith.constant 0 : i32
    %dma_start3A_574 = arith.constant 0 : i32
    %dma_start3A_575 = tpu.memref_slice %arg4[%dma_start3A_567, %dma_start3A_572, %add3A, %dma_start3A_573, %dma_start3A_574] : memref<200x8x32x8x128xf32, #tpu.memory_space<hbm>> -> memref<1x8x1x8x128xf32, #tpu.memory_space<hbm>>
    %dma_start3A_576 = tpu.memref_squeeze %dma_start3A_575 : memref<1x8x1x8x128xf32, #tpu.memory_space<hbm>> -> memref<8x8x128xf32, #tpu.memory_space<hbm>>
    %dma_start3A_577 = arith.constant 0 : i32
    %dma_start3A_578 = arith.constant 0 : i32
    %dma_start3A_579 = arith.constant 0 : i32
    %dma_start3A_580 = tpu.memref_slice %arg4[%dma_start3A_567, %dma_start3A_577, %add3A, %dma_start3A_578, %dma_start3A_579] : memref<200x8x32x8x128xf32, #tpu.memory_space<hbm>> -> memref<1x8x1x8x128xf32, #tpu.memory_space<hbm>>
    %dma_start3A_581 = tpu.memref_squeeze %dma_start3A_580 : memref<1x8x1x8x128xf32, #tpu.memory_space<hbm>> -> memref<8x8x128xf32, #tpu.memory_space<hbm>>
    %dma_start3A_582 = arith.constant 0 : i32
    %dma_start3A_583 = arith.constant 0 : i32
    %dma_start3A_584 = arith.constant 0 : i32
    %dma_start3A_585 = tpu.memref_slice %arg11[%dma_start3A_582, %dma_start3A_583, %dma_start3A_584] : memref<8x8x129xf32, #tpu.memory_space<vmem>> -> memref<8x8x128xf32, #tpu.memory_space<vmem>>
    tpu.enqueue_dma source(%dma_start3A_585 : memref<8x8x128xf32, #tpu.memory_space<vmem>>) target(%dma_start3A_581 : memref<8x8x128xf32, #tpu.memory_space<hbm>>) target_semaphore(%arg19 : memref<!tpu.dma_semaphore, #tpu.memory_space<semaphore_mem>>)
    %dma_wait3A_586 = arith.constant 24 : i32
    %dma_wait3A_587 = arith.constant 6 : i32
    %dma_wait3A_588 = arith.constant 0 : i32
    %dma_wait3A_589 = tpu.memref_slice %arg5[%dma_wait3A_586, %dma_wait3A_587, %dma_wait3A_588] : memref<25x8x128xi32, #tpu.memory_space<vmem>> -> memref<1x1x128xi32, #tpu.memory_space<vmem>>
    %dma_wait3A_590 = tpu.memref_squeeze %dma_wait3A_589 : memref<1x1x128xi32, #tpu.memory_space<vmem>> -> memref<128xi32, #tpu.memory_space<vmem>>
    %dma_wait3A_591 = arith.constant 0 : i32
    %dma_wait3A_592 = arith.constant 0 : i32
    %dma_wait3A_593 = tpu.memref_slice %arg2[%dma_wait3A_591, %dma_wait3A_592] : memref<1000000x64xf32, #tpu.memory_space<hbm>> -> memref<1000000x64xf32, #tpu.memory_space<hbm>>
    tpu.wait_indirect_dma semaphore(%arg16 : memref<!tpu.dma_semaphore, #tpu.memory_space<semaphore_mem>>) src(%dma_wait3A_593 : memref<1000000x64xf32, #tpu.memory_space<hbm>>) dst(%arg8 : memref<128x64xf32, #tpu.memory_space<vmem>>)
    %dma_wait3A_594 = arith.constant 194 : i32
    %dma_wait3A_595 = arith.constant 0 : i32
    %dma_wait3A_596 = arith.constant 0 : i32
    %dma_wait3A_597 = arith.constant 0 : i32
    %dma_wait3A_598 = tpu.memref_slice %arg12[%dma_wait3A_595, %dma_wait3A_596, %dma_wait3A_597] : memref<8x8x129xf32, #tpu.memory_space<vmem>> -> memref<8x8x128xf32, #tpu.memory_space<vmem>>
    %dma_wait3A_599 = arith.constant 0 : i32
    %dma_wait3A_600 = arith.constant 0 : i32
    %dma_wait3A_601 = arith.constant 0 : i32
    %dma_wait3A_602 = tpu.memref_slice %arg4[%dma_wait3A_594, %dma_wait3A_599, %add3A, %dma_wait3A_600, %dma_wait3A_601] : memref<200x8x32x8x128xf32, #tpu.memory_space<hbm>> -> memref<1x8x1x8x128xf32, #tpu.memory_space<hbm>>
    %dma_wait3A_603 = tpu.memref_squeeze %dma_wait3A_602 : memref<1x8x1x8x128xf32, #tpu.memory_space<hbm>> -> memref<8x8x128xf32, #tpu.memory_space<hbm>>
    %dma_wait3A_604 = arith.constant 0 : i32
    %dma_wait3A_605 = arith.constant 0 : i32
    %dma_wait3A_606 = arith.constant 0 : i32
    %dma_wait3A_607 = tpu.memref_slice %arg4[%dma_wait3A_594, %dma_wait3A_604, %add3A, %dma_wait3A_605, %dma_wait3A_606] : memref<200x8x32x8x128xf32, #tpu.memory_space<hbm>> -> memref<1x8x1x8x128xf32, #tpu.memory_space<hbm>>
    %dma_wait3A_608 = tpu.memref_squeeze %dma_wait3A_607 : memref<1x8x1x8x128xf32, #tpu.memory_space<hbm>> -> memref<8x8x128xf32, #tpu.memory_space<hbm>>
    %dma_wait3A_609 = arith.constant 0 : i32
    %dma_wait3A_610 = arith.constant 0 : i32
    %dma_wait3A_611 = arith.constant 0 : i32
    %dma_wait3A_612 = tpu.memref_slice %arg12[%dma_wait3A_609, %dma_wait3A_610, %dma_wait3A_611] : memref<8x8x129xf32, #tpu.memory_space<vmem>> -> memref<8x8x128xf32, #tpu.memory_space<vmem>>
    tpu.wait_dma2 semaphore(%arg20 : memref<!tpu.dma_semaphore, #tpu.memory_space<semaphore_mem>>) src(%dma_wait3A_612 : memref<8x8x128xf32, #tpu.memory_space<vmem>>) dst(%dma_wait3A_608 : memref<8x8x128xf32, #tpu.memory_space<hbm>>)
    %scan3A_613 = arith.constant 0 : i32
    %scan3A_614 = arith.constant 0 : i32
    %scan3A_615 = arith.constant 64 : i32
    %scan3A_616 = arith.addi %scan3A_614, %scan3A_615 : i32
    %scan3A_617 = arith.constant 1 : i32
    %scan3A_618 = scf.for %scan3A_768 = %scan3A_614 to %scan3A_616 step %scan3A_617 iter_args(%scan3A_769 = %scan3A_613) -> (i32)  : i32 {
      %mul3A_770 = arith.constant 2 : i32
      %mul3A_771 = arith.muli %scan3A_768, %mul3A_770 : i32
      %add3A_772 = arith.constant 0 : i32
      %add3A_773 = arith.addi %mul3A_771, %add3A_772 : i32
      %broadcast_in_dim3A = vector.broadcast %add3A_773 : i32 to vector<16xi32>
      %get3A = arith.index_cast %add3A_773 : i32 to index
      %get3A_774 = arith.constant 0 : index
      %get3A_775 = tpu.vector_load %arg8[%get3A, %get3A_774] {strides = array<i32>} : memref<128x64xf32, #tpu.memory_space<vmem>>, vector<16xf32>,
      %mul3A_776 = arith.constant 8.000000e+00 : f32
      %mul3A_777 = vector.broadcast %mul3A_776 : f32 to vector<16xf32>
      %mul3A_778 = arith.mulf %get3A_775, %mul3A_777 : vector<16xf32>
      tpu.vector_store_idx %arg12[%select_n3A, %select_n3A_200, %broadcast_in_dim3A], %mul3A_778 : memref<8x8x129xf32, #tpu.memory_space<vmem>>[vector<16xi32>, vector<16xi32>, vector<16xi32>], vector<16xf32>,
      %get3A_779 = arith.index_cast %add3A_773 : i32 to index
      %get3A_780 = arith.constant 16 : index
      %get3A_781 = tpu.vector_load %arg8[%get3A_779, %get3A_780] {strides = array<i32>} : memref<128x64xf32, #tpu.memory_space<vmem>>, vector<16xf32>,
      %mul3A_782 = arith.constant 8.000000e+00 : f32
      %mul3A_783 = vector.broadcast %mul3A_782 : f32 to vector<16xf32>
      %mul3A_784 = arith.mulf %get3A_781, %mul3A_783 : vector<16xf32>
      tpu.vector_store_idx %arg12[%select_n3A_109, %select_n3A_225, %broadcast_in_dim3A], %mul3A_784 : memref<8x8x129xf32, #tpu.memory_space<vmem>>[vector<16xi32>, vector<16xi32>, vector<16xi32>], vector<16xf32>,
      %get3A_785 = arith.index_cast %add3A_773 : i32 to index
      %get3A_786 = arith.constant 32 : index
      %get3A_787 = tpu.vector_load %arg8[%get3A_785, %get3A_786] {strides = array<i32>} : memref<128x64xf32, #tpu.memory_space<vmem>>, vector<16xf32>,
      %mul3A_788 = arith.constant 8.000000e+00 : f32
      %mul3A_789 = vector.broadcast %mul3A_788 : f32 to vector<16xf32>
      %mul3A_790 = arith.mulf %get3A_787, %mul3A_789 : vector<16xf32>
      tpu.vector_store_idx %arg12[%select_n3A_143, %select_n3A_250, %broadcast_in_dim3A], %mul3A_790 : memref<8x8x129xf32, #tpu.memory_space<vmem>>[vector<16xi32>, vector<16xi32>, vector<16xi32>], vector<16xf32>,
      %get3A_791 = arith.index_cast %add3A_773 : i32 to index
      %get3A_792 = arith.constant 48 : index
      %get3A_793 = tpu.vector_load %arg8[%get3A_791, %get3A_792] {strides = array<i32>} : memref<128x64xf32, #tpu.memory_space<vmem>>, vector<16xf32>,
      %mul3A_794 = arith.constant 8.000000e+00 : f32
      %mul3A_795 = vector.broadcast %mul3A_794 : f32 to vector<16xf32>
      %mul3A_796 = arith.mulf %get3A_793, %mul3A_795 : vector<16xf32>
      tpu.vector_store_idx %arg12[%select_n3A_177, %select_n3A_275, %broadcast_in_dim3A], %mul3A_796 : memref<8x8x129xf32, #tpu.memory_space<vmem>>[vector<16xi32>, vector<16xi32>, vector<16xi32>], vector<16xf32>,
      %mul3A_797 = arith.constant 2 : i32
      %mul3A_798 = arith.muli %scan3A_768, %mul3A_797 : i32
      %add3A_799 = arith.constant 1 : i32
      %add3A_800 = arith.addi %mul3A_798, %add3A_799 : i32
      %broadcast_in_dim3A_801 = vector.broadcast %add3A_800 : i32 to vector<16xi32>
      %get3A_802 = arith.index_cast %add3A_800 : i32 to index
      %get3A_803 = arith.constant 0 : index
      %get3A_804 = tpu.vector_load %arg8[%get3A_802, %get3A_803] {strides = array<i32>} : memref<128x64xf32, #tpu.memory_space<vmem>>, vector<16xf32>,
      %mul3A_805 = arith.constant 8.000000e+00 : f32
      %mul3A_806 = vector.broadcast %mul3A_805 : f32 to vector<16xf32>
      %mul3A_807 = arith.mulf %get3A_804, %mul3A_806 : vector<16xf32>
      tpu.vector_store_idx %arg12[%select_n3A, %select_n3A_200, %broadcast_in_dim3A_801], %mul3A_807 : memref<8x8x129xf32, #tpu.memory_space<vmem>>[vector<16xi32>, vector<16xi32>, vector<16xi32>], vector<16xf32>,
      %get3A_808 = arith.index_cast %add3A_800 : i32 to index
      %get3A_809 = arith.constant 16 : index
      %get3A_810 = tpu.vector_load %arg8[%get3A_808, %get3A_809] {strides = array<i32>} : memref<128x64xf32, #tpu.memory_space<vmem>>, vector<16xf32>,
      %mul3A_811 = arith.constant 8.000000e+00 : f32
      %mul3A_812 = vector.broadcast %mul3A_811 : f32 to vector<16xf32>
      %mul3A_813 = arith.mulf %get3A_810, %mul3A_812 : vector<16xf32>
      tpu.vector_store_idx %arg12[%select_n3A_109, %select_n3A_225, %broadcast_in_dim3A_801], %mul3A_813 : memref<8x8x129xf32, #tpu.memory_space<vmem>>[vector<16xi32>, vector<16xi32>, vector<16xi32>], vector<16xf32>,
      %get3A_814 = arith.index_cast %add3A_800 : i32 to index
      %get3A_815 = arith.constant 32 : index
      %get3A_816 = tpu.vector_load %arg8[%get3A_814, %get3A_815] {strides = array<i32>} : memref<128x64xf32, #tpu.memory_space<vmem>>, vector<16xf32>,
      %mul3A_817 = arith.constant 8.000000e+00 : f32
      %mul3A_818 = vector.broadcast %mul3A_817 : f32 to vector<16xf32>
      %mul3A_819 = arith.mulf %get3A_816, %mul3A_818 : vector<16xf32>
      tpu.vector_store_idx %arg12[%select_n3A_143, %select_n3A_250, %broadcast_in_dim3A_801], %mul3A_819 : memref<8x8x129xf32, #tpu.memory_space<vmem>>[vector<16xi32>, vector<16xi32>, vector<16xi32>], vector<16xf32>,
      %get3A_820 = arith.index_cast %add3A_800 : i32 to index
      %get3A_821 = arith.constant 48 : index
      %get3A_822 = tpu.vector_load %arg8[%get3A_820, %get3A_821] {strides = array<i32>} : memref<128x64xf32, #tpu.memory_space<vmem>>, vector<16xf32>,
      %mul3A_823 = arith.constant 8.000000e+00 : f32
      %mul3A_824 = vector.broadcast %mul3A_823 : f32 to vector<16xf32>
      %mul3A_825 = arith.mulf %get3A_822, %mul3A_824 : vector<16xf32>
      tpu.vector_store_idx %arg12[%select_n3A_177, %select_n3A_275, %broadcast_in_dim3A_801], %mul3A_825 : memref<8x8x129xf32, #tpu.memory_space<vmem>>[vector<16xi32>, vector<16xi32>, vector<16xi32>], vector<16xf32>,
      %scan3A_826 = arith.constant 0 : i32
      scf.yield %scan3A_826 : i32
    }
    %scan3A_619 = arith.constant 64 : i32
    %dma_start3A_620 = arith.constant 198 : i32
    %dma_start3A_621 = arith.constant 0 : i32
    %dma_start3A_622 = arith.constant 0 : i32
    %dma_start3A_623 = arith.constant 0 : i32
    %dma_start3A_624 = tpu.memref_slice %arg12[%dma_start3A_621, %dma_start3A_622, %dma_start3A_623] : memref<8x8x129xf32, #tpu.memory_space<vmem>> -> memref<8x8x128xf32, #tpu.memory_space<vmem>>
    %dma_start3A_625 = arith.constant 0 : i32
    %dma_start3A_626 = arith.constant 0 : i32
    %dma_start3A_627 = arith.constant 0 : i32
    %dma_start3A_628 = tpu.memref_slice %arg4[%dma_start3A_620, %dma_start3A_625, %add3A, %dma_start3A_626, %dma_start3A_627] : memref<200x8x32x8x128xf32, #tpu.memory_space<hbm>> -> memref<1x8x1x8x128xf32, #tpu.memory_space<hbm>>
    %dma_start3A_629 = tpu.memref_squeeze %dma_start3A_628 : memref<1x8x1x8x128xf32, #tpu.memory_space<hbm>> -> memref<8x8x128xf32, #tpu.memory_space<hbm>>
    %dma_start3A_630 = arith.constant 0 : i32
    %dma_start3A_631 = arith.constant 0 : i32
    %dma_start3A_632 = arith.constant 0 : i32
    %dma_start3A_633 = tpu.memref_slice %arg4[%dma_start3A_620, %dma_start3A_630, %add3A, %dma_start3A_631, %dma_start3A_632] : memref<200x8x32x8x128xf32, #tpu.memory_space<hbm>> -> memref<1x8x1x8x128xf32, #tpu.memory_space<hbm>>
    %dma_start3A_634 = tpu.memref_squeeze %dma_start3A_633 : memref<1x8x1x8x128xf32, #tpu.memory_space<hbm>> -> memref<8x8x128xf32, #tpu.memory_space<hbm>>
    %dma_start3A_635 = arith.constant 0 : i32
    %dma_start3A_636 = arith.constant 0 : i32
    %dma_start3A_637 = arith.constant 0 : i32
    %dma_start3A_638 = tpu.memref_slice %arg12[%dma_start3A_635, %dma_start3A_636, %dma_start3A_637] : memref<8x8x129xf32, #tpu.memory_space<vmem>> -> memref<8x8x128xf32, #tpu.memory_space<vmem>>
    tpu.enqueue_dma source(%dma_start3A_638 : memref<8x8x128xf32, #tpu.memory_space<vmem>>) target(%dma_start3A_634 : memref<8x8x128xf32, #tpu.memory_space<hbm>>) target_semaphore(%arg20 : memref<!tpu.dma_semaphore, #tpu.memory_space<semaphore_mem>>)
    %dma_wait3A_639 = arith.constant 24 : i32
    %dma_wait3A_640 = arith.constant 7 : i32
    %dma_wait3A_641 = arith.constant 0 : i32
    %dma_wait3A_642 = tpu.memref_slice %arg5[%dma_wait3A_639, %dma_wait3A_640, %dma_wait3A_641] : memref<25x8x128xi32, #tpu.memory_space<vmem>> -> memref<1x1x128xi32, #tpu.memory_space<vmem>>
    %dma_wait3A_643 = tpu.memref_squeeze %dma_wait3A_642 : memref<1x1x128xi32, #tpu.memory_space<vmem>> -> memref<128xi32, #tpu.memory_space<vmem>>
    %dma_wait3A_644 = arith.constant 0 : i32
    %dma_wait3A_645 = arith.constant 0 : i32
    %dma_wait3A_646 = tpu.memref_slice %arg2[%dma_wait3A_644, %dma_wait3A_645] : memref<1000000x64xf32, #tpu.memory_space<hbm>> -> memref<1000000x64xf32, #tpu.memory_space<hbm>>
    tpu.wait_indirect_dma semaphore(%arg17 : memref<!tpu.dma_semaphore, #tpu.memory_space<semaphore_mem>>) src(%dma_wait3A_646 : memref<1000000x64xf32, #tpu.memory_space<hbm>>) dst(%arg9 : memref<128x64xf32, #tpu.memory_space<vmem>>)
    %dma_wait3A_647 = arith.constant 195 : i32
    %dma_wait3A_648 = arith.constant 0 : i32
    %dma_wait3A_649 = arith.constant 0 : i32
    %dma_wait3A_650 = arith.constant 0 : i32
    %dma_wait3A_651 = tpu.memref_slice %arg13[%dma_wait3A_648, %dma_wait3A_649, %dma_wait3A_650] : memref<8x8x129xf32, #tpu.memory_space<vmem>> -> memref<8x8x128xf32, #tpu.memory_space<vmem>>
    %dma_wait3A_652 = arith.constant 0 : i32
    %dma_wait3A_653 = arith.constant 0 : i32
    %dma_wait3A_654 = arith.constant 0 : i32
    %dma_wait3A_655 = tpu.memref_slice %arg4[%dma_wait3A_647, %dma_wait3A_652, %add3A, %dma_wait3A_653, %dma_wait3A_654] : memref<200x8x32x8x128xf32, #tpu.memory_space<hbm>> -> memref<1x8x1x8x128xf32, #tpu.memory_space<hbm>>
    %dma_wait3A_656 = tpu.memref_squeeze %dma_wait3A_655 : memref<1x8x1x8x128xf32, #tpu.memory_space<hbm>> -> memref<8x8x128xf32, #tpu.memory_space<hbm>>
    %dma_wait3A_657 = arith.constant 0 : i32
    %dma_wait3A_658 = arith.constant 0 : i32
    %dma_wait3A_659 = arith.constant 0 : i32
    %dma_wait3A_660 = tpu.memref_slice %arg4[%dma_wait3A_647, %dma_wait3A_657, %add3A, %dma_wait3A_658, %dma_wait3A_659] : memref<200x8x32x8x128xf32, #tpu.memory_space<hbm>> -> memref<1x8x1x8x128xf32, #tpu.memory_space<hbm>>
    %dma_wait3A_661 = tpu.memref_squeeze %dma_wait3A_660 : memref<1x8x1x8x128xf32, #tpu.memory_space<hbm>> -> memref<8x8x128xf32, #tpu.memory_space<hbm>>
    %dma_wait3A_662 = arith.constant 0 : i32
    %dma_wait3A_663 = arith.constant 0 : i32
    %dma_wait3A_664 = arith.constant 0 : i32
    %dma_wait3A_665 = tpu.memref_slice %arg13[%dma_wait3A_662, %dma_wait3A_663, %dma_wait3A_664] : memref<8x8x129xf32, #tpu.memory_space<vmem>> -> memref<8x8x128xf32, #tpu.memory_space<vmem>>
    tpu.wait_dma2 semaphore(%arg21 : memref<!tpu.dma_semaphore, #tpu.memory_space<semaphore_mem>>) src(%dma_wait3A_665 : memref<8x8x128xf32, #tpu.memory_space<vmem>>) dst(%dma_wait3A_661 : memref<8x8x128xf32, #tpu.memory_space<hbm>>)
    %scan3A_666 = arith.constant 0 : i32
    %scan3A_667 = arith.constant 0 : i32
    %scan3A_668 = arith.constant 64 : i32
    %scan3A_669 = arith.addi %scan3A_667, %scan3A_668 : i32
    %scan3A_670 = arith.constant 1 : i32
    %scan3A_671 = scf.for %scan3A_768 = %scan3A_667 to %scan3A_669 step %scan3A_670 iter_args(%scan3A_769 = %scan3A_666) -> (i32)  : i32 {
      %mul3A_770 = arith.constant 2 : i32
      %mul3A_771 = arith.muli %scan3A_768, %mul3A_770 : i32
      %add3A_772 = arith.constant 0 : i32
      %add3A_773 = arith.addi %mul3A_771, %add3A_772 : i32
      %broadcast_in_dim3A = vector.broadcast %add3A_773 : i32 to vector<16xi32>
      %get3A = arith.index_cast %add3A_773 : i32 to index
      %get3A_774 = arith.constant 0 : index
      %get3A_775 = tpu.vector_load %arg9[%get3A, %get3A_774] {strides = array<i32>} : memref<128x64xf32, #tpu.memory_space<vmem>>, vector<16xf32>,
      %mul3A_776 = arith.constant 8.000000e+00 : f32
      %mul3A_777 = vector.broadcast %mul3A_776 : f32 to vector<16xf32>
      %mul3A_778 = arith.mulf %get3A_775, %mul3A_777 : vector<16xf32>
      tpu.vector_store_idx %arg13[%select_n3A, %select_n3A_200, %broadcast_in_dim3A], %mul3A_778 : memref<8x8x129xf32, #tpu.memory_space<vmem>>[vector<16xi32>, vector<16xi32>, vector<16xi32>], vector<16xf32>,
      %get3A_779 = arith.index_cast %add3A_773 : i32 to index
      %get3A_780 = arith.constant 16 : index
      %get3A_781 = tpu.vector_load %arg9[%get3A_779, %get3A_780] {strides = array<i32>} : memref<128x64xf32, #tpu.memory_space<vmem>>, vector<16xf32>,
      %mul3A_782 = arith.constant 8.000000e+00 : f32
      %mul3A_783 = vector.broadcast %mul3A_782 : f32 to vector<16xf32>
      %mul3A_784 = arith.mulf %get3A_781, %mul3A_783 : vector<16xf32>
      tpu.vector_store_idx %arg13[%select_n3A_109, %select_n3A_225, %broadcast_in_dim3A], %mul3A_784 : memref<8x8x129xf32, #tpu.memory_space<vmem>>[vector<16xi32>, vector<16xi32>, vector<16xi32>], vector<16xf32>,
      %get3A_785 = arith.index_cast %add3A_773 : i32 to index
      %get3A_786 = arith.constant 32 : index
      %get3A_787 = tpu.vector_load %arg9[%get3A_785, %get3A_786] {strides = array<i32>} : memref<128x64xf32, #tpu.memory_space<vmem>>, vector<16xf32>,
      %mul3A_788 = arith.constant 8.000000e+00 : f32
      %mul3A_789 = vector.broadcast %mul3A_788 : f32 to vector<16xf32>
      %mul3A_790 = arith.mulf %get3A_787, %mul3A_789 : vector<16xf32>
      tpu.vector_store_idx %arg13[%select_n3A_143, %select_n3A_250, %broadcast_in_dim3A], %mul3A_790 : memref<8x8x129xf32, #tpu.memory_space<vmem>>[vector<16xi32>, vector<16xi32>, vector<16xi32>], vector<16xf32>,
      %get3A_791 = arith.index_cast %add3A_773 : i32 to index
      %get3A_792 = arith.constant 48 : index
      %get3A_793 = tpu.vector_load %arg9[%get3A_791, %get3A_792] {strides = array<i32>} : memref<128x64xf32, #tpu.memory_space<vmem>>, vector<16xf32>,
      %mul3A_794 = arith.constant 8.000000e+00 : f32
      %mul3A_795 = vector.broadcast %mul3A_794 : f32 to vector<16xf32>
      %mul3A_796 = arith.mulf %get3A_793, %mul3A_795 : vector<16xf32>
      tpu.vector_store_idx %arg13[%select_n3A_177, %select_n3A_275, %broadcast_in_dim3A], %mul3A_796 : memref<8x8x129xf32, #tpu.memory_space<vmem>>[vector<16xi32>, vector<16xi32>, vector<16xi32>], vector<16xf32>,
      %mul3A_797 = arith.constant 2 : i32
      %mul3A_798 = arith.muli %scan3A_768, %mul3A_797 : i32
      %add3A_799 = arith.constant 1 : i32
      %add3A_800 = arith.addi %mul3A_798, %add3A_799 : i32
      %broadcast_in_dim3A_801 = vector.broadcast %add3A_800 : i32 to vector<16xi32>
      %get3A_802 = arith.index_cast %add3A_800 : i32 to index
      %get3A_803 = arith.constant 0 : index
      %get3A_804 = tpu.vector_load %arg9[%get3A_802, %get3A_803] {strides = array<i32>} : memref<128x64xf32, #tpu.memory_space<vmem>>, vector<16xf32>,
      %mul3A_805 = arith.constant 8.000000e+00 : f32
      %mul3A_806 = vector.broadcast %mul3A_805 : f32 to vector<16xf32>
      %mul3A_807 = arith.mulf %get3A_804, %mul3A_806 : vector<16xf32>
      tpu.vector_store_idx %arg13[%select_n3A, %select_n3A_200, %broadcast_in_dim3A_801], %mul3A_807 : memref<8x8x129xf32, #tpu.memory_space<vmem>>[vector<16xi32>, vector<16xi32>, vector<16xi32>], vector<16xf32>,
      %get3A_808 = arith.index_cast %add3A_800 : i32 to index
      %get3A_809 = arith.constant 16 : index
      %get3A_810 = tpu.vector_load %arg9[%get3A_808, %get3A_809] {strides = array<i32>} : memref<128x64xf32, #tpu.memory_space<vmem>>, vector<16xf32>,
      %mul3A_811 = arith.constant 8.000000e+00 : f32
      %mul3A_812 = vector.broadcast %mul3A_811 : f32 to vector<16xf32>
      %mul3A_813 = arith.mulf %get3A_810, %mul3A_812 : vector<16xf32>
      tpu.vector_store_idx %arg13[%select_n3A_109, %select_n3A_225, %broadcast_in_dim3A_801], %mul3A_813 : memref<8x8x129xf32, #tpu.memory_space<vmem>>[vector<16xi32>, vector<16xi32>, vector<16xi32>], vector<16xf32>,
      %get3A_814 = arith.index_cast %add3A_800 : i32 to index
      %get3A_815 = arith.constant 32 : index
      %get3A_816 = tpu.vector_load %arg9[%get3A_814, %get3A_815] {strides = array<i32>} : memref<128x64xf32, #tpu.memory_space<vmem>>, vector<16xf32>,
      %mul3A_817 = arith.constant 8.000000e+00 : f32
      %mul3A_818 = vector.broadcast %mul3A_817 : f32 to vector<16xf32>
      %mul3A_819 = arith.mulf %get3A_816, %mul3A_818 : vector<16xf32>
      tpu.vector_store_idx %arg13[%select_n3A_143, %select_n3A_250, %broadcast_in_dim3A_801], %mul3A_819 : memref<8x8x129xf32, #tpu.memory_space<vmem>>[vector<16xi32>, vector<16xi32>, vector<16xi32>], vector<16xf32>,
      %get3A_820 = arith.index_cast %add3A_800 : i32 to index
      %get3A_821 = arith.constant 48 : index
      %get3A_822 = tpu.vector_load %arg9[%get3A_820, %get3A_821] {strides = array<i32>} : memref<128x64xf32, #tpu.memory_space<vmem>>, vector<16xf32>,
      %mul3A_823 = arith.constant 8.000000e+00 : f32
      %mul3A_824 = vector.broadcast %mul3A_823 : f32 to vector<16xf32>
      %mul3A_825 = arith.mulf %get3A_822, %mul3A_824 : vector<16xf32>
      tpu.vector_store_idx %arg13[%select_n3A_177, %select_n3A_275, %broadcast_in_dim3A_801], %mul3A_825 : memref<8x8x129xf32, #tpu.memory_space<vmem>>[vector<16xi32>, vector<16xi32>, vector<16xi32>], vector<16xf32>,
      %scan3A_826 = arith.constant 0 : i32
      scf.yield %scan3A_826 : i32
    }
    %scan3A_672 = arith.constant 64 : i32
    %dma_start3A_673 = arith.constant 199 : i32
    %dma_start3A_674 = arith.constant 0 : i32
    %dma_start3A_675 = arith.constant 0 : i32
    %dma_start3A_676 = arith.constant 0 : i32
    %dma_start3A_677 = tpu.memref_slice %arg13[%dma_start3A_674, %dma_start3A_675, %dma_start3A_676] : memref<8x8x129xf32, #tpu.memory_space<vmem>> -> memref<8x8x128xf32, #tpu.memory_space<vmem>>
    %dma_start3A_678 = arith.constant 0 : i32
    %dma_start3A_679 = arith.constant 0 : i32
    %dma_start3A_680 = arith.constant 0 : i32
    %dma_start3A_681 = tpu.memref_slice %arg4[%dma_start3A_673, %dma_start3A_678, %add3A, %dma_start3A_679, %dma_start3A_680] : memref<200x8x32x8x128xf32, #tpu.memory_space<hbm>> -> memref<1x8x1x8x128xf32, #tpu.memory_space<hbm>>
    %dma_start3A_682 = tpu.memref_squeeze %dma_start3A_681 : memref<1x8x1x8x128xf32, #tpu.memory_space<hbm>> -> memref<8x8x128xf32, #tpu.memory_space<hbm>>
    %dma_start3A_683 = arith.constant 0 : i32
    %dma_start3A_684 = arith.constant 0 : i32
    %dma_start3A_685 = arith.constant 0 : i32
    %dma_start3A_686 = tpu.memref_slice %arg4[%dma_start3A_673, %dma_start3A_683, %add3A, %dma_start3A_684, %dma_start3A_685] : memref<200x8x32x8x128xf32, #tpu.memory_space<hbm>> -> memref<1x8x1x8x128xf32, #tpu.memory_space<hbm>>
    %dma_start3A_687 = tpu.memref_squeeze %dma_start3A_686 : memref<1x8x1x8x128xf32, #tpu.memory_space<hbm>> -> memref<8x8x128xf32, #tpu.memory_space<hbm>>
    %dma_start3A_688 = arith.constant 0 : i32
    %dma_start3A_689 = arith.constant 0 : i32
    %dma_start3A_690 = arith.constant 0 : i32
    %dma_start3A_691 = tpu.memref_slice %arg13[%dma_start3A_688, %dma_start3A_689, %dma_start3A_690] : memref<8x8x129xf32, #tpu.memory_space<vmem>> -> memref<8x8x128xf32, #tpu.memory_space<vmem>>
    tpu.enqueue_dma source(%dma_start3A_691 : memref<8x8x128xf32, #tpu.memory_space<vmem>>) target(%dma_start3A_687 : memref<8x8x128xf32, #tpu.memory_space<hbm>>) target_semaphore(%arg21 : memref<!tpu.dma_semaphore, #tpu.memory_space<semaphore_mem>>)
    %dma_wait3A_692 = arith.constant 196 : i32
    %dma_wait3A_693 = arith.constant 0 : i32
    %dma_wait3A_694 = arith.constant 0 : i32
    %dma_wait3A_695 = arith.constant 0 : i32
    %dma_wait3A_696 = tpu.memref_slice %arg10[%dma_wait3A_693, %dma_wait3A_694, %dma_wait3A_695] : memref<8x8x129xf32, #tpu.memory_space<vmem>> -> memref<8x8x128xf32, #tpu.memory_space<vmem>>
    %dma_wait3A_697 = arith.constant 0 : i32
    %dma_wait3A_698 = arith.constant 0 : i32
    %dma_wait3A_699 = arith.constant 0 : i32
    %dma_wait3A_700 = tpu.memref_slice %arg4[%dma_wait3A_692, %dma_wait3A_697, %add3A, %dma_wait3A_698, %dma_wait3A_699] : memref<200x8x32x8x128xf32, #tpu.memory_space<hbm>> -> memref<1x8x1x8x128xf32, #tpu.memory_space<hbm>>
    %dma_wait3A_701 = tpu.memref_squeeze %dma_wait3A_700 : memref<1x8x1x8x128xf32, #tpu.memory_space<hbm>> -> memref<8x8x128xf32, #tpu.memory_space<hbm>>
    %dma_wait3A_702 = arith.constant 0 : i32
    %dma_wait3A_703 = arith.constant 0 : i32
    %dma_wait3A_704 = arith.constant 0 : i32
    %dma_wait3A_705 = tpu.memref_slice %arg4[%dma_wait3A_692, %dma_wait3A_702, %add3A, %dma_wait3A_703, %dma_wait3A_704] : memref<200x8x32x8x128xf32, #tpu.memory_space<hbm>> -> memref<1x8x1x8x128xf32, #tpu.memory_space<hbm>>
    %dma_wait3A_706 = tpu.memref_squeeze %dma_wait3A_705 : memref<1x8x1x8x128xf32, #tpu.memory_space<hbm>> -> memref<8x8x128xf32, #tpu.memory_space<hbm>>
    %dma_wait3A_707 = arith.constant 0 : i32
    %dma_wait3A_708 = arith.constant 0 : i32
    %dma_wait3A_709 = arith.constant 0 : i32
    %dma_wait3A_710 = tpu.memref_slice %arg10[%dma_wait3A_707, %dma_wait3A_708, %dma_wait3A_709] : memref<8x8x129xf32, #tpu.memory_space<vmem>> -> memref<8x8x128xf32, #tpu.memory_space<vmem>>
    tpu.wait_dma2 semaphore(%arg18 : memref<!tpu.dma_semaphore, #tpu.memory_space<semaphore_mem>>) src(%dma_wait3A_710 : memref<8x8x128xf32, #tpu.memory_space<vmem>>) dst(%dma_wait3A_706 : memref<8x8x128xf32, #tpu.memory_space<hbm>>)
    %dma_wait3A_711 = arith.constant 197 : i32
    %dma_wait3A_712 = arith.constant 0 : i32
    %dma_wait3A_713 = arith.constant 0 : i32
    %dma_wait3A_714 = arith.constant 0 : i32
    %dma_wait3A_715 = tpu.memref_slice %arg11[%dma_wait3A_712, %dma_wait3A_713, %dma_wait3A_714] : memref<8x8x129xf32, #tpu.memory_space<vmem>> -> memref<8x8x128xf32, #tpu.memory_space<vmem>>
    %dma_wait3A_716 = arith.constant 0 : i32
    %dma_wait3A_717 = arith.constant 0 : i32
    %dma_wait3A_718 = arith.constant 0 : i32
    %dma_wait3A_719 = tpu.memref_slice %arg4[%dma_wait3A_711, %dma_wait3A_716, %add3A, %dma_wait3A_717, %dma_wait3A_718] : memref<200x8x32x8x128xf32, #tpu.memory_space<hbm>> -> memref<1x8x1x8x128xf32, #tpu.memory_space<hbm>>
    %dma_wait3A_720 = tpu.memref_squeeze %dma_wait3A_719 : memref<1x8x1x8x128xf32, #tpu.memory_space<hbm>> -> memref<8x8x128xf32, #tpu.memory_space<hbm>>
    %dma_wait3A_721 = arith.constant 0 : i32
    %dma_wait3A_722 = arith.constant 0 : i32
    %dma_wait3A_723 = arith.constant 0 : i32
    %dma_wait3A_724 = tpu.memref_slice %arg4[%dma_wait3A_711, %dma_wait3A_721, %add3A, %dma_wait3A_722, %dma_wait3A_723] : memref<200x8x32x8x128xf32, #tpu.memory_space<hbm>> -> memref<1x8x1x8x128xf32, #tpu.memory_space<hbm>>
    %dma_wait3A_725 = tpu.memref_squeeze %dma_wait3A_724 : memref<1x8x1x8x128xf32, #tpu.memory_space<hbm>> -> memref<8x8x128xf32, #tpu.memory_space<hbm>>
    %dma_wait3A_726 = arith.constant 0 : i32
    %dma_wait3A_727 = arith.constant 0 : i32
    %dma_wait3A_728 = arith.constant 0 : i32
    %dma_wait3A_729 = tpu.memref_slice %arg11[%dma_wait3A_726, %dma_wait3A_727, %dma_wait3A_728] : memref<8x8x129xf32, #tpu.memory_space<vmem>> -> memref<8x8x128xf32, #tpu.memory_space<vmem>>
    tpu.wait_dma2 semaphore(%arg19 : memref<!tpu.dma_semaphore, #tpu.memory_space<semaphore_mem>>) src(%dma_wait3A_729 : memref<8x8x128xf32, #tpu.memory_space<vmem>>) dst(%dma_wait3A_725 : memref<8x8x128xf32, #tpu.memory_space<hbm>>)
    %dma_wait3A_730 = arith.constant 198 : i32
    %dma_wait3A_731 = arith.constant 0 : i32
    %dma_wait3A_732 = arith.constant 0 : i32
    %dma_wait3A_733 = arith.constant 0 : i32
    %dma_wait3A_734 = tpu.memref_slice %arg12[%dma_wait3A_731, %dma_wait3A_732, %dma_wait3A_733] : memref<8x8x129xf32, #tpu.memory_space<vmem>> -> memref<8x8x128xf32, #tpu.memory_space<vmem>>
    %dma_wait3A_735 = arith.constant 0 : i32
    %dma_wait3A_736 = arith.constant 0 : i32
    %dma_wait3A_737 = arith.constant 0 : i32
    %dma_wait3A_738 = tpu.memref_slice %arg4[%dma_wait3A_730, %dma_wait3A_735, %add3A, %dma_wait3A_736, %dma_wait3A_737] : memref<200x8x32x8x128xf32, #tpu.memory_space<hbm>> -> memref<1x8x1x8x128xf32, #tpu.memory_space<hbm>>
    %dma_wait3A_739 = tpu.memref_squeeze %dma_wait3A_738 : memref<1x8x1x8x128xf32, #tpu.memory_space<hbm>> -> memref<8x8x128xf32, #tpu.memory_space<hbm>>
    %dma_wait3A_740 = arith.constant 0 : i32
    %dma_wait3A_741 = arith.constant 0 : i32
    %dma_wait3A_742 = arith.constant 0 : i32
    %dma_wait3A_743 = tpu.memref_slice %arg4[%dma_wait3A_730, %dma_wait3A_740, %add3A, %dma_wait3A_741, %dma_wait3A_742] : memref<200x8x32x8x128xf32, #tpu.memory_space<hbm>> -> memref<1x8x1x8x128xf32, #tpu.memory_space<hbm>>
    %dma_wait3A_744 = tpu.memref_squeeze %dma_wait3A_743 : memref<1x8x1x8x128xf32, #tpu.memory_space<hbm>> -> memref<8x8x128xf32, #tpu.memory_space<hbm>>
    %dma_wait3A_745 = arith.constant 0 : i32
    %dma_wait3A_746 = arith.constant 0 : i32
    %dma_wait3A_747 = arith.constant 0 : i32
    %dma_wait3A_748 = tpu.memref_slice %arg12[%dma_wait3A_745, %dma_wait3A_746, %dma_wait3A_747] : memref<8x8x129xf32, #tpu.memory_space<vmem>> -> memref<8x8x128xf32, #tpu.memory_space<vmem>>
    tpu.wait_dma2 semaphore(%arg20 : memref<!tpu.dma_semaphore, #tpu.memory_space<semaphore_mem>>) src(%dma_wait3A_748 : memref<8x8x128xf32, #tpu.memory_space<vmem>>) dst(%dma_wait3A_744 : memref<8x8x128xf32, #tpu.memory_space<hbm>>)
    %dma_wait3A_749 = arith.constant 199 : i32
    %dma_wait3A_750 = arith.constant 0 : i32
    %dma_wait3A_751 = arith.constant 0 : i32
    %dma_wait3A_752 = arith.constant 0 : i32
    %dma_wait3A_753 = tpu.memref_slice %arg13[%dma_wait3A_750, %dma_wait3A_751, %dma_wait3A_752] : memref<8x8x129xf32, #tpu.memory_space<vmem>> -> memref<8x8x128xf32, #tpu.memory_space<vmem>>
    %dma_wait3A_754 = arith.constant 0 : i32
    %dma_wait3A_755 = arith.constant 0 : i32
    %dma_wait3A_756 = arith.constant 0 : i32
    %dma_wait3A_757 = tpu.memref_slice %arg4[%dma_wait3A_749, %dma_wait3A_754, %add3A, %dma_wait3A_755, %dma_wait3A_756] : memref<200x8x32x8x128xf32, #tpu.memory_space<hbm>> -> memref<1x8x1x8x128xf32, #tpu.memory_space<hbm>>
    %dma_wait3A_758 = tpu.memref_squeeze %dma_wait3A_757 : memref<1x8x1x8x128xf32, #tpu.memory_space<hbm>> -> memref<8x8x128xf32, #tpu.memory_space<hbm>>
    %dma_wait3A_759 = arith.constant 0 : i32
    %dma_wait3A_760 = arith.constant 0 : i32
    %dma_wait3A_761 = arith.constant 0 : i32
    %dma_wait3A_762 = tpu.memref_slice %arg4[%dma_wait3A_749, %dma_wait3A_759, %add3A, %dma_wait3A_760, %dma_wait3A_761] : memref<200x8x32x8x128xf32, #tpu.memory_space<hbm>> -> memref<1x8x1x8x128xf32, #tpu.memory_space<hbm>>
    %dma_wait3A_763 = tpu.memref_squeeze %dma_wait3A_762 : memref<1x8x1x8x128xf32, #tpu.memory_space<hbm>> -> memref<8x8x128xf32, #tpu.memory_space<hbm>>
    %dma_wait3A_764 = arith.constant 0 : i32
    %dma_wait3A_765 = arith.constant 0 : i32
    %dma_wait3A_766 = arith.constant 0 : i32
    %dma_wait3A_767 = tpu.memref_slice %arg13[%dma_wait3A_764, %dma_wait3A_765, %dma_wait3A_766] : memref<8x8x129xf32, #tpu.memory_space<vmem>> -> memref<8x8x128xf32, #tpu.memory_space<vmem>>
    tpu.wait_dma2 semaphore(%arg21 : memref<!tpu.dma_semaphore, #tpu.memory_space<semaphore_mem>>) src(%dma_wait3A_767 : memref<8x8x128xf32, #tpu.memory_space<vmem>>) dst(%dma_wait3A_763 : memref<8x8x128xf32, #tpu.memory_space<hbm>>)
    return
  }
}

</mosaic_0001>

<sc_bundles>
// kernel: kernel.3.cloned.1.call-start
scs
__scs_entry_jumppad:
0x0: {  	(pc) =	sbr.rel $0x88, $3  }
0x1: {  	(tag) =	ssettag $0x0;
	lr =	simm.s32 $0x1  }
0x2: {  	[smem:$0x3F9F] =	sst lr;
	_ =	strace $0xD0000000  }
0x3: {  	_ = 	snop  }
0x4: {  	_ = 	snop  }
0x5: {  	_ = 	snop  }
0x6: {  	_ = 	snop  }
0x7: {  	_ = 	snop  }
__scs_overlays_trampoline_lowered:
0x8: {  	[smem:$0x3FAE] =	sst s0  }
0x9: {  	[smem:$0x3FAF] =	sst s1  }
0xa: {  	[smem:$0x3FB0] =	sst s2  }
0xb: {  	[smem:$0x3FB1] =	sst s3  }
0xc: {  	[smem:$0x3FB2] =	sst s4  }
0xd: {  	[smem:$0x3FB3] =	sst s5  }
0xe: {  	[smem:$0x3FB4] =	sst s6  }
0xf: {  	[smem:$0x3FB5] =	sst s7  }
0x10: {  	[smem:$0x3FB6] =	sst s8  }
0x11: {  	[smem:$0x3FB7] =	sst s9;
	s0 =	simm.s32 @!p0 $0x0  }
0x12: {  	s1 =	sld [smem:$0x3F9D];
	s0 =	simm.s32 @p0 $0x1  }
0x13: {  	[smem:$0x3FB8] =	sst s0;
	s0 =	simm.s32 @!p1 $0x0  }
0x14: {  	s2 =	sld [smem:$0x3F9C];
	s0 =	simm.s32 @p1 $0x1  }
0x15: {  	[smem:$0x3FB9] =	sst s0;
	s0 =	simm.s32 @!p2 $0x0  }
0x16: {  	s3 =	sld [smem:$0x3FDB];
	s0 =	simm.s32 @p2 $0x1  }
0x17: {  	s4 =	simm.s32 $0x1BF5;
	[smem:$0x3FBB] =	sst s0  }
0x18: {  	s0 =	sld [smem:$0x3F9E];
	_ =	swait.ge [sflag:s4], $0x0  }
0x19: {  	s7 =	sld [smem:$0x3F9F]  }
0x1a: {  	s8 =	sadd.s32 $0xFFFFE003, lr  }
0x1b: {  	s9 =	sadd.s32 $0xFFFFFEF7, lr;
	s5 =	simm.s32 $0xFFFFFFFF;
	p2 =	slt.u32 s8, $0xFFFFF086  }
0x1c: {  	p1 =	slt.u32 s9, $0xF7A;
	s5 =	simm.s32 @!p2 $0x0  }
0x1d: {  	s5 =	simm.s32 @p1 $0x1;
	p0 =	seq.s32 s7, s2  }
0x1e: {  	s7 =	smul.u32 @!p0 $0xF7A, s2;
	p2 =	seq.s32 @!p0 s5, $0x0  }
0x1f: {  	s9 =	smul.u32 $0xF7A, s1;
	s8 =	simm.s32 @!p0 $0x1BF5;
	p2 =	por !p2, p0  }
0x20: {  	[sflag:s8] =	ssyncset.s32 @!p0 $0xFFFFF086;
	s6 =	sadd.s32 @!p0 s3, s7;
	s7 =	simm.s32 @!p0 $0x108  }
0x21: {  	s3 =	sadd.s32 s3, s9;
	s6 =	sadd.s32 @!p0 $0x88, s6;
	s7 =	simm.s32 @p2 $0x1082  }
0x22: {  	[simem:s7], [sflag:s8] =	dma.local @!p0 [hbm:s6], $0xF7A  }
0x23: {  	s9 =	sor.u32 $0xD0000000, s2;
	s6 =	simm.s32 $0x108;
	_ =	swait.ge @!p0 [sflag:s8], $0x0  }
0x24: {  	s3 =	sadd.s32 $0x88, s3;
	s6 =	simm.s32 @!p1 $0x1082;
	[sflag:s4] =	ssyncset.s32 $0xFFFFF086  }
0x25: {  	[simem:s6], [sflag:s4] =	dma.local [hbm:s3], $0xF7A  }
0x26: {  	[smem:$0x3F9F] =	sst s1;
	(tag) =	ssettag s2;
	_ =	strace s9  }
0x27: {  	s1 =	sld [smem:$0x3FAF]  }
0x28: {  	s2 =	sld [smem:$0x3FB0]  }
0x29: {  	s4 =	sld [smem:$0x3FB2]  }
0x2a: {  	p0 =	seq.s32 s5, $0x0;
	s5 =	sld [smem:$0x3FB3]  }
0x2b: {  	s6 =	sld [smem:$0x3FB4]  }
0x2c: {  	s7 =	sld [smem:$0x3FB5]  }
0x2d: {  	s3 =	simm.s32 $0x108;
	s8 =	sld [smem:$0x3FB6]  }
0x2e: {  	s3 =	simm.s32 @!p0 $0x1082;
	s9 =	sld [smem:$0x3FB7]  }
0x2f: {  	lr =	sadd.s32 s0, s3;
	s0 =	sld [smem:$0x3FAE]  }
0x30: {  	s3 =	sld [smem:$0x3FB1]  }
0x31: {  	[smem:$0x3FBA] =	sst s10  }
0x32: {  	s10 =	sld [smem:$0x3FB8];
	_ =	sdelay $0x3  }
0x33: {  	p0 =	seq.s32 s10, $0x1;
	s10 =	sld [smem:$0x3FBA];
	_ =	sdelay $0x3  }
0x34: {  	[smem:$0x3FBA] =	sst s10  }
0x35: {  	s10 =	sld [smem:$0x3FB9];
	_ =	sdelay $0x3  }
0x36: {  	p1 =	seq.s32 s10, $0x1;
	s10 =	sld [smem:$0x3FBA];
	_ =	sdelay $0x3  }
0x37: {  	[smem:$0x3FBA] =	sst s10  }
0x38: {  	s10 =	sld [smem:$0x3FBB]  }
0x39: {  	_ = 	snop;
	(pc) =	sbr.ind lr, $3  }
0x3a: {  	_ = 	snop  }
0x3b: {  	_ = 	snop  }
0x3c: {  	p2 =	seq.s32 s10, $0x1;
	s10 =	sld [smem:$0x3FBA]  }
0x3d: {  	_ =	shalt  }
0x3e: {  	_ =	shalt  }
0x3f: {  	_ =	shalt  }
0x40: {  	_ =	shalt  }
0x41: {  	_ =	shalt  }
0x42: {  	_ =	shalt  }
0x43: {  	_ =	shalt  }
0x44: {  	_ =	shalt  }
0x45: {  	_ =	shalt  }
0x46: {  	_ =	shalt  }
0x47: {  	_ =	shalt  }
0x48: {  	_ =	shalt  }
0x49: {  	_ =	shalt  }
0x4a: {  	_ =	shalt  }
0x4b: {  	_ =	shalt  }
0x4c: {  	_ =	shalt  }
0x4d: {  	_ =	shalt  }
0x4e: {  	_ =	shalt  }
0x4f: {  	_ =	shalt  }
0x50: {  	_ =	shalt  }
0x51: {  	_ =	shalt  }
0x52: {  	_ =	shalt  }
0x53: {  	_ =	shalt  }
0x54: {  	_ =	shalt  }
0x55: {  	_ =	shalt  }
0x56: {  	_ =	shalt  }
0x57: {  	_ =	shalt  }
0x58: {  	_ =	shalt  }
0x59: {  	_ =	shalt  }
0x5a: {  	_ =	shalt  }
0x5b: {  	_ =	shalt  }
0x5c: {  	_ =	shalt  }
0x5d: {  	_ =	shalt  }
0x5e: {  	_ =	shalt  }
0x5f: {  	_ =	shalt  }
0x60: {  	_ =	shalt  }
0x61: {  	_ =	shalt  }
0x62: {  	_ =	shalt  }
0x63: {  	_ =	shalt  }
0x64: {  	_ =	shalt  }
0x65: {  	_ =	shalt  }
0x66: {  	_ =	shalt  }
0x67: {  	_ =	shalt  }
0x68: {  	_ =	shalt  }
0x69: {  	_ =	shalt  }
0x6a: {  	_ =	shalt  }
0x6b: {  	_ =	shalt  }
0x6c: {  	_ =	shalt  }
0x6d: {  	_ =	shalt  }
0x6e: {  	_ =	shalt  }
0x6f: {  	_ =	shalt  }
0x70: {  	_ =	shalt  }
0x71: {  	_ =	shalt  }
0x72: {  	_ =	shalt  }
0x73: {  	_ =	shalt  }
0x74: {  	_ =	shalt  }
0x75: {  	_ =	shalt  }
0x76: {  	_ =	shalt  }
0x77: {  	_ =	shalt  }
0x78: {  	_ =	shalt  }
0x79: {  	_ =	shalt  }
0x7a: {  	_ =	shalt  }
0x7b: {  	_ =	shalt  }
0x7c: {  	_ =	shalt  }
0x7d: {  	_ =	shalt  }
0x7e: {  	_ =	shalt  }
0x7f: {  	_ =	shalt  }
0x80: {  	_ =	shalt  }
0x81: {  	_ =	shalt  }
0x82: {  	_ =	shalt  }
0x83: {  	_ =	shalt  }
0x84: {  	_ =	shalt  }
0x85: {  	_ =	shalt  }
0x86: {  	_ =	shalt  }
0x87: {  	_ =	shalt  }
.Lfunc_end0:
.L_simem_size_0:
called_computation_lowered:
.L_overlay_start_0:
0x88: {  	s2 =	sld [smem:$0x3FD9]  }
0x89: {  	s3 =	sld [smem:$0x3FFE];
	_ =	sdelay $0x1  }
0x8a: {  	s1 =	srdreg.scid  }
0x8b: {  	s0 =	sand.u32 $0x1, s1  }
0x8c: {  	s17 =	sshll.u32 s0, $0xA;
	s2 =	sadd.s32 s3, s2  }
0x8d: {  	s2 =	sadd.s32 s2, s17  }
0x8e: {  	[smem:$0x3FC6] =	sst s2  }
0x8f: {  	_ = 	snop  }
0x90: {  	s2 =	sld [smem:$0x3FC9]  }
0x91: {  	s18 =	sld [smem:$0x3FD0];
	(tm) =	ssettm $0x1  }
0x92: {  	s4 =	sld [smem:$0x3FFB];
	_ =	sdelay $0x3  }
0x93: {  	_ =	strace s4  }
0x94: {  	s4 =	sld [smem:$0x3FFC];
	_ =	sdelay $0x3  }
0x95: {  	_ =	strace s4  }
0x96: {  	s4 =	sld [smem:$0x3FFD];
	_ =	sdelay $0x3  }
0x97: {  	_ =	strace s4  }
0x98: {  	_ =	strace $0x8FFFFFFF  }
0x99: {  	s19 =	sld [smem:$0x3FDB];
	_ =	sdelay $0x1  }
0x9a: {  	s5 =	simm.s32 $_scs_section_size  }
0x9b: {  	s6 =	simm.s32 $_size__tile_overlayer_lowered;
	s7 =	simm.s32 $_tile_overlayer_lowered  }
0x9c: {  	s22 =	simm.s32 $0x1BFF;
	s21 =	sshll.u32 s7, $0x1;
	s4 =	sadd.s32 s5, s19  }
0x9d: {  	s8 =	simm.s32 $0x0;
	s20 =	sshll.u32 s6, $0x1;
	s6 =	sadd.s32 s21, s4  }
0x9e: {  	[timem:s8], [sflag:s22] =	dma.local [hbm:s6], s20  }
0x9f: {  	_ =	swait.ge [sflag:s22], s20  }
0xa0: {  	s5 =	ssub.s32 $0x0, s20;
	[sflag:s22] =	ssyncset.done $0x0  }
0xa1: {  	[sflag:s22] =	ssyncadd.s32 s5;
	_ =	sdelay $0x1  }
0xa2: {  	s23 =	simm.s32 $0x1B8B  }
0xa3: {  	_ =	swait.ge [sflag:s23], $0x1  }
0xa4: {  	[sflag:s23] =	ssyncset.done $0x0  }
0xa5: {  	s25 =	simm.s32 $0x1B8E;
	s24 =	sld [smem:$0x3FFE];
	[sflag:s23] =	ssyncadd.s32 $0xFFFFFFFF  }
0xa6: {  	s26 =	simm.s32 $execute0_lowered;
	[smem:$0x3FD2] =	sst s25  }
0xa7: {  	s6 =	sshll.u32 s26, $0x1;
	_ =	strace $0x80000046;
	[dreg:$0x1] =	wrdreg $0xFFFFFFFF  }
0xa8: {  	s28 =	simm.s32 $_size_execute0_lowered;
	s4 =	sadd.s32 s4, s6;
	[dreg:$0x0] =	wrdreg $0x0  }
0xa9: {  	s6 =	sshll.u32 s28, $0x1;
	[dreg:$0x2] =	wrdreg s4  }
0xaa: {  	[dreg:$0x3] =	wrdreg s6  }
0xab: {  	[dreg:$0x4] =	wrdreg $0xC0  }
0xac: {  	_ =	task [dreg:s8], $0x5FFFF  }
0xad: {  	[dreg:$0x1] =	wrdreg $0xFFFFFFFF  }
0xae: {  	[dreg:$0x0] =	wrdreg $0x60  }
0xaf: {  	[dreg:$0x2] =	wrdreg s24  }
0xb0: {  	[dreg:$0x3] =	wrdreg s2  }
0xb1: {  	[dreg:$0x4] =	wrdreg s18  }
0xb2: {  	[dreg:$0x5] =	wrdreg $0x9  }
0xb3: {  	_ =	task.clear_ibuf [dreg:s8], $0x6FFFF;
	_ =	strace $0x90000046  }
0xb4: {  	s29 =	simm.s32 $0x9;
	_ =	strace $0x80000048  }
0xb5: {  	_ =	swait.ge [sflag:s29], $0x1  }
0xb6: {  	[sflag:s29] =	ssyncadd.s32 $0xFFFFFFFF  }
0xb7: {  	_ =	strace $0x90000048  }
0xb8: {  	_ =	sfence  }
0xb9: {  	s30 =	sld [smem:$0x0];
	_ =	sdelay $0x2  }
0xba: {  	s31 =	sshll.u32 s1, $0xD;
	s1 =	sshrl.u32 s1, $0x2  }
0xbb: {  	s3 =	sand.u32 $0x4000, s31;
	s1 =	sadd.s32 s1, s30  }
0xbc: {  	s0 =	sor.u32 s3, s0;
	s1 =	sshll.u32 s1, $0x11  }
0xbd: {  	s0 =	sor.u32 s1, s0  }
0xbe: {  	s0 =	sadd.s32 $0x8F2B, s0  }
0xbf: {  	[sflag:s0] =	ssyncadd.remote.s32 $0x1  }
0xc0: {  	_ =	sfence.sel $0xFFFF  }
0xc1: {  	[dreg:$0x0] =	wrdreg $0xFFFFFFFF;
	(pc) =	sbr.abs _section_cstart, $3  }
0xc2: {  	[dreg:$0x1] =	wrdreg $0xFFFFFFFF  }
0xc3: {  	_ =	task.clear_ibuf [dreg:s8], $0x2FFFF;
	_ =	strace $0x9FFFFFFF  }
0xc4: {  	(tm) =	ssettm $0x7FFFFFFF  }
0xc5: {  	_ =	shalt  }
tec
execute0_lowered:
.L_overlay_start_1:
0x0: {  	(tag) =	ssettag $0x1  }
0x1: {  	s0 =	rddreg [dreg:$0x0];
	s1 =	srdreg.scid  }
0x2: {  	s2 =	rddreg [dreg:$0x1];
	s3 =	stileid.u32  }
0x3: {  	s9 =	rddreg [dreg:$0x2];
	s1 =	sand.u32 $0x1, s1;
	s4 =	sshll.u32 s3, $0xB  }
0x4: {  	s3 =	simm.s32 $0x0;
	s5 =	sshll.u32 s1, $0xA;
	s1 =	ssub.s32 $0x2, s1  }
0x5: {  	s6 =	sadd.s32 $0xF42800, s0;
	s4 =	sor.u32 s5, s4;
	s7 =	sshrl.u32 s1, $0x1  }
0x6: {  	[smem:$0x7FF] =	sst s3;
	s5 =	sshrl.u32 s4, $0x3;
	s0 =	ssub.s32 s1, s7  }
0x7: {  	_ =	strace $0x80000047;
	s10 =	sadd.s32 s2, s5;
	s0 =	smax.u32 s0, $0x1  }
0x8: {  	s18 =	sor.u32 $0x8000, s5;
	s24 =	sor.u32 $0x10000, s5;
	[dreg:$0x17] =	wrdreg s0  }
0x9: {  	s26 =	sor.u32 $0x18000, s5;
	s5 =	sadd.s32 s9, s5;
	[dreg:$0x4] =	wrdreg s10  }
0xa: {  	s12 =	sadd.s32 $0x1000, s10;
	[dreg:$0x13] =	wrdreg s5  }
0xb: {  	s13 =	sadd.s32 $0x2000, s10;
	[dreg:$0x5] =	wrdreg s12  }
0xc: {  	s14 =	sadd.s32 $0x3000, s10;
	[dreg:$0x6] =	wrdreg s13  }
0xd: {  	s15 =	sadd.s32 $0x4000, s10;
	[dreg:$0x7] =	wrdreg s14  }
0xe: {  	s16 =	sadd.s32 $0x5000, s10;
	[dreg:$0x8] =	wrdreg s15  }
0xf: {  	s17 =	sadd.s32 $0x6000, s10;
	[dreg:$0x9] =	wrdreg s16  }
0x10: {  	s19 =	sadd.s32 $0x7000, s10;
	[dreg:$0xa] =	wrdreg s17  }
0x11: {  	s20 =	sadd.s32 s2, s18;
	[dreg:$0xb] =	wrdreg s19  }
0x12: {  	s21 =	sadd.s32 $0x9000, s10;
	[dreg:$0xc] =	wrdreg s20  }
0x13: {  	s22 =	sadd.s32 $0xA000, s10;
	[dreg:$0xd] =	wrdreg s21  }
0x14: {  	s23 =	sadd.s32 $0xB000, s10;
	[dreg:$0xe] =	wrdreg s22  }
0x15: {  	s8 =	sadd.s32 $0xC000, s10;
	[dreg:$0xf] =	wrdreg s23  }
0x16: {  	s25 =	sadd.s32 s2, s24;
	[dreg:$0x10] =	wrdreg s8  }
0x17: {  	s2 =	sadd.s32 s2, s26;
	[dreg:$0x11] =	wrdreg s25  }
0x18: {  	s1 =	sadd.s32 s9, s18;
	[dreg:$0x12] =	wrdreg s2  }
0x19: {  	s11 =	sadd.s32 s9, s24;
	[dreg:$0x14] =	wrdreg s1  }
0x1a: {  	s18 =	sadd.s32 $0x13000, s10;
	[dreg:$0x15] =	wrdreg s11  }
0x1b: {  	s24 =	sadd.s32 $0x628000, s5;
	[dreg:$0x1d] =	wrdreg s18  }
0x1c: {  	s12 =	sadd.s32 s9, s26;
	[smem:$0x7FB] =	sst s24  }
0x1d: {  	s28 =	simm.s32 $0x1;
	s13 =	sadd.s32 $0xD000, s10;
	[dreg:$0x16] =	wrdreg s12  }
0x1e: {  	s29 =	simm.s32 $0xE400;
	s14 =	sadd.s32 $0xE000, s10;
	[dreg:$0x18] =	wrdreg s13  }
0x1f: {  	s30 =	simm.s32 $0x2;
	s15 =	sadd.s32 $0xF000, s10;
	[dreg:$0x19] =	wrdreg s14  }
0x20: {  	s31 =	simm.s32 $0x10600;
	s16 =	sadd.s32 $0x11000, s10;
	[dreg:$0x1a] =	wrdreg s15  }
0x21: {  	s7 =	simm.s32 $0x4;
	s17 =	sadd.s32 $0x12000, s10;
	[dreg:$0x1b] =	wrdreg s16  }
0x22: {  	s0 =	simm.s32 $0x12800;
	s19 =	sadd.s32 $0x14000, s10;
	[dreg:$0x1c] =	wrdreg s17  }
0x23: {  	s20 =	sadd.s32 $0x15000, s10;
	s21 =	sadd.s32 $0x16000, s10;
	[dreg:$0x1e] =	wrdreg s19  }
0x24: {  	s22 =	sadd.s32 $0x17000, s10;
	s10 =	sadd.s32 $0x8000, s9;
	[dreg:$0x1f] =	wrdreg s20  }
0x25: {  	s11 =	sadd.s32 $0x10000, s9;
	s23 =	sadd.s32 $0x620000, s5;
	[smem:$0x7F8] =	sst s21  }
0x26: {  	s25 =	sadd.s32 $0x630000, s5;
	s26 =	sadd.s32 $0x638000, s5;
	[smem:$0x7F9] =	sst s22  }
0x27: {  	s18 =	simm.s32 $0x80;
	s1 =	simm.s32 $0x3;
	[smem:$0x7FA] =	sst s23  }
0x28: {  	v0 =	vlaneseq.u32;
	s8 =	simm.s32 $0x14A00;
	s5 =	simm.s32 $0x6;
	[smem:$0x7FC] =	sst s25  }
0x29: {  	v0 =	vmul.u32 $0x88, v0;
	s12 =	sadd.s32 $0x18000, s9;
	[smem:$0x7FD] =	sst s26;
	s17 =	simm.s32 $0x9  }
0x2a: {  	s25 =	simm.s32 $0xA400;
	s26 =	simm.s32 $0xC400;
	s9 =	simm.s32 $0x5  }
0x2b: {  	v1 =	vadd.s32 $0x880, v0;
	v2 =	vadd.s32 $0x1100, v0;
	v3 =	vadd.s32 $0x1980, v0;
	s22 =	simm.s32 $0x7;
	s23 =	simm.s32 $0x8;
	s13 =	simm.s32 $0x0  }
.LBB2_1:
0x2c: {  	[smem:$0x7F7] =	sst s13  }
0x2d: {  	s2 =	rddreg [dreg:$0x4]  }
0x2e: {  	[tilespmem:s3], [sflag:$0x9] =	stream.linear.gather [hbm4b:s2+s3], $0x400, $0x38;
	[tilespmem:$0x16C00] =	vst v63  }
0x2f: {  	_ =	swait.ge [sflag:s17], $0x400  }
0x30: {  	[sflag:s17] =	ssyncset.done $0x0  }
0x31: {  	s16 =	simm.s32 $0x400;
	s15 =	rddreg [dreg:$0x5];
	[sflag:s17] =	ssyncadd.s32 $0xFFFFFC00  }
0x32: {  	[tilespmem:s16], [sflag:$0x9] =	stream.linear.gather [hbm4b:s15+s3], $0x400, $0x38;
	[tilespmem:$0x16C00] =	vst v63  }
0x33: {  	_ =	swait.ge [sflag:s17], $0x400  }
0x34: {  	[sflag:s17] =	ssyncset.done $0x0  }
0x35: {  	s20 =	simm.s32 $0x800;
	s19 =	rddreg [dreg:$0x6];
	[sflag:s17] =	ssyncadd.s32 $0xFFFFFC00  }
0x36: {  	[tilespmem:s20], [sflag:$0x9] =	stream.linear.gather [hbm4b:s19+s3], $0x400, $0x38;
	[tilespmem:$0x16C00] =	vst v63  }
0x37: {  	_ =	swait.ge [sflag:s17], $0x400  }
0x38: {  	[sflag:s17] =	ssyncset.done $0x0  }
0x39: {  	s24 =	simm.s32 $0xC00;
	s21 =	rddreg [dreg:$0x7];
	[sflag:s17] =	ssyncadd.s32 $0xFFFFFC00  }
0x3a: {  	[tilespmem:s24], [sflag:$0x9] =	stream.linear.gather [hbm4b:s21+s3], $0x400, $0x38;
	[tilespmem:$0x16C00] =	vst v63  }
0x3b: {  	_ =	swait.ge [sflag:s17], $0x400  }
0x3c: {  	[sflag:s17] =	ssyncset.done $0x0  }
0x3d: {  	s14 =	simm.s32 $0x1000;
	s13 =	rddreg [dreg:$0x8];
	[sflag:s17] =	ssyncadd.s32 $0xFFFFFC00  }
0x3e: {  	[tilespmem:s14], [sflag:$0x9] =	stream.linear.gather [hbm4b:s13+s3], $0x400, $0x38;
	[tilespmem:$0x16C00] =	vst v63  }
0x3f: {  	_ =	swait.ge [sflag:s17], $0x400  }
0x40: {  	[sflag:s17] =	ssyncset.done $0x0  }
0x41: {  	s16 =	simm.s32 $0x1400;
	s15 =	rddreg [dreg:$0x9];
	[sflag:s17] =	ssyncadd.s32 $0xFFFFFC00  }
0x42: {  	[tilespmem:s16], [sflag:$0x9] =	stream.linear.gather [hbm4b:s15+s3], $0x400, $0x38;
	[tilespmem:$0x16C00] =	vst v63  }
0x43: {  	_ =	swait.ge [sflag:s17], $0x400  }
0x44: {  	[sflag:s17] =	ssyncset.done $0x0  }
0x45: {  	s20 =	simm.s32 $0x1800;
	s19 =	rddreg [dreg:$0xa];
	[sflag:s17] =	ssyncadd.s32 $0xFFFFFC00  }
0x46: {  	[tilespmem:s20], [sflag:$0x9] =	stream.linear.gather [hbm4b:s19+s3], $0x400, $0x38;
	[tilespmem:$0x16C00] =	vst v63  }
0x47: {  	_ =	swait.ge [sflag:s17], $0x400  }
0x48: {  	[sflag:s17] =	ssyncset.done $0x0  }
0x49: {  	s24 =	simm.s32 $0x1C00;
	s21 =	rddreg [dreg:$0xb];
	[sflag:s17] =	ssyncadd.s32 $0xFFFFFC00  }
0x4a: {  	[tilespmem:s24], [sflag:$0x9] =	stream.linear.gather [hbm4b:s21+s3], $0x400, $0x38;
	[tilespmem:$0x16C00] =	vst v63  }
0x4b: {  	_ =	swait.ge [sflag:s17], $0x400  }
0x4c: {  	[sflag:s17] =	ssyncset.done $0x0  }
0x4d: {  	s14 =	simm.s32 $0x2000;
	s13 =	rddreg [dreg:$0xc];
	[sflag:s17] =	ssyncadd.s32 $0xFFFFFC00  }
0x4e: {  	[tilespmem:s14], [sflag:$0x9] =	stream.linear.gather [hbm4b:s13+s3], $0x400, $0x38;
	[tilespmem:$0x16C00] =	vst v63  }
0x4f: {  	_ =	swait.ge [sflag:s17], $0x400  }
0x50: {  	[sflag:s17] =	ssyncset.done $0x0  }
0x51: {  	s16 =	simm.s32 $0x2400;
	s15 =	rddreg [dreg:$0xd];
	[sflag:s17] =	ssyncadd.s32 $0xFFFFFC00  }
0x52: {  	[tilespmem:s16], [sflag:$0x9] =	stream.linear.gather [hbm4b:s15+s3], $0x400, $0x38;
	[tilespmem:$0x16C00] =	vst v63  }
0x53: {  	_ =	swait.ge [sflag:s17], $0x400  }
0x54: {  	[sflag:s17] =	ssyncset.done $0x0  }
0x55: {  	s20 =	simm.s32 $0x2800;
	s19 =	rddreg [dreg:$0xe];
	[sflag:s17] =	ssyncadd.s32 $0xFFFFFC00  }
0x56: {  	[tilespmem:s20], [sflag:$0x9] =	stream.linear.gather [hbm4b:s19+s3], $0x400, $0x38;
	[tilespmem:$0x16C00] =	vst v63  }
0x57: {  	_ =	swait.ge [sflag:s17], $0x400  }
0x58: {  	[sflag:s17] =	ssyncset.done $0x0  }
0x59: {  	s24 =	simm.s32 $0x2C00;
	s21 =	rddreg [dreg:$0xf];
	[sflag:s17] =	ssyncadd.s32 $0xFFFFFC00  }
0x5a: {  	[tilespmem:s24], [sflag:$0x9] =	stream.linear.gather [hbm4b:s21+s3], $0x400, $0x38;
	[tilespmem:$0x16C00] =	vst v63  }
0x5b: {  	_ =	swait.ge [sflag:s17], $0x400  }
0x5c: {  	[sflag:s17] =	ssyncset.done $0x0  }
0x5d: {  	s14 =	simm.s32 $0x3000;
	s13 =	rddreg [dreg:$0x10];
	[sflag:s17] =	ssyncadd.s32 $0xFFFFFC00  }
0x5e: {  	[tilespmem:s14], [sflag:$0x9] =	stream.linear.gather [hbm4b:s13+s3], $0x400, $0x38;
	[tilespmem:$0x16C00] =	vst v63  }
0x5f: {  	_ =	swait.ge [sflag:s17], $0x400  }
0x60: {  	[sflag:s17] =	ssyncset.done $0x0  }
0x61: {  	s16 =	simm.s32 $0x3400;
	s15 =	rddreg [dreg:$0x18];
	[sflag:s17] =	ssyncadd.s32 $0xFFFFFC00  }
0x62: {  	[tilespmem:s16], [sflag:$0x9] =	stream.linear.gather [hbm4b:s15+s3], $0x400, $0x38;
	[tilespmem:$0x16C00] =	vst v63  }
0x63: {  	_ =	swait.ge [sflag:s17], $0x400  }
0x64: {  	[sflag:s17] =	ssyncset.done $0x0  }
0x65: {  	s20 =	simm.s32 $0x3800;
	s19 =	rddreg [dreg:$0x19];
	[sflag:s17] =	ssyncadd.s32 $0xFFFFFC00  }
0x66: {  	[tilespmem:s20], [sflag:$0x9] =	stream.linear.gather [hbm4b:s19+s3], $0x400, $0x38;
	[tilespmem:$0x16C00] =	vst v63  }
0x67: {  	_ =	swait.ge [sflag:s17], $0x400  }
0x68: {  	[sflag:s17] =	ssyncset.done $0x0  }
0x69: {  	s24 =	simm.s32 $0x3C00;
	s21 =	rddreg [dreg:$0x1a];
	[sflag:s17] =	ssyncadd.s32 $0xFFFFFC00  }
0x6a: {  	[tilespmem:s24], [sflag:$0x9] =	stream.linear.gather [hbm4b:s21+s3], $0x400, $0x38;
	[tilespmem:$0x16C00] =	vst v63  }
0x6b: {  	_ =	swait.ge [sflag:s17], $0x400  }
0x6c: {  	[sflag:s17] =	ssyncset.done $0x0  }
0x6d: {  	s14 =	simm.s32 $0x4000;
	s13 =	rddreg [dreg:$0x11];
	[sflag:s17] =	ssyncadd.s32 $0xFFFFFC00  }
0x6e: {  	[tilespmem:s14], [sflag:$0x9] =	stream.linear.gather [hbm4b:s13+s3], $0x400, $0x38;
	[tilespmem:$0x16C00] =	vst v63  }
0x6f: {  	_ =	swait.ge [sflag:s17], $0x400  }
0x70: {  	[sflag:s17] =	ssyncset.done $0x0  }
0x71: {  	s16 =	simm.s32 $0x4400;
	s15 =	rddreg [dreg:$0x1b];
	[sflag:s17] =	ssyncadd.s32 $0xFFFFFC00  }
0x72: {  	[tilespmem:s16], [sflag:$0x9] =	stream.linear.gather [hbm4b:s15+s3], $0x400, $0x38;
	[tilespmem:$0x16C00] =	vst v63  }
0x73: {  	_ =	swait.ge [sflag:s17], $0x400  }
0x74: {  	[sflag:s17] =	ssyncset.done $0x0  }
0x75: {  	s20 =	simm.s32 $0x4800;
	s19 =	rddreg [dreg:$0x1c];
	[sflag:s17] =	ssyncadd.s32 $0xFFFFFC00  }
0x76: {  	[tilespmem:s20], [sflag:$0x9] =	stream.linear.gather [hbm4b:s19+s3], $0x400, $0x38;
	[tilespmem:$0x16C00] =	vst v63  }
0x77: {  	_ =	swait.ge [sflag:s17], $0x400  }
0x78: {  	[sflag:s17] =	ssyncset.done $0x0  }
0x79: {  	s24 =	simm.s32 $0x4C00;
	s21 =	rddreg [dreg:$0x1d];
	[sflag:s17] =	ssyncadd.s32 $0xFFFFFC00  }
0x7a: {  	[tilespmem:s24], [sflag:$0x9] =	stream.linear.gather [hbm4b:s21+s3], $0x400, $0x38;
	[tilespmem:$0x16C00] =	vst v63  }
0x7b: {  	_ =	swait.ge [sflag:s17], $0x400  }
0x7c: {  	[sflag:s17] =	ssyncset.done $0x0  }
0x7d: {  	s14 =	simm.s32 $0x5000;
	s13 =	rddreg [dreg:$0x1e];
	[sflag:s17] =	ssyncadd.s32 $0xFFFFFC00  }
0x7e: {  	[tilespmem:s14], [sflag:$0x9] =	stream.linear.gather [hbm4b:s13+s3], $0x400, $0x38;
	[tilespmem:$0x16C00] =	vst v63  }
0x7f: {  	_ =	swait.ge [sflag:s17], $0x400  }
0x80: {  	[sflag:s17] =	ssyncset.done $0x0  }
0x81: {  	s16 =	simm.s32 $0x5400;
	s15 =	rddreg [dreg:$0x1f];
	[sflag:s17] =	ssyncadd.s32 $0xFFFFFC00  }
0x82: {  	[tilespmem:s16], [sflag:$0x9] =	stream.linear.gather [hbm4b:s15+s3], $0x400, $0x38;
	[tilespmem:$0x16C00] =	vst v63  }
0x83: {  	_ =	swait.ge [sflag:s17], $0x400  }
0x84: {  	s19 =	sld [smem:$0x7F8]  }
0x85: {  	[sflag:s17] =	ssyncset.done $0x0  }
0x86: {  	s20 =	simm.s32 $0x5800;
	[sflag:s17] =	ssyncadd.s32 $0xFFFFFC00  }
0x87: {  	[tilespmem:s20], [sflag:$0x9] =	stream.linear.gather [hbm4b:s19+s3], $0x400, $0x38;
	[tilespmem:$0x16C00] =	vst v63  }
0x88: {  	_ =	swait.ge [sflag:s17], $0x400  }
0x89: {  	s21 =	sld [smem:$0x7F9]  }
0x8a: {  	[sflag:s17] =	ssyncset.done $0x0  }
0x8b: {  	s24 =	simm.s32 $0x5C00;
	[sflag:s17] =	ssyncadd.s32 $0xFFFFFC00  }
0x8c: {  	[tilespmem:s24], [sflag:$0x9] =	stream.linear.gather [hbm4b:s21+s3], $0x400, $0x38;
	[tilespmem:$0x16C00] =	vst v63  }
0x8d: {  	_ =	swait.ge [sflag:s17], $0x400  }
0x8e: {  	[sflag:s17] =	ssyncset.done $0x0  }
0x8f: {  	s15 =	simm.s32 $0x6000;
	s14 =	rddreg [dreg:$0x12];
	[sflag:s17] =	ssyncadd.s32 $0xFFFFFC00  }
0x90: {  	[tilespmem:s15], [sflag:$0x9] =	stream.linear.gather [hbm4b:s14+s3], $0x400, $0x38;
	[tilespmem:$0x16C00] =	vst v63  }
0x91: {  	_ =	swait.ge [sflag:s17], $0x400  }
0x92: {  	[sflag:s17] =	ssyncset.done $0x0  }
0x93: {  	s16 =	simm.s32 $0x6400;
	[sflag:s17] =	ssyncadd.s32 $0xFFFFFC00  }
0x94: {  	[tilespmem:s16], [sflag:$0x1] =	stream.indirect.gather [hbm4b:s6+s18], $0x40, s3, s18, $0xb8;
	[tilespmem:$0x16C00] =	vst v63  }
0x95: {  	s19 =	simm.s32 $0x8400  }
0x96: {  	[tilespmem:s19], [sflag:$0x2] =	stream.indirect.gather [hbm4b:s6+s18], $0x40, s18, s18, $0xb8;
	[tilespmem:$0x16C00] =	vst v63  }
0x97: {  	s20 =	simm.s32 $0x100  }
0x98: {  	[tilespmem:s25], [sflag:$0x3] =	stream.indirect.gather [hbm4b:s6+s18], $0x40, s20, s18, $0xb8;
	[tilespmem:$0x16C00] =	vst v63  }
0x99: {  	s21 =	simm.s32 $0x180  }
0x9a: {  	[tilespmem:s26], [sflag:$0x4] =	stream.indirect.gather [hbm4b:s6+s18], $0x40, s21, s18, $0xb8;
	[tilespmem:$0x16C00] =	vst v63  }
0x9b: {  	_ =	swait.ge [sflag:s28], $0x2000  }
0x9c: {  	[sflag:s28] =	ssyncset.done $0x0  }
0x9d: {  	s13 =	simm.s32 $0x6440;
	[sflag:s28] =	ssyncadd.s32 $0xFFFFE000  }
0x9e: {  	v4 =	vmov s3;
	v5 =	vld [tilespmem:s13+$0xFFFFFFC0]  }
0x9f: {  	v4 =	vand.u32 $0x7E, v4  }
0xa0: {  	v6 =	vadd.s32 v0, v4;
	_ =	sdelay $0x2  }
0xa1: {  	v5 =	vmul.f32 $8.000000000e+00, v5;
	_ =	sdelay $0x1  }
0xa2: {  	[tilespmem:v6+s29+$0x0] =	vst.idx.msk $0xffff, v5  }
0xa3: {  	v5 =	vld [tilespmem:s13+$0xFFFFFFD0];
	_ =	sdelay $0x1  }
0xa4: {  	v6 =	vadd.s32 v1, v4;
	_ =	sdelay $0x2  }
0xa5: {  	v5 =	vmul.f32 $8.000000000e+00, v5;
	_ =	sdelay $0x1  }
0xa6: {  	[tilespmem:v6+s29+$0x0] =	vst.idx.msk $0xffff, v5  }
0xa7: {  	v5 =	vld [tilespmem:s13+$0xFFFFFFE0];
	_ =	sdelay $0x1  }
0xa8: {  	v6 =	vadd.s32 v2, v4;
	_ =	sdelay $0x2  }
0xa9: {  	v5 =	vmul.f32 $8.000000000e+00, v5;
	_ =	sdelay $0x1  }
0xaa: {  	[tilespmem:v6+s29+$0x0] =	vst.idx.msk $0xffff, v5  }
0xab: {  	v5 =	vld [tilespmem:s13+$0xFFFFFFF0];
	_ =	sdelay $0x1  }
0xac: {  	v4 =	vadd.s32 v3, v4;
	_ =	sdelay $0x2  }
0xad: {  	v5 =	vmul.f32 $8.000000000e+00, v5;
	_ =	sdelay $0x1  }
0xae: {  	s24 =	simm.s32 $0x1;
	[tilespmem:v4+s29+$0x0] =	vst.idx.msk $0xffff, v5  }
0xaf: {  	v4 =	vmov s24;
	v5 =	vld [tilespmem:s13+$0x0]  }
0xb0: {  	v4 =	vand.u32 $0x7F, v4  }
0xb1: {  	v6 =	vadd.s32 v0, v4;
	_ =	sdelay $0x2  }
0xb2: {  	v5 =	vmul.f32 $8.000000000e+00, v5;
	_ =	sdelay $0x1  }
0xb3: {  	[tilespmem:v6+s29+$0x0] =	vst.idx.msk $0xffff, v5  }
0xb4: {  	v5 =	vld [tilespmem:s13+$0x10];
	_ =	sdelay $0x1  }
0xb5: {  	v6 =	vadd.s32 v1, v4;
	_ =	sdelay $0x2  }
0xb6: {  	v5 =	vmul.f32 $8.000000000e+00, v5;
	_ =	sdelay $0x1  }
0xb7: {  	[tilespmem:v6+s29+$0x0] =	vst.idx.msk $0xffff, v5  }
0xb8: {  	v5 =	vld [tilespmem:s13+$0x20];
	_ =	sdelay $0x1  }
0xb9: {  	v6 =	vadd.s32 v2, v4;
	_ =	sdelay $0x2  }
0xba: {  	v5 =	vmul.f32 $8.000000000e+00, v5;
	_ =	sdelay $0x1  }
0xbb: {  	[tilespmem:v6+s29+$0x0] =	vst.idx.msk $0xffff, v5  }
0xbc: {  	v5 =	vld [tilespmem:s13+$0x30];
	_ =	sdelay $0x1  }
0xbd: {  	v4 =	vadd.s32 v3, v4;
	_ =	sdelay $0x2  }
0xbe: {  	s14 =	simm.s32 $0x2;
	v5 =	vmul.f32 $8.000000000e+00, v5  }
.LBB2_2:
0xbf: {  	p0 =	sne.s32 s14, $0x7E  }
0xc0: {  	s13 =	sadd.s32 $0x80, s13;
	s2 =	smov.u32 s14;
	s14 =	sadd.s32 $0x2, s14;
	[tilespmem:v4+s29+$0x0] =	vst.idx.msk $0xffff, v5  }
0xc1: {  	v4 =	vmov s2;
	v5 =	vld [tilespmem:s13+$0xFFFFFFC0]  }
0xc2: {  	v4 =	vand.u32 $0x7E, v4  }
0xc3: {  	v6 =	vadd.s32 v0, v4;
	_ =	sdelay $0x2  }
0xc4: {  	v5 =	vmul.f32 $8.000000000e+00, v5;
	_ =	sdelay $0x1  }
0xc5: {  	[tilespmem:v6+s29+$0x0] =	vst.idx.msk $0xffff, v5  }
0xc6: {  	v5 =	vld [tilespmem:s13+$0xFFFFFFD0];
	_ =	sdelay $0x1  }
0xc7: {  	v6 =	vadd.s32 v1, v4;
	_ =	sdelay $0x2  }
0xc8: {  	v5 =	vmul.f32 $8.000000000e+00, v5;
	_ =	sdelay $0x1  }
0xc9: {  	[tilespmem:v6+s29+$0x0] =	vst.idx.msk $0xffff, v5  }
0xca: {  	v5 =	vld [tilespmem:s13+$0xFFFFFFE0];
	_ =	sdelay $0x1  }
0xcb: {  	v6 =	vadd.s32 v2, v4;
	_ =	sdelay $0x2  }
0xcc: {  	v5 =	vmul.f32 $8.000000000e+00, v5;
	_ =	sdelay $0x1  }
0xcd: {  	[tilespmem:v6+s29+$0x0] =	vst.idx.msk $0xffff, v5  }
0xce: {  	v5 =	vld [tilespmem:s13+$0xFFFFFFF0];
	_ =	sdelay $0x1  }
0xcf: {  	v4 =	vadd.s32 v3, v4;
	_ =	sdelay $0x2  }
0xd0: {  	v5 =	vmul.f32 $8.000000000e+00, v5;
	_ =	sdelay $0x1  }
0xd1: {  	s2 =	sadd.s32 $0x1, s2;
	[tilespmem:v4+s29+$0x0] =	vst.idx.msk $0xffff, v5  }
0xd2: {  	v4 =	vmov s2;
	v5 =	vld [tilespmem:s13+$0x0]  }
0xd3: {  	v4 =	vand.u32 $0x7F, v4  }
0xd4: {  	v6 =	vadd.s32 v0, v4;
	_ =	sdelay $0x2  }
0xd5: {  	v5 =	vmul.f32 $8.000000000e+00, v5;
	_ =	sdelay $0x1  }
0xd6: {  	[tilespmem:v6+s29+$0x0] =	vst.idx.msk $0xffff, v5  }
0xd7: {  	v5 =	vld [tilespmem:s13+$0x10];
	_ =	sdelay $0x1  }
0xd8: {  	v6 =	vadd.s32 v1, v4;
	_ =	sdelay $0x2  }
0xd9: {  	v5 =	vmul.f32 $8.000000000e+00, v5;
	_ =	sdelay $0x1  }
0xda: {  	[tilespmem:v6+s29+$0x0] =	vst.idx.msk $0xffff, v5  }
0xdb: {  	v5 =	vld [tilespmem:s13+$0x20];
	_ =	sdelay $0x1  }
0xdc: {  	v6 =	vadd.s32 v2, v4;
	_ =	sdelay $0x2  }
0xdd: {  	v5 =	vmul.f32 $8.000000000e+00, v5;
	_ =	sdelay $0x1  }
0xde: {  	[tilespmem:v6+s29+$0x0] =	vst.idx.msk $0xffff, v5  }
0xdf: {  	v5 =	vld [tilespmem:s13+$0x30]  }
.Ltmp0:
0xe0: {  	(pc) =	sbr.rel @p0 .LBB2_2-.Ltmp0, $2  }
0xe1: {  	v4 =	vadd.s32 v3, v4;
	_ =	sdelay $0x2  }
0xe2: {  	v5 =	vmul.f32 $8.000000000e+00, v5  }
0xe3: {  	_ =	sdelay $0x3  }
0xe4: {  	s2 =	simm.s32 $0x6400;
	s13 =	simm.s32 $0x200;
	[tilespmem:v4+s29+$0x0] =	vst.idx.msk $0xffff, v5  }
0xe5: {  	[tilespmem:s2], [sflag:$0x1] =	stream.indirect.gather [hbm4b:s6+s18], $0x40, s13, s18, $0xb8;
	[tilespmem:$0x16C00] =	vst v63  }
0xe6: {  	s14 =	rddreg [dreg:$0x13];
	s13 =	simm.s32 $0xE400  }
0xe7: {  	[hbm4b:s14+s3] =	stream.linear.scatter [tilespmem:s13], [sflag:$0x5], $0x80, $0x38;
	[tilespmem:$0x16C00] =	vst v63  }
0xe8: {  	s15 =	simm.s32 $0xE488;
	s16 =	sadd.s32 $0x10, s14  }
0xe9: {  	[hbm4b:s16+s3] =	stream.linear.scatter [tilespmem:s15], [sflag:$0x5], $0x80, $0x38;
	[tilespmem:$0x16C00] =	vst v63  }
0xea: {  	s19 =	simm.s32 $0xE510;
	s21 =	simm.s32 $0xE598;
	s20 =	sadd.s32 $0x20, s14  }
0xeb: {  	[hbm4b:s20+s3] =	stream.linear.scatter [tilespmem:s19], [sflag:$0x5], $0x80, $0x38;
	[tilespmem:$0x16C00] =	vst v63  }
0xec: {  	s24 =	sadd.s32 $0x30, s14;
	s2 =	sadd.s32 $0x70, s14;
	s13 =	simm.s32 $0x440  }
0xed: {  	[hbm4b:s24+s3] =	stream.linear.scatter [tilespmem:s21], [sflag:$0x5], $0x80, $0x38;
	[tilespmem:$0x16C00] =	vst v63  }
0xee: {  	s15 =	simm.s32 $0xE620;
	s16 =	sadd.s32 $0x40, s14;
	s19 =	simm.s32 $0xE6A8  }
0xef: {  	[hbm4b:s16+s3] =	stream.linear.scatter [tilespmem:s15], [sflag:$0x5], $0x80, $0x38;
	[tilespmem:$0x16C00] =	vst v63  }
0xf0: {  	s20 =	sadd.s32 $0x50, s14;
	s21 =	simm.s32 $0xE730;
	s24 =	sadd.s32 $0x60, s14  }
0xf1: {  	[hbm4b:s20+s3] =	stream.linear.scatter [tilespmem:s19], [sflag:$0x5], $0x80, $0x38;
	[tilespmem:$0x16C00] =	vst v63  }
0xf2: {  	s14 =	sadd.s32 $0x1000, s14;
	s15 =	simm.s32 $0x2200;
	s16 =	simm.s32 $0xE7B8  }
0xf3: {  	[hbm4b:s24+s3] =	stream.linear.scatter [tilespmem:s21], [sflag:$0x5], $0x80, $0x38;
	[tilespmem:$0x16C00] =	vst v63  }
.LBB2_4:
0xf4: {  	[hbm4b:s2+s3] =	stream.linear.scatter [tilespmem:s16], [sflag:$0x5], $0x80, $0x38;
	[tilespmem:$0x16C00] =	vst v63  }
0xf5: {  	s2 =	smov.u32 s13;
	s13 =	smov.u32 s15  }
0xf6: {  	s19 =	sadd.s32 $0x1100, s15;
	s13 =	sshra.s32 s13, $0x2;
	s16 =	sadd.s32 $0xE400, s2  }
0xf7: {  	[hbm4b:s14+s3] =	stream.linear.scatter [tilespmem:s16], [sflag:$0x5], $0x80, $0x38;
	[tilespmem:$0x16C00] =	vst v63  }
0xf8: {  	p0 =	sne.s32 s15, $0x7700;
	s15 =	sadd.s32 $0xE488, s2;
	s16 =	sadd.s32 $0x10, s14  }
0xf9: {  	[hbm4b:s16+s3] =	stream.linear.scatter [tilespmem:s15], [sflag:$0x5], $0x80, $0x38;
	[tilespmem:$0x16C00] =	vst v63  }
0xfa: {  	s15 =	sadd.s32 $0xE510, s2;
	s16 =	sadd.s32 $0x20, s14  }
0xfb: {  	[hbm4b:s16+s3] =	stream.linear.scatter [tilespmem:s15], [sflag:$0x5], $0x80, $0x38;
	[tilespmem:$0x16C00] =	vst v63  }
0xfc: {  	s15 =	sadd.s32 $0xE598, s2;
	s16 =	sadd.s32 $0x30, s14  }
0xfd: {  	[hbm4b:s16+s3] =	stream.linear.scatter [tilespmem:s15], [sflag:$0x5], $0x80, $0x38;
	[tilespmem:$0x16C00] =	vst v63  }
0xfe: {  	s15 =	sadd.s32 $0xE620, s2;
	s16 =	sadd.s32 $0x40, s14  }
0xff: {  	[hbm4b:s16+s3] =	stream.linear.scatter [tilespmem:s15], [sflag:$0x5], $0x80, $0x38;
	[tilespmem:$0x16C00] =	vst v63  }
0x100: {  	s15 =	sadd.s32 $0xE6A8, s2;
	s16 =	sadd.s32 $0x50, s14  }
0x101: {  	[hbm4b:s16+s3] =	stream.linear.scatter [tilespmem:s15], [sflag:$0x5], $0x80, $0x38;
	[tilespmem:$0x16C00] =	vst v63  }
.Ltmp1:
0x102: {  	_ = 	snop;
	(pc) =	sbr.rel @p0 .LBB2_4-.Ltmp1, $4  }
0x103: {  	s15 =	sadd.s32 $0xE730, s2;
	s16 =	sadd.s32 $0x60, s14  }
0x104: {  	[hbm4b:s16+s3] =	stream.linear.scatter [tilespmem:s15], [sflag:$0x5], $0x80, $0x38;
	[tilespmem:$0x16C00] =	vst v63  }
0x105: {  	s16 =	sadd.s32 $0xE7B8, s2  }
0x106: {  	s2 =	sadd.s32 $0x70, s14;
	s14 =	sadd.s32 $0x1000, s14;
	s15 =	smov.u32 s19  }
0x107: {  	[hbm4b:s2+s3] =	stream.linear.scatter [tilespmem:s16], [sflag:$0x5], $0x80, $0x38;
	[tilespmem:$0x16C00] =	vst v63  }
0x108: {  	s19 =	sadd.s32 $0xE400, s13  }
0x109: {  	[hbm4b:s14+s3] =	stream.linear.scatter [tilespmem:s19], [sflag:$0x5], $0x80, $0x38;
	[tilespmem:$0x16C00] =	vst v63  }
0x10a: {  	s20 =	sadd.s32 $0xE488, s13;
	s15 =	sadd.s32 $0x10, s14  }
0x10b: {  	[hbm4b:s15+s3] =	stream.linear.scatter [tilespmem:s20], [sflag:$0x5], $0x80, $0x38;
	[tilespmem:$0x16C00] =	vst v63  }
0x10c: {  	s21 =	sadd.s32 $0xE510, s13;
	s24 =	sadd.s32 $0x20, s14  }
0x10d: {  	[hbm4b:s24+s3] =	stream.linear.scatter [tilespmem:s21], [sflag:$0x5], $0x80, $0x38;
	[tilespmem:$0x16C00] =	vst v63  }
0x10e: {  	s16 =	sadd.s32 $0x30, s14;
	s15 =	sadd.s32 $0xE598, s13  }
0x10f: {  	[hbm4b:s16+s3] =	stream.linear.scatter [tilespmem:s15], [sflag:$0x5], $0x80, $0x38;
	[tilespmem:$0x16C00] =	vst v63  }
0x110: {  	s19 =	sadd.s32 $0xE620, s13;
	s20 =	sadd.s32 $0x40, s14  }
0x111: {  	[hbm4b:s20+s3] =	stream.linear.scatter [tilespmem:s19], [sflag:$0x5], $0x80, $0x38;
	[tilespmem:$0x16C00] =	vst v63  }
0x112: {  	s21 =	sadd.s32 $0xE6A8, s13;
	s24 =	sadd.s32 $0x50, s14  }
0x113: {  	[hbm4b:s24+s3] =	stream.linear.scatter [tilespmem:s21], [sflag:$0x5], $0x80, $0x38;
	[tilespmem:$0x16C00] =	vst v63  }
0x114: {  	s15 =	sadd.s32 $0xE730, s13;
	s16 =	sadd.s32 $0x60, s14  }
0x115: {  	[hbm4b:s16+s3] =	stream.linear.scatter [tilespmem:s15], [sflag:$0x5], $0x80, $0x38;
	[tilespmem:$0x16C00] =	vst v63  }
0x116: {  	s19 =	sadd.s32 $0xE7B8, s13;
	s20 =	sadd.s32 $0x70, s14  }
0x117: {  	[hbm4b:s20+s3] =	stream.linear.scatter [tilespmem:s19], [sflag:$0x5], $0x80, $0x38;
	[tilespmem:$0x16C00] =	vst v63  }
0x118: {  	_ =	swait.ge [sflag:s30], $0x2000  }
0x119: {  	[sflag:s30] =	ssyncset.done $0x0  }
0x11a: {  	s13 =	simm.s32 $0x8440;
	s21 =	simm.s32 $0x0;
	[sflag:s30] =	ssyncadd.s32 $0xFFFFE000  }
0x11b: {  	v4 =	vmov s21;
	v5 =	vld [tilespmem:s13+$0xFFFFFFC0]  }
0x11c: {  	v4 =	vand.u32 $0x7E, v4  }
0x11d: {  	v6 =	vadd.s32 v0, v4;
	_ =	sdelay $0x2  }
0x11e: {  	v5 =	vmul.f32 $8.000000000e+00, v5;
	_ =	sdelay $0x1  }
0x11f: {  	[tilespmem:v6+s31+$0x0] =	vst.idx.msk $0xffff, v5  }
0x120: {  	v5 =	vld [tilespmem:s13+$0xFFFFFFD0];
	_ =	sdelay $0x1  }
0x121: {  	v6 =	vadd.s32 v1, v4;
	_ =	sdelay $0x2  }
0x122: {  	v5 =	vmul.f32 $8.000000000e+00, v5;
	_ =	sdelay $0x1  }
0x123: {  	[tilespmem:v6+s31+$0x0] =	vst.idx.msk $0xffff, v5  }
0x124: {  	v5 =	vld [tilespmem:s13+$0xFFFFFFE0];
	_ =	sdelay $0x1  }
0x125: {  	v6 =	vadd.s32 v2, v4;
	_ =	sdelay $0x2  }
0x126: {  	v5 =	vmul.f32 $8.000000000e+00, v5;
	_ =	sdelay $0x1  }
0x127: {  	[tilespmem:v6+s31+$0x0] =	vst.idx.msk $0xffff, v5  }
0x128: {  	v5 =	vld [tilespmem:s13+$0xFFFFFFF0];
	_ =	sdelay $0x1  }
0x129: {  	v4 =	vadd.s32 v3, v4;
	_ =	sdelay $0x2  }
0x12a: {  	v5 =	vmul.f32 $8.000000000e+00, v5;
	_ =	sdelay $0x1  }
0x12b: {  	s24 =	simm.s32 $0x1;
	[tilespmem:v4+s31+$0x0] =	vst.idx.msk $0xffff, v5  }
0x12c: {  	v4 =	vmov s24;
	v5 =	vld [tilespmem:s13+$0x0]  }
0x12d: {  	v4 =	vand.u32 $0x7F, v4  }
0x12e: {  	v6 =	vadd.s32 v0, v4;
	_ =	sdelay $0x2  }
0x12f: {  	v5 =	vmul.f32 $8.000000000e+00, v5;
	_ =	sdelay $0x1  }
0x130: {  	[tilespmem:v6+s31+$0x0] =	vst.idx.msk $0xffff, v5  }
0x131: {  	v5 =	vld [tilespmem:s13+$0x10];
	_ =	sdelay $0x1  }
0x132: {  	v6 =	vadd.s32 v1, v4;
	_ =	sdelay $0x2  }
0x133: {  	v5 =	vmul.f32 $8.000000000e+00, v5;
	_ =	sdelay $0x1  }
0x134: {  	[tilespmem:v6+s31+$0x0] =	vst.idx.msk $0xffff, v5  }
0x135: {  	v5 =	vld [tilespmem:s13+$0x20];
	_ =	sdelay $0x1  }
0x136: {  	v6 =	vadd.s32 v2, v4;
	_ =	sdelay $0x2  }
0x137: {  	v5 =	vmul.f32 $8.000000000e+00, v5;
	_ =	sdelay $0x1  }
0x138: {  	[tilespmem:v6+s31+$0x0] =	vst.idx.msk $0xffff, v5  }
0x139: {  	v5 =	vld [tilespmem:s13+$0x30];
	_ =	sdelay $0x1  }
0x13a: {  	v4 =	vadd.s32 v3, v4;
	_ =	sdelay $0x2  }
0x13b: {  	s14 =	simm.s32 $0x2;
	v5 =	vmul.f32 $8.000000000e+00, v5  }
.LBB2_6:
0x13c: {  	p0 =	sne.s32 s14, $0x7E  }
0x13d: {  	s13 =	sadd.s32 $0x80, s13;
	s2 =	smov.u32 s14;
	s14 =	sadd.s32 $0x2, s14;
	[tilespmem:v4+s31+$0x0] =	vst.idx.msk $0xffff, v5  }
0x13e: {  	v4 =	vmov s2;
	v5 =	vld [tilespmem:s13+$0xFFFFFFC0]  }
0x13f: {  	v4 =	vand.u32 $0x7E, v4  }
0x140: {  	v6 =	vadd.s32 v0, v4;
	_ =	sdelay $0x2  }
0x141: {  	v5 =	vmul.f32 $8.000000000e+00, v5;
	_ =	sdelay $0x1  }
0x142: {  	[tilespmem:v6+s31+$0x0] =	vst.idx.msk $0xffff, v5  }
0x143: {  	v5 =	vld [tilespmem:s13+$0xFFFFFFD0];
	_ =	sdelay $0x1  }
0x144: {  	v6 =	vadd.s32 v1, v4;
	_ =	sdelay $0x2  }
0x145: {  	v5 =	vmul.f32 $8.000000000e+00, v5;
	_ =	sdelay $0x1  }
0x146: {  	[tilespmem:v6+s31+$0x0] =	vst.idx.msk $0xffff, v5  }
0x147: {  	v5 =	vld [tilespmem:s13+$0xFFFFFFE0];
	_ =	sdelay $0x1  }
0x148: {  	v6 =	vadd.s32 v2, v4;
	_ =	sdelay $0x2  }
0x149: {  	v5 =	vmul.f32 $8.000000000e+00, v5;
	_ =	sdelay $0x1  }
0x14a: {  	[tilespmem:v6+s31+$0x0] =	vst.idx.msk $0xffff, v5  }
0x14b: {  	v5 =	vld [tilespmem:s13+$0xFFFFFFF0];
	_ =	sdelay $0x1  }
0x14c: {  	v4 =	vadd.s32 v3, v4;
	_ =	sdelay $0x2  }
0x14d: {  	v5 =	vmul.f32 $8.000000000e+00, v5;
	_ =	sdelay $0x1  }
0x14e: {  	s2 =	sadd.s32 $0x1, s2;
	[tilespmem:v4+s31+$0x0] =	vst.idx.msk $0xffff, v5  }
0x14f: {  	v4 =	vmov s2;
	v5 =	vld [tilespmem:s13+$0x0]  }
0x150: {  	v4 =	vand.u32 $0x7F, v4  }
0x151: {  	v6 =	vadd.s32 v0, v4;
	_ =	sdelay $0x2  }
0x152: {  	v5 =	vmul.f32 $8.000000000e+00, v5;
	_ =	sdelay $0x1  }
0x153: {  	[tilespmem:v6+s31+$0x0] =	vst.idx.msk $0xffff, v5  }
0x154: {  	v5 =	vld [tilespmem:s13+$0x10];
	_ =	sdelay $0x1  }
0x155: {  	v6 =	vadd.s32 v1, v4;
	_ =	sdelay $0x2  }
0x156: {  	v5 =	vmul.f32 $8.000000000e+00, v5;
	_ =	sdelay $0x1  }
0x157: {  	[tilespmem:v6+s31+$0x0] =	vst.idx.msk $0xffff, v5  }
0x158: {  	v5 =	vld [tilespmem:s13+$0x20];
	_ =	sdelay $0x1  }
0x159: {  	v6 =	vadd.s32 v2, v4;
	_ =	sdelay $0x2  }
0x15a: {  	v5 =	vmul.f32 $8.000000000e+00, v5;
	_ =	sdelay $0x1  }
0x15b: {  	[tilespmem:v6+s31+$0x0] =	vst.idx.msk $0xffff, v5  }
0x15c: {  	v5 =	vld [tilespmem:s13+$0x30]  }
.Ltmp2:
0x15d: {  	(pc) =	sbr.rel @p0 .LBB2_6-.Ltmp2, $2  }
0x15e: {  	v4 =	vadd.s32 v3, v4;
	_ =	sdelay $0x2  }
0x15f: {  	v5 =	vmul.f32 $8.000000000e+00, v5  }
0x160: {  	_ =	sdelay $0x3  }
0x161: {  	s2 =	simm.s32 $0x8400;
	s13 =	simm.s32 $0x280;
	[tilespmem:v4+s31+$0x0] =	vst.idx.msk $0xffff, v5  }
0x162: {  	[tilespmem:s2], [sflag:$0x2] =	stream.indirect.gather [hbm4b:s6+s18], $0x40, s13, s18, $0xb8;
	[tilespmem:$0x16C00] =	vst v63  }
0x163: {  	s14 =	rddreg [dreg:$0x14];
	s13 =	simm.s32 $0x10600  }
0x164: {  	[hbm4b:s14+s3] =	stream.linear.scatter [tilespmem:s13], [sflag:$0x6], $0x80, $0x38;
	[tilespmem:$0x16C00] =	vst v63  }
0x165: {  	s15 =	simm.s32 $0x10688;
	s16 =	sadd.s32 $0x10, s14  }
0x166: {  	[hbm4b:s16+s3] =	stream.linear.scatter [tilespmem:s15], [sflag:$0x6], $0x80, $0x38;
	[tilespmem:$0x16C00] =	vst v63  }
0x167: {  	s19 =	simm.s32 $0x10710;
	s21 =	simm.s32 $0x10798;
	s20 =	sadd.s32 $0x20, s14  }
0x168: {  	[hbm4b:s20+s3] =	stream.linear.scatter [tilespmem:s19], [sflag:$0x6], $0x80, $0x38;
	[tilespmem:$0x16C00] =	vst v63  }
0x169: {  	s24 =	sadd.s32 $0x30, s14;
	s2 =	sadd.s32 $0x70, s14;
	s13 =	simm.s32 $0x440  }
0x16a: {  	[hbm4b:s24+s3] =	stream.linear.scatter [tilespmem:s21], [sflag:$0x6], $0x80, $0x38;
	[tilespmem:$0x16C00] =	vst v63  }
0x16b: {  	s15 =	simm.s32 $0x10820;
	s16 =	sadd.s32 $0x40, s14;
	s19 =	simm.s32 $0x108A8  }
0x16c: {  	[hbm4b:s16+s3] =	stream.linear.scatter [tilespmem:s15], [sflag:$0x6], $0x80, $0x38;
	[tilespmem:$0x16C00] =	vst v63  }
0x16d: {  	s20 =	sadd.s32 $0x50, s14;
	s21 =	simm.s32 $0x10930;
	s24 =	sadd.s32 $0x60, s14  }
0x16e: {  	[hbm4b:s20+s3] =	stream.linear.scatter [tilespmem:s19], [sflag:$0x6], $0x80, $0x38;
	[tilespmem:$0x16C00] =	vst v63  }
0x16f: {  	s14 =	sadd.s32 $0x1000, s14;
	s15 =	simm.s32 $0x2200;
	s16 =	simm.s32 $0x109B8  }
0x170: {  	[hbm4b:s24+s3] =	stream.linear.scatter [tilespmem:s21], [sflag:$0x6], $0x80, $0x38;
	[tilespmem:$0x16C00] =	vst v63  }
.LBB2_8:
0x171: {  	[hbm4b:s2+s3] =	stream.linear.scatter [tilespmem:s16], [sflag:$0x6], $0x80, $0x38;
	[tilespmem:$0x16C00] =	vst v63  }
0x172: {  	s2 =	smov.u32 s13;
	s13 =	smov.u32 s15  }
0x173: {  	s19 =	sadd.s32 $0x1100, s15;
	s13 =	sshra.s32 s13, $0x2;
	s16 =	sadd.s32 $0x10600, s2  }
0x174: {  	[hbm4b:s14+s3] =	stream.linear.scatter [tilespmem:s16], [sflag:$0x6], $0x80, $0x38;
	[tilespmem:$0x16C00] =	vst v63  }
0x175: {  	p0 =	sne.s32 s15, $0x7700;
	s15 =	sadd.s32 $0x10688, s2;
	s16 =	sadd.s32 $0x10, s14  }
0x176: {  	[hbm4b:s16+s3] =	stream.linear.scatter [tilespmem:s15], [sflag:$0x6], $0x80, $0x38;
	[tilespmem:$0x16C00] =	vst v63  }
0x177: {  	s15 =	sadd.s32 $0x10710, s2;
	s16 =	sadd.s32 $0x20, s14  }
0x178: {  	[hbm4b:s16+s3] =	stream.linear.scatter [tilespmem:s15], [sflag:$0x6], $0x80, $0x38;
	[tilespmem:$0x16C00] =	vst v63  }
0x179: {  	s15 =	sadd.s32 $0x10798, s2;
	s16 =	sadd.s32 $0x30, s14  }
0x17a: {  	[hbm4b:s16+s3] =	stream.linear.scatter [tilespmem:s15], [sflag:$0x6], $0x80, $0x38;
	[tilespmem:$0x16C00] =	vst v63  }
0x17b: {  	s15 =	sadd.s32 $0x10820, s2;
	s16 =	sadd.s32 $0x40, s14  }
0x17c: {  	[hbm4b:s16+s3] =	stream.linear.scatter [tilespmem:s15], [sflag:$0x6], $0x80, $0x38;
	[tilespmem:$0x16C00] =	vst v63  }
0x17d: {  	s15 =	sadd.s32 $0x108A8, s2;
	s16 =	sadd.s32 $0x50, s14  }
0x17e: {  	[hbm4b:s16+s3] =	stream.linear.scatter [tilespmem:s15], [sflag:$0x6], $0x80, $0x38;
	[tilespmem:$0x16C00] =	vst v63  }
.Ltmp3:
0x17f: {  	_ = 	snop;
	(pc) =	sbr.rel @p0 .LBB2_8-.Ltmp3, $4  }
0x180: {  	s15 =	sadd.s32 $0x10930, s2;
	s16 =	sadd.s32 $0x60, s14  }
0x181: {  	[hbm4b:s16+s3] =	stream.linear.scatter [tilespmem:s15], [sflag:$0x6], $0x80, $0x38;
	[tilespmem:$0x16C00] =	vst v63  }
0x182: {  	s16 =	sadd.s32 $0x109B8, s2  }
0x183: {  	s2 =	sadd.s32 $0x70, s14;
	s14 =	sadd.s32 $0x1000, s14;
	s15 =	smov.u32 s19  }
0x184: {  	[hbm4b:s2+s3] =	stream.linear.scatter [tilespmem:s16], [sflag:$0x6], $0x80, $0x38;
	[tilespmem:$0x16C00] =	vst v63  }
0x185: {  	s19 =	sadd.s32 $0x10600, s13  }
0x186: {  	[hbm4b:s14+s3] =	stream.linear.scatter [tilespmem:s19], [sflag:$0x6], $0x80, $0x38;
	[tilespmem:$0x16C00] =	vst v63  }
0x187: {  	s20 =	sadd.s32 $0x10688, s13;
	s15 =	sadd.s32 $0x10, s14  }
0x188: {  	[hbm4b:s15+s3] =	stream.linear.scatter [tilespmem:s20], [sflag:$0x6], $0x80, $0x38;
	[tilespmem:$0x16C00] =	vst v63  }
0x189: {  	s21 =	sadd.s32 $0x10710, s13;
	s24 =	sadd.s32 $0x20, s14  }
0x18a: {  	[hbm4b:s24+s3] =	stream.linear.scatter [tilespmem:s21], [sflag:$0x6], $0x80, $0x38;
	[tilespmem:$0x16C00] =	vst v63  }
0x18b: {  	s16 =	sadd.s32 $0x30, s14;
	s15 =	sadd.s32 $0x10798, s13  }
0x18c: {  	[hbm4b:s16+s3] =	stream.linear.scatter [tilespmem:s15], [sflag:$0x6], $0x80, $0x38;
	[tilespmem:$0x16C00] =	vst v63  }
0x18d: {  	s19 =	sadd.s32 $0x10820, s13;
	s20 =	sadd.s32 $0x40, s14  }
0x18e: {  	[hbm4b:s20+s3] =	stream.linear.scatter [tilespmem:s19], [sflag:$0x6], $0x80, $0x38;
	[tilespmem:$0x16C00] =	vst v63  }
0x18f: {  	s21 =	sadd.s32 $0x108A8, s13;
	s24 =	sadd.s32 $0x50, s14  }
0x190: {  	[hbm4b:s24+s3] =	stream.linear.scatter [tilespmem:s21], [sflag:$0x6], $0x80, $0x38;
	[tilespmem:$0x16C00] =	vst v63  }
0x191: {  	s15 =	sadd.s32 $0x10930, s13;
	s16 =	sadd.s32 $0x60, s14  }
0x192: {  	[hbm4b:s16+s3] =	stream.linear.scatter [tilespmem:s15], [sflag:$0x6], $0x80, $0x38;
	[tilespmem:$0x16C00] =	vst v63  }
0x193: {  	s19 =	sadd.s32 $0x109B8, s13;
	s20 =	sadd.s32 $0x70, s14  }
0x194: {  	[hbm4b:s20+s3] =	stream.linear.scatter [tilespmem:s19], [sflag:$0x6], $0x80, $0x38;
	[tilespmem:$0x16C00] =	vst v63  }
0x195: {  	_ =	swait.ge [sflag:s1], $0x2000  }
0x196: {  	[sflag:s1] =	ssyncset.done $0x0  }
0x197: {  	s13 =	simm.s32 $0xA440;
	s21 =	simm.s32 $0x0;
	[sflag:s1] =	ssyncadd.s32 $0xFFFFE000  }
0x198: {  	v4 =	vmov s21;
	v5 =	vld [tilespmem:s13+$0xFFFFFFC0]  }
0x199: {  	v4 =	vand.u32 $0x7E, v4  }
0x19a: {  	v6 =	vadd.s32 v0, v4;
	_ =	sdelay $0x2  }
0x19b: {  	v5 =	vmul.f32 $8.000000000e+00, v5;
	_ =	sdelay $0x1  }
0x19c: {  	[tilespmem:v6+s0+$0x0] =	vst.idx.msk $0xffff, v5  }
0x19d: {  	v5 =	vld [tilespmem:s13+$0xFFFFFFD0];
	_ =	sdelay $0x1  }
0x19e: {  	v6 =	vadd.s32 v1, v4;
	_ =	sdelay $0x2  }
0x19f: {  	v5 =	vmul.f32 $8.000000000e+00, v5;
	_ =	sdelay $0x1  }
0x1a0: {  	[tilespmem:v6+s0+$0x0] =	vst.idx.msk $0xffff, v5  }
0x1a1: {  	v5 =	vld [tilespmem:s13+$0xFFFFFFE0];
	_ =	sdelay $0x1  }
0x1a2: {  	v6 =	vadd.s32 v2, v4;
	_ =	sdelay $0x2  }
0x1a3: {  	v5 =	vmul.f32 $8.000000000e+00, v5;
	_ =	sdelay $0x1  }
0x1a4: {  	[tilespmem:v6+s0+$0x0] =	vst.idx.msk $0xffff, v5  }
0x1a5: {  	v5 =	vld [tilespmem:s13+$0xFFFFFFF0];
	_ =	sdelay $0x1  }
0x1a6: {  	v4 =	vadd.s32 v3, v4;
	_ =	sdelay $0x2  }
0x1a7: {  	v5 =	vmul.f32 $8.000000000e+00, v5;
	_ =	sdelay $0x1  }
0x1a8: {  	s24 =	simm.s32 $0x1;
	[tilespmem:v4+s0+$0x0] =	vst.idx.msk $0xffff, v5  }
0x1a9: {  	v4 =	vmov s24;
	v5 =	vld [tilespmem:s13+$0x0]  }
0x1aa: {  	v4 =	vand.u32 $0x7F, v4  }
0x1ab: {  	v6 =	vadd.s32 v0, v4;
	_ =	sdelay $0x2  }
0x1ac: {  	v5 =	vmul.f32 $8.000000000e+00, v5;
	_ =	sdelay $0x1  }
0x1ad: {  	[tilespmem:v6+s0+$0x0] =	vst.idx.msk $0xffff, v5  }
0x1ae: {  	v5 =	vld [tilespmem:s13+$0x10];
	_ =	sdelay $0x1  }
0x1af: {  	v6 =	vadd.s32 v1, v4;
	_ =	sdelay $0x2  }
0x1b0: {  	v5 =	vmul.f32 $8.000000000e+00, v5;
	_ =	sdelay $0x1  }
0x1b1: {  	[tilespmem:v6+s0+$0x0] =	vst.idx.msk $0xffff, v5  }
0x1b2: {  	v5 =	vld [tilespmem:s13+$0x20];
	_ =	sdelay $0x1  }
0x1b3: {  	v6 =	vadd.s32 v2, v4;
	_ =	sdelay $0x2  }
0x1b4: {  	v5 =	vmul.f32 $8.000000000e+00, v5;
	_ =	sdelay $0x1  }
0x1b5: {  	[tilespmem:v6+s0+$0x0] =	vst.idx.msk $0xffff, v5  }
0x1b6: {  	v5 =	vld [tilespmem:s13+$0x30];
	_ =	sdelay $0x1  }
0x1b7: {  	v4 =	vadd.s32 v3, v4;
	_ =	sdelay $0x2  }
0x1b8: {  	s14 =	simm.s32 $0x2;
	v5 =	vmul.f32 $8.000000000e+00, v5  }
.LBB2_10:
0x1b9: {  	p0 =	sne.s32 s14, $0x7E  }
0x1ba: {  	s13 =	sadd.s32 $0x80, s13;
	s2 =	smov.u32 s14;
	s14 =	sadd.s32 $0x2, s14;
	[tilespmem:v4+s0+$0x0] =	vst.idx.msk $0xffff, v5  }
0x1bb: {  	v4 =	vmov s2;
	v5 =	vld [tilespmem:s13+$0xFFFFFFC0]  }
0x1bc: {  	v4 =	vand.u32 $0x7E, v4  }
0x1bd: {  	v6 =	vadd.s32 v0, v4;
	_ =	sdelay $0x2  }
0x1be: {  	v5 =	vmul.f32 $8.000000000e+00, v5;
	_ =	sdelay $0x1  }
0x1bf: {  	[tilespmem:v6+s0+$0x0] =	vst.idx.msk $0xffff, v5  }
0x1c0: {  	v5 =	vld [tilespmem:s13+$0xFFFFFFD0];
	_ =	sdelay $0x1  }
0x1c1: {  	v6 =	vadd.s32 v1, v4;
	_ =	sdelay $0x2  }
0x1c2: {  	v5 =	vmul.f32 $8.000000000e+00, v5;
	_ =	sdelay $0x1  }
0x1c3: {  	[tilespmem:v6+s0+$0x0] =	vst.idx.msk $0xffff, v5  }
0x1c4: {  	v5 =	vld [tilespmem:s13+$0xFFFFFFE0];
	_ =	sdelay $0x1  }
0x1c5: {  	v6 =	vadd.s32 v2, v4;
	_ =	sdelay $0x2  }
0x1c6: {  	v5 =	vmul.f32 $8.000000000e+00, v5;
	_ =	sdelay $0x1  }
0x1c7: {  	[tilespmem:v6+s0+$0x0] =	vst.idx.msk $0xffff, v5  }
0x1c8: {  	v5 =	vld [tilespmem:s13+$0xFFFFFFF0];
	_ =	sdelay $0x1  }
0x1c9: {  	v4 =	vadd.s32 v3, v4;
	_ =	sdelay $0x2  }
0x1ca: {  	v5 =	vmul.f32 $8.000000000e+00, v5;
	_ =	sdelay $0x1  }
0x1cb: {  	s2 =	sadd.s32 $0x1, s2;
	[tilespmem:v4+s0+$0x0] =	vst.idx.msk $0xffff, v5  }
0x1cc: {  	v4 =	vmov s2;
	v5 =	vld [tilespmem:s13+$0x0]  }
0x1cd: {  	v4 =	vand.u32 $0x7F, v4  }
0x1ce: {  	v6 =	vadd.s32 v0, v4;
	_ =	sdelay $0x2  }
0x1cf: {  	v5 =	vmul.f32 $8.000000000e+00, v5;
	_ =	sdelay $0x1  }
0x1d0: {  	[tilespmem:v6+s0+$0x0] =	vst.idx.msk $0xffff, v5  }
0x1d1: {  	v5 =	vld [tilespmem:s13+$0x10];
	_ =	sdelay $0x1  }
0x1d2: {  	v6 =	vadd.s32 v1, v4;
	_ =	sdelay $0x2  }
0x1d3: {  	v5 =	vmul.f32 $8.000000000e+00, v5;
	_ =	sdelay $0x1  }
0x1d4: {  	[tilespmem:v6+s0+$0x0] =	vst.idx.msk $0xffff, v5  }
0x1d5: {  	v5 =	vld [tilespmem:s13+$0x20];
	_ =	sdelay $0x1  }
0x1d6: {  	v6 =	vadd.s32 v2, v4;
	_ =	sdelay $0x2  }
0x1d7: {  	v5 =	vmul.f32 $8.000000000e+00, v5;
	_ =	sdelay $0x1  }
0x1d8: {  	[tilespmem:v6+s0+$0x0] =	vst.idx.msk $0xffff, v5  }
0x1d9: {  	v5 =	vld [tilespmem:s13+$0x30]  }
.Ltmp4:
0x1da: {  	(pc) =	sbr.rel @p0 .LBB2_10-.Ltmp4, $2  }
0x1db: {  	v4 =	vadd.s32 v3, v4;
	_ =	sdelay $0x2  }
0x1dc: {  	v5 =	vmul.f32 $8.000000000e+00, v5  }
0x1dd: {  	_ =	sdelay $0x3  }
0x1de: {  	s2 =	simm.s32 $0x300;
	[tilespmem:v4+s0+$0x0] =	vst.idx.msk $0xffff, v5  }
0x1df: {  	[tilespmem:s25], [sflag:$0x3] =	stream.indirect.gather [hbm4b:s6+s18], $0x40, s2, s18, $0xb8;
	[tilespmem:$0x16C00] =	vst v63  }
0x1e0: {  	s15 =	simm.s32 $0x12800;
	s14 =	rddreg [dreg:$0x15]  }
0x1e1: {  	[hbm4b:s14+s3] =	stream.linear.scatter [tilespmem:s15], [sflag:$0x7], $0x80, $0x38;
	[tilespmem:$0x16C00] =	vst v63  }
0x1e2: {  	s16 =	simm.s32 $0x12888;
	s13 =	sadd.s32 $0x10, s14  }
0x1e3: {  	[hbm4b:s13+s3] =	stream.linear.scatter [tilespmem:s16], [sflag:$0x7], $0x80, $0x38;
	[tilespmem:$0x16C00] =	vst v63  }
0x1e4: {  	s19 =	simm.s32 $0x12910;
	s21 =	simm.s32 $0x12998;
	s20 =	sadd.s32 $0x20, s14  }
0x1e5: {  	[hbm4b:s20+s3] =	stream.linear.scatter [tilespmem:s19], [sflag:$0x7], $0x80, $0x38;
	[tilespmem:$0x16C00] =	vst v63  }
0x1e6: {  	s24 =	sadd.s32 $0x30, s14;
	s2 =	sadd.s32 $0x70, s14;
	s15 =	simm.s32 $0x12A20  }
0x1e7: {  	[hbm4b:s24+s3] =	stream.linear.scatter [tilespmem:s21], [sflag:$0x7], $0x80, $0x38;
	[tilespmem:$0x16C00] =	vst v63  }
0x1e8: {  	s16 =	sadd.s32 $0x40, s14;
	s13 =	simm.s32 $0x440;
	s19 =	simm.s32 $0x12AA8  }
0x1e9: {  	[hbm4b:s16+s3] =	stream.linear.scatter [tilespmem:s15], [sflag:$0x7], $0x80, $0x38;
	[tilespmem:$0x16C00] =	vst v63  }
0x1ea: {  	s20 =	sadd.s32 $0x50, s14;
	s21 =	simm.s32 $0x12B30;
	s24 =	sadd.s32 $0x60, s14  }
0x1eb: {  	[hbm4b:s20+s3] =	stream.linear.scatter [tilespmem:s19], [sflag:$0x7], $0x80, $0x38;
	[tilespmem:$0x16C00] =	vst v63  }
0x1ec: {  	s14 =	sadd.s32 $0x1000, s14;
	s15 =	simm.s32 $0x2200;
	s16 =	simm.s32 $0x12BB8  }
0x1ed: {  	[hbm4b:s24+s3] =	stream.linear.scatter [tilespmem:s21], [sflag:$0x7], $0x80, $0x38;
	[tilespmem:$0x16C00] =	vst v63  }
.LBB2_12:
0x1ee: {  	[hbm4b:s2+s3] =	stream.linear.scatter [tilespmem:s16], [sflag:$0x7], $0x80, $0x38;
	[tilespmem:$0x16C00] =	vst v63  }
0x1ef: {  	s2 =	smov.u32 s13;
	s13 =	smov.u32 s15  }
0x1f0: {  	s19 =	sadd.s32 $0x1100, s15;
	s13 =	sshra.s32 s13, $0x2;
	s16 =	sadd.s32 $0x12800, s2  }
0x1f1: {  	[hbm4b:s14+s3] =	stream.linear.scatter [tilespmem:s16], [sflag:$0x7], $0x80, $0x38;
	[tilespmem:$0x16C00] =	vst v63  }
0x1f2: {  	p0 =	sne.s32 s15, $0x7700;
	s15 =	sadd.s32 $0x12888, s2;
	s16 =	sadd.s32 $0x10, s14  }
0x1f3: {  	[hbm4b:s16+s3] =	stream.linear.scatter [tilespmem:s15], [sflag:$0x7], $0x80, $0x38;
	[tilespmem:$0x16C00] =	vst v63  }
0x1f4: {  	s15 =	sadd.s32 $0x12910, s2;
	s16 =	sadd.s32 $0x20, s14  }
0x1f5: {  	[hbm4b:s16+s3] =	stream.linear.scatter [tilespmem:s15], [sflag:$0x7], $0x80, $0x38;
	[tilespmem:$0x16C00] =	vst v63  }
0x1f6: {  	s15 =	sadd.s32 $0x12998, s2;
	s16 =	sadd.s32 $0x30, s14  }
0x1f7: {  	[hbm4b:s16+s3] =	stream.linear.scatter [tilespmem:s15], [sflag:$0x7], $0x80, $0x38;
	[tilespmem:$0x16C00] =	vst v63  }
0x1f8: {  	s15 =	sadd.s32 $0x12A20, s2;
	s16 =	sadd.s32 $0x40, s14  }
0x1f9: {  	[hbm4b:s16+s3] =	stream.linear.scatter [tilespmem:s15], [sflag:$0x7], $0x80, $0x38;
	[tilespmem:$0x16C00] =	vst v63  }
0x1fa: {  	s15 =	sadd.s32 $0x12AA8, s2;
	s16 =	sadd.s32 $0x50, s14  }
0x1fb: {  	[hbm4b:s16+s3] =	stream.linear.scatter [tilespmem:s15], [sflag:$0x7], $0x80, $0x38;
	[tilespmem:$0x16C00] =	vst v63  }
.Ltmp5:
0x1fc: {  	_ = 	snop;
	(pc) =	sbr.rel @p0 .LBB2_12-.Ltmp5, $4  }
0x1fd: {  	s15 =	sadd.s32 $0x12B30, s2;
	s16 =	sadd.s32 $0x60, s14  }
0x1fe: {  	[hbm4b:s16+s3] =	stream.linear.scatter [tilespmem:s15], [sflag:$0x7], $0x80, $0x38;
	[tilespmem:$0x16C00] =	vst v63  }
0x1ff: {  	s16 =	sadd.s32 $0x12BB8, s2  }
0x200: {  	s2 =	sadd.s32 $0x70, s14;
	s14 =	sadd.s32 $0x1000, s14;
	s15 =	smov.u32 s19  }
0x201: {  	[hbm4b:s2+s3] =	stream.linear.scatter [tilespmem:s16], [sflag:$0x7], $0x80, $0x38;
	[tilespmem:$0x16C00] =	vst v63  }
0x202: {  	s19 =	sadd.s32 $0x12800, s13  }
0x203: {  	[hbm4b:s14+s3] =	stream.linear.scatter [tilespmem:s19], [sflag:$0x7], $0x80, $0x38;
	[tilespmem:$0x16C00] =	vst v63  }
0x204: {  	s20 =	sadd.s32 $0x12888, s13;
	s15 =	sadd.s32 $0x10, s14  }
0x205: {  	[hbm4b:s15+s3] =	stream.linear.scatter [tilespmem:s20], [sflag:$0x7], $0x80, $0x38;
	[tilespmem:$0x16C00] =	vst v63  }
0x206: {  	s21 =	sadd.s32 $0x12910, s13;
	s24 =	sadd.s32 $0x20, s14  }
0x207: {  	[hbm4b:s24+s3] =	stream.linear.scatter [tilespmem:s21], [sflag:$0x7], $0x80, $0x38;
	[tilespmem:$0x16C00] =	vst v63  }
0x208: {  	s16 =	sadd.s32 $0x30, s14;
	s15 =	sadd.s32 $0x12998, s13  }
0x209: {  	[hbm4b:s16+s3] =	stream.linear.scatter [tilespmem:s15], [sflag:$0x7], $0x80, $0x38;
	[tilespmem:$0x16C00] =	vst v63  }
0x20a: {  	s19 =	sadd.s32 $0x12A20, s13;
	s20 =	sadd.s32 $0x40, s14  }
0x20b: {  	[hbm4b:s20+s3] =	stream.linear.scatter [tilespmem:s19], [sflag:$0x7], $0x80, $0x38;
	[tilespmem:$0x16C00] =	vst v63  }
0x20c: {  	s21 =	sadd.s32 $0x12AA8, s13;
	s24 =	sadd.s32 $0x50, s14  }
0x20d: {  	[hbm4b:s24+s3] =	stream.linear.scatter [tilespmem:s21], [sflag:$0x7], $0x80, $0x38;
	[tilespmem:$0x16C00] =	vst v63  }
0x20e: {  	s15 =	sadd.s32 $0x12B30, s13;
	s16 =	sadd.s32 $0x60, s14  }
0x20f: {  	[hbm4b:s16+s3] =	stream.linear.scatter [tilespmem:s15], [sflag:$0x7], $0x80, $0x38;
	[tilespmem:$0x16C00] =	vst v63  }
0x210: {  	s19 =	sadd.s32 $0x12BB8, s13;
	s20 =	sadd.s32 $0x70, s14  }
0x211: {  	[hbm4b:s20+s3] =	stream.linear.scatter [tilespmem:s19], [sflag:$0x7], $0x80, $0x38;
	[tilespmem:$0x16C00] =	vst v63  }
0x212: {  	_ =	swait.ge [sflag:s7], $0x2000  }
0x213: {  	[sflag:s7] =	ssyncset.done $0x0  }
0x214: {  	s13 =	simm.s32 $0xC440;
	s21 =	simm.s32 $0x0;
	[sflag:s7] =	ssyncadd.s32 $0xFFFFE000  }
0x215: {  	v4 =	vmov s21;
	v5 =	vld [tilespmem:s13+$0xFFFFFFC0]  }
0x216: {  	v4 =	vand.u32 $0x7E, v4  }
0x217: {  	v6 =	vadd.s32 v0, v4;
	_ =	sdelay $0x2  }
0x218: {  	v5 =	vmul.f32 $8.000000000e+00, v5;
	_ =	sdelay $0x1  }
0x219: {  	[tilespmem:v6+s8+$0x0] =	vst.idx.msk $0xffff, v5  }
0x21a: {  	v5 =	vld [tilespmem:s13+$0xFFFFFFD0];
	_ =	sdelay $0x1  }
0x21b: {  	v6 =	vadd.s32 v1, v4;
	_ =	sdelay $0x2  }
0x21c: {  	v5 =	vmul.f32 $8.000000000e+00, v5;
	_ =	sdelay $0x1  }
0x21d: {  	[tilespmem:v6+s8+$0x0] =	vst.idx.msk $0xffff, v5  }
0x21e: {  	v5 =	vld [tilespmem:s13+$0xFFFFFFE0];
	_ =	sdelay $0x1  }
0x21f: {  	v6 =	vadd.s32 v2, v4;
	_ =	sdelay $0x2  }
0x220: {  	v5 =	vmul.f32 $8.000000000e+00, v5;
	_ =	sdelay $0x1  }
0x221: {  	[tilespmem:v6+s8+$0x0] =	vst.idx.msk $0xffff, v5  }
0x222: {  	v5 =	vld [tilespmem:s13+$0xFFFFFFF0];
	_ =	sdelay $0x1  }
0x223: {  	v4 =	vadd.s32 v3, v4;
	_ =	sdelay $0x2  }
0x224: {  	v5 =	vmul.f32 $8.000000000e+00, v5;
	_ =	sdelay $0x1  }
0x225: {  	s24 =	simm.s32 $0x1;
	[tilespmem:v4+s8+$0x0] =	vst.idx.msk $0xffff, v5  }
0x226: {  	v4 =	vmov s24;
	v5 =	vld [tilespmem:s13+$0x0]  }
0x227: {  	v4 =	vand.u32 $0x7F, v4  }
0x228: {  	v6 =	vadd.s32 v0, v4;
	_ =	sdelay $0x2  }
0x229: {  	v5 =	vmul.f32 $8.000000000e+00, v5;
	_ =	sdelay $0x1  }
0x22a: {  	[tilespmem:v6+s8+$0x0] =	vst.idx.msk $0xffff, v5  }
0x22b: {  	v5 =	vld [tilespmem:s13+$0x10];
	_ =	sdelay $0x1  }
0x22c: {  	v6 =	vadd.s32 v1, v4;
	_ =	sdelay $0x2  }
0x22d: {  	v5 =	vmul.f32 $8.000000000e+00, v5;
	_ =	sdelay $0x1  }
0x22e: {  	[tilespmem:v6+s8+$0x0] =	vst.idx.msk $0xffff, v5  }
0x22f: {  	v5 =	vld [tilespmem:s13+$0x20];
	_ =	sdelay $0x1  }
0x230: {  	v6 =	vadd.s32 v2, v4;
	_ =	sdelay $0x2  }
0x231: {  	v5 =	vmul.f32 $8.000000000e+00, v5;
	_ =	sdelay $0x1  }
0x232: {  	[tilespmem:v6+s8+$0x0] =	vst.idx.msk $0xffff, v5  }
0x233: {  	v5 =	vld [tilespmem:s13+$0x30];
	_ =	sdelay $0x1  }
0x234: {  	v4 =	vadd.s32 v3, v4;
	_ =	sdelay $0x2  }
0x235: {  	s14 =	simm.s32 $0x2;
	v5 =	vmul.f32 $8.000000000e+00, v5  }
.LBB2_14:
0x236: {  	p0 =	sne.s32 s14, $0x7E  }
0x237: {  	s13 =	sadd.s32 $0x80, s13;
	s2 =	smov.u32 s14;
	s14 =	sadd.s32 $0x2, s14;
	[tilespmem:v4+s8+$0x0] =	vst.idx.msk $0xffff, v5  }
0x238: {  	v4 =	vmov s2;
	v5 =	vld [tilespmem:s13+$0xFFFFFFC0]  }
0x239: {  	v4 =	vand.u32 $0x7E, v4  }
0x23a: {  	v6 =	vadd.s32 v0, v4;
	_ =	sdelay $0x2  }
0x23b: {  	v5 =	vmul.f32 $8.000000000e+00, v5;
	_ =	sdelay $0x1  }
0x23c: {  	[tilespmem:v6+s8+$0x0] =	vst.idx.msk $0xffff, v5  }
0x23d: {  	v5 =	vld [tilespmem:s13+$0xFFFFFFD0];
	_ =	sdelay $0x1  }
0x23e: {  	v6 =	vadd.s32 v1, v4;
	_ =	sdelay $0x2  }
0x23f: {  	v5 =	vmul.f32 $8.000000000e+00, v5;
	_ =	sdelay $0x1  }
0x240: {  	[tilespmem:v6+s8+$0x0] =	vst.idx.msk $0xffff, v5  }
0x241: {  	v5 =	vld [tilespmem:s13+$0xFFFFFFE0];
	_ =	sdelay $0x1  }
0x242: {  	v6 =	vadd.s32 v2, v4;
	_ =	sdelay $0x2  }
0x243: {  	v5 =	vmul.f32 $8.000000000e+00, v5;
	_ =	sdelay $0x1  }
0x244: {  	[tilespmem:v6+s8+$0x0] =	vst.idx.msk $0xffff, v5  }
0x245: {  	v5 =	vld [tilespmem:s13+$0xFFFFFFF0];
	_ =	sdelay $0x1  }
0x246: {  	v4 =	vadd.s32 v3, v4;
	_ =	sdelay $0x2  }
0x247: {  	v5 =	vmul.f32 $8.000000000e+00, v5;
	_ =	sdelay $0x1  }
0x248: {  	s2 =	sadd.s32 $0x1, s2;
	[tilespmem:v4+s8+$0x0] =	vst.idx.msk $0xffff, v5  }
0x249: {  	v4 =	vmov s2;
	v5 =	vld [tilespmem:s13+$0x0]  }
0x24a: {  	v4 =	vand.u32 $0x7F, v4  }
0x24b: {  	v6 =	vadd.s32 v0, v4;
	_ =	sdelay $0x2  }
0x24c: {  	v5 =	vmul.f32 $8.000000000e+00, v5;
	_ =	sdelay $0x1  }
0x24d: {  	[tilespmem:v6+s8+$0x0] =	vst.idx.msk $0xffff, v5  }
0x24e: {  	v5 =	vld [tilespmem:s13+$0x10];
	_ =	sdelay $0x1  }
0x24f: {  	v6 =	vadd.s32 v1, v4;
	_ =	sdelay $0x2  }
0x250: {  	v5 =	vmul.f32 $8.000000000e+00, v5;
	_ =	sdelay $0x1  }
0x251: {  	[tilespmem:v6+s8+$0x0] =	vst.idx.msk $0xffff, v5  }
0x252: {  	v5 =	vld [tilespmem:s13+$0x20];
	_ =	sdelay $0x1  }
0x253: {  	v6 =	vadd.s32 v2, v4;
	_ =	sdelay $0x2  }
0x254: {  	v5 =	vmul.f32 $8.000000000e+00, v5;
	_ =	sdelay $0x1  }
0x255: {  	[tilespmem:v6+s8+$0x0] =	vst.idx.msk $0xffff, v5  }
0x256: {  	v5 =	vld [tilespmem:s13+$0x30]  }
.Ltmp6:
0x257: {  	(pc) =	sbr.rel @p0 .LBB2_14-.Ltmp6, $2  }
0x258: {  	v4 =	vadd.s32 v3, v4;
	_ =	sdelay $0x2  }
0x259: {  	v5 =	vmul.f32 $8.000000000e+00, v5  }
0x25a: {  	_ =	sdelay $0x3  }
0x25b: {  	s2 =	simm.s32 $0x380;
	[tilespmem:v4+s8+$0x0] =	vst.idx.msk $0xffff, v5  }
0x25c: {  	[tilespmem:s26], [sflag:$0x4] =	stream.indirect.gather [hbm4b:s6+s18], $0x40, s2, s18, $0xb8;
	[tilespmem:$0x16C00] =	vst v63  }
0x25d: {  	s15 =	simm.s32 $0x14A00;
	s14 =	rddreg [dreg:$0x16]  }
0x25e: {  	[hbm4b:s14+s3] =	stream.linear.scatter [tilespmem:s15], [sflag:$0x8], $0x80, $0x38;
	[tilespmem:$0x16C00] =	vst v63  }
0x25f: {  	s16 =	simm.s32 $0x14A88;
	s13 =	sadd.s32 $0x10, s14  }
0x260: {  	[hbm4b:s13+s3] =	stream.linear.scatter [tilespmem:s16], [sflag:$0x8], $0x80, $0x38;
	[tilespmem:$0x16C00] =	vst v63  }
0x261: {  	s19 =	simm.s32 $0x14B10;
	s21 =	simm.s32 $0x14B98;
	s20 =	sadd.s32 $0x20, s14  }
0x262: {  	[hbm4b:s20+s3] =	stream.linear.scatter [tilespmem:s19], [sflag:$0x8], $0x80, $0x38;
	[tilespmem:$0x16C00] =	vst v63  }
0x263: {  	s24 =	sadd.s32 $0x30, s14;
	s2 =	simm.s32 $0x14DB8;
	s15 =	simm.s32 $0x14C20  }
0x264: {  	[hbm4b:s24+s3] =	stream.linear.scatter [tilespmem:s21], [sflag:$0x8], $0x80, $0x38;
	[tilespmem:$0x16C00] =	vst v63  }
0x265: {  	s16 =	sadd.s32 $0x40, s14;
	s13 =	simm.s32 $0x440;
	s19 =	simm.s32 $0x14CA8  }
0x266: {  	[hbm4b:s16+s3] =	stream.linear.scatter [tilespmem:s15], [sflag:$0x8], $0x80, $0x38;
	[tilespmem:$0x16C00] =	vst v63  }
0x267: {  	s20 =	sadd.s32 $0x50, s14;
	s21 =	simm.s32 $0x14D30;
	s24 =	sadd.s32 $0x60, s14  }
0x268: {  	[hbm4b:s20+s3] =	stream.linear.scatter [tilespmem:s19], [sflag:$0x8], $0x80, $0x38;
	[tilespmem:$0x16C00] =	vst v63  }
0x269: {  	s15 =	simm.s32 $0x2200;
	s16 =	sadd.s32 $0x70, s14;
	s14 =	sadd.s32 $0x1000, s14  }
0x26a: {  	[hbm4b:s24+s3] =	stream.linear.scatter [tilespmem:s21], [sflag:$0x8], $0x80, $0x38;
	[tilespmem:$0x16C00] =	vst v63  }
.LBB2_16:
0x26b: {  	[hbm4b:s16+s3] =	stream.linear.scatter [tilespmem:s2], [sflag:$0x8], $0x80, $0x38;
	[tilespmem:$0x16C00] =	vst v63  }
0x26c: {  	s2 =	smov.u32 s13;
	s13 =	smov.u32 s15  }
0x26d: {  	s19 =	sadd.s32 $0x1100, s15;
	s13 =	sshra.s32 s13, $0x2;
	s16 =	sadd.s32 $0x14A00, s2  }
0x26e: {  	[hbm4b:s14+s3] =	stream.linear.scatter [tilespmem:s16], [sflag:$0x8], $0x80, $0x38;
	[tilespmem:$0x16C00] =	vst v63  }
0x26f: {  	p0 =	sne.s32 s15, $0x7700;
	s15 =	sadd.s32 $0x14A88, s2;
	s16 =	sadd.s32 $0x10, s14  }
0x270: {  	[hbm4b:s16+s3] =	stream.linear.scatter [tilespmem:s15], [sflag:$0x8], $0x80, $0x38;
	[tilespmem:$0x16C00] =	vst v63  }
0x271: {  	s15 =	sadd.s32 $0x14B10, s2;
	s16 =	sadd.s32 $0x20, s14  }
0x272: {  	[hbm4b:s16+s3] =	stream.linear.scatter [tilespmem:s15], [sflag:$0x8], $0x80, $0x38;
	[tilespmem:$0x16C00] =	vst v63  }
0x273: {  	s15 =	sadd.s32 $0x14B98, s2;
	s16 =	sadd.s32 $0x30, s14  }
0x274: {  	[hbm4b:s16+s3] =	stream.linear.scatter [tilespmem:s15], [sflag:$0x8], $0x80, $0x38;
	[tilespmem:$0x16C00] =	vst v63  }
0x275: {  	s15 =	sadd.s32 $0x14C20, s2;
	s16 =	sadd.s32 $0x40, s14  }
0x276: {  	[hbm4b:s16+s3] =	stream.linear.scatter [tilespmem:s15], [sflag:$0x8], $0x80, $0x38;
	[tilespmem:$0x16C00] =	vst v63  }
.Ltmp7:
0x277: {  	s15 =	sadd.s32 $0x14CA8, s2;
	s16 =	sadd.s32 $0x50, s14;
	(pc) =	sbr.rel @p0 .LBB2_16-.Ltmp7, $4  }
0x278: {  	[hbm4b:s16+s3] =	stream.linear.scatter [tilespmem:s15], [sflag:$0x8], $0x80, $0x38;
	[tilespmem:$0x16C00] =	vst v63  }
0x279: {  	s15 =	sadd.s32 $0x14D30, s2;
	s16 =	sadd.s32 $0x60, s14;
	s2 =	sadd.s32 $0x14DB8, s2  }
0x27a: {  	[hbm4b:s16+s3] =	stream.linear.scatter [tilespmem:s15], [sflag:$0x8], $0x80, $0x38;
	[tilespmem:$0x16C00] =	vst v63  }
0x27b: {  	s16 =	sadd.s32 $0x70, s14;
	s14 =	sadd.s32 $0x1000, s14;
	s15 =	smov.u32 s19  }
0x27c: {  	[hbm4b:s16+s3] =	stream.linear.scatter [tilespmem:s2], [sflag:$0x8], $0x80, $0x38;
	[tilespmem:$0x16C00] =	vst v63  }
0x27d: {  	s21 =	sadd.s32 $0x14A00, s13  }
0x27e: {  	[hbm4b:s14+s3] =	stream.linear.scatter [tilespmem:s21], [sflag:$0x8], $0x80, $0x38;
	[tilespmem:$0x16C00] =	vst v63  }
0x27f: {  	s24 =	sadd.s32 $0x14A88, s13;
	s15 =	sadd.s32 $0x10, s14  }
0x280: {  	[hbm4b:s15+s3] =	stream.linear.scatter [tilespmem:s24], [sflag:$0x8], $0x80, $0x38;
	[tilespmem:$0x16C00] =	vst v63  }
0x281: {  	s16 =	sadd.s32 $0x20, s14;
	s15 =	sadd.s32 $0x14B10, s13  }
0x282: {  	[hbm4b:s16+s3] =	stream.linear.scatter [tilespmem:s15], [sflag:$0x8], $0x80, $0x38;
	[tilespmem:$0x16C00] =	vst v63  }
0x283: {  	s19 =	sadd.s32 $0x14B98, s13;
	s20 =	sadd.s32 $0x30, s14  }
0x284: {  	[hbm4b:s20+s3] =	stream.linear.scatter [tilespmem:s19], [sflag:$0x8], $0x80, $0x38;
	[tilespmem:$0x16C00] =	vst v63  }
0x285: {  	s21 =	sadd.s32 $0x14C20, s13;
	s24 =	sadd.s32 $0x40, s14  }
0x286: {  	[hbm4b:s24+s3] =	stream.linear.scatter [tilespmem:s21], [sflag:$0x8], $0x80, $0x38;
	[tilespmem:$0x16C00] =	vst v63  }
0x287: {  	s15 =	sadd.s32 $0x14CA8, s13;
	s16 =	sadd.s32 $0x50, s14  }
0x288: {  	[hbm4b:s16+s3] =	stream.linear.scatter [tilespmem:s15], [sflag:$0x8], $0x80, $0x38;
	[tilespmem:$0x16C00] =	vst v63  }
0x289: {  	s19 =	sadd.s32 $0x14D30, s13;
	s20 =	sadd.s32 $0x60, s14  }
0x28a: {  	[hbm4b:s20+s3] =	stream.linear.scatter [tilespmem:s19], [sflag:$0x8], $0x80, $0x38;
	[tilespmem:$0x16C00] =	vst v63  }
0x28b: {  	s21 =	sadd.s32 $0x14DB8, s13;
	s24 =	sadd.s32 $0x70, s14  }
0x28c: {  	[hbm4b:s24+s3] =	stream.linear.scatter [tilespmem:s21], [sflag:$0x8], $0x80, $0x38;
	[tilespmem:$0x16C00] =	vst v63  }
0x28d: {  	s24 =	simm.s32 $0x1  }
.LBB2_18:
0x28e: {  	_ =	swait.ge [sflag:s28], $0x2000  }
0x28f: {  	[sflag:s28] =	ssyncset.done $0x0  }
0x290: {  	[sflag:s28] =	ssyncadd.s32 $0xFFFFE000  }
0x291: {  	_ =	swait.ge [sflag:s9], $0x2000  }
0x292: {  	[sflag:s9] =	ssyncset.done $0x0  }
0x293: {  	s2 =	simm.s32 $0x0;
	s13 =	simm.s32 $0x6440;
	[sflag:s9] =	ssyncadd.s32 $0xFFFFE000  }
0x294: {  	v4 =	vmov s2;
	v5 =	vld [tilespmem:s13+$0xFFFFFFC0]  }
0x295: {  	v4 =	vand.u32 $0x7E, v4  }
0x296: {  	v6 =	vadd.s32 v0, v4;
	_ =	sdelay $0x2  }
0x297: {  	v5 =	vmul.f32 $8.000000000e+00, v5;
	_ =	sdelay $0x1  }
0x298: {  	[tilespmem:v6+s29+$0x0] =	vst.idx.msk $0xffff, v5  }
0x299: {  	v5 =	vld [tilespmem:s13+$0xFFFFFFD0];
	_ =	sdelay $0x1  }
0x29a: {  	v6 =	vadd.s32 v1, v4;
	_ =	sdelay $0x2  }
0x29b: {  	v5 =	vmul.f32 $8.000000000e+00, v5;
	_ =	sdelay $0x1  }
0x29c: {  	[tilespmem:v6+s29+$0x0] =	vst.idx.msk $0xffff, v5  }
0x29d: {  	v5 =	vld [tilespmem:s13+$0xFFFFFFE0];
	_ =	sdelay $0x1  }
0x29e: {  	v6 =	vadd.s32 v2, v4;
	_ =	sdelay $0x2  }
0x29f: {  	v5 =	vmul.f32 $8.000000000e+00, v5;
	_ =	sdelay $0x1  }
0x2a0: {  	[tilespmem:v6+s29+$0x0] =	vst.idx.msk $0xffff, v5  }
0x2a1: {  	v5 =	vld [tilespmem:s13+$0xFFFFFFF0];
	_ =	sdelay $0x1  }
0x2a2: {  	v4 =	vadd.s32 v3, v4;
	_ =	sdelay $0x2  }
0x2a3: {  	v5 =	vmul.f32 $8.000000000e+00, v5;
	_ =	sdelay $0x1  }
0x2a4: {  	s21 =	simm.s32 $0x1;
	[tilespmem:v4+s29+$0x0] =	vst.idx.msk $0xffff, v5  }
0x2a5: {  	v4 =	vmov s21;
	v5 =	vld [tilespmem:s13+$0x0]  }
0x2a6: {  	v4 =	vand.u32 $0x7F, v4  }
0x2a7: {  	v6 =	vadd.s32 v0, v4;
	_ =	sdelay $0x2  }
0x2a8: {  	v5 =	vmul.f32 $8.000000000e+00, v5;
	_ =	sdelay $0x1  }
0x2a9: {  	[tilespmem:v6+s29+$0x0] =	vst.idx.msk $0xffff, v5  }
0x2aa: {  	v5 =	vld [tilespmem:s13+$0x10];
	_ =	sdelay $0x1  }
0x2ab: {  	v6 =	vadd.s32 v1, v4;
	_ =	sdelay $0x2  }
0x2ac: {  	v5 =	vmul.f32 $8.000000000e+00, v5;
	_ =	sdelay $0x1  }
0x2ad: {  	[tilespmem:v6+s29+$0x0] =	vst.idx.msk $0xffff, v5  }
0x2ae: {  	v5 =	vld [tilespmem:s13+$0x20];
	_ =	sdelay $0x1  }
0x2af: {  	v6 =	vadd.s32 v2, v4;
	_ =	sdelay $0x2  }
0x2b0: {  	v5 =	vmul.f32 $8.000000000e+00, v5;
	_ =	sdelay $0x1  }
0x2b1: {  	[tilespmem:v6+s29+$0x0] =	vst.idx.msk $0xffff, v5  }
0x2b2: {  	v5 =	vld [tilespmem:s13+$0x30];
	_ =	sdelay $0x1  }
0x2b3: {  	v4 =	vadd.s32 v3, v4;
	_ =	sdelay $0x2  }
0x2b4: {  	s14 =	simm.s32 $0x2;
	v5 =	vmul.f32 $8.000000000e+00, v5  }
.LBB2_19:
0x2b5: {  	p0 =	sne.s32 s14, $0x7E  }
0x2b6: {  	s13 =	sadd.s32 $0x80, s13;
	s2 =	smov.u32 s14;
	s14 =	sadd.s32 $0x2, s14;
	[tilespmem:v4+s29+$0x0] =	vst.idx.msk $0xffff, v5  }
0x2b7: {  	v4 =	vmov s2;
	v5 =	vld [tilespmem:s13+$0xFFFFFFC0]  }
0x2b8: {  	v4 =	vand.u32 $0x7E, v4  }
0x2b9: {  	v6 =	vadd.s32 v0, v4;
	_ =	sdelay $0x2  }
0x2ba: {  	v5 =	vmul.f32 $8.000000000e+00, v5;
	_ =	sdelay $0x1  }
0x2bb: {  	[tilespmem:v6+s29+$0x0] =	vst.idx.msk $0xffff, v5  }
0x2bc: {  	v5 =	vld [tilespmem:s13+$0xFFFFFFD0];
	_ =	sdelay $0x1  }
0x2bd: {  	v6 =	vadd.s32 v1, v4;
	_ =	sdelay $0x2  }
0x2be: {  	v5 =	vmul.f32 $8.000000000e+00, v5;
	_ =	sdelay $0x1  }
0x2bf: {  	[tilespmem:v6+s29+$0x0] =	vst.idx.msk $0xffff, v5  }
0x2c0: {  	v5 =	vld [tilespmem:s13+$0xFFFFFFE0];
	_ =	sdelay $0x1  }
0x2c1: {  	v6 =	vadd.s32 v2, v4;
	_ =	sdelay $0x2  }
0x2c2: {  	v5 =	vmul.f32 $8.000000000e+00, v5;
	_ =	sdelay $0x1  }
0x2c3: {  	[tilespmem:v6+s29+$0x0] =	vst.idx.msk $0xffff, v5  }
0x2c4: {  	v5 =	vld [tilespmem:s13+$0xFFFFFFF0];
	_ =	sdelay $0x1  }
0x2c5: {  	v4 =	vadd.s32 v3, v4;
	_ =	sdelay $0x2  }
0x2c6: {  	v5 =	vmul.f32 $8.000000000e+00, v5;
	_ =	sdelay $0x1  }
0x2c7: {  	s2 =	sadd.s32 $0x1, s2;
	[tilespmem:v4+s29+$0x0] =	vst.idx.msk $0xffff, v5  }
0x2c8: {  	v4 =	vmov s2;
	v5 =	vld [tilespmem:s13+$0x0]  }
0x2c9: {  	v4 =	vand.u32 $0x7F, v4  }
0x2ca: {  	v6 =	vadd.s32 v0, v4;
	_ =	sdelay $0x2  }
0x2cb: {  	v5 =	vmul.f32 $8.000000000e+00, v5;
	_ =	sdelay $0x1  }
0x2cc: {  	[tilespmem:v6+s29+$0x0] =	vst.idx.msk $0xffff, v5  }
0x2cd: {  	v5 =	vld [tilespmem:s13+$0x10];
	_ =	sdelay $0x1  }
0x2ce: {  	v6 =	vadd.s32 v1, v4;
	_ =	sdelay $0x2  }
0x2cf: {  	v5 =	vmul.f32 $8.000000000e+00, v5;
	_ =	sdelay $0x1  }
0x2d0: {  	[tilespmem:v6+s29+$0x0] =	vst.idx.msk $0xffff, v5  }
0x2d1: {  	v5 =	vld [tilespmem:s13+$0x20];
	_ =	sdelay $0x1  }
0x2d2: {  	v6 =	vadd.s32 v2, v4;
	_ =	sdelay $0x2  }
0x2d3: {  	v5 =	vmul.f32 $8.000000000e+00, v5;
	_ =	sdelay $0x1  }
0x2d4: {  	[tilespmem:v6+s29+$0x0] =	vst.idx.msk $0xffff, v5  }
0x2d5: {  	v5 =	vld [tilespmem:s13+$0x30]  }
.Ltmp8:
0x2d6: {  	(pc) =	sbr.rel @p0 .LBB2_19-.Ltmp8, $2  }
0x2d7: {  	v4 =	vadd.s32 v3, v4;
	_ =	sdelay $0x2  }
0x2d8: {  	v5 =	vmul.f32 $8.000000000e+00, v5  }
0x2d9: {  	_ =	sdelay $0x1  }
0x2da: {  	s2 =	sshll.u32 s24, $0x9  }
0x2db: {  	s2 =	sadd.s32 $0x200, s2  }
0x2dc: {  	s13 =	simm.s32 $0x6400;
	[tilespmem:v4+s29+$0x0] =	vst.idx.msk $0xffff, v5;
	s2 =	sand.u32 $0xFE00, s2  }
0x2dd: {  	[tilespmem:s13], [sflag:$0x1] =	stream.indirect.gather [hbm4b:s6+s18], $0x40, s2, s18, $0xb8;
	[tilespmem:$0x16C00] =	vst v63  }
0x2de: {  	s13 =	sshll.u32 s24, $0x14  }
0x2df: {  	s2 =	sor.u32 s4, s13  }
0x2e0: {  	s14 =	rddreg [dreg:$0x2];
	s13 =	sshrl.u32 s2, $0x3  }
0x2e1: {  	s15 =	simm.s32 $0xE400;
	s16 =	sadd.s32 s14, s13  }
0x2e2: {  	[hbm4b:s16+s3] =	stream.linear.scatter [tilespmem:s15], [sflag:$0x5], $0x80, $0x38;
	[tilespmem:$0x16C00] =	vst v63  }
0x2e3: {  	s19 =	simm.s32 $0xE488;
	s14 =	sadd.s32 $0x10, s16  }
0x2e4: {  	[hbm4b:s14+s3] =	stream.linear.scatter [tilespmem:s19], [sflag:$0x5], $0x80, $0x38;
	[tilespmem:$0x16C00] =	vst v63  }
0x2e5: {  	s20 =	simm.s32 $0xE510;
	s21 =	sadd.s32 $0x20, s16  }
0x2e6: {  	[hbm4b:s21+s3] =	stream.linear.scatter [tilespmem:s20], [sflag:$0x5], $0x80, $0x38;
	[tilespmem:$0x16C00] =	vst v63  }
0x2e7: {  	s15 =	simm.s32 $0xE598;
	s19 =	sadd.s32 $0x30, s16  }
0x2e8: {  	[hbm4b:s19+s3] =	stream.linear.scatter [tilespmem:s15], [sflag:$0x5], $0x80, $0x38;
	[tilespmem:$0x16C00] =	vst v63  }
0x2e9: {  	s2 =	simm.s32 $0xE7B8;
	s20 =	simm.s32 $0xE620;
	s21 =	sadd.s32 $0x40, s16  }
0x2ea: {  	[hbm4b:s21+s3] =	stream.linear.scatter [tilespmem:s20], [sflag:$0x5], $0x80, $0x38;
	[tilespmem:$0x16C00] =	vst v63  }
0x2eb: {  	s14 =	sshll.u32 s24, $0x2;
	s15 =	simm.s32 $0xE6A8;
	s19 =	sadd.s32 $0x50, s16  }
0x2ec: {  	[hbm4b:s19+s3] =	stream.linear.scatter [tilespmem:s15], [sflag:$0x5], $0x80, $0x38;
	[tilespmem:$0x16C00] =	vst v63  }
0x2ed: {  	s20 =	simm.s32 $0xE730;
	s21 =	sadd.s32 $0x60, s16;
	s15 =	simm.s32 $0x440  }
0x2ee: {  	[hbm4b:s21+s3] =	stream.linear.scatter [tilespmem:s20], [sflag:$0x5], $0x80, $0x38;
	[tilespmem:$0x16C00] =	vst v63  }
0x2ef: {  	s19 =	sadd.s32 $0x70, s16;
	s16 =	sadd.s32 $0x1000, s16;
	s21 =	simm.s32 $0x2200  }
.LBB2_21:
0x2f0: {  	[hbm4b:s19+s3] =	stream.linear.scatter [tilespmem:s2], [sflag:$0x5], $0x80, $0x38;
	[tilespmem:$0x16C00] =	vst v63  }
0x2f1: {  	s2 =	smov.u32 s15;
	s15 =	smov.u32 s21  }
0x2f2: {  	s20 =	sadd.s32 $0x1100, s21;
	s15 =	sshra.s32 s15, $0x2;
	s19 =	sadd.s32 $0xE400, s2  }
0x2f3: {  	[hbm4b:s16+s3] =	stream.linear.scatter [tilespmem:s19], [sflag:$0x5], $0x80, $0x38;
	[tilespmem:$0x16C00] =	vst v63  }
0x2f4: {  	p0 =	sne.s32 s21, $0x7700;
	s21 =	sadd.s32 $0x10, s16;
	s19 =	sadd.s32 $0xE488, s2  }
0x2f5: {  	[hbm4b:s21+s3] =	stream.linear.scatter [tilespmem:s19], [sflag:$0x5], $0x80, $0x38;
	[tilespmem:$0x16C00] =	vst v63  }
0x2f6: {  	s19 =	sadd.s32 $0xE510, s2;
	s21 =	sadd.s32 $0x20, s16  }
0x2f7: {  	[hbm4b:s21+s3] =	stream.linear.scatter [tilespmem:s19], [sflag:$0x5], $0x80, $0x38;
	[tilespmem:$0x16C00] =	vst v63  }
0x2f8: {  	s19 =	sadd.s32 $0xE598, s2;
	s21 =	sadd.s32 $0x30, s16  }
0x2f9: {  	[hbm4b:s21+s3] =	stream.linear.scatter [tilespmem:s19], [sflag:$0x5], $0x80, $0x38;
	[tilespmem:$0x16C00] =	vst v63  }
0x2fa: {  	s19 =	sadd.s32 $0xE620, s2;
	s21 =	sadd.s32 $0x40, s16  }
0x2fb: {  	[hbm4b:s21+s3] =	stream.linear.scatter [tilespmem:s19], [sflag:$0x5], $0x80, $0x38;
	[tilespmem:$0x16C00] =	vst v63  }
.Ltmp9:
0x2fc: {  	s19 =	sadd.s32 $0xE6A8, s2;
	s21 =	sadd.s32 $0x50, s16;
	(pc) =	sbr.rel @p0 .LBB2_21-.Ltmp9, $4  }
0x2fd: {  	[hbm4b:s21+s3] =	stream.linear.scatter [tilespmem:s19], [sflag:$0x5], $0x80, $0x38;
	[tilespmem:$0x16C00] =	vst v63  }
0x2fe: {  	s19 =	sadd.s32 $0xE730, s2;
	s21 =	sadd.s32 $0x60, s16;
	s2 =	sadd.s32 $0xE7B8, s2  }
0x2ff: {  	[hbm4b:s21+s3] =	stream.linear.scatter [tilespmem:s19], [sflag:$0x5], $0x80, $0x38;
	[tilespmem:$0x16C00] =	vst v63  }
0x300: {  	s19 =	sadd.s32 $0x70, s16;
	s16 =	sadd.s32 $0x1000, s16;
	s21 =	smov.u32 s20  }
0x301: {  	[hbm4b:s19+s3] =	stream.linear.scatter [tilespmem:s2], [sflag:$0x5], $0x80, $0x38;
	[tilespmem:$0x16C00] =	vst v63  }
0x302: {  	s19 =	sadd.s32 $0xE400, s15  }
0x303: {  	[hbm4b:s16+s3] =	stream.linear.scatter [tilespmem:s19], [sflag:$0x5], $0x80, $0x38;
	[tilespmem:$0x16C00] =	vst v63  }
0x304: {  	s20 =	sadd.s32 $0xE488, s15;
	s21 =	sadd.s32 $0x10, s16  }
0x305: {  	[hbm4b:s21+s3] =	stream.linear.scatter [tilespmem:s20], [sflag:$0x5], $0x80, $0x38;
	[tilespmem:$0x16C00] =	vst v63  }
0x306: {  	s20 =	sadd.s32 $0xE510, s15;
	s21 =	sadd.s32 $0x20, s16  }
0x307: {  	[hbm4b:s21+s3] =	stream.linear.scatter [tilespmem:s20], [sflag:$0x5], $0x80, $0x38;
	[tilespmem:$0x16C00] =	vst v63  }
0x308: {  	s20 =	sadd.s32 $0xE598, s15;
	s21 =	sadd.s32 $0x30, s16  }
0x309: {  	[hbm4b:s21+s3] =	stream.linear.scatter [tilespmem:s20], [sflag:$0x5], $0x80, $0x38;
	[tilespmem:$0x16C00] =	vst v63  }
0x30a: {  	s20 =	sadd.s32 $0xE620, s15;
	s21 =	sadd.s32 $0x40, s16  }
0x30b: {  	[hbm4b:s21+s3] =	stream.linear.scatter [tilespmem:s20], [sflag:$0x5], $0x80, $0x38;
	[tilespmem:$0x16C00] =	vst v63  }
0x30c: {  	s20 =	sadd.s32 $0xE6A8, s15;
	s21 =	sadd.s32 $0x50, s16  }
0x30d: {  	[hbm4b:s21+s3] =	stream.linear.scatter [tilespmem:s20], [sflag:$0x5], $0x80, $0x38;
	[tilespmem:$0x16C00] =	vst v63  }
0x30e: {  	s20 =	sadd.s32 $0xE730, s15;
	s21 =	sadd.s32 $0x60, s16  }
0x30f: {  	[hbm4b:s21+s3] =	stream.linear.scatter [tilespmem:s20], [sflag:$0x5], $0x80, $0x38;
	[tilespmem:$0x16C00] =	vst v63  }
0x310: {  	s19 =	sadd.s32 $0x70, s16;
	s15 =	sadd.s32 $0xE7B8, s15  }
0x311: {  	[hbm4b:s19+s3] =	stream.linear.scatter [tilespmem:s15], [sflag:$0x5], $0x80, $0x38;
	[tilespmem:$0x16C00] =	vst v63  }
0x312: {  	_ =	swait.ge [sflag:s30], $0x2000  }
0x313: {  	[sflag:s30] =	ssyncset.done $0x0  }
0x314: {  	[sflag:s30] =	ssyncadd.s32 $0xFFFFE000  }
0x315: {  	_ =	swait.ge [sflag:s5], $0x2000  }
0x316: {  	[sflag:s5] =	ssyncset.done $0x0  }
0x317: {  	s20 =	simm.s32 $0x0;
	s15 =	simm.s32 $0x8440;
	[sflag:s5] =	ssyncadd.s32 $0xFFFFE000  }
0x318: {  	v4 =	vmov s20;
	v5 =	vld [tilespmem:s15+$0xFFFFFFC0]  }
0x319: {  	v4 =	vand.u32 $0x7E, v4  }
0x31a: {  	v6 =	vadd.s32 v0, v4;
	_ =	sdelay $0x2  }
0x31b: {  	v5 =	vmul.f32 $8.000000000e+00, v5;
	_ =	sdelay $0x1  }
0x31c: {  	[tilespmem:v6+s31+$0x0] =	vst.idx.msk $0xffff, v5  }
0x31d: {  	v5 =	vld [tilespmem:s15+$0xFFFFFFD0];
	_ =	sdelay $0x1  }
0x31e: {  	v6 =	vadd.s32 v1, v4;
	_ =	sdelay $0x2  }
0x31f: {  	v5 =	vmul.f32 $8.000000000e+00, v5;
	_ =	sdelay $0x1  }
0x320: {  	[tilespmem:v6+s31+$0x0] =	vst.idx.msk $0xffff, v5  }
0x321: {  	v5 =	vld [tilespmem:s15+$0xFFFFFFE0];
	_ =	sdelay $0x1  }
0x322: {  	v6 =	vadd.s32 v2, v4;
	_ =	sdelay $0x2  }
0x323: {  	v5 =	vmul.f32 $8.000000000e+00, v5;
	_ =	sdelay $0x1  }
0x324: {  	[tilespmem:v6+s31+$0x0] =	vst.idx.msk $0xffff, v5  }
0x325: {  	v5 =	vld [tilespmem:s15+$0xFFFFFFF0];
	_ =	sdelay $0x1  }
0x326: {  	v4 =	vadd.s32 v3, v4;
	_ =	sdelay $0x2  }
0x327: {  	v5 =	vmul.f32 $8.000000000e+00, v5;
	_ =	sdelay $0x1  }
0x328: {  	s21 =	simm.s32 $0x1;
	[tilespmem:v4+s31+$0x0] =	vst.idx.msk $0xffff, v5  }
0x329: {  	v4 =	vmov s21;
	v5 =	vld [tilespmem:s15+$0x0]  }
0x32a: {  	v4 =	vand.u32 $0x7F, v4  }
0x32b: {  	v6 =	vadd.s32 v0, v4;
	_ =	sdelay $0x2  }
0x32c: {  	v5 =	vmul.f32 $8.000000000e+00, v5;
	_ =	sdelay $0x1  }
0x32d: {  	[tilespmem:v6+s31+$0x0] =	vst.idx.msk $0xffff, v5  }
0x32e: {  	v5 =	vld [tilespmem:s15+$0x10];
	_ =	sdelay $0x1  }
0x32f: {  	v6 =	vadd.s32 v1, v4;
	_ =	sdelay $0x2  }
0x330: {  	v5 =	vmul.f32 $8.000000000e+00, v5;
	_ =	sdelay $0x1  }
0x331: {  	[tilespmem:v6+s31+$0x0] =	vst.idx.msk $0xffff, v5  }
0x332: {  	v5 =	vld [tilespmem:s15+$0x20];
	_ =	sdelay $0x1  }
0x333: {  	v6 =	vadd.s32 v2, v4;
	_ =	sdelay $0x2  }
0x334: {  	v5 =	vmul.f32 $8.000000000e+00, v5;
	_ =	sdelay $0x1  }
0x335: {  	[tilespmem:v6+s31+$0x0] =	vst.idx.msk $0xffff, v5  }
0x336: {  	v5 =	vld [tilespmem:s15+$0x30];
	_ =	sdelay $0x1  }
0x337: {  	v4 =	vadd.s32 v3, v4;
	_ =	sdelay $0x2  }
0x338: {  	s16 =	simm.s32 $0x2;
	v5 =	vmul.f32 $8.000000000e+00, v5  }
.LBB2_23:
0x339: {  	p0 =	sne.s32 s16, $0x7E  }
0x33a: {  	s15 =	sadd.s32 $0x80, s15;
	s2 =	smov.u32 s16;
	s16 =	sadd.s32 $0x2, s16;
	[tilespmem:v4+s31+$0x0] =	vst.idx.msk $0xffff, v5  }
0x33b: {  	v4 =	vmov s2;
	v5 =	vld [tilespmem:s15+$0xFFFFFFC0]  }
0x33c: {  	v4 =	vand.u32 $0x7E, v4  }
0x33d: {  	v6 =	vadd.s32 v0, v4;
	_ =	sdelay $0x2  }
0x33e: {  	v5 =	vmul.f32 $8.000000000e+00, v5;
	_ =	sdelay $0x1  }
0x33f: {  	[tilespmem:v6+s31+$0x0] =	vst.idx.msk $0xffff, v5  }
0x340: {  	v5 =	vld [tilespmem:s15+$0xFFFFFFD0];
	_ =	sdelay $0x1  }
0x341: {  	v6 =	vadd.s32 v1, v4;
	_ =	sdelay $0x2  }
0x342: {  	v5 =	vmul.f32 $8.000000000e+00, v5;
	_ =	sdelay $0x1  }
0x343: {  	[tilespmem:v6+s31+$0x0] =	vst.idx.msk $0xffff, v5  }
0x344: {  	v5 =	vld [tilespmem:s15+$0xFFFFFFE0];
	_ =	sdelay $0x1  }
0x345: {  	v6 =	vadd.s32 v2, v4;
	_ =	sdelay $0x2  }
0x346: {  	v5 =	vmul.f32 $8.000000000e+00, v5;
	_ =	sdelay $0x1  }
0x347: {  	[tilespmem:v6+s31+$0x0] =	vst.idx.msk $0xffff, v5  }
0x348: {  	v5 =	vld [tilespmem:s15+$0xFFFFFFF0];
	_ =	sdelay $0x1  }
0x349: {  	v4 =	vadd.s32 v3, v4;
	_ =	sdelay $0x2  }
0x34a: {  	v5 =	vmul.f32 $8.000000000e+00, v5;
	_ =	sdelay $0x1  }
0x34b: {  	s2 =	sadd.s32 $0x1, s2;
	[tilespmem:v4+s31+$0x0] =	vst.idx.msk $0xffff, v5  }
0x34c: {  	v4 =	vmov s2;
	v5 =	vld [tilespmem:s15+$0x0]  }
0x34d: {  	v4 =	vand.u32 $0x7F, v4  }
0x34e: {  	v6 =	vadd.s32 v0, v4;
	_ =	sdelay $0x2  }
0x34f: {  	v5 =	vmul.f32 $8.000000000e+00, v5;
	_ =	sdelay $0x1  }
0x350: {  	[tilespmem:v6+s31+$0x0] =	vst.idx.msk $0xffff, v5  }
0x351: {  	v5 =	vld [tilespmem:s15+$0x10];
	_ =	sdelay $0x1  }
0x352: {  	v6 =	vadd.s32 v1, v4;
	_ =	sdelay $0x2  }
0x353: {  	v5 =	vmul.f32 $8.000000000e+00, v5;
	_ =	sdelay $0x1  }
0x354: {  	[tilespmem:v6+s31+$0x0] =	vst.idx.msk $0xffff, v5  }
0x355: {  	v5 =	vld [tilespmem:s15+$0x20];
	_ =	sdelay $0x1  }
0x356: {  	v6 =	vadd.s32 v2, v4;
	_ =	sdelay $0x2  }
0x357: {  	v5 =	vmul.f32 $8.000000000e+00, v5;
	_ =	sdelay $0x1  }
0x358: {  	[tilespmem:v6+s31+$0x0] =	vst.idx.msk $0xffff, v5  }
0x359: {  	v5 =	vld [tilespmem:s15+$0x30]  }
.Ltmp10:
0x35a: {  	(pc) =	sbr.rel @p0 .LBB2_23-.Ltmp10, $2  }
0x35b: {  	v4 =	vadd.s32 v3, v4;
	_ =	sdelay $0x2  }
0x35c: {  	v5 =	vmul.f32 $8.000000000e+00, v5  }
0x35d: {  	_ =	sdelay $0x1  }
0x35e: {  	s14 =	sshll.u32 s14, $0x7  }
0x35f: {  	s2 =	sadd.s32 $0x280, s14  }
0x360: {  	s15 =	simm.s32 $0x8400;
	[tilespmem:v4+s31+$0x0] =	vst.idx.msk $0xffff, v5;
	s2 =	sand.u32 $0xFE80, s2  }
0x361: {  	[tilespmem:s15], [sflag:$0x2] =	stream.indirect.gather [hbm4b:s6+s18], $0x40, s2, s18, $0xb8;
	[tilespmem:$0x16C00] =	vst v63  }
0x362: {  	s16 =	sadd.s32 s13, s10;
	s21 =	simm.s32 $0x10600  }
0x363: {  	[hbm4b:s16+s3] =	stream.linear.scatter [tilespmem:s21], [sflag:$0x6], $0x80, $0x38;
	[tilespmem:$0x16C00] =	vst v63  }
0x364: {  	s19 =	sadd.s32 $0x10, s16;
	s15 =	simm.s32 $0x10688  }
0x365: {  	[hbm4b:s19+s3] =	stream.linear.scatter [tilespmem:s15], [sflag:$0x6], $0x80, $0x38;
	[tilespmem:$0x16C00] =	vst v63  }
0x366: {  	s20 =	simm.s32 $0x10710;
	s21 =	sadd.s32 $0x20, s16  }
0x367: {  	[hbm4b:s21+s3] =	stream.linear.scatter [tilespmem:s20], [sflag:$0x6], $0x80, $0x38;
	[tilespmem:$0x16C00] =	vst v63  }
0x368: {  	s15 =	simm.s32 $0x10798;
	s19 =	sadd.s32 $0x30, s16  }
0x369: {  	[hbm4b:s19+s3] =	stream.linear.scatter [tilespmem:s15], [sflag:$0x6], $0x80, $0x38;
	[tilespmem:$0x16C00] =	vst v63  }
0x36a: {  	s20 =	simm.s32 $0x10820;
	s21 =	sadd.s32 $0x40, s16  }
0x36b: {  	[hbm4b:s21+s3] =	stream.linear.scatter [tilespmem:s20], [sflag:$0x6], $0x80, $0x38;
	[tilespmem:$0x16C00] =	vst v63  }
0x36c: {  	s2 =	simm.s32 $0x109B8;
	s15 =	simm.s32 $0x108A8;
	s19 =	sadd.s32 $0x50, s16  }
0x36d: {  	[hbm4b:s19+s3] =	stream.linear.scatter [tilespmem:s15], [sflag:$0x6], $0x80, $0x38;
	[tilespmem:$0x16C00] =	vst v63  }
0x36e: {  	s20 =	simm.s32 $0x10930;
	s21 =	sadd.s32 $0x60, s16;
	s15 =	simm.s32 $0x440  }
0x36f: {  	[hbm4b:s21+s3] =	stream.linear.scatter [tilespmem:s20], [sflag:$0x6], $0x80, $0x38;
	[tilespmem:$0x16C00] =	vst v63  }
0x370: {  	s19 =	sadd.s32 $0x70, s16;
	s16 =	sadd.s32 $0x1000, s16;
	s21 =	simm.s32 $0x2200  }
.LBB2_25:
0x371: {  	[hbm4b:s19+s3] =	stream.linear.scatter [tilespmem:s2], [sflag:$0x6], $0x80, $0x38;
	[tilespmem:$0x16C00] =	vst v63  }
0x372: {  	s2 =	smov.u32 s15;
	s15 =	smov.u32 s21  }
0x373: {  	s20 =	sadd.s32 $0x1100, s21;
	s15 =	sshra.s32 s15, $0x2;
	s19 =	sadd.s32 $0x10600, s2  }
0x374: {  	[hbm4b:s16+s3] =	stream.linear.scatter [tilespmem:s19], [sflag:$0x6], $0x80, $0x38;
	[tilespmem:$0x16C00] =	vst v63  }
0x375: {  	p0 =	sne.s32 s21, $0x7700;
	s21 =	sadd.s32 $0x10, s16;
	s19 =	sadd.s32 $0x10688, s2  }
0x376: {  	[hbm4b:s21+s3] =	stream.linear.scatter [tilespmem:s19], [sflag:$0x6], $0x80, $0x38;
	[tilespmem:$0x16C00] =	vst v63  }
0x377: {  	s19 =	sadd.s32 $0x10710, s2;
	s21 =	sadd.s32 $0x20, s16  }
0x378: {  	[hbm4b:s21+s3] =	stream.linear.scatter [tilespmem:s19], [sflag:$0x6], $0x80, $0x38;
	[tilespmem:$0x16C00] =	vst v63  }
0x379: {  	s19 =	sadd.s32 $0x10798, s2;
	s21 =	sadd.s32 $0x30, s16  }
0x37a: {  	[hbm4b:s21+s3] =	stream.linear.scatter [tilespmem:s19], [sflag:$0x6], $0x80, $0x38;
	[tilespmem:$0x16C00] =	vst v63  }
0x37b: {  	s19 =	sadd.s32 $0x10820, s2;
	s21 =	sadd.s32 $0x40, s16  }
0x37c: {  	[hbm4b:s21+s3] =	stream.linear.scatter [tilespmem:s19], [sflag:$0x6], $0x80, $0x38;
	[tilespmem:$0x16C00] =	vst v63  }
.Ltmp11:
0x37d: {  	s19 =	sadd.s32 $0x108A8, s2;
	s21 =	sadd.s32 $0x50, s16;
	(pc) =	sbr.rel @p0 .LBB2_25-.Ltmp11, $4  }
0x37e: {  	[hbm4b:s21+s3] =	stream.linear.scatter [tilespmem:s19], [sflag:$0x6], $0x80, $0x38;
	[tilespmem:$0x16C00] =	vst v63  }
0x37f: {  	s19 =	sadd.s32 $0x10930, s2;
	s21 =	sadd.s32 $0x60, s16;
	s2 =	sadd.s32 $0x109B8, s2  }
0x380: {  	[hbm4b:s21+s3] =	stream.linear.scatter [tilespmem:s19], [sflag:$0x6], $0x80, $0x38;
	[tilespmem:$0x16C00] =	vst v63  }
0x381: {  	s19 =	sadd.s32 $0x70, s16;
	s16 =	sadd.s32 $0x1000, s16;
	s21 =	smov.u32 s20  }
0x382: {  	[hbm4b:s19+s3] =	stream.linear.scatter [tilespmem:s2], [sflag:$0x6], $0x80, $0x38;
	[tilespmem:$0x16C00] =	vst v63  }
0x383: {  	s19 =	sadd.s32 $0x10600, s15  }
0x384: {  	[hbm4b:s16+s3] =	stream.linear.scatter [tilespmem:s19], [sflag:$0x6], $0x80, $0x38;
	[tilespmem:$0x16C00] =	vst v63  }
0x385: {  	s20 =	sadd.s32 $0x10688, s15;
	s21 =	sadd.s32 $0x10, s16  }
0x386: {  	[hbm4b:s21+s3] =	stream.linear.scatter [tilespmem:s20], [sflag:$0x6], $0x80, $0x38;
	[tilespmem:$0x16C00] =	vst v63  }
0x387: {  	s20 =	sadd.s32 $0x10710, s15;
	s21 =	sadd.s32 $0x20, s16  }
0x388: {  	[hbm4b:s21+s3] =	stream.linear.scatter [tilespmem:s20], [sflag:$0x6], $0x80, $0x38;
	[tilespmem:$0x16C00] =	vst v63  }
0x389: {  	s20 =	sadd.s32 $0x10798, s15;
	s21 =	sadd.s32 $0x30, s16  }
0x38a: {  	[hbm4b:s21+s3] =	stream.linear.scatter [tilespmem:s20], [sflag:$0x6], $0x80, $0x38;
	[tilespmem:$0x16C00] =	vst v63  }
0x38b: {  	s20 =	sadd.s32 $0x10820, s15;
	s21 =	sadd.s32 $0x40, s16  }
0x38c: {  	[hbm4b:s21+s3] =	stream.linear.scatter [tilespmem:s20], [sflag:$0x6], $0x80, $0x38;
	[tilespmem:$0x16C00] =	vst v63  }
0x38d: {  	s20 =	sadd.s32 $0x108A8, s15;
	s21 =	sadd.s32 $0x50, s16  }
0x38e: {  	[hbm4b:s21+s3] =	stream.linear.scatter [tilespmem:s20], [sflag:$0x6], $0x80, $0x38;
	[tilespmem:$0x16C00] =	vst v63  }
0x38f: {  	s20 =	sadd.s32 $0x10930, s15;
	s21 =	sadd.s32 $0x60, s16  }
0x390: {  	[hbm4b:s21+s3] =	stream.linear.scatter [tilespmem:s20], [sflag:$0x6], $0x80, $0x38;
	[tilespmem:$0x16C00] =	vst v63  }
0x391: {  	s19 =	sadd.s32 $0x70, s16;
	s15 =	sadd.s32 $0x109B8, s15  }
0x392: {  	[hbm4b:s19+s3] =	stream.linear.scatter [tilespmem:s15], [sflag:$0x6], $0x80, $0x38;
	[tilespmem:$0x16C00] =	vst v63  }
0x393: {  	_ =	swait.ge [sflag:s1], $0x2000  }
0x394: {  	[sflag:s1] =	ssyncset.done $0x0  }
0x395: {  	[sflag:s1] =	ssyncadd.s32 $0xFFFFE000  }
0x396: {  	_ =	swait.ge [sflag:s22], $0x2000  }
0x397: {  	[sflag:s22] =	ssyncset.done $0x0  }
0x398: {  	s20 =	simm.s32 $0x0;
	s15 =	simm.s32 $0xA440;
	[sflag:s22] =	ssyncadd.s32 $0xFFFFE000  }
0x399: {  	v4 =	vmov s20;
	v5 =	vld [tilespmem:s15+$0xFFFFFFC0]  }
0x39a: {  	v4 =	vand.u32 $0x7E, v4  }
0x39b: {  	v6 =	vadd.s32 v0, v4;
	_ =	sdelay $0x2  }
0x39c: {  	v5 =	vmul.f32 $8.000000000e+00, v5;
	_ =	sdelay $0x1  }
0x39d: {  	[tilespmem:v6+s0+$0x0] =	vst.idx.msk $0xffff, v5  }
0x39e: {  	v5 =	vld [tilespmem:s15+$0xFFFFFFD0];
	_ =	sdelay $0x1  }
0x39f: {  	v6 =	vadd.s32 v1, v4;
	_ =	sdelay $0x2  }
0x3a0: {  	v5 =	vmul.f32 $8.000000000e+00, v5;
	_ =	sdelay $0x1  }
0x3a1: {  	[tilespmem:v6+s0+$0x0] =	vst.idx.msk $0xffff, v5  }
0x3a2: {  	v5 =	vld [tilespmem:s15+$0xFFFFFFE0];
	_ =	sdelay $0x1  }
0x3a3: {  	v6 =	vadd.s32 v2, v4;
	_ =	sdelay $0x2  }
0x3a4: {  	v5 =	vmul.f32 $8.000000000e+00, v5;
	_ =	sdelay $0x1  }
0x3a5: {  	[tilespmem:v6+s0+$0x0] =	vst.idx.msk $0xffff, v5  }
0x3a6: {  	v5 =	vld [tilespmem:s15+$0xFFFFFFF0];
	_ =	sdelay $0x1  }
0x3a7: {  	v4 =	vadd.s32 v3, v4;
	_ =	sdelay $0x2  }
0x3a8: {  	v5 =	vmul.f32 $8.000000000e+00, v5;
	_ =	sdelay $0x1  }
0x3a9: {  	s21 =	simm.s32 $0x1;
	[tilespmem:v4+s0+$0x0] =	vst.idx.msk $0xffff, v5  }
0x3aa: {  	v4 =	vmov s21;
	v5 =	vld [tilespmem:s15+$0x0]  }
0x3ab: {  	v4 =	vand.u32 $0x7F, v4  }
0x3ac: {  	v6 =	vadd.s32 v0, v4;
	_ =	sdelay $0x2  }
0x3ad: {  	v5 =	vmul.f32 $8.000000000e+00, v5;
	_ =	sdelay $0x1  }
0x3ae: {  	[tilespmem:v6+s0+$0x0] =	vst.idx.msk $0xffff, v5  }
0x3af: {  	v5 =	vld [tilespmem:s15+$0x10];
	_ =	sdelay $0x1  }
0x3b0: {  	v6 =	vadd.s32 v1, v4;
	_ =	sdelay $0x2  }
0x3b1: {  	v5 =	vmul.f32 $8.000000000e+00, v5;
	_ =	sdelay $0x1  }
0x3b2: {  	[tilespmem:v6+s0+$0x0] =	vst.idx.msk $0xffff, v5  }
0x3b3: {  	v5 =	vld [tilespmem:s15+$0x20];
	_ =	sdelay $0x1  }
0x3b4: {  	v6 =	vadd.s32 v2, v4;
	_ =	sdelay $0x2  }
0x3b5: {  	v5 =	vmul.f32 $8.000000000e+00, v5;
	_ =	sdelay $0x1  }
0x3b6: {  	[tilespmem:v6+s0+$0x0] =	vst.idx.msk $0xffff, v5  }
0x3b7: {  	v5 =	vld [tilespmem:s15+$0x30];
	_ =	sdelay $0x1  }
0x3b8: {  	v4 =	vadd.s32 v3, v4;
	_ =	sdelay $0x2  }
0x3b9: {  	s16 =	simm.s32 $0x2;
	v5 =	vmul.f32 $8.000000000e+00, v5  }
.LBB2_27:
0x3ba: {  	p0 =	sne.s32 s16, $0x7E  }
0x3bb: {  	s15 =	sadd.s32 $0x80, s15;
	s2 =	smov.u32 s16;
	s16 =	sadd.s32 $0x2, s16;
	[tilespmem:v4+s0+$0x0] =	vst.idx.msk $0xffff, v5  }
0x3bc: {  	v4 =	vmov s2;
	v5 =	vld [tilespmem:s15+$0xFFFFFFC0]  }
0x3bd: {  	v4 =	vand.u32 $0x7E, v4  }
0x3be: {  	v6 =	vadd.s32 v0, v4;
	_ =	sdelay $0x2  }
0x3bf: {  	v5 =	vmul.f32 $8.000000000e+00, v5;
	_ =	sdelay $0x1  }
0x3c0: {  	[tilespmem:v6+s0+$0x0] =	vst.idx.msk $0xffff, v5  }
0x3c1: {  	v5 =	vld [tilespmem:s15+$0xFFFFFFD0];
	_ =	sdelay $0x1  }
0x3c2: {  	v6 =	vadd.s32 v1, v4;
	_ =	sdelay $0x2  }
0x3c3: {  	v5 =	vmul.f32 $8.000000000e+00, v5;
	_ =	sdelay $0x1  }
0x3c4: {  	[tilespmem:v6+s0+$0x0] =	vst.idx.msk $0xffff, v5  }
0x3c5: {  	v5 =	vld [tilespmem:s15+$0xFFFFFFE0];
	_ =	sdelay $0x1  }
0x3c6: {  	v6 =	vadd.s32 v2, v4;
	_ =	sdelay $0x2  }
0x3c7: {  	v5 =	vmul.f32 $8.000000000e+00, v5;
	_ =	sdelay $0x1  }
0x3c8: {  	[tilespmem:v6+s0+$0x0] =	vst.idx.msk $0xffff, v5  }
0x3c9: {  	v5 =	vld [tilespmem:s15+$0xFFFFFFF0];
	_ =	sdelay $0x1  }
0x3ca: {  	v4 =	vadd.s32 v3, v4;
	_ =	sdelay $0x2  }
0x3cb: {  	v5 =	vmul.f32 $8.000000000e+00, v5;
	_ =	sdelay $0x1  }
0x3cc: {  	s2 =	sadd.s32 $0x1, s2;
	[tilespmem:v4+s0+$0x0] =	vst.idx.msk $0xffff, v5  }
0x3cd: {  	v4 =	vmov s2;
	v5 =	vld [tilespmem:s15+$0x0]  }
0x3ce: {  	v4 =	vand.u32 $0x7F, v4  }
0x3cf: {  	v6 =	vadd.s32 v0, v4;
	_ =	sdelay $0x2  }
0x3d0: {  	v5 =	vmul.f32 $8.000000000e+00, v5;
	_ =	sdelay $0x1  }
0x3d1: {  	[tilespmem:v6+s0+$0x0] =	vst.idx.msk $0xffff, v5  }
0x3d2: {  	v5 =	vld [tilespmem:s15+$0x10];
	_ =	sdelay $0x1  }
0x3d3: {  	v6 =	vadd.s32 v1, v4;
	_ =	sdelay $0x2  }
0x3d4: {  	v5 =	vmul.f32 $8.000000000e+00, v5;
	_ =	sdelay $0x1  }
0x3d5: {  	[tilespmem:v6+s0+$0x0] =	vst.idx.msk $0xffff, v5  }
0x3d6: {  	v5 =	vld [tilespmem:s15+$0x20];
	_ =	sdelay $0x1  }
0x3d7: {  	v6 =	vadd.s32 v2, v4;
	_ =	sdelay $0x2  }
0x3d8: {  	v5 =	vmul.f32 $8.000000000e+00, v5;
	_ =	sdelay $0x1  }
0x3d9: {  	[tilespmem:v6+s0+$0x0] =	vst.idx.msk $0xffff, v5  }
0x3da: {  	v5 =	vld [tilespmem:s15+$0x30]  }
.Ltmp12:
0x3db: {  	(pc) =	sbr.rel @p0 .LBB2_27-.Ltmp12, $2  }
0x3dc: {  	v4 =	vadd.s32 v3, v4;
	_ =	sdelay $0x2  }
0x3dd: {  	v5 =	vmul.f32 $8.000000000e+00, v5  }
0x3de: {  	_ =	sdelay $0x2  }
0x3df: {  	s2 =	sadd.s32 $0x300, s14  }
0x3e0: {  	[tilespmem:v4+s0+$0x0] =	vst.idx.msk $0xffff, v5;
	s2 =	sand.u32 $0xFF00, s2  }
0x3e1: {  	[tilespmem:s25], [sflag:$0x3] =	stream.indirect.gather [hbm4b:s6+s18], $0x40, s2, s18, $0xb8;
	[tilespmem:$0x16C00] =	vst v63  }
0x3e2: {  	s16 =	sadd.s32 s13, s11;
	s15 =	simm.s32 $0x12800  }
0x3e3: {  	[hbm4b:s16+s3] =	stream.linear.scatter [tilespmem:s15], [sflag:$0x7], $0x80, $0x38;
	[tilespmem:$0x16C00] =	vst v63  }
0x3e4: {  	s19 =	simm.s32 $0x12888;
	s15 =	sadd.s32 $0x10, s16  }
0x3e5: {  	[hbm4b:s15+s3] =	stream.linear.scatter [tilespmem:s19], [sflag:$0x7], $0x80, $0x38;
	[tilespmem:$0x16C00] =	vst v63  }
0x3e6: {  	s20 =	simm.s32 $0x12910;
	s21 =	sadd.s32 $0x20, s16  }
0x3e7: {  	[hbm4b:s21+s3] =	stream.linear.scatter [tilespmem:s20], [sflag:$0x7], $0x80, $0x38;
	[tilespmem:$0x16C00] =	vst v63  }
0x3e8: {  	s15 =	simm.s32 $0x12998;
	s19 =	sadd.s32 $0x30, s16  }
0x3e9: {  	[hbm4b:s19+s3] =	stream.linear.scatter [tilespmem:s15], [sflag:$0x7], $0x80, $0x38;
	[tilespmem:$0x16C00] =	vst v63  }
0x3ea: {  	s20 =	simm.s32 $0x12A20;
	s21 =	sadd.s32 $0x40, s16  }
0x3eb: {  	[hbm4b:s21+s3] =	stream.linear.scatter [tilespmem:s20], [sflag:$0x7], $0x80, $0x38;
	[tilespmem:$0x16C00] =	vst v63  }
0x3ec: {  	s2 =	simm.s32 $0x12BB8;
	s15 =	simm.s32 $0x12AA8;
	s19 =	sadd.s32 $0x50, s16  }
0x3ed: {  	[hbm4b:s19+s3] =	stream.linear.scatter [tilespmem:s15], [sflag:$0x7], $0x80, $0x38;
	[tilespmem:$0x16C00] =	vst v63  }
0x3ee: {  	s20 =	simm.s32 $0x12B30;
	s21 =	sadd.s32 $0x60, s16;
	s15 =	simm.s32 $0x440  }
0x3ef: {  	[hbm4b:s21+s3] =	stream.linear.scatter [tilespmem:s20], [sflag:$0x7], $0x80, $0x38;
	[tilespmem:$0x16C00] =	vst v63  }
0x3f0: {  	s19 =	sadd.s32 $0x70, s16;
	s16 =	sadd.s32 $0x1000, s16;
	s21 =	simm.s32 $0x2200  }
.LBB2_29:
0x3f1: {  	[hbm4b:s19+s3] =	stream.linear.scatter [tilespmem:s2], [sflag:$0x7], $0x80, $0x38;
	[tilespmem:$0x16C00] =	vst v63  }
0x3f2: {  	s2 =	smov.u32 s15;
	s15 =	smov.u32 s21  }
0x3f3: {  	s20 =	sadd.s32 $0x1100, s21;
	s15 =	sshra.s32 s15, $0x2;
	s19 =	sadd.s32 $0x12800, s2  }
0x3f4: {  	[hbm4b:s16+s3] =	stream.linear.scatter [tilespmem:s19], [sflag:$0x7], $0x80, $0x38;
	[tilespmem:$0x16C00] =	vst v63  }
0x3f5: {  	p0 =	sne.s32 s21, $0x7700;
	s21 =	sadd.s32 $0x10, s16;
	s19 =	sadd.s32 $0x12888, s2  }
0x3f6: {  	[hbm4b:s21+s3] =	stream.linear.scatter [tilespmem:s19], [sflag:$0x7], $0x80, $0x38;
	[tilespmem:$0x16C00] =	vst v63  }
0x3f7: {  	s19 =	sadd.s32 $0x12910, s2;
	s21 =	sadd.s32 $0x20, s16  }
0x3f8: {  	[hbm4b:s21+s3] =	stream.linear.scatter [tilespmem:s19], [sflag:$0x7], $0x80, $0x38;
	[tilespmem:$0x16C00] =	vst v63  }
0x3f9: {  	s19 =	sadd.s32 $0x12998, s2;
	s21 =	sadd.s32 $0x30, s16  }
0x3fa: {  	[hbm4b:s21+s3] =	stream.linear.scatter [tilespmem:s19], [sflag:$0x7], $0x80, $0x38;
	[tilespmem:$0x16C00] =	vst v63  }
0x3fb: {  	s19 =	sadd.s32 $0x12A20, s2;
	s21 =	sadd.s32 $0x40, s16  }
0x3fc: {  	[hbm4b:s21+s3] =	stream.linear.scatter [tilespmem:s19], [sflag:$0x7], $0x80, $0x38;
	[tilespmem:$0x16C00] =	vst v63  }
.Ltmp13:
0x3fd: {  	s19 =	sadd.s32 $0x12AA8, s2;
	s21 =	sadd.s32 $0x50, s16;
	(pc) =	sbr.rel @p0 .LBB2_29-.Ltmp13, $4  }
0x3fe: {  	[hbm4b:s21+s3] =	stream.linear.scatter [tilespmem:s19], [sflag:$0x7], $0x80, $0x38;
	[tilespmem:$0x16C00] =	vst v63  }
0x3ff: {  	s19 =	sadd.s32 $0x12B30, s2;
	s21 =	sadd.s32 $0x60, s16;
	s2 =	sadd.s32 $0x12BB8, s2  }
0x400: {  	[hbm4b:s21+s3] =	stream.linear.scatter [tilespmem:s19], [sflag:$0x7], $0x80, $0x38;
	[tilespmem:$0x16C00] =	vst v63  }
0x401: {  	s19 =	sadd.s32 $0x70, s16;
	s16 =	sadd.s32 $0x1000, s16;
	s21 =	smov.u32 s20  }
0x402: {  	[hbm4b:s19+s3] =	stream.linear.scatter [tilespmem:s2], [sflag:$0x7], $0x80, $0x38;
	[tilespmem:$0x16C00] =	vst v63  }
0x403: {  	s19 =	sadd.s32 $0x12800, s15  }
0x404: {  	[hbm4b:s16+s3] =	stream.linear.scatter [tilespmem:s19], [sflag:$0x7], $0x80, $0x38;
	[tilespmem:$0x16C00] =	vst v63  }
0x405: {  	s20 =	sadd.s32 $0x12888, s15;
	s21 =	sadd.s32 $0x10, s16  }
0x406: {  	[hbm4b:s21+s3] =	stream.linear.scatter [tilespmem:s20], [sflag:$0x7], $0x80, $0x38;
	[tilespmem:$0x16C00] =	vst v63  }
0x407: {  	s20 =	sadd.s32 $0x12910, s15;
	s21 =	sadd.s32 $0x20, s16  }
0x408: {  	[hbm4b:s21+s3] =	stream.linear.scatter [tilespmem:s20], [sflag:$0x7], $0x80, $0x38;
	[tilespmem:$0x16C00] =	vst v63  }
0x409: {  	s20 =	sadd.s32 $0x12998, s15;
	s21 =	sadd.s32 $0x30, s16  }
0x40a: {  	[hbm4b:s21+s3] =	stream.linear.scatter [tilespmem:s20], [sflag:$0x7], $0x80, $0x38;
	[tilespmem:$0x16C00] =	vst v63  }
0x40b: {  	s20 =	sadd.s32 $0x12A20, s15;
	s21 =	sadd.s32 $0x40, s16  }
0x40c: {  	[hbm4b:s21+s3] =	stream.linear.scatter [tilespmem:s20], [sflag:$0x7], $0x80, $0x38;
	[tilespmem:$0x16C00] =	vst v63  }
0x40d: {  	s20 =	sadd.s32 $0x12AA8, s15;
	s21 =	sadd.s32 $0x50, s16  }
0x40e: {  	[hbm4b:s21+s3] =	stream.linear.scatter [tilespmem:s20], [sflag:$0x7], $0x80, $0x38;
	[tilespmem:$0x16C00] =	vst v63  }
0x40f: {  	s20 =	sadd.s32 $0x12B30, s15;
	s21 =	sadd.s32 $0x60, s16  }
0x410: {  	[hbm4b:s21+s3] =	stream.linear.scatter [tilespmem:s20], [sflag:$0x7], $0x80, $0x38;
	[tilespmem:$0x16C00] =	vst v63  }
0x411: {  	s19 =	sadd.s32 $0x70, s16;
	s15 =	sadd.s32 $0x12BB8, s15  }
0x412: {  	[hbm4b:s19+s3] =	stream.linear.scatter [tilespmem:s15], [sflag:$0x7], $0x80, $0x38;
	[tilespmem:$0x16C00] =	vst v63  }
0x413: {  	_ =	swait.ge [sflag:s7], $0x2000  }
0x414: {  	[sflag:s7] =	ssyncset.done $0x0  }
0x415: {  	[sflag:s7] =	ssyncadd.s32 $0xFFFFE000  }
0x416: {  	_ =	swait.ge [sflag:s23], $0x2000  }
0x417: {  	[sflag:s23] =	ssyncset.done $0x0  }
0x418: {  	s20 =	simm.s32 $0x0;
	s15 =	simm.s32 $0xC440;
	[sflag:s23] =	ssyncadd.s32 $0xFFFFE000  }
0x419: {  	v4 =	vmov s20;
	v5 =	vld [tilespmem:s15+$0xFFFFFFC0]  }
0x41a: {  	v4 =	vand.u32 $0x7E, v4  }
0x41b: {  	v6 =	vadd.s32 v0, v4;
	_ =	sdelay $0x2  }
0x41c: {  	v5 =	vmul.f32 $8.000000000e+00, v5;
	_ =	sdelay $0x1  }
0x41d: {  	[tilespmem:v6+s8+$0x0] =	vst.idx.msk $0xffff, v5  }
0x41e: {  	v5 =	vld [tilespmem:s15+$0xFFFFFFD0];
	_ =	sdelay $0x1  }
0x41f: {  	v6 =	vadd.s32 v1, v4;
	_ =	sdelay $0x2  }
0x420: {  	v5 =	vmul.f32 $8.000000000e+00, v5;
	_ =	sdelay $0x1  }
0x421: {  	[tilespmem:v6+s8+$0x0] =	vst.idx.msk $0xffff, v5  }
0x422: {  	v5 =	vld [tilespmem:s15+$0xFFFFFFE0];
	_ =	sdelay $0x1  }
0x423: {  	v6 =	vadd.s32 v2, v4;
	_ =	sdelay $0x2  }
0x424: {  	v5 =	vmul.f32 $8.000000000e+00, v5;
	_ =	sdelay $0x1  }
0x425: {  	[tilespmem:v6+s8+$0x0] =	vst.idx.msk $0xffff, v5  }
0x426: {  	v5 =	vld [tilespmem:s15+$0xFFFFFFF0];
	_ =	sdelay $0x1  }
0x427: {  	v4 =	vadd.s32 v3, v4;
	_ =	sdelay $0x2  }
0x428: {  	v5 =	vmul.f32 $8.000000000e+00, v5;
	_ =	sdelay $0x1  }
0x429: {  	s21 =	simm.s32 $0x1;
	[tilespmem:v4+s8+$0x0] =	vst.idx.msk $0xffff, v5  }
0x42a: {  	v4 =	vmov s21;
	v5 =	vld [tilespmem:s15+$0x0]  }
0x42b: {  	v4 =	vand.u32 $0x7F, v4  }
0x42c: {  	v6 =	vadd.s32 v0, v4;
	_ =	sdelay $0x2  }
0x42d: {  	v5 =	vmul.f32 $8.000000000e+00, v5;
	_ =	sdelay $0x1  }
0x42e: {  	[tilespmem:v6+s8+$0x0] =	vst.idx.msk $0xffff, v5  }
0x42f: {  	v5 =	vld [tilespmem:s15+$0x10];
	_ =	sdelay $0x1  }
0x430: {  	v6 =	vadd.s32 v1, v4;
	_ =	sdelay $0x2  }
0x431: {  	v5 =	vmul.f32 $8.000000000e+00, v5;
	_ =	sdelay $0x1  }
0x432: {  	[tilespmem:v6+s8+$0x0] =	vst.idx.msk $0xffff, v5  }
0x433: {  	v5 =	vld [tilespmem:s15+$0x20];
	_ =	sdelay $0x1  }
0x434: {  	v6 =	vadd.s32 v2, v4;
	_ =	sdelay $0x2  }
0x435: {  	v5 =	vmul.f32 $8.000000000e+00, v5;
	_ =	sdelay $0x1  }
0x436: {  	[tilespmem:v6+s8+$0x0] =	vst.idx.msk $0xffff, v5  }
0x437: {  	v5 =	vld [tilespmem:s15+$0x30];
	_ =	sdelay $0x1  }
0x438: {  	v4 =	vadd.s32 v3, v4;
	_ =	sdelay $0x2  }
0x439: {  	s16 =	simm.s32 $0x2;
	v5 =	vmul.f32 $8.000000000e+00, v5  }
.LBB2_31:
0x43a: {  	p0 =	sne.s32 s16, $0x7E  }
0x43b: {  	s15 =	sadd.s32 $0x80, s15;
	s2 =	smov.u32 s16;
	s16 =	sadd.s32 $0x2, s16;
	[tilespmem:v4+s8+$0x0] =	vst.idx.msk $0xffff, v5  }
0x43c: {  	v4 =	vmov s2;
	v5 =	vld [tilespmem:s15+$0xFFFFFFC0]  }
0x43d: {  	v4 =	vand.u32 $0x7E, v4  }
0x43e: {  	v6 =	vadd.s32 v0, v4;
	_ =	sdelay $0x2  }
0x43f: {  	v5 =	vmul.f32 $8.000000000e+00, v5;
	_ =	sdelay $0x1  }
0x440: {  	[tilespmem:v6+s8+$0x0] =	vst.idx.msk $0xffff, v5  }
0x441: {  	v5 =	vld [tilespmem:s15+$0xFFFFFFD0];
	_ =	sdelay $0x1  }
0x442: {  	v6 =	vadd.s32 v1, v4;
	_ =	sdelay $0x2  }
0x443: {  	v5 =	vmul.f32 $8.000000000e+00, v5;
	_ =	sdelay $0x1  }
0x444: {  	[tilespmem:v6+s8+$0x0] =	vst.idx.msk $0xffff, v5  }
0x445: {  	v5 =	vld [tilespmem:s15+$0xFFFFFFE0];
	_ =	sdelay $0x1  }
0x446: {  	v6 =	vadd.s32 v2, v4;
	_ =	sdelay $0x2  }
0x447: {  	v5 =	vmul.f32 $8.000000000e+00, v5;
	_ =	sdelay $0x1  }
0x448: {  	[tilespmem:v6+s8+$0x0] =	vst.idx.msk $0xffff, v5  }
0x449: {  	v5 =	vld [tilespmem:s15+$0xFFFFFFF0];
	_ =	sdelay $0x1  }
0x44a: {  	v4 =	vadd.s32 v3, v4;
	_ =	sdelay $0x2  }
0x44b: {  	v5 =	vmul.f32 $8.000000000e+00, v5;
	_ =	sdelay $0x1  }
0x44c: {  	s2 =	sadd.s32 $0x1, s2;
	[tilespmem:v4+s8+$0x0] =	vst.idx.msk $0xffff, v5  }
0x44d: {  	v4 =	vmov s2;
	v5 =	vld [tilespmem:s15+$0x0]  }
0x44e: {  	v4 =	vand.u32 $0x7F, v4  }
0x44f: {  	v6 =	vadd.s32 v0, v4;
	_ =	sdelay $0x2  }
0x450: {  	v5 =	vmul.f32 $8.000000000e+00, v5;
	_ =	sdelay $0x1  }
0x451: {  	[tilespmem:v6+s8+$0x0] =	vst.idx.msk $0xffff, v5  }
0x452: {  	v5 =	vld [tilespmem:s15+$0x10];
	_ =	sdelay $0x1  }
0x453: {  	v6 =	vadd.s32 v1, v4;
	_ =	sdelay $0x2  }
0x454: {  	v5 =	vmul.f32 $8.000000000e+00, v5;
	_ =	sdelay $0x1  }
0x455: {  	[tilespmem:v6+s8+$0x0] =	vst.idx.msk $0xffff, v5  }
0x456: {  	v5 =	vld [tilespmem:s15+$0x20];
	_ =	sdelay $0x1  }
0x457: {  	v6 =	vadd.s32 v2, v4;
	_ =	sdelay $0x2  }
0x458: {  	v5 =	vmul.f32 $8.000000000e+00, v5;
	_ =	sdelay $0x1  }
0x459: {  	[tilespmem:v6+s8+$0x0] =	vst.idx.msk $0xffff, v5  }
0x45a: {  	v5 =	vld [tilespmem:s15+$0x30]  }
.Ltmp14:
0x45b: {  	(pc) =	sbr.rel @p0 .LBB2_31-.Ltmp14, $2  }
0x45c: {  	v4 =	vadd.s32 v3, v4;
	_ =	sdelay $0x2  }
0x45d: {  	v5 =	vmul.f32 $8.000000000e+00, v5  }
0x45e: {  	_ =	sdelay $0x2  }
0x45f: {  	s2 =	sadd.s32 $0x380, s14  }
0x460: {  	[tilespmem:v4+s8+$0x0] =	vst.idx.msk $0xffff, v5;
	s2 =	sand.u32 $0xFF80, s2  }
0x461: {  	[tilespmem:s26], [sflag:$0x4] =	stream.indirect.gather [hbm4b:s6+s18], $0x40, s2, s18, $0xb8;
	[tilespmem:$0x16C00] =	vst v63  }
0x462: {  	s14 =	sadd.s32 s13, s12;
	s13 =	simm.s32 $0x14A00  }
0x463: {  	[hbm4b:s14+s3] =	stream.linear.scatter [tilespmem:s13], [sflag:$0x8], $0x80, $0x38;
	[tilespmem:$0x16C00] =	vst v63  }
0x464: {  	s15 =	simm.s32 $0x14A88;
	s13 =	sadd.s32 $0x10, s14  }
0x465: {  	[hbm4b:s13+s3] =	stream.linear.scatter [tilespmem:s15], [sflag:$0x8], $0x80, $0x38;
	[tilespmem:$0x16C00] =	vst v63  }
0x466: {  	s16 =	simm.s32 $0x14B10;
	s20 =	simm.s32 $0x14B98;
	s19 =	sadd.s32 $0x20, s14  }
0x467: {  	[hbm4b:s19+s3] =	stream.linear.scatter [tilespmem:s16], [sflag:$0x8], $0x80, $0x38;
	[tilespmem:$0x16C00] =	vst v63  }
0x468: {  	s21 =	sadd.s32 $0x30, s14;
	s2 =	simm.s32 $0x14DB8;
	s13 =	simm.s32 $0x14C20  }
0x469: {  	[hbm4b:s21+s3] =	stream.linear.scatter [tilespmem:s20], [sflag:$0x8], $0x80, $0x38;
	[tilespmem:$0x16C00] =	vst v63  }
0x46a: {  	s15 =	sadd.s32 $0x40, s14;
	s16 =	simm.s32 $0x14CA8;
	s19 =	sadd.s32 $0x50, s14  }
0x46b: {  	[hbm4b:s15+s3] =	stream.linear.scatter [tilespmem:s13], [sflag:$0x8], $0x80, $0x38;
	[tilespmem:$0x16C00] =	vst v63  }
0x46c: {  	s20 =	simm.s32 $0x14D30;
	s21 =	sadd.s32 $0x60, s14;
	s13 =	simm.s32 $0x440  }
0x46d: {  	[hbm4b:s19+s3] =	stream.linear.scatter [tilespmem:s16], [sflag:$0x8], $0x80, $0x38;
	[tilespmem:$0x16C00] =	vst v63  }
0x46e: {  	s15 =	simm.s32 $0x2200;
	s16 =	sadd.s32 $0x70, s14;
	s14 =	sadd.s32 $0x1000, s14  }
0x46f: {  	[hbm4b:s21+s3] =	stream.linear.scatter [tilespmem:s20], [sflag:$0x8], $0x80, $0x38;
	[tilespmem:$0x16C00] =	vst v63  }
.LBB2_33:
0x470: {  	[hbm4b:s16+s3] =	stream.linear.scatter [tilespmem:s2], [sflag:$0x8], $0x80, $0x38;
	[tilespmem:$0x16C00] =	vst v63  }
0x471: {  	s2 =	smov.u32 s13;
	s13 =	smov.u32 s15  }
0x472: {  	s19 =	sadd.s32 $0x1100, s15;
	s13 =	sshra.s32 s13, $0x2;
	s16 =	sadd.s32 $0x14A00, s2  }
0x473: {  	[hbm4b:s14+s3] =	stream.linear.scatter [tilespmem:s16], [sflag:$0x8], $0x80, $0x38;
	[tilespmem:$0x16C00] =	vst v63  }
0x474: {  	p0 =	sne.s32 s15, $0x7700;
	s15 =	sadd.s32 $0x14A88, s2;
	s16 =	sadd.s32 $0x10, s14  }
0x475: {  	[hbm4b:s16+s3] =	stream.linear.scatter [tilespmem:s15], [sflag:$0x8], $0x80, $0x38;
	[tilespmem:$0x16C00] =	vst v63  }
0x476: {  	s15 =	sadd.s32 $0x14B10, s2;
	s16 =	sadd.s32 $0x20, s14  }
0x477: {  	[hbm4b:s16+s3] =	stream.linear.scatter [tilespmem:s15], [sflag:$0x8], $0x80, $0x38;
	[tilespmem:$0x16C00] =	vst v63  }
0x478: {  	s15 =	sadd.s32 $0x14B98, s2;
	s16 =	sadd.s32 $0x30, s14  }
0x479: {  	[hbm4b:s16+s3] =	stream.linear.scatter [tilespmem:s15], [sflag:$0x8], $0x80, $0x38;
	[tilespmem:$0x16C00] =	vst v63  }
0x47a: {  	s15 =	sadd.s32 $0x14C20, s2;
	s16 =	sadd.s32 $0x40, s14  }
0x47b: {  	[hbm4b:s16+s3] =	stream.linear.scatter [tilespmem:s15], [sflag:$0x8], $0x80, $0x38;
	[tilespmem:$0x16C00] =	vst v63  }
.Ltmp15:
0x47c: {  	s15 =	sadd.s32 $0x14CA8, s2;
	s16 =	sadd.s32 $0x50, s14;
	(pc) =	sbr.rel @p0 .LBB2_33-.Ltmp15, $4  }
0x47d: {  	[hbm4b:s16+s3] =	stream.linear.scatter [tilespmem:s15], [sflag:$0x8], $0x80, $0x38;
	[tilespmem:$0x16C00] =	vst v63  }
0x47e: {  	s15 =	sadd.s32 $0x14D30, s2;
	s16 =	sadd.s32 $0x60, s14;
	s2 =	sadd.s32 $0x14DB8, s2  }
0x47f: {  	[hbm4b:s16+s3] =	stream.linear.scatter [tilespmem:s15], [sflag:$0x8], $0x80, $0x38;
	[tilespmem:$0x16C00] =	vst v63  }
0x480: {  	s16 =	sadd.s32 $0x70, s14;
	s14 =	sadd.s32 $0x1000, s14;
	s15 =	smov.u32 s19  }
0x481: {  	[hbm4b:s16+s3] =	stream.linear.scatter [tilespmem:s2], [sflag:$0x8], $0x80, $0x38;
	[tilespmem:$0x16C00] =	vst v63  }
0x482: {  	s20 =	sadd.s32 $0x14A00, s13  }
0x483: {  	[hbm4b:s14+s3] =	stream.linear.scatter [tilespmem:s20], [sflag:$0x8], $0x80, $0x38;
	[tilespmem:$0x16C00] =	vst v63  }
0x484: {  	s21 =	sadd.s32 $0x14A88, s13;
	s15 =	sadd.s32 $0x10, s14  }
0x485: {  	[hbm4b:s15+s3] =	stream.linear.scatter [tilespmem:s21], [sflag:$0x8], $0x80, $0x38;
	[tilespmem:$0x16C00] =	vst v63  }
0x486: {  	s16 =	sadd.s32 $0x14B10, s13;
	s19 =	sadd.s32 $0x20, s14  }
0x487: {  	[hbm4b:s19+s3] =	stream.linear.scatter [tilespmem:s16], [sflag:$0x8], $0x80, $0x38;
	[tilespmem:$0x16C00] =	vst v63  }
0x488: {  	s20 =	sadd.s32 $0x14B98, s13;
	s21 =	sadd.s32 $0x30, s14  }
0x489: {  	[hbm4b:s21+s3] =	stream.linear.scatter [tilespmem:s20], [sflag:$0x8], $0x80, $0x38;
	[tilespmem:$0x16C00] =	vst v63  }
0x48a: {  	s24 =	sadd.s32 $0x1, s24;
	s16 =	sadd.s32 $0x14C20, s13;
	s19 =	sadd.s32 $0x40, s14  }
0x48b: {  	[hbm4b:s19+s3] =	stream.linear.scatter [tilespmem:s16], [sflag:$0x8], $0x80, $0x38;
	[tilespmem:$0x16C00] =	vst v63  }
0x48c: {  	p0 =	sne.s32 s24, $0x31;
	s20 =	sadd.s32 $0x14CA8, s13;
	s21 =	sadd.s32 $0x50, s14  }
0x48d: {  	[hbm4b:s21+s3] =	stream.linear.scatter [tilespmem:s20], [sflag:$0x8], $0x80, $0x38;
	[tilespmem:$0x16C00] =	vst v63  }
.Ltmp16:
0x48e: {  	_ = 	snop;
	(pc) =	sbr.rel @p0 .LBB2_18-.Ltmp16, $4  }
0x48f: {  	s16 =	sadd.s32 $0x14D30, s13;
	s19 =	sadd.s32 $0x60, s14  }
0x490: {  	[hbm4b:s19+s3] =	stream.linear.scatter [tilespmem:s16], [sflag:$0x8], $0x80, $0x38;
	[tilespmem:$0x16C00] =	vst v63  }
0x491: {  	s20 =	sadd.s32 $0x14DB8, s13;
	s21 =	sadd.s32 $0x70, s14  }
0x492: {  	[hbm4b:s21+s3] =	stream.linear.scatter [tilespmem:s20], [sflag:$0x8], $0x80, $0x38;
	[tilespmem:$0x16C00] =	vst v63  }
0x493: {  	_ =	swait.ge [sflag:s28], $0x2000  }
0x494: {  	[sflag:s28] =	ssyncset.done $0x0  }
0x495: {  	[sflag:s28] =	ssyncadd.s32 $0xFFFFE000  }
0x496: {  	_ =	swait.ge [sflag:s9], $0x2000  }
0x497: {  	[sflag:s9] =	ssyncset.done $0x0  }
0x498: {  	s2 =	simm.s32 $0x0;
	s13 =	simm.s32 $0x6440;
	[sflag:s9] =	ssyncadd.s32 $0xFFFFE000  }
0x499: {  	v4 =	vmov s2;
	v5 =	vld [tilespmem:s13+$0xFFFFFFC0]  }
0x49a: {  	v4 =	vand.u32 $0x7E, v4  }
0x49b: {  	v6 =	vadd.s32 v0, v4;
	_ =	sdelay $0x2  }
0x49c: {  	v5 =	vmul.f32 $8.000000000e+00, v5;
	_ =	sdelay $0x1  }
0x49d: {  	[tilespmem:v6+s29+$0x0] =	vst.idx.msk $0xffff, v5  }
0x49e: {  	v5 =	vld [tilespmem:s13+$0xFFFFFFD0];
	_ =	sdelay $0x1  }
0x49f: {  	v6 =	vadd.s32 v1, v4;
	_ =	sdelay $0x2  }
0x4a0: {  	v5 =	vmul.f32 $8.000000000e+00, v5;
	_ =	sdelay $0x1  }
0x4a1: {  	[tilespmem:v6+s29+$0x0] =	vst.idx.msk $0xffff, v5  }
0x4a2: {  	v5 =	vld [tilespmem:s13+$0xFFFFFFE0];
	_ =	sdelay $0x1  }
0x4a3: {  	v6 =	vadd.s32 v2, v4;
	_ =	sdelay $0x2  }
0x4a4: {  	v5 =	vmul.f32 $8.000000000e+00, v5;
	_ =	sdelay $0x1  }
0x4a5: {  	[tilespmem:v6+s29+$0x0] =	vst.idx.msk $0xffff, v5  }
0x4a6: {  	v5 =	vld [tilespmem:s13+$0xFFFFFFF0];
	_ =	sdelay $0x1  }
0x4a7: {  	v4 =	vadd.s32 v3, v4;
	_ =	sdelay $0x2  }
0x4a8: {  	v5 =	vmul.f32 $8.000000000e+00, v5;
	_ =	sdelay $0x1  }
0x4a9: {  	s24 =	simm.s32 $0x1;
	[tilespmem:v4+s29+$0x0] =	vst.idx.msk $0xffff, v5  }
0x4aa: {  	v4 =	vmov s24;
	v5 =	vld [tilespmem:s13+$0x0]  }
0x4ab: {  	v4 =	vand.u32 $0x7F, v4  }
0x4ac: {  	v6 =	vadd.s32 v0, v4;
	_ =	sdelay $0x2  }
0x4ad: {  	v5 =	vmul.f32 $8.000000000e+00, v5;
	_ =	sdelay $0x1  }
0x4ae: {  	[tilespmem:v6+s29+$0x0] =	vst.idx.msk $0xffff, v5  }
0x4af: {  	v5 =	vld [tilespmem:s13+$0x10];
	_ =	sdelay $0x1  }
0x4b0: {  	v6 =	vadd.s32 v1, v4;
	_ =	sdelay $0x2  }
0x4b1: {  	v5 =	vmul.f32 $8.000000000e+00, v5;
	_ =	sdelay $0x1  }
0x4b2: {  	[tilespmem:v6+s29+$0x0] =	vst.idx.msk $0xffff, v5  }
0x4b3: {  	v5 =	vld [tilespmem:s13+$0x20];
	_ =	sdelay $0x1  }
0x4b4: {  	v6 =	vadd.s32 v2, v4;
	_ =	sdelay $0x2  }
0x4b5: {  	v5 =	vmul.f32 $8.000000000e+00, v5;
	_ =	sdelay $0x1  }
0x4b6: {  	[tilespmem:v6+s29+$0x0] =	vst.idx.msk $0xffff, v5  }
0x4b7: {  	v5 =	vld [tilespmem:s13+$0x30];
	_ =	sdelay $0x1  }
0x4b8: {  	v4 =	vadd.s32 v3, v4;
	_ =	sdelay $0x2  }
0x4b9: {  	s14 =	simm.s32 $0x2;
	v5 =	vmul.f32 $8.000000000e+00, v5  }
.LBB2_36:
0x4ba: {  	p0 =	sne.s32 s14, $0x7E  }
0x4bb: {  	s13 =	sadd.s32 $0x80, s13;
	s2 =	smov.u32 s14;
	s14 =	sadd.s32 $0x2, s14;
	[tilespmem:v4+s29+$0x0] =	vst.idx.msk $0xffff, v5  }
0x4bc: {  	v4 =	vmov s2;
	v5 =	vld [tilespmem:s13+$0xFFFFFFC0]  }
0x4bd: {  	v4 =	vand.u32 $0x7E, v4  }
0x4be: {  	v6 =	vadd.s32 v0, v4;
	_ =	sdelay $0x2  }
0x4bf: {  	v5 =	vmul.f32 $8.000000000e+00, v5;
	_ =	sdelay $0x1  }
0x4c0: {  	[tilespmem:v6+s29+$0x0] =	vst.idx.msk $0xffff, v5  }
0x4c1: {  	v5 =	vld [tilespmem:s13+$0xFFFFFFD0];
	_ =	sdelay $0x1  }
0x4c2: {  	v6 =	vadd.s32 v1, v4;
	_ =	sdelay $0x2  }
0x4c3: {  	v5 =	vmul.f32 $8.000000000e+00, v5;
	_ =	sdelay $0x1  }
0x4c4: {  	[tilespmem:v6+s29+$0x0] =	vst.idx.msk $0xffff, v5  }
0x4c5: {  	v5 =	vld [tilespmem:s13+$0xFFFFFFE0];
	_ =	sdelay $0x1  }
0x4c6: {  	v6 =	vadd.s32 v2, v4;
	_ =	sdelay $0x2  }
0x4c7: {  	v5 =	vmul.f32 $8.000000000e+00, v5;
	_ =	sdelay $0x1  }
0x4c8: {  	[tilespmem:v6+s29+$0x0] =	vst.idx.msk $0xffff, v5  }
0x4c9: {  	v5 =	vld [tilespmem:s13+$0xFFFFFFF0];
	_ =	sdelay $0x1  }
0x4ca: {  	v4 =	vadd.s32 v3, v4;
	_ =	sdelay $0x2  }
0x4cb: {  	v5 =	vmul.f32 $8.000000000e+00, v5;
	_ =	sdelay $0x1  }
0x4cc: {  	s2 =	sadd.s32 $0x1, s2;
	[tilespmem:v4+s29+$0x0] =	vst.idx.msk $0xffff, v5  }
0x4cd: {  	v4 =	vmov s2;
	v5 =	vld [tilespmem:s13+$0x0]  }
0x4ce: {  	v4 =	vand.u32 $0x7F, v4  }
0x4cf: {  	v6 =	vadd.s32 v0, v4;
	_ =	sdelay $0x2  }
0x4d0: {  	v5 =	vmul.f32 $8.000000000e+00, v5;
	_ =	sdelay $0x1  }
0x4d1: {  	[tilespmem:v6+s29+$0x0] =	vst.idx.msk $0xffff, v5  }
0x4d2: {  	v5 =	vld [tilespmem:s13+$0x10];
	_ =	sdelay $0x1  }
0x4d3: {  	v6 =	vadd.s32 v1, v4;
	_ =	sdelay $0x2  }
0x4d4: {  	v5 =	vmul.f32 $8.000000000e+00, v5;
	_ =	sdelay $0x1  }
0x4d5: {  	[tilespmem:v6+s29+$0x0] =	vst.idx.msk $0xffff, v5  }
0x4d6: {  	v5 =	vld [tilespmem:s13+$0x20];
	_ =	sdelay $0x1  }
0x4d7: {  	v6 =	vadd.s32 v2, v4;
	_ =	sdelay $0x2  }
0x4d8: {  	v5 =	vmul.f32 $8.000000000e+00, v5;
	_ =	sdelay $0x1  }
0x4d9: {  	[tilespmem:v6+s29+$0x0] =	vst.idx.msk $0xffff, v5  }
0x4da: {  	v5 =	vld [tilespmem:s13+$0x30]  }
.Ltmp17:
0x4db: {  	(pc) =	sbr.rel @p0 .LBB2_36-.Ltmp17, $2  }
0x4dc: {  	v4 =	vadd.s32 v3, v4;
	_ =	sdelay $0x2  }
0x4dd: {  	v5 =	vmul.f32 $8.000000000e+00, v5  }
0x4de: {  	_ =	sdelay $0x1  }
0x4df: {  	s14 =	sld [smem:$0x7FA];
	_ =	sdelay $0x1  }
0x4e0: {  	s2 =	simm.s32 $0xE400;
	[tilespmem:v4+s29+$0x0] =	vst.idx.msk $0xffff, v5  }
0x4e1: {  	[hbm4b:s14+s3] =	stream.linear.scatter [tilespmem:s2], [sflag:$0x5], $0x80, $0x38;
	[tilespmem:$0x16C00] =	vst v63  }
0x4e2: {  	s16 =	simm.s32 $0xE488;
	s13 =	sadd.s32 $0x10, s14  }
0x4e3: {  	[hbm4b:s13+s3] =	stream.linear.scatter [tilespmem:s16], [sflag:$0x5], $0x80, $0x38;
	[tilespmem:$0x16C00] =	vst v63  }
0x4e4: {  	s19 =	simm.s32 $0xE510;
	s21 =	simm.s32 $0xE598;
	s20 =	sadd.s32 $0x20, s14  }
0x4e5: {  	[hbm4b:s20+s3] =	stream.linear.scatter [tilespmem:s19], [sflag:$0x5], $0x80, $0x38;
	[tilespmem:$0x16C00] =	vst v63  }
0x4e6: {  	s15 =	simm.s32 $0xE620;
	s24 =	sadd.s32 $0x30, s14;
	s2 =	simm.s32 $0xE7B8  }
0x4e7: {  	[hbm4b:s24+s3] =	stream.linear.scatter [tilespmem:s21], [sflag:$0x5], $0x80, $0x38;
	[tilespmem:$0x16C00] =	vst v63  }
0x4e8: {  	s16 =	sadd.s32 $0x40, s14;
	s13 =	simm.s32 $0x440;
	s19 =	simm.s32 $0xE6A8  }
0x4e9: {  	[hbm4b:s16+s3] =	stream.linear.scatter [tilespmem:s15], [sflag:$0x5], $0x80, $0x38;
	[tilespmem:$0x16C00] =	vst v63  }
0x4ea: {  	s20 =	sadd.s32 $0x50, s14;
	s21 =	simm.s32 $0xE730;
	s24 =	sadd.s32 $0x60, s14  }
0x4eb: {  	[hbm4b:s20+s3] =	stream.linear.scatter [tilespmem:s19], [sflag:$0x5], $0x80, $0x38;
	[tilespmem:$0x16C00] =	vst v63  }
0x4ec: {  	s15 =	simm.s32 $0x2200;
	s16 =	sadd.s32 $0x70, s14;
	s14 =	sadd.s32 $0x1000, s14  }
0x4ed: {  	[hbm4b:s24+s3] =	stream.linear.scatter [tilespmem:s21], [sflag:$0x5], $0x80, $0x38;
	[tilespmem:$0x16C00] =	vst v63  }
.LBB2_38:
0x4ee: {  	[hbm4b:s16+s3] =	stream.linear.scatter [tilespmem:s2], [sflag:$0x5], $0x80, $0x38;
	[tilespmem:$0x16C00] =	vst v63  }
0x4ef: {  	s2 =	smov.u32 s13;
	s13 =	smov.u32 s15  }
0x4f0: {  	s19 =	sadd.s32 $0x1100, s15;
	s13 =	sshra.s32 s13, $0x2;
	s16 =	sadd.s32 $0xE400, s2  }
0x4f1: {  	[hbm4b:s14+s3] =	stream.linear.scatter [tilespmem:s16], [sflag:$0x5], $0x80, $0x38;
	[tilespmem:$0x16C00] =	vst v63  }
0x4f2: {  	p0 =	sne.s32 s15, $0x7700;
	s15 =	sadd.s32 $0xE488, s2;
	s16 =	sadd.s32 $0x10, s14  }
0x4f3: {  	[hbm4b:s16+s3] =	stream.linear.scatter [tilespmem:s15], [sflag:$0x5], $0x80, $0x38;
	[tilespmem:$0x16C00] =	vst v63  }
0x4f4: {  	s15 =	sadd.s32 $0xE510, s2;
	s16 =	sadd.s32 $0x20, s14  }
0x4f5: {  	[hbm4b:s16+s3] =	stream.linear.scatter [tilespmem:s15], [sflag:$0x5], $0x80, $0x38;
	[tilespmem:$0x16C00] =	vst v63  }
0x4f6: {  	s15 =	sadd.s32 $0xE598, s2;
	s16 =	sadd.s32 $0x30, s14  }
0x4f7: {  	[hbm4b:s16+s3] =	stream.linear.scatter [tilespmem:s15], [sflag:$0x5], $0x80, $0x38;
	[tilespmem:$0x16C00] =	vst v63  }
0x4f8: {  	s15 =	sadd.s32 $0xE620, s2;
	s16 =	sadd.s32 $0x40, s14  }
0x4f9: {  	[hbm4b:s16+s3] =	stream.linear.scatter [tilespmem:s15], [sflag:$0x5], $0x80, $0x38;
	[tilespmem:$0x16C00] =	vst v63  }
.Ltmp18:
0x4fa: {  	s15 =	sadd.s32 $0xE6A8, s2;
	s16 =	sadd.s32 $0x50, s14;
	(pc) =	sbr.rel @p0 .LBB2_38-.Ltmp18, $4  }
0x4fb: {  	[hbm4b:s16+s3] =	stream.linear.scatter [tilespmem:s15], [sflag:$0x5], $0x80, $0x38;
	[tilespmem:$0x16C00] =	vst v63  }
0x4fc: {  	s15 =	sadd.s32 $0xE730, s2;
	s16 =	sadd.s32 $0x60, s14;
	s2 =	sadd.s32 $0xE7B8, s2  }
0x4fd: {  	[hbm4b:s16+s3] =	stream.linear.scatter [tilespmem:s15], [sflag:$0x5], $0x80, $0x38;
	[tilespmem:$0x16C00] =	vst v63  }
0x4fe: {  	s16 =	sadd.s32 $0x70, s14;
	s14 =	sadd.s32 $0x1000, s14;
	s15 =	smov.u32 s19  }
0x4ff: {  	[hbm4b:s16+s3] =	stream.linear.scatter [tilespmem:s2], [sflag:$0x5], $0x80, $0x38;
	[tilespmem:$0x16C00] =	vst v63  }
0x500: {  	s19 =	sadd.s32 $0xE400, s13  }
0x501: {  	[hbm4b:s14+s3] =	stream.linear.scatter [tilespmem:s19], [sflag:$0x5], $0x80, $0x38;
	[tilespmem:$0x16C00] =	vst v63  }
0x502: {  	s20 =	sadd.s32 $0xE488, s13;
	s15 =	sadd.s32 $0x10, s14  }
0x503: {  	[hbm4b:s15+s3] =	stream.linear.scatter [tilespmem:s20], [sflag:$0x5], $0x80, $0x38;
	[tilespmem:$0x16C00] =	vst v63  }
0x504: {  	s21 =	sadd.s32 $0xE510, s13;
	s24 =	sadd.s32 $0x20, s14  }
0x505: {  	[hbm4b:s24+s3] =	stream.linear.scatter [tilespmem:s21], [sflag:$0x5], $0x80, $0x38;
	[tilespmem:$0x16C00] =	vst v63  }
0x506: {  	s16 =	sadd.s32 $0x30, s14;
	s15 =	sadd.s32 $0xE598, s13  }
0x507: {  	[hbm4b:s16+s3] =	stream.linear.scatter [tilespmem:s15], [sflag:$0x5], $0x80, $0x38;
	[tilespmem:$0x16C00] =	vst v63  }
0x508: {  	s19 =	sadd.s32 $0xE620, s13;
	s20 =	sadd.s32 $0x40, s14  }
0x509: {  	[hbm4b:s20+s3] =	stream.linear.scatter [tilespmem:s19], [sflag:$0x5], $0x80, $0x38;
	[tilespmem:$0x16C00] =	vst v63  }
0x50a: {  	s21 =	sadd.s32 $0xE6A8, s13;
	s24 =	sadd.s32 $0x50, s14  }
0x50b: {  	[hbm4b:s24+s3] =	stream.linear.scatter [tilespmem:s21], [sflag:$0x5], $0x80, $0x38;
	[tilespmem:$0x16C00] =	vst v63  }
0x50c: {  	s15 =	sadd.s32 $0xE730, s13;
	s16 =	sadd.s32 $0x60, s14  }
0x50d: {  	[hbm4b:s16+s3] =	stream.linear.scatter [tilespmem:s15], [sflag:$0x5], $0x80, $0x38;
	[tilespmem:$0x16C00] =	vst v63  }
0x50e: {  	s19 =	sadd.s32 $0xE7B8, s13;
	s20 =	sadd.s32 $0x70, s14  }
0x50f: {  	[hbm4b:s20+s3] =	stream.linear.scatter [tilespmem:s19], [sflag:$0x5], $0x80, $0x38;
	[tilespmem:$0x16C00] =	vst v63  }
0x510: {  	_ =	swait.ge [sflag:s30], $0x2000  }
0x511: {  	[sflag:s30] =	ssyncset.done $0x0  }
0x512: {  	[sflag:s30] =	ssyncadd.s32 $0xFFFFE000  }
0x513: {  	_ =	swait.ge [sflag:s5], $0x2000  }
0x514: {  	[sflag:s5] =	ssyncset.done $0x0  }
0x515: {  	s13 =	simm.s32 $0x8440;
	s21 =	simm.s32 $0x0;
	[sflag:s5] =	ssyncadd.s32 $0xFFFFE000  }
0x516: {  	v4 =	vmov s21;
	v5 =	vld [tilespmem:s13+$0xFFFFFFC0]  }
0x517: {  	v4 =	vand.u32 $0x7E, v4  }
0x518: {  	v6 =	vadd.s32 v0, v4;
	_ =	sdelay $0x2  }
0x519: {  	v5 =	vmul.f32 $8.000000000e+00, v5;
	_ =	sdelay $0x1  }
0x51a: {  	[tilespmem:v6+s31+$0x0] =	vst.idx.msk $0xffff, v5  }
0x51b: {  	v5 =	vld [tilespmem:s13+$0xFFFFFFD0];
	_ =	sdelay $0x1  }
0x51c: {  	v6 =	vadd.s32 v1, v4;
	_ =	sdelay $0x2  }
0x51d: {  	v5 =	vmul.f32 $8.000000000e+00, v5;
	_ =	sdelay $0x1  }
0x51e: {  	[tilespmem:v6+s31+$0x0] =	vst.idx.msk $0xffff, v5  }
0x51f: {  	v5 =	vld [tilespmem:s13+$0xFFFFFFE0];
	_ =	sdelay $0x1  }
0x520: {  	v6 =	vadd.s32 v2, v4;
	_ =	sdelay $0x2  }
0x521: {  	v5 =	vmul.f32 $8.000000000e+00, v5;
	_ =	sdelay $0x1  }
0x522: {  	[tilespmem:v6+s31+$0x0] =	vst.idx.msk $0xffff, v5  }
0x523: {  	v5 =	vld [tilespmem:s13+$0xFFFFFFF0];
	_ =	sdelay $0x1  }
0x524: {  	v4 =	vadd.s32 v3, v4;
	_ =	sdelay $0x2  }
0x525: {  	v5 =	vmul.f32 $8.000000000e+00, v5;
	_ =	sdelay $0x1  }
0x526: {  	s24 =	simm.s32 $0x1;
	[tilespmem:v4+s31+$0x0] =	vst.idx.msk $0xffff, v5  }
0x527: {  	v4 =	vmov s24;
	v5 =	vld [tilespmem:s13+$0x0]  }
0x528: {  	v4 =	vand.u32 $0x7F, v4  }
0x529: {  	v6 =	vadd.s32 v0, v4;
	_ =	sdelay $0x2  }
0x52a: {  	v5 =	vmul.f32 $8.000000000e+00, v5;
	_ =	sdelay $0x1  }
0x52b: {  	[tilespmem:v6+s31+$0x0] =	vst.idx.msk $0xffff, v5  }
0x52c: {  	v5 =	vld [tilespmem:s13+$0x10];
	_ =	sdelay $0x1  }
0x52d: {  	v6 =	vadd.s32 v1, v4;
	_ =	sdelay $0x2  }
0x52e: {  	v5 =	vmul.f32 $8.000000000e+00, v5;
	_ =	sdelay $0x1  }
0x52f: {  	[tilespmem:v6+s31+$0x0] =	vst.idx.msk $0xffff, v5  }
0x530: {  	v5 =	vld [tilespmem:s13+$0x20];
	_ =	sdelay $0x1  }
0x531: {  	v6 =	vadd.s32 v2, v4;
	_ =	sdelay $0x2  }
0x532: {  	v5 =	vmul.f32 $8.000000000e+00, v5;
	_ =	sdelay $0x1  }
0x533: {  	[tilespmem:v6+s31+$0x0] =	vst.idx.msk $0xffff, v5  }
0x534: {  	v5 =	vld [tilespmem:s13+$0x30];
	_ =	sdelay $0x1  }
0x535: {  	v4 =	vadd.s32 v3, v4;
	_ =	sdelay $0x2  }
0x536: {  	s14 =	simm.s32 $0x2;
	v5 =	vmul.f32 $8.000000000e+00, v5  }
.LBB2_40:
0x537: {  	p0 =	sne.s32 s14, $0x7E  }
0x538: {  	s13 =	sadd.s32 $0x80, s13;
	s2 =	smov.u32 s14;
	s14 =	sadd.s32 $0x2, s14;
	[tilespmem:v4+s31+$0x0] =	vst.idx.msk $0xffff, v5  }
0x539: {  	v4 =	vmov s2;
	v5 =	vld [tilespmem:s13+$0xFFFFFFC0]  }
0x53a: {  	v4 =	vand.u32 $0x7E, v4  }
0x53b: {  	v6 =	vadd.s32 v0, v4;
	_ =	sdelay $0x2  }
0x53c: {  	v5 =	vmul.f32 $8.000000000e+00, v5;
	_ =	sdelay $0x1  }
0x53d: {  	[tilespmem:v6+s31+$0x0] =	vst.idx.msk $0xffff, v5  }
0x53e: {  	v5 =	vld [tilespmem:s13+$0xFFFFFFD0];
	_ =	sdelay $0x1  }
0x53f: {  	v6 =	vadd.s32 v1, v4;
	_ =	sdelay $0x2  }
0x540: {  	v5 =	vmul.f32 $8.000000000e+00, v5;
	_ =	sdelay $0x1  }
0x541: {  	[tilespmem:v6+s31+$0x0] =	vst.idx.msk $0xffff, v5  }
0x542: {  	v5 =	vld [tilespmem:s13+$0xFFFFFFE0];
	_ =	sdelay $0x1  }
0x543: {  	v6 =	vadd.s32 v2, v4;
	_ =	sdelay $0x2  }
0x544: {  	v5 =	vmul.f32 $8.000000000e+00, v5;
	_ =	sdelay $0x1  }
0x545: {  	[tilespmem:v6+s31+$0x0] =	vst.idx.msk $0xffff, v5  }
0x546: {  	v5 =	vld [tilespmem:s13+$0xFFFFFFF0];
	_ =	sdelay $0x1  }
0x547: {  	v4 =	vadd.s32 v3, v4;
	_ =	sdelay $0x2  }
0x548: {  	v5 =	vmul.f32 $8.000000000e+00, v5;
	_ =	sdelay $0x1  }
0x549: {  	s2 =	sadd.s32 $0x1, s2;
	[tilespmem:v4+s31+$0x0] =	vst.idx.msk $0xffff, v5  }
0x54a: {  	v4 =	vmov s2;
	v5 =	vld [tilespmem:s13+$0x0]  }
0x54b: {  	v4 =	vand.u32 $0x7F, v4  }
0x54c: {  	v6 =	vadd.s32 v0, v4;
	_ =	sdelay $0x2  }
0x54d: {  	v5 =	vmul.f32 $8.000000000e+00, v5;
	_ =	sdelay $0x1  }
0x54e: {  	[tilespmem:v6+s31+$0x0] =	vst.idx.msk $0xffff, v5  }
0x54f: {  	v5 =	vld [tilespmem:s13+$0x10];
	_ =	sdelay $0x1  }
0x550: {  	v6 =	vadd.s32 v1, v4;
	_ =	sdelay $0x2  }
0x551: {  	v5 =	vmul.f32 $8.000000000e+00, v5;
	_ =	sdelay $0x1  }
0x552: {  	[tilespmem:v6+s31+$0x0] =	vst.idx.msk $0xffff, v5  }
0x553: {  	v5 =	vld [tilespmem:s13+$0x20];
	_ =	sdelay $0x1  }
0x554: {  	v6 =	vadd.s32 v2, v4;
	_ =	sdelay $0x2  }
0x555: {  	v5 =	vmul.f32 $8.000000000e+00, v5;
	_ =	sdelay $0x1  }
0x556: {  	[tilespmem:v6+s31+$0x0] =	vst.idx.msk $0xffff, v5  }
0x557: {  	v5 =	vld [tilespmem:s13+$0x30]  }
.Ltmp19:
0x558: {  	(pc) =	sbr.rel @p0 .LBB2_40-.Ltmp19, $2  }
0x559: {  	v4 =	vadd.s32 v3, v4;
	_ =	sdelay $0x2  }
0x55a: {  	v5 =	vmul.f32 $8.000000000e+00, v5  }
0x55b: {  	_ =	sdelay $0x1  }
0x55c: {  	s14 =	sld [smem:$0x7FB];
	_ =	sdelay $0x1  }
0x55d: {  	s2 =	simm.s32 $0x10600;
	[tilespmem:v4+s31+$0x0] =	vst.idx.msk $0xffff, v5  }
0x55e: {  	[hbm4b:s14+s3] =	stream.linear.scatter [tilespmem:s2], [sflag:$0x6], $0x80, $0x38;
	[tilespmem:$0x16C00] =	vst v63  }
0x55f: {  	s16 =	simm.s32 $0x10688;
	s13 =	sadd.s32 $0x10, s14  }
0x560: {  	[hbm4b:s13+s3] =	stream.linear.scatter [tilespmem:s16], [sflag:$0x6], $0x80, $0x38;
	[tilespmem:$0x16C00] =	vst v63  }
0x561: {  	s19 =	simm.s32 $0x10710;
	s21 =	simm.s32 $0x10798;
	s20 =	sadd.s32 $0x20, s14  }
0x562: {  	[hbm4b:s20+s3] =	stream.linear.scatter [tilespmem:s19], [sflag:$0x6], $0x80, $0x38;
	[tilespmem:$0x16C00] =	vst v63  }
0x563: {  	s15 =	simm.s32 $0x10820;
	s24 =	sadd.s32 $0x30, s14;
	s2 =	simm.s32 $0x109B8  }
0x564: {  	[hbm4b:s24+s3] =	stream.linear.scatter [tilespmem:s21], [sflag:$0x6], $0x80, $0x38;
	[tilespmem:$0x16C00] =	vst v63  }
0x565: {  	s16 =	sadd.s32 $0x40, s14;
	s13 =	simm.s32 $0x440;
	s19 =	simm.s32 $0x108A8  }
0x566: {  	[hbm4b:s16+s3] =	stream.linear.scatter [tilespmem:s15], [sflag:$0x6], $0x80, $0x38;
	[tilespmem:$0x16C00] =	vst v63  }
0x567: {  	s20 =	sadd.s32 $0x50, s14;
	s21 =	simm.s32 $0x10930;
	s24 =	sadd.s32 $0x60, s14  }
0x568: {  	[hbm4b:s20+s3] =	stream.linear.scatter [tilespmem:s19], [sflag:$0x6], $0x80, $0x38;
	[tilespmem:$0x16C00] =	vst v63  }
0x569: {  	s15 =	simm.s32 $0x2200;
	s16 =	sadd.s32 $0x70, s14;
	s14 =	sadd.s32 $0x1000, s14  }
0x56a: {  	[hbm4b:s24+s3] =	stream.linear.scatter [tilespmem:s21], [sflag:$0x6], $0x80, $0x38;
	[tilespmem:$0x16C00] =	vst v63  }
.LBB2_42:
0x56b: {  	[hbm4b:s16+s3] =	stream.linear.scatter [tilespmem:s2], [sflag:$0x6], $0x80, $0x38;
	[tilespmem:$0x16C00] =	vst v63  }
0x56c: {  	s2 =	smov.u32 s13;
	s13 =	smov.u32 s15  }
0x56d: {  	s19 =	sadd.s32 $0x1100, s15;
	s13 =	sshra.s32 s13, $0x2;
	s16 =	sadd.s32 $0x10600, s2  }
0x56e: {  	[hbm4b:s14+s3] =	stream.linear.scatter [tilespmem:s16], [sflag:$0x6], $0x80, $0x38;
	[tilespmem:$0x16C00] =	vst v63  }
0x56f: {  	p0 =	sne.s32 s15, $0x7700;
	s15 =	sadd.s32 $0x10688, s2;
	s16 =	sadd.s32 $0x10, s14  }
0x570: {  	[hbm4b:s16+s3] =	stream.linear.scatter [tilespmem:s15], [sflag:$0x6], $0x80, $0x38;
	[tilespmem:$0x16C00] =	vst v63  }
0x571: {  	s15 =	sadd.s32 $0x10710, s2;
	s16 =	sadd.s32 $0x20, s14  }
0x572: {  	[hbm4b:s16+s3] =	stream.linear.scatter [tilespmem:s15], [sflag:$0x6], $0x80, $0x38;
	[tilespmem:$0x16C00] =	vst v63  }
0x573: {  	s15 =	sadd.s32 $0x10798, s2;
	s16 =	sadd.s32 $0x30, s14  }
0x574: {  	[hbm4b:s16+s3] =	stream.linear.scatter [tilespmem:s15], [sflag:$0x6], $0x80, $0x38;
	[tilespmem:$0x16C00] =	vst v63  }
0x575: {  	s15 =	sadd.s32 $0x10820, s2;
	s16 =	sadd.s32 $0x40, s14  }
0x576: {  	[hbm4b:s16+s3] =	stream.linear.scatter [tilespmem:s15], [sflag:$0x6], $0x80, $0x38;
	[tilespmem:$0x16C00] =	vst v63  }
.Ltmp20:
0x577: {  	s15 =	sadd.s32 $0x108A8, s2;
	s16 =	sadd.s32 $0x50, s14;
	(pc) =	sbr.rel @p0 .LBB2_42-.Ltmp20, $4  }
0x578: {  	[hbm4b:s16+s3] =	stream.linear.scatter [tilespmem:s15], [sflag:$0x6], $0x80, $0x38;
	[tilespmem:$0x16C00] =	vst v63  }
0x579: {  	s15 =	sadd.s32 $0x10930, s2;
	s16 =	sadd.s32 $0x60, s14;
	s2 =	sadd.s32 $0x109B8, s2  }
0x57a: {  	[hbm4b:s16+s3] =	stream.linear.scatter [tilespmem:s15], [sflag:$0x6], $0x80, $0x38;
	[tilespmem:$0x16C00] =	vst v63  }
0x57b: {  	s16 =	sadd.s32 $0x70, s14;
	s14 =	sadd.s32 $0x1000, s14;
	s15 =	smov.u32 s19  }
0x57c: {  	[hbm4b:s16+s3] =	stream.linear.scatter [tilespmem:s2], [sflag:$0x6], $0x80, $0x38;
	[tilespmem:$0x16C00] =	vst v63  }
0x57d: {  	s19 =	sadd.s32 $0x10600, s13  }
0x57e: {  	[hbm4b:s14+s3] =	stream.linear.scatter [tilespmem:s19], [sflag:$0x6], $0x80, $0x38;
	[tilespmem:$0x16C00] =	vst v63  }
0x57f: {  	s20 =	sadd.s32 $0x10688, s13;
	s15 =	sadd.s32 $0x10, s14  }
0x580: {  	[hbm4b:s15+s3] =	stream.linear.scatter [tilespmem:s20], [sflag:$0x6], $0x80, $0x38;
	[tilespmem:$0x16C00] =	vst v63  }
0x581: {  	s21 =	sadd.s32 $0x10710, s13;
	s24 =	sadd.s32 $0x20, s14  }
0x582: {  	[hbm4b:s24+s3] =	stream.linear.scatter [tilespmem:s21], [sflag:$0x6], $0x80, $0x38;
	[tilespmem:$0x16C00] =	vst v63  }
0x583: {  	s16 =	sadd.s32 $0x30, s14;
	s15 =	sadd.s32 $0x10798, s13  }
0x584: {  	[hbm4b:s16+s3] =	stream.linear.scatter [tilespmem:s15], [sflag:$0x6], $0x80, $0x38;
	[tilespmem:$0x16C00] =	vst v63  }
0x585: {  	s19 =	sadd.s32 $0x10820, s13;
	s20 =	sadd.s32 $0x40, s14  }
0x586: {  	[hbm4b:s20+s3] =	stream.linear.scatter [tilespmem:s19], [sflag:$0x6], $0x80, $0x38;
	[tilespmem:$0x16C00] =	vst v63  }
0x587: {  	s21 =	sadd.s32 $0x108A8, s13;
	s24 =	sadd.s32 $0x50, s14  }
0x588: {  	[hbm4b:s24+s3] =	stream.linear.scatter [tilespmem:s21], [sflag:$0x6], $0x80, $0x38;
	[tilespmem:$0x16C00] =	vst v63  }
0x589: {  	s15 =	sadd.s32 $0x10930, s13;
	s16 =	sadd.s32 $0x60, s14  }
0x58a: {  	[hbm4b:s16+s3] =	stream.linear.scatter [tilespmem:s15], [sflag:$0x6], $0x80, $0x38;
	[tilespmem:$0x16C00] =	vst v63  }
0x58b: {  	s19 =	sadd.s32 $0x109B8, s13;
	s20 =	sadd.s32 $0x70, s14  }
0x58c: {  	[hbm4b:s20+s3] =	stream.linear.scatter [tilespmem:s19], [sflag:$0x6], $0x80, $0x38;
	[tilespmem:$0x16C00] =	vst v63  }
0x58d: {  	_ =	swait.ge [sflag:s1], $0x2000  }
0x58e: {  	[sflag:s1] =	ssyncset.done $0x0  }
0x58f: {  	[sflag:s1] =	ssyncadd.s32 $0xFFFFE000  }
0x590: {  	_ =	swait.ge [sflag:s22], $0x2000  }
0x591: {  	[sflag:s22] =	ssyncset.done $0x0  }
0x592: {  	s13 =	simm.s32 $0xA440;
	s21 =	simm.s32 $0x0;
	[sflag:s22] =	ssyncadd.s32 $0xFFFFE000  }
0x593: {  	v4 =	vmov s21;
	v5 =	vld [tilespmem:s13+$0xFFFFFFC0]  }
0x594: {  	v4 =	vand.u32 $0x7E, v4  }
0x595: {  	v6 =	vadd.s32 v0, v4;
	_ =	sdelay $0x2  }
0x596: {  	v5 =	vmul.f32 $8.000000000e+00, v5;
	_ =	sdelay $0x1  }
0x597: {  	[tilespmem:v6+s0+$0x0] =	vst.idx.msk $0xffff, v5  }
0x598: {  	v5 =	vld [tilespmem:s13+$0xFFFFFFD0];
	_ =	sdelay $0x1  }
0x599: {  	v6 =	vadd.s32 v1, v4;
	_ =	sdelay $0x2  }
0x59a: {  	v5 =	vmul.f32 $8.000000000e+00, v5;
	_ =	sdelay $0x1  }
0x59b: {  	[tilespmem:v6+s0+$0x0] =	vst.idx.msk $0xffff, v5  }
0x59c: {  	v5 =	vld [tilespmem:s13+$0xFFFFFFE0];
	_ =	sdelay $0x1  }
0x59d: {  	v6 =	vadd.s32 v2, v4;
	_ =	sdelay $0x2  }
0x59e: {  	v5 =	vmul.f32 $8.000000000e+00, v5;
	_ =	sdelay $0x1  }
0x59f: {  	[tilespmem:v6+s0+$0x0] =	vst.idx.msk $0xffff, v5  }
0x5a0: {  	v5 =	vld [tilespmem:s13+$0xFFFFFFF0];
	_ =	sdelay $0x1  }
0x5a1: {  	v4 =	vadd.s32 v3, v4;
	_ =	sdelay $0x2  }
0x5a2: {  	v5 =	vmul.f32 $8.000000000e+00, v5;
	_ =	sdelay $0x1  }
0x5a3: {  	s24 =	simm.s32 $0x1;
	[tilespmem:v4+s0+$0x0] =	vst.idx.msk $0xffff, v5  }
0x5a4: {  	v4 =	vmov s24;
	v5 =	vld [tilespmem:s13+$0x0]  }
0x5a5: {  	v4 =	vand.u32 $0x7F, v4  }
0x5a6: {  	v6 =	vadd.s32 v0, v4;
	_ =	sdelay $0x2  }
0x5a7: {  	v5 =	vmul.f32 $8.000000000e+00, v5;
	_ =	sdelay $0x1  }
0x5a8: {  	[tilespmem:v6+s0+$0x0] =	vst.idx.msk $0xffff, v5  }
0x5a9: {  	v5 =	vld [tilespmem:s13+$0x10];
	_ =	sdelay $0x1  }
0x5aa: {  	v6 =	vadd.s32 v1, v4;
	_ =	sdelay $0x2  }
0x5ab: {  	v5 =	vmul.f32 $8.000000000e+00, v5;
	_ =	sdelay $0x1  }
0x5ac: {  	[tilespmem:v6+s0+$0x0] =	vst.idx.msk $0xffff, v5  }
0x5ad: {  	v5 =	vld [tilespmem:s13+$0x20];
	_ =	sdelay $0x1  }
0x5ae: {  	v6 =	vadd.s32 v2, v4;
	_ =	sdelay $0x2  }
0x5af: {  	v5 =	vmul.f32 $8.000000000e+00, v5;
	_ =	sdelay $0x1  }
0x5b0: {  	[tilespmem:v6+s0+$0x0] =	vst.idx.msk $0xffff, v5  }
0x5b1: {  	v5 =	vld [tilespmem:s13+$0x30];
	_ =	sdelay $0x1  }
0x5b2: {  	v4 =	vadd.s32 v3, v4;
	_ =	sdelay $0x2  }
0x5b3: {  	s14 =	simm.s32 $0x2;
	v5 =	vmul.f32 $8.000000000e+00, v5  }
.LBB2_44:
0x5b4: {  	p0 =	sne.s32 s14, $0x7E  }
0x5b5: {  	s13 =	sadd.s32 $0x80, s13;
	s2 =	smov.u32 s14;
	s14 =	sadd.s32 $0x2, s14;
	[tilespmem:v4+s0+$0x0] =	vst.idx.msk $0xffff, v5  }
0x5b6: {  	v4 =	vmov s2;
	v5 =	vld [tilespmem:s13+$0xFFFFFFC0]  }
0x5b7: {  	v4 =	vand.u32 $0x7E, v4  }
0x5b8: {  	v6 =	vadd.s32 v0, v4;
	_ =	sdelay $0x2  }
0x5b9: {  	v5 =	vmul.f32 $8.000000000e+00, v5;
	_ =	sdelay $0x1  }
0x5ba: {  	[tilespmem:v6+s0+$0x0] =	vst.idx.msk $0xffff, v5  }
0x5bb: {  	v5 =	vld [tilespmem:s13+$0xFFFFFFD0];
	_ =	sdelay $0x1  }
0x5bc: {  	v6 =	vadd.s32 v1, v4;
	_ =	sdelay $0x2  }
0x5bd: {  	v5 =	vmul.f32 $8.000000000e+00, v5;
	_ =	sdelay $0x1  }
0x5be: {  	[tilespmem:v6+s0+$0x0] =	vst.idx.msk $0xffff, v5  }
0x5bf: {  	v5 =	vld [tilespmem:s13+$0xFFFFFFE0];
	_ =	sdelay $0x1  }
0x5c0: {  	v6 =	vadd.s32 v2, v4;
	_ =	sdelay $0x2  }
0x5c1: {  	v5 =	vmul.f32 $8.000000000e+00, v5;
	_ =	sdelay $0x1  }
0x5c2: {  	[tilespmem:v6+s0+$0x0] =	vst.idx.msk $0xffff, v5  }
0x5c3: {  	v5 =	vld [tilespmem:s13+$0xFFFFFFF0];
	_ =	sdelay $0x1  }
0x5c4: {  	v4 =	vadd.s32 v3, v4;
	_ =	sdelay $0x2  }
0x5c5: {  	v5 =	vmul.f32 $8.000000000e+00, v5;
	_ =	sdelay $0x1  }
0x5c6: {  	s2 =	sadd.s32 $0x1, s2;
	[tilespmem:v4+s0+$0x0] =	vst.idx.msk $0xffff, v5  }
0x5c7: {  	v4 =	vmov s2;
	v5 =	vld [tilespmem:s13+$0x0]  }
0x5c8: {  	v4 =	vand.u32 $0x7F, v4  }
0x5c9: {  	v6 =	vadd.s32 v0, v4;
	_ =	sdelay $0x2  }
0x5ca: {  	v5 =	vmul.f32 $8.000000000e+00, v5;
	_ =	sdelay $0x1  }
0x5cb: {  	[tilespmem:v6+s0+$0x0] =	vst.idx.msk $0xffff, v5  }
0x5cc: {  	v5 =	vld [tilespmem:s13+$0x10];
	_ =	sdelay $0x1  }
0x5cd: {  	v6 =	vadd.s32 v1, v4;
	_ =	sdelay $0x2  }
0x5ce: {  	v5 =	vmul.f32 $8.000000000e+00, v5;
	_ =	sdelay $0x1  }
0x5cf: {  	[tilespmem:v6+s0+$0x0] =	vst.idx.msk $0xffff, v5  }
0x5d0: {  	v5 =	vld [tilespmem:s13+$0x20];
	_ =	sdelay $0x1  }
0x5d1: {  	v6 =	vadd.s32 v2, v4;
	_ =	sdelay $0x2  }
0x5d2: {  	v5 =	vmul.f32 $8.000000000e+00, v5;
	_ =	sdelay $0x1  }
0x5d3: {  	[tilespmem:v6+s0+$0x0] =	vst.idx.msk $0xffff, v5  }
0x5d4: {  	v5 =	vld [tilespmem:s13+$0x30]  }
.Ltmp21:
0x5d5: {  	(pc) =	sbr.rel @p0 .LBB2_44-.Ltmp21, $2  }
0x5d6: {  	v4 =	vadd.s32 v3, v4;
	_ =	sdelay $0x2  }
0x5d7: {  	v5 =	vmul.f32 $8.000000000e+00, v5  }
0x5d8: {  	_ =	sdelay $0x1  }
0x5d9: {  	s14 =	sld [smem:$0x7FC];
	_ =	sdelay $0x1  }
0x5da: {  	s2 =	simm.s32 $0x12800;
	[tilespmem:v4+s0+$0x0] =	vst.idx.msk $0xffff, v5  }
0x5db: {  	[hbm4b:s14+s3] =	stream.linear.scatter [tilespmem:s2], [sflag:$0x7], $0x80, $0x38;
	[tilespmem:$0x16C00] =	vst v63  }
0x5dc: {  	s16 =	simm.s32 $0x12888;
	s13 =	sadd.s32 $0x10, s14  }
0x5dd: {  	[hbm4b:s13+s3] =	stream.linear.scatter [tilespmem:s16], [sflag:$0x7], $0x80, $0x38;
	[tilespmem:$0x16C00] =	vst v63  }
0x5de: {  	s19 =	simm.s32 $0x12910;
	s21 =	simm.s32 $0x12998;
	s20 =	sadd.s32 $0x20, s14  }
0x5df: {  	[hbm4b:s20+s3] =	stream.linear.scatter [tilespmem:s19], [sflag:$0x7], $0x80, $0x38;
	[tilespmem:$0x16C00] =	vst v63  }
0x5e0: {  	s15 =	simm.s32 $0x12A20;
	s24 =	sadd.s32 $0x30, s14;
	s2 =	simm.s32 $0x12BB8  }
0x5e1: {  	[hbm4b:s24+s3] =	stream.linear.scatter [tilespmem:s21], [sflag:$0x7], $0x80, $0x38;
	[tilespmem:$0x16C00] =	vst v63  }
0x5e2: {  	s16 =	sadd.s32 $0x40, s14;
	s13 =	simm.s32 $0x440;
	s19 =	simm.s32 $0x12AA8  }
0x5e3: {  	[hbm4b:s16+s3] =	stream.linear.scatter [tilespmem:s15], [sflag:$0x7], $0x80, $0x38;
	[tilespmem:$0x16C00] =	vst v63  }
0x5e4: {  	s20 =	sadd.s32 $0x50, s14;
	s21 =	simm.s32 $0x12B30;
	s24 =	sadd.s32 $0x60, s14  }
0x5e5: {  	[hbm4b:s20+s3] =	stream.linear.scatter [tilespmem:s19], [sflag:$0x7], $0x80, $0x38;
	[tilespmem:$0x16C00] =	vst v63  }
0x5e6: {  	s15 =	simm.s32 $0x2200;
	s16 =	sadd.s32 $0x70, s14;
	s14 =	sadd.s32 $0x1000, s14  }
0x5e7: {  	[hbm4b:s24+s3] =	stream.linear.scatter [tilespmem:s21], [sflag:$0x7], $0x80, $0x38;
	[tilespmem:$0x16C00] =	vst v63  }
.LBB2_46:
0x5e8: {  	[hbm4b:s16+s3] =	stream.linear.scatter [tilespmem:s2], [sflag:$0x7], $0x80, $0x38;
	[tilespmem:$0x16C00] =	vst v63  }
0x5e9: {  	s2 =	smov.u32 s13;
	s13 =	smov.u32 s15  }
0x5ea: {  	s19 =	sadd.s32 $0x1100, s15;
	s13 =	sshra.s32 s13, $0x2;
	s16 =	sadd.s32 $0x12800, s2  }
0x5eb: {  	[hbm4b:s14+s3] =	stream.linear.scatter [tilespmem:s16], [sflag:$0x7], $0x80, $0x38;
	[tilespmem:$0x16C00] =	vst v63  }
0x5ec: {  	p0 =	sne.s32 s15, $0x7700;
	s15 =	sadd.s32 $0x12888, s2;
	s16 =	sadd.s32 $0x10, s14  }
0x5ed: {  	[hbm4b:s16+s3] =	stream.linear.scatter [tilespmem:s15], [sflag:$0x7], $0x80, $0x38;
	[tilespmem:$0x16C00] =	vst v63  }
0x5ee: {  	s15 =	sadd.s32 $0x12910, s2;
	s16 =	sadd.s32 $0x20, s14  }
0x5ef: {  	[hbm4b:s16+s3] =	stream.linear.scatter [tilespmem:s15], [sflag:$0x7], $0x80, $0x38;
	[tilespmem:$0x16C00] =	vst v63  }
0x5f0: {  	s15 =	sadd.s32 $0x12998, s2;
	s16 =	sadd.s32 $0x30, s14  }
0x5f1: {  	[hbm4b:s16+s3] =	stream.linear.scatter [tilespmem:s15], [sflag:$0x7], $0x80, $0x38;
	[tilespmem:$0x16C00] =	vst v63  }
0x5f2: {  	s15 =	sadd.s32 $0x12A20, s2;
	s16 =	sadd.s32 $0x40, s14  }
0x5f3: {  	[hbm4b:s16+s3] =	stream.linear.scatter [tilespmem:s15], [sflag:$0x7], $0x80, $0x38;
	[tilespmem:$0x16C00] =	vst v63  }
.Ltmp22:
0x5f4: {  	s15 =	sadd.s32 $0x12AA8, s2;
	s16 =	sadd.s32 $0x50, s14;
	(pc) =	sbr.rel @p0 .LBB2_46-.Ltmp22, $4  }
0x5f5: {  	[hbm4b:s16+s3] =	stream.linear.scatter [tilespmem:s15], [sflag:$0x7], $0x80, $0x38;
	[tilespmem:$0x16C00] =	vst v63  }
0x5f6: {  	s15 =	sadd.s32 $0x12B30, s2;
	s16 =	sadd.s32 $0x60, s14;
	s2 =	sadd.s32 $0x12BB8, s2  }
0x5f7: {  	[hbm4b:s16+s3] =	stream.linear.scatter [tilespmem:s15], [sflag:$0x7], $0x80, $0x38;
	[tilespmem:$0x16C00] =	vst v63  }
0x5f8: {  	s16 =	sadd.s32 $0x70, s14;
	s14 =	sadd.s32 $0x1000, s14;
	s15 =	smov.u32 s19  }
0x5f9: {  	[hbm4b:s16+s3] =	stream.linear.scatter [tilespmem:s2], [sflag:$0x7], $0x80, $0x38;
	[tilespmem:$0x16C00] =	vst v63  }
0x5fa: {  	s19 =	sadd.s32 $0x12800, s13  }
0x5fb: {  	[hbm4b:s14+s3] =	stream.linear.scatter [tilespmem:s19], [sflag:$0x7], $0x80, $0x38;
	[tilespmem:$0x16C00] =	vst v63  }
0x5fc: {  	s20 =	sadd.s32 $0x12888, s13;
	s15 =	sadd.s32 $0x10, s14  }
0x5fd: {  	[hbm4b:s15+s3] =	stream.linear.scatter [tilespmem:s20], [sflag:$0x7], $0x80, $0x38;
	[tilespmem:$0x16C00] =	vst v63  }
0x5fe: {  	s21 =	sadd.s32 $0x12910, s13;
	s24 =	sadd.s32 $0x20, s14  }
0x5ff: {  	[hbm4b:s24+s3] =	stream.linear.scatter [tilespmem:s21], [sflag:$0x7], $0x80, $0x38;
	[tilespmem:$0x16C00] =	vst v63  }
0x600: {  	s16 =	sadd.s32 $0x30, s14;
	s15 =	sadd.s32 $0x12998, s13  }
0x601: {  	[hbm4b:s16+s3] =	stream.linear.scatter [tilespmem:s15], [sflag:$0x7], $0x80, $0x38;
	[tilespmem:$0x16C00] =	vst v63  }
0x602: {  	s19 =	sadd.s32 $0x12A20, s13;
	s20 =	sadd.s32 $0x40, s14  }
0x603: {  	[hbm4b:s20+s3] =	stream.linear.scatter [tilespmem:s19], [sflag:$0x7], $0x80, $0x38;
	[tilespmem:$0x16C00] =	vst v63  }
0x604: {  	s21 =	sadd.s32 $0x12AA8, s13;
	s24 =	sadd.s32 $0x50, s14  }
0x605: {  	[hbm4b:s24+s3] =	stream.linear.scatter [tilespmem:s21], [sflag:$0x7], $0x80, $0x38;
	[tilespmem:$0x16C00] =	vst v63  }
0x606: {  	s15 =	sadd.s32 $0x12B30, s13;
	s16 =	sadd.s32 $0x60, s14  }
0x607: {  	[hbm4b:s16+s3] =	stream.linear.scatter [tilespmem:s15], [sflag:$0x7], $0x80, $0x38;
	[tilespmem:$0x16C00] =	vst v63  }
0x608: {  	s19 =	sadd.s32 $0x12BB8, s13;
	s20 =	sadd.s32 $0x70, s14  }
0x609: {  	[hbm4b:s20+s3] =	stream.linear.scatter [tilespmem:s19], [sflag:$0x7], $0x80, $0x38;
	[tilespmem:$0x16C00] =	vst v63  }
0x60a: {  	_ =	swait.ge [sflag:s7], $0x2000  }
0x60b: {  	[sflag:s7] =	ssyncset.done $0x0  }
0x60c: {  	[sflag:s7] =	ssyncadd.s32 $0xFFFFE000  }
0x60d: {  	_ =	swait.ge [sflag:s23], $0x2000  }
0x60e: {  	[sflag:s23] =	ssyncset.done $0x0  }
0x60f: {  	s13 =	simm.s32 $0xC440;
	s21 =	simm.s32 $0x0;
	[sflag:s23] =	ssyncadd.s32 $0xFFFFE000  }
0x610: {  	v4 =	vmov s21;
	v5 =	vld [tilespmem:s13+$0xFFFFFFC0]  }
0x611: {  	v4 =	vand.u32 $0x7E, v4  }
0x612: {  	v6 =	vadd.s32 v0, v4;
	_ =	sdelay $0x2  }
0x613: {  	v5 =	vmul.f32 $8.000000000e+00, v5;
	_ =	sdelay $0x1  }
0x614: {  	[tilespmem:v6+s8+$0x0] =	vst.idx.msk $0xffff, v5  }
0x615: {  	v5 =	vld [tilespmem:s13+$0xFFFFFFD0];
	_ =	sdelay $0x1  }
0x616: {  	v6 =	vadd.s32 v1, v4;
	_ =	sdelay $0x2  }
0x617: {  	v5 =	vmul.f32 $8.000000000e+00, v5;
	_ =	sdelay $0x1  }
0x618: {  	[tilespmem:v6+s8+$0x0] =	vst.idx.msk $0xffff, v5  }
0x619: {  	v5 =	vld [tilespmem:s13+$0xFFFFFFE0];
	_ =	sdelay $0x1  }
0x61a: {  	v6 =	vadd.s32 v2, v4;
	_ =	sdelay $0x2  }
0x61b: {  	v5 =	vmul.f32 $8.000000000e+00, v5;
	_ =	sdelay $0x1  }
0x61c: {  	[tilespmem:v6+s8+$0x0] =	vst.idx.msk $0xffff, v5  }
0x61d: {  	v5 =	vld [tilespmem:s13+$0xFFFFFFF0];
	_ =	sdelay $0x1  }
0x61e: {  	v4 =	vadd.s32 v3, v4;
	_ =	sdelay $0x2  }
0x61f: {  	v5 =	vmul.f32 $8.000000000e+00, v5;
	_ =	sdelay $0x1  }
0x620: {  	s24 =	simm.s32 $0x1;
	[tilespmem:v4+s8+$0x0] =	vst.idx.msk $0xffff, v5  }
0x621: {  	v4 =	vmov s24;
	v5 =	vld [tilespmem:s13+$0x0]  }
0x622: {  	v4 =	vand.u32 $0x7F, v4  }
0x623: {  	v6 =	vadd.s32 v0, v4;
	_ =	sdelay $0x2  }
0x624: {  	v5 =	vmul.f32 $8.000000000e+00, v5;
	_ =	sdelay $0x1  }
0x625: {  	[tilespmem:v6+s8+$0x0] =	vst.idx.msk $0xffff, v5  }
0x626: {  	v5 =	vld [tilespmem:s13+$0x10];
	_ =	sdelay $0x1  }
0x627: {  	v6 =	vadd.s32 v1, v4;
	_ =	sdelay $0x2  }
0x628: {  	v5 =	vmul.f32 $8.000000000e+00, v5;
	_ =	sdelay $0x1  }
0x629: {  	[tilespmem:v6+s8+$0x0] =	vst.idx.msk $0xffff, v5  }
0x62a: {  	v5 =	vld [tilespmem:s13+$0x20];
	_ =	sdelay $0x1  }
0x62b: {  	v6 =	vadd.s32 v2, v4;
	_ =	sdelay $0x2  }
0x62c: {  	v5 =	vmul.f32 $8.000000000e+00, v5;
	_ =	sdelay $0x1  }
0x62d: {  	[tilespmem:v6+s8+$0x0] =	vst.idx.msk $0xffff, v5  }
0x62e: {  	v5 =	vld [tilespmem:s13+$0x30];
	_ =	sdelay $0x1  }
0x62f: {  	v4 =	vadd.s32 v3, v4;
	_ =	sdelay $0x2  }
0x630: {  	s14 =	simm.s32 $0x2;
	v5 =	vmul.f32 $8.000000000e+00, v5  }
.LBB2_48:
0x631: {  	p0 =	sne.s32 s14, $0x7E  }
0x632: {  	s13 =	sadd.s32 $0x80, s13;
	s2 =	smov.u32 s14;
	s14 =	sadd.s32 $0x2, s14;
	[tilespmem:v4+s8+$0x0] =	vst.idx.msk $0xffff, v5  }
0x633: {  	v4 =	vmov s2;
	v5 =	vld [tilespmem:s13+$0xFFFFFFC0]  }
0x634: {  	v4 =	vand.u32 $0x7E, v4  }
0x635: {  	v6 =	vadd.s32 v0, v4;
	_ =	sdelay $0x2  }
0x636: {  	v5 =	vmul.f32 $8.000000000e+00, v5;
	_ =	sdelay $0x1  }
0x637: {  	[tilespmem:v6+s8+$0x0] =	vst.idx.msk $0xffff, v5  }
0x638: {  	v5 =	vld [tilespmem:s13+$0xFFFFFFD0];
	_ =	sdelay $0x1  }
0x639: {  	v6 =	vadd.s32 v1, v4;
	_ =	sdelay $0x2  }
0x63a: {  	v5 =	vmul.f32 $8.000000000e+00, v5;
	_ =	sdelay $0x1  }
0x63b: {  	[tilespmem:v6+s8+$0x0] =	vst.idx.msk $0xffff, v5  }
0x63c: {  	v5 =	vld [tilespmem:s13+$0xFFFFFFE0];
	_ =	sdelay $0x1  }
0x63d: {  	v6 =	vadd.s32 v2, v4;
	_ =	sdelay $0x2  }
0x63e: {  	v5 =	vmul.f32 $8.000000000e+00, v5;
	_ =	sdelay $0x1  }
0x63f: {  	[tilespmem:v6+s8+$0x0] =	vst.idx.msk $0xffff, v5  }
0x640: {  	v5 =	vld [tilespmem:s13+$0xFFFFFFF0];
	_ =	sdelay $0x1  }
0x641: {  	v4 =	vadd.s32 v3, v4;
	_ =	sdelay $0x2  }
0x642: {  	v5 =	vmul.f32 $8.000000000e+00, v5;
	_ =	sdelay $0x1  }
0x643: {  	s2 =	sadd.s32 $0x1, s2;
	[tilespmem:v4+s8+$0x0] =	vst.idx.msk $0xffff, v5  }
0x644: {  	v4 =	vmov s2;
	v5 =	vld [tilespmem:s13+$0x0]  }
0x645: {  	v4 =	vand.u32 $0x7F, v4  }
0x646: {  	v6 =	vadd.s32 v0, v4;
	_ =	sdelay $0x2  }
0x647: {  	v5 =	vmul.f32 $8.000000000e+00, v5;
	_ =	sdelay $0x1  }
0x648: {  	[tilespmem:v6+s8+$0x0] =	vst.idx.msk $0xffff, v5  }
0x649: {  	v5 =	vld [tilespmem:s13+$0x10];
	_ =	sdelay $0x1  }
0x64a: {  	v6 =	vadd.s32 v1, v4;
	_ =	sdelay $0x2  }
0x64b: {  	v5 =	vmul.f32 $8.000000000e+00, v5;
	_ =	sdelay $0x1  }
0x64c: {  	[tilespmem:v6+s8+$0x0] =	vst.idx.msk $0xffff, v5  }
0x64d: {  	v5 =	vld [tilespmem:s13+$0x20];
	_ =	sdelay $0x1  }
0x64e: {  	v6 =	vadd.s32 v2, v4;
	_ =	sdelay $0x2  }
0x64f: {  	v5 =	vmul.f32 $8.000000000e+00, v5;
	_ =	sdelay $0x1  }
0x650: {  	[tilespmem:v6+s8+$0x0] =	vst.idx.msk $0xffff, v5  }
0x651: {  	v5 =	vld [tilespmem:s13+$0x30]  }
.Ltmp23:
0x652: {  	(pc) =	sbr.rel @p0 .LBB2_48-.Ltmp23, $2  }
0x653: {  	v4 =	vadd.s32 v3, v4;
	_ =	sdelay $0x2  }
0x654: {  	v5 =	vmul.f32 $8.000000000e+00, v5  }
0x655: {  	_ =	sdelay $0x1  }
0x656: {  	s14 =	sld [smem:$0x7FD];
	_ =	sdelay $0x1  }
0x657: {  	s2 =	simm.s32 $0x14A00;
	[tilespmem:v4+s8+$0x0] =	vst.idx.msk $0xffff, v5  }
0x658: {  	[hbm4b:s14+s3] =	stream.linear.scatter [tilespmem:s2], [sflag:$0x8], $0x80, $0x38;
	[tilespmem:$0x16C00] =	vst v63  }
0x659: {  	s16 =	simm.s32 $0x14A88;
	s13 =	sadd.s32 $0x10, s14  }
0x65a: {  	[hbm4b:s13+s3] =	stream.linear.scatter [tilespmem:s16], [sflag:$0x8], $0x80, $0x38;
	[tilespmem:$0x16C00] =	vst v63  }
0x65b: {  	s19 =	simm.s32 $0x14B10;
	s21 =	simm.s32 $0x14B98;
	s20 =	sadd.s32 $0x20, s14  }
0x65c: {  	[hbm4b:s20+s3] =	stream.linear.scatter [tilespmem:s19], [sflag:$0x8], $0x80, $0x38;
	[tilespmem:$0x16C00] =	vst v63  }
0x65d: {  	s15 =	simm.s32 $0x14C20;
	s24 =	sadd.s32 $0x30, s14;
	s2 =	simm.s32 $0x14DB8  }
0x65e: {  	[hbm4b:s24+s3] =	stream.linear.scatter [tilespmem:s21], [sflag:$0x8], $0x80, $0x38;
	[tilespmem:$0x16C00] =	vst v63  }
0x65f: {  	s16 =	sadd.s32 $0x40, s14;
	s13 =	simm.s32 $0x440;
	s19 =	simm.s32 $0x14CA8  }
0x660: {  	[hbm4b:s16+s3] =	stream.linear.scatter [tilespmem:s15], [sflag:$0x8], $0x80, $0x38;
	[tilespmem:$0x16C00] =	vst v63  }
0x661: {  	s20 =	sadd.s32 $0x50, s14;
	s21 =	simm.s32 $0x14D30;
	s24 =	sadd.s32 $0x60, s14  }
0x662: {  	[hbm4b:s20+s3] =	stream.linear.scatter [tilespmem:s19], [sflag:$0x8], $0x80, $0x38;
	[tilespmem:$0x16C00] =	vst v63  }
0x663: {  	s15 =	simm.s32 $0x2200;
	s16 =	sadd.s32 $0x70, s14;
	s14 =	sadd.s32 $0x1000, s14  }
0x664: {  	[hbm4b:s24+s3] =	stream.linear.scatter [tilespmem:s21], [sflag:$0x8], $0x80, $0x38;
	[tilespmem:$0x16C00] =	vst v63  }
.LBB2_50:
0x665: {  	[hbm4b:s16+s3] =	stream.linear.scatter [tilespmem:s2], [sflag:$0x8], $0x80, $0x38;
	[tilespmem:$0x16C00] =	vst v63  }
0x666: {  	s2 =	smov.u32 s13;
	s13 =	smov.u32 s15  }
0x667: {  	s19 =	sadd.s32 $0x1100, s15;
	s13 =	sshra.s32 s13, $0x2;
	s16 =	sadd.s32 $0x14A00, s2  }
0x668: {  	[hbm4b:s14+s3] =	stream.linear.scatter [tilespmem:s16], [sflag:$0x8], $0x80, $0x38;
	[tilespmem:$0x16C00] =	vst v63  }
0x669: {  	p0 =	sne.s32 s15, $0x7700;
	s15 =	sadd.s32 $0x14A88, s2;
	s16 =	sadd.s32 $0x10, s14  }
0x66a: {  	[hbm4b:s16+s3] =	stream.linear.scatter [tilespmem:s15], [sflag:$0x8], $0x80, $0x38;
	[tilespmem:$0x16C00] =	vst v63  }
0x66b: {  	s15 =	sadd.s32 $0x14B10, s2;
	s16 =	sadd.s32 $0x20, s14  }
0x66c: {  	[hbm4b:s16+s3] =	stream.linear.scatter [tilespmem:s15], [sflag:$0x8], $0x80, $0x38;
	[tilespmem:$0x16C00] =	vst v63  }
0x66d: {  	s15 =	sadd.s32 $0x14B98, s2;
	s16 =	sadd.s32 $0x30, s14  }
0x66e: {  	[hbm4b:s16+s3] =	stream.linear.scatter [tilespmem:s15], [sflag:$0x8], $0x80, $0x38;
	[tilespmem:$0x16C00] =	vst v63  }
0x66f: {  	s15 =	sadd.s32 $0x14C20, s2;
	s16 =	sadd.s32 $0x40, s14  }
0x670: {  	[hbm4b:s16+s3] =	stream.linear.scatter [tilespmem:s15], [sflag:$0x8], $0x80, $0x38;
	[tilespmem:$0x16C00] =	vst v63  }
.Ltmp24:
0x671: {  	s15 =	sadd.s32 $0x14CA8, s2;
	s16 =	sadd.s32 $0x50, s14;
	(pc) =	sbr.rel @p0 .LBB2_50-.Ltmp24, $4  }
0x672: {  	[hbm4b:s16+s3] =	stream.linear.scatter [tilespmem:s15], [sflag:$0x8], $0x80, $0x38;
	[tilespmem:$0x16C00] =	vst v63  }
0x673: {  	s15 =	sadd.s32 $0x14D30, s2;
	s16 =	sadd.s32 $0x60, s14;
	s2 =	sadd.s32 $0x14DB8, s2  }
0x674: {  	[hbm4b:s16+s3] =	stream.linear.scatter [tilespmem:s15], [sflag:$0x8], $0x80, $0x38;
	[tilespmem:$0x16C00] =	vst v63  }
0x675: {  	s16 =	sadd.s32 $0x70, s14;
	s14 =	sadd.s32 $0x1000, s14;
	s15 =	smov.u32 s19  }
0x676: {  	[hbm4b:s16+s3] =	stream.linear.scatter [tilespmem:s2], [sflag:$0x8], $0x80, $0x38;
	[tilespmem:$0x16C00] =	vst v63  }
0x677: {  	s19 =	sadd.s32 $0x14A00, s13  }
0x678: {  	[hbm4b:s14+s3] =	stream.linear.scatter [tilespmem:s19], [sflag:$0x8], $0x80, $0x38;
	[tilespmem:$0x16C00] =	vst v63  }
0x679: {  	s20 =	sadd.s32 $0x14A88, s13;
	s15 =	sadd.s32 $0x10, s14  }
0x67a: {  	[hbm4b:s15+s3] =	stream.linear.scatter [tilespmem:s20], [sflag:$0x8], $0x80, $0x38;
	[tilespmem:$0x16C00] =	vst v63  }
0x67b: {  	s21 =	sadd.s32 $0x14B10, s13;
	s24 =	sadd.s32 $0x20, s14  }
0x67c: {  	[hbm4b:s24+s3] =	stream.linear.scatter [tilespmem:s21], [sflag:$0x8], $0x80, $0x38;
	[tilespmem:$0x16C00] =	vst v63  }
0x67d: {  	s16 =	sadd.s32 $0x30, s14;
	s15 =	sadd.s32 $0x14B98, s13  }
0x67e: {  	[hbm4b:s16+s3] =	stream.linear.scatter [tilespmem:s15], [sflag:$0x8], $0x80, $0x38;
	[tilespmem:$0x16C00] =	vst v63  }
0x67f: {  	s19 =	sadd.s32 $0x14C20, s13;
	s20 =	sadd.s32 $0x40, s14  }
0x680: {  	[hbm4b:s20+s3] =	stream.linear.scatter [tilespmem:s19], [sflag:$0x8], $0x80, $0x38;
	[tilespmem:$0x16C00] =	vst v63  }
0x681: {  	s21 =	sadd.s32 $0x14CA8, s13;
	s24 =	sadd.s32 $0x50, s14  }
0x682: {  	[hbm4b:s24+s3] =	stream.linear.scatter [tilespmem:s21], [sflag:$0x8], $0x80, $0x38;
	[tilespmem:$0x16C00] =	vst v63  }
0x683: {  	s15 =	sadd.s32 $0x14D30, s13;
	s16 =	sadd.s32 $0x60, s14  }
0x684: {  	[hbm4b:s16+s3] =	stream.linear.scatter [tilespmem:s15], [sflag:$0x8], $0x80, $0x38;
	[tilespmem:$0x16C00] =	vst v63  }
0x685: {  	s19 =	sadd.s32 $0x14DB8, s13;
	s20 =	sadd.s32 $0x70, s14  }
0x686: {  	[hbm4b:s20+s3] =	stream.linear.scatter [tilespmem:s19], [sflag:$0x8], $0x80, $0x38;
	[tilespmem:$0x16C00] =	vst v63  }
0x687: {  	_ =	swait.ge [sflag:s9], $0x2000  }
0x688: {  	[sflag:s9] =	ssyncset.done $0x0  }
0x689: {  	[sflag:s9] =	ssyncadd.s32 $0xFFFFE000  }
0x68a: {  	_ =	swait.ge [sflag:s5], $0x2000  }
0x68b: {  	[sflag:s5] =	ssyncset.done $0x0  }
0x68c: {  	[sflag:s5] =	ssyncadd.s32 $0xFFFFE000  }
0x68d: {  	_ =	swait.ge [sflag:s22], $0x2000  }
0x68e: {  	[sflag:s22] =	ssyncset.done $0x0  }
0x68f: {  	[sflag:s22] =	ssyncadd.s32 $0xFFFFE000  }
0x690: {  	_ =	swait.ge [sflag:s23], $0x2000  }
0x691: {  	s21 =	sld [smem:$0x7F7];
	_ =	sdelay $0x2  }
0x692: {  	s24 =	rddreg [dreg:$0x17];
	s13 =	sadd.s32 $0x1, s21  }
0x693: {  	p0 =	sne.s32 s13, s24  }
.Ltmp25:
0x694: {  	_ = 	snop;
	(pc) =	sbr.rel @p0 .LBB2_1-.Ltmp25, $3  }
0x695: {  	_ =	sdelay $0x1  }
0x696: {  	[sflag:s23] =	ssyncset.done $0x0  }
0x697: {  	[sflag:s23] =	ssyncadd.s32 $0xFFFFE000  }
0x698: {  	_ =	sfence.sel $0x180000  }
0x699: {  	[bflag:$0x0] =	sbarrier.arrive $0xFFFF  }
0x69a: {  	_ =	strace $0x90000047  }
0x69b: {  	s0 =	stileid.u32;
	[bflag:$0x2] =	sbarrier.arrive $0xFFFF  }
0x69c: {  	p0 =	sne.s32 s0, $0x0;
	s0 =	rddreg [dreg:$0x3]  }
0x69d: {  	s0 =	sadd.s32 @!p0 $0x100000, s0  }
0x69e: {  	[sflag:s0] =	ssyncadd.tile.s32 @!p0 $0x1;
	_ =	shalt  }
.Lfunc_end2:
_tile_overlayer_lowered:
.L_overlay_start_2:
0x69f: {  	(tag) =	ssettag $0x2  }
0x6a0: {  	s0 =	rddreg [dreg:$0x0];
	s2 =	stileid.u32  }
0x6a1: {  	s1 =	rddreg [dreg:$0x1];
	p0 =	sne.s32 s2, $0x0  }
0x6a2: {  	s3 =	rddreg [dreg:$0x2];
	[bflag:$0x3] =	sbarrier.arrive $0xFFFF;
	s2 =	simm.s32 @!p0 $0x1C09  }
0x6a3: {  	[timem:s3], [sflag:s2] =	dma.local @!p0 [hbm:s0], s1  }
0x6a4: {  	s0 =	simm.s32 @!p0 $0x9  }
0x6a5: {  	_ =	swait.ge @!p0 [sflag:s0], s1  }
0x6a6: {  	s1 =	ssub.s32 @!p0 $0x0, s1;
	[sflag:s0] =	ssyncset.done @!p0 $0x0  }
0x6a7: {  	[sflag:s0] =	ssyncadd.s32 @!p0 s1  }
0x6a8: {  	[bflag:$0x3] =	sbarrier.arrive $0xFFFF  }
0x6a9: {  	_ =	shalt  }

</sc_bundles>
